<compile_context>
chip_gen: v7x
topology: tpu7x:2x2x1
jax: 0.10.2.dev20260603
libtpu: 0.0.44.dev20260713+nightly
codegen_flags: <defaults>
</compile_context>

<pallas_src>
import functools

import jax
import jax.numpy as jnp
from jax import lax
from jax.experimental import pallas as pl
from jax.experimental.pallas import tpu as pltpu
from jax.experimental.pallas import tpu_sc as plsc

GENE_DIM = 64
VPAD = 64
HIDDEN = 128
BATCH = 64
SEQ = 2048

_info = plsc.get_sparse_core_info()
_NC, _NS = _info.num_cores, _info.num_subcores
NW = _NC * _NS
SW = SEQ // NW
TPT = BATCH * SW

_sc_mesh = plsc.VectorSubcoreMesh(core_axis_name="c", subcore_axis_name="s")


def _precompute_kernel(gene_ref, expr_ref, w_ref, b_ref, pos_ref,
                       g_out_ref, e_out_ref, m_out_ref, rs_out_ref):
    w1 = w_ref[0:GENE_DIM, :]
    w2 = w_ref[GENE_DIM: 2 * GENE_DIM, :]
    g = jax.lax.dot_general(
        gene_ref[...], w1, (((1,), (0,)), ((), ())),
        preferred_element_type=jnp.float32,
    ) + b_ref[...] + pos_ref[...]
    e = jax.lax.dot_general(
        expr_ref[...], w2, (((1,), (0,)), ((), ())),
        preferred_element_type=jnp.float32,
    )
    g_out_ref[...] = g
    e_out_ref[...] = e
    ones = jnp.ones((1, HIDDEN), dtype=jnp.float32)
    inv_h = 1.0 / HIDDEN
    mg = jnp.sum(g, axis=-1, keepdims=True) * inv_h
    me = jax.lax.dot_general(
        ones, e, (((1,), (1,)), ((), ())),
        preferred_element_type=jnp.float32) * inv_h
    s2g = jnp.sum(g * g, axis=-1, keepdims=True)
    s2e = jax.lax.dot_general(
        ones, e * e, (((1,), (1,)), ((), ())),
        preferred_element_type=jnp.float32)
    cross = jax.lax.dot_general(
        g, e, (((1,), (1,)), ((), ())),
        preferred_element_type=jnp.float32)
    m = mg + me
    q = (s2g + 2.0 * cross + s2e) * inv_h - m * m + 1e-5
    m_out_ref[...] = m
    rs_out_ref[...] = jax.lax.rsqrt(q)


@functools.partial(
    pl.kernel, mesh=_sc_mesh,
    out_type=jax.ShapeDtypeStruct((BATCH, SEQ, HIDDEN), jnp.float32),
    scratch_types=[
        pltpu.VMEM((TPT,), jnp.int32),
        pltpu.VMEM((TPT,), jnp.int32),
        pltpu.VMEM((SW, HIDDEN), jnp.float32),
        pltpu.VMEM((VPAD, HIDDEN), jnp.float32),
        pltpu.VMEM((TPT,), jnp.float32),
        pltpu.VMEM((TPT,), jnp.float32),
        pltpu.VMEM((HIDDEN,), jnp.float32),
        pltpu.VMEM((HIDDEN,), jnp.float32),
        pltpu.VMEM((SW, HIDDEN), jnp.float32),
        pltpu.SemaphoreType.DMA,
    ],
)
def _sc_main(ids_hbm, g_hbm, e_hbm, m_hbm, rs_hbm, gamma_hbm, beta_hbm, out_hbm,
             ids_v, idx_v, g_v, e_v, m_v, rs_v, gamma_v, beta_v, y_v, sem):
    wid = lax.axis_index("s") * _NC + lax.axis_index("c")
    s0 = wid * SW
    pltpu.sync_copy(ids_hbm.at[wid], ids_v)
    pltpu.sync_copy(g_hbm.at[pl.ds(s0, SW)], g_v)
    pltpu.sync_copy(e_hbm, e_v)
    pltpu.sync_copy(gamma_hbm, gamma_v)
    pltpu.sync_copy(beta_hbm, beta_v)
    lane_iota = lax.iota(jnp.int32, 16)

    def idx_body(i, carry):
        ids16 = ids_v[pl.ds(16 * i, 16)]
        r16 = lax.rem(16 * i + lane_iota, SW)
        idx_v[pl.ds(16 * i, 16)] = (s0 + r16) * VPAD + ids16
        return carry

    lax.fori_loop(0, TPT // 16, idx_body, 0)
    pltpu.async_copy(m_hbm.at[idx_v], m_v, sem).wait()
    pltpu.async_copy(rs_hbm.at[idx_v], rs_v, sem).wait()

    gammas = [gamma_v[pl.ds(16 * j, 16)] for j in range(8)]
    betas = [beta_v[pl.ds(16 * j, 16)] for j in range(8)]

    def batch_body(b, carry):
        def group_body(gidx, carry2):
            r0 = gidx * 16
            t0 = b * SW + r0
            idvec = ids_v[pl.ds(t0, 16)]
            rs16 = rs_v[pl.ds(t0, 16)]
            c16 = -(m_v[pl.ds(t0, 16)]) * rs16
            for k in range(16):
                r = r0 + k
                vid = idvec[k]
                rs = rs16[k]
                c = c16[k]
                for j in range(8):
                    x = e_v[vid, pl.ds(16 * j, 16)] + g_v[r, pl.ds(16 * j, 16)]
                    y_v[r, pl.ds(16 * j, 16)] = (x * rs + c) * gammas[j] + betas[j]
            return carry2

        lax.fori_loop(0, SW // 16, group_body, 0)
        return carry

    lax.fori_loop(0, BATCH, batch_body, 0)
    pltpu.sync_copy(y_v, out_hbm.at[0, pl.ds(s0, SW)])


@jax.jit
def kernel(input_ids, gene_table, expr_table, W_proj, b_proj, pos_table, ln_gamma, ln_beta):
    B, S = input_ids.shape
    V, D = expr_table.shape
    H = W_proj.shape[1]

    expr_pad = jnp.zeros((VPAD, D), dtype=expr_table.dtype).at[:V].set(expr_table)

    g_tab, e_tab, m_tab, rs_tab = pl.pallas_call(
        _precompute_kernel,
        grid=(1,),
        in_specs=[
            pl.BlockSpec((S, D), lambda i: (0, 0)),
            pl.BlockSpec((VPAD, D), lambda i: (0, 0)),
            pl.BlockSpec((2 * D, H), lambda i: (0, 0)),
            pl.BlockSpec((1, H), lambda i: (0, 0)),
            pl.BlockSpec((S, H), lambda i: (0, 0)),
        ],
        out_specs=[
            pl.BlockSpec((S, H), lambda i: (0, 0)),
            pl.BlockSpec((VPAD, H), lambda i: (0, 0)),
            pl.BlockSpec((S, VPAD), lambda i: (0, 0)),
            pl.BlockSpec((S, VPAD), lambda i: (0, 0)),
        ],
        out_shape=[
            jax.ShapeDtypeStruct((S, H), jnp.float32),
            jax.ShapeDtypeStruct((VPAD, H), jnp.float32),
            jax.ShapeDtypeStruct((S, VPAD), jnp.float32),
            jax.ShapeDtypeStruct((S, VPAD), jnp.float32),
        ],
    )(gene_table, expr_pad, W_proj, b_proj.reshape(1, H), pos_table)

    ids_t = (input_ids.astype(jnp.int32)
             .reshape(B, NW, SW).transpose(1, 0, 2).reshape(NW, TPT))
    return _sc_main(ids_t, g_tab, e_tab,
                    m_tab.reshape(-1), rs_tab.reshape(-1), ln_gamma, ln_beta)

# --- scband reference (transcript-rebuilt; emitter-appended) ---
"""Pipeline reference for scband-gene-encoder-39273180955122 (READ-ONLY COPY).

The authoritative reference and input builder live on the scoring server;
editing this copy changes nothing except your own understanding.
"""

import jax, jax.numpy as jnp
import numpy as np

N_GENES = 100000
GENE_DIM = 64
EXPR_VOCAB = 51 + 3  # expression_bins + 3
HIDDEN = 128
MAX_POS = 2048
BATCH = 64
SEQ = 2048
PAD_IDX = 1


def setup_inputs(seed: int = 0) -> dict:
    key = jax.random.key(seed)
    k1, k2, k3, k4, k5, k6 = jax.random.split(key, 6)
    input_ids = jax.random.randint(k1, (BATCH, SEQ), 0, EXPR_VOCAB, dtype=jnp.int64 if jax.config.jax_enable_x64 else jnp.int32)
    gene_table = jax.random.normal(k2, (N_GENES, GENE_DIM), dtype=jnp.float32) * 0.02
    gene_table = gene_table.at[PAD_IDX].set(0.0)
    expr_table = jax.random.normal(k3, (EXPR_VOCAB, GENE_DIM), dtype=jnp.float32) * 0.02
    expr_table = expr_table.at[PAD_IDX].set(0.0)
    W_proj = jax.random.normal(k4, (GENE_DIM * 2, HIDDEN), dtype=jnp.float32) * (1.0 / np.sqrt(GENE_DIM * 2))
    b_proj = jnp.zeros((HIDDEN,), dtype=jnp.float32)
    pos_table = jax.random.normal(k5, (MAX_POS, HIDDEN), dtype=jnp.float32) * 0.02
    ln_gamma = jnp.ones((HIDDEN,), dtype=jnp.float32)
    ln_beta = jnp.zeros((HIDDEN,), dtype=jnp.float32)
    return {
        "input_ids": input_ids,
        "gene_table": gene_table,
        "expr_table": expr_table,
        "W_proj": W_proj,
        "b_proj": b_proj,
        "pos_table": pos_table,
        "ln_gamma": ln_gamma,
        "ln_beta": ln_beta,
    }


def reference(input_ids, gene_table, expr_table, W_proj, b_proj, pos_table, ln_gamma, ln_beta):
    B, S = input_ids.shape
    # Gene indices: arange over sequence positions, shared across batch
    gene_idx = jnp.arange(S)
    gene_emb = jnp.take(gene_table, gene_idx, axis=0)            # [S, D]
    gene_emb = jnp.broadcast_to(gene_emb[None, :, :], (B, S, gene_emb.shape[-1]))
    # Discrete expression embedding lookup
    expr_emb = jnp.take(expr_table, input_ids, axis=0)           # [B, S, D]
    combined = jnp.concatenate([gene_emb, expr_emb], axis=-1)    # [B, S, 2D]
    x = combined @ W_proj + b_proj                               # [B, S, H]
    # Learnable positional encoding (dropout p=0 -> identity)
    pos = jnp.take(pos_table, jnp.arange(S), axis=0)             # [S, H]
    x = x + pos[None, :, :]
    # LayerNorm
    mean = jnp.mean(x, axis=-1, keepdims=True)
    var = jnp.mean((x - mean) ** 2, axis=-1, keepdims=True)
    x = (x - mean) / jnp.sqrt(var + 1e-5)
    x = x * ln_gamma + ln_beta
    return x

if __name__ == "__main__":
    import jax
    _d = setup_inputs()
    print(jax.jit(kernel)(*tuple(_d.values())))

</pallas_src>

<mosaic_0001>
#map = affine_map<(d0, d1) -> (0, 0)>
#map1 = affine_map<(d0, d1) -> (0)>
#map2 = affine_map<(d0, d1) -> (0, 0, 0)>
module attributes {stable_mosaic.version = 14 : i64} {
  func.func @_sc_main(%arg0: i32, %arg1: i32, %arg2: memref<32x4096xi32, #tpu.memory_space<hbm>>, %arg3: memref<2048x128xf32, #tpu.memory_space<hbm>>, %arg4: memref<64x128xf32, #tpu.memory_space<hbm>>, %arg5: memref<131072xf32, #tpu.memory_space<hbm>>, %arg6: memref<131072xf32, #tpu.memory_space<hbm>>, %arg7: memref<128xf32, #tpu.memory_space<hbm>>, %arg8: memref<128xf32, #tpu.memory_space<hbm>>, %arg9: memref<64x2048x128xf32, #tpu.memory_space<hbm>>, %arg10: memref<4096xi32, #tpu.memory_space<vmem>>, %arg11: memref<4096xi32, #tpu.memory_space<vmem>>, %arg12: memref<64x128xf32, #tpu.memory_space<vmem>>, %arg13: memref<64x128xf32, #tpu.memory_space<vmem>>, %arg14: memref<4096xf32, #tpu.memory_space<vmem>>, %arg15: memref<4096xf32, #tpu.memory_space<vmem>>, %arg16: memref<128xf32, #tpu.memory_space<vmem>>, %arg17: memref<128xf32, #tpu.memory_space<vmem>>, %arg18: memref<64x128xf32, #tpu.memory_space<vmem>>, %arg19: memref<!tpu.dma_semaphore, #tpu.memory_space<semaphore_mem>>) attributes {dimension_semantics = [#tpu.dimension_semantics<core_parallel>, #tpu.dimension_semantics<subcore_parallel>], iteration_bounds = array<i64: 2, 16>, scalar_prefetch = 0 : i64, scratch_operands = 10 : i64, tpu.core_type = #tpu.core_type<sc_vector_subcore>, window_params = [{transform_indices = #map}, {transform_indices = #map}, {transform_indices = #map}, {transform_indices = #map1}, {transform_indices = #map1}, {transform_indices = #map1}, {transform_indices = #map1}, {transform_indices = #map2}]} {
    %mul3A = arith.constant 2 : i32
    %mul3A_0 = arith.muli %arg1, %mul3A : i32
    %add3A = arith.addi %mul3A_0, %arg0 : i32
    %mul3A_1 = arith.constant 64 : i32
    %mul3A_2 = arith.muli %add3A, %mul3A_1 : i32
    "tpu.region"() ({
      %run_scoped3A_67 = tpu.sem_alloc : memref<!tpu.dma_semaphore, #tpu.memory_space<semaphore_mem>>
      %dma_start3A_68 = arith.constant 0 : i32
      %dma_start3A_69 = tpu.memref_slice %arg2[%add3A, %dma_start3A_68] : memref<32x4096xi32, #tpu.memory_space<hbm>> -> memref<1x4096xi32, #tpu.memory_space<hbm>>
      %dma_start3A_70 = tpu.memref_squeeze %dma_start3A_69 : memref<1x4096xi32, #tpu.memory_space<hbm>> -> memref<4096xi32, #tpu.memory_space<hbm>>
      %dma_start3A_71 = arith.constant 0 : i32
      %dma_start3A_72 = tpu.memref_slice %arg2[%add3A, %dma_start3A_71] : memref<32x4096xi32, #tpu.memory_space<hbm>> -> memref<1x4096xi32, #tpu.memory_space<hbm>>
      %dma_start3A_73 = tpu.memref_squeeze %dma_start3A_72 : memref<1x4096xi32, #tpu.memory_space<hbm>> -> memref<4096xi32, #tpu.memory_space<hbm>>
      tpu.enqueue_dma source(%dma_start3A_73 : memref<4096xi32, #tpu.memory_space<hbm>>) target(%arg10 : memref<4096xi32, #tpu.memory_space<vmem>>) target_semaphore(%run_scoped3A_67 : memref<!tpu.dma_semaphore, #tpu.memory_space<semaphore_mem>>)
      %dma_wait3A_74 = arith.constant 0 : i32
      %dma_wait3A_75 = tpu.memref_slice %arg2[%add3A, %dma_wait3A_74] : memref<32x4096xi32, #tpu.memory_space<hbm>> -> memref<1x4096xi32, #tpu.memory_space<hbm>>
      %dma_wait3A_76 = tpu.memref_squeeze %dma_wait3A_75 : memref<1x4096xi32, #tpu.memory_space<hbm>> -> memref<4096xi32, #tpu.memory_space<hbm>>
      %dma_wait3A_77 = arith.constant 0 : i32
      %dma_wait3A_78 = tpu.memref_slice %arg2[%add3A, %dma_wait3A_77] : memref<32x4096xi32, #tpu.memory_space<hbm>> -> memref<1x4096xi32, #tpu.memory_space<hbm>>
      %dma_wait3A_79 = tpu.memref_squeeze %dma_wait3A_78 : memref<1x4096xi32, #tpu.memory_space<hbm>> -> memref<4096xi32, #tpu.memory_space<hbm>>
      tpu.wait_dma2 semaphore(%run_scoped3A_67 : memref<!tpu.dma_semaphore, #tpu.memory_space<semaphore_mem>>) src(%dma_wait3A_79 : memref<4096xi32, #tpu.memory_space<hbm>>) dst(%arg10 : memref<4096xi32, #tpu.memory_space<vmem>>)
      tpu.yield
    }) : () -> ()
    "tpu.region"() ({
      %run_scoped3A_67 = tpu.sem_alloc : memref<!tpu.dma_semaphore, #tpu.memory_space<semaphore_mem>>
      %dma_start3A_68 = arith.constant 0 : i32
      %dma_start3A_69 = tpu.memref_slice %arg3[%mul3A_2, %dma_start3A_68] : memref<2048x128xf32, #tpu.memory_space<hbm>> -> memref<64x128xf32, #tpu.memory_space<hbm>>
      %dma_start3A_70 = arith.constant 0 : i32
      %dma_start3A_71 = tpu.memref_slice %arg3[%mul3A_2, %dma_start3A_70] : memref<2048x128xf32, #tpu.memory_space<hbm>> -> memref<64x128xf32, #tpu.memory_space<hbm>>
      tpu.enqueue_dma source(%dma_start3A_71 : memref<64x128xf32, #tpu.memory_space<hbm>>) target(%arg12 : memref<64x128xf32, #tpu.memory_space<vmem>>) target_semaphore(%run_scoped3A_67 : memref<!tpu.dma_semaphore, #tpu.memory_space<semaphore_mem>>)
      %dma_wait3A_72 = arith.constant 0 : i32
      %dma_wait3A_73 = tpu.memref_slice %arg3[%mul3A_2, %dma_wait3A_72] : memref<2048x128xf32, #tpu.memory_space<hbm>> -> memref<64x128xf32, #tpu.memory_space<hbm>>
      %dma_wait3A_74 = arith.constant 0 : i32
      %dma_wait3A_75 = tpu.memref_slice %arg3[%mul3A_2, %dma_wait3A_74] : memref<2048x128xf32, #tpu.memory_space<hbm>> -> memref<64x128xf32, #tpu.memory_space<hbm>>
      tpu.wait_dma2 semaphore(%run_scoped3A_67 : memref<!tpu.dma_semaphore, #tpu.memory_space<semaphore_mem>>) src(%dma_wait3A_75 : memref<64x128xf32, #tpu.memory_space<hbm>>) dst(%arg12 : memref<64x128xf32, #tpu.memory_space<vmem>>)
      tpu.yield
    }) : () -> ()
    "tpu.region"() ({
      %run_scoped3A_67 = tpu.sem_alloc : memref<!tpu.dma_semaphore, #tpu.memory_space<semaphore_mem>>
      tpu.enqueue_dma source(%arg4 : memref<64x128xf32, #tpu.memory_space<hbm>>) target(%arg13 : memref<64x128xf32, #tpu.memory_space<vmem>>) target_semaphore(%run_scoped3A_67 : memref<!tpu.dma_semaphore, #tpu.memory_space<semaphore_mem>>)
      tpu.wait_dma2 semaphore(%run_scoped3A_67 : memref<!tpu.dma_semaphore, #tpu.memory_space<semaphore_mem>>) src(%arg4 : memref<64x128xf32, #tpu.memory_space<hbm>>) dst(%arg13 : memref<64x128xf32, #tpu.memory_space<vmem>>)
      tpu.yield
    }) : () -> ()
    "tpu.region"() ({
      %run_scoped3A_67 = tpu.sem_alloc : memref<!tpu.dma_semaphore, #tpu.memory_space<semaphore_mem>>
      tpu.enqueue_dma source(%arg7 : memref<128xf32, #tpu.memory_space<hbm>>) target(%arg16 : memref<128xf32, #tpu.memory_space<vmem>>) target_semaphore(%run_scoped3A_67 : memref<!tpu.dma_semaphore, #tpu.memory_space<semaphore_mem>>)
      tpu.wait_dma2 semaphore(%run_scoped3A_67 : memref<!tpu.dma_semaphore, #tpu.memory_space<semaphore_mem>>) src(%arg7 : memref<128xf32, #tpu.memory_space<hbm>>) dst(%arg16 : memref<128xf32, #tpu.memory_space<vmem>>)
      tpu.yield
    }) : () -> ()
    "tpu.region"() ({
      %run_scoped3A_67 = tpu.sem_alloc : memref<!tpu.dma_semaphore, #tpu.memory_space<semaphore_mem>>
      tpu.enqueue_dma source(%arg8 : memref<128xf32, #tpu.memory_space<hbm>>) target(%arg17 : memref<128xf32, #tpu.memory_space<vmem>>) target_semaphore(%run_scoped3A_67 : memref<!tpu.dma_semaphore, #tpu.memory_space<semaphore_mem>>)
      tpu.wait_dma2 semaphore(%run_scoped3A_67 : memref<!tpu.dma_semaphore, #tpu.memory_space<semaphore_mem>>) src(%arg8 : memref<128xf32, #tpu.memory_space<hbm>>) dst(%arg17 : memref<128xf32, #tpu.memory_space<vmem>>)
      tpu.yield
    }) : () -> ()
    %iota3A = tpu.iota {dimensions = array<i32: 0>} : vector<16xi32>
    %scan3A = arith.constant 0 : i32
    %scan3A_3 = arith.constant 0 : i32
    %scan3A_4 = arith.constant 256 : i32
    %scan3A_5 = arith.addi %scan3A_3, %scan3A_4 : i32
    %scan3A_6 = arith.constant 1 : i32
    scf.for %scan3A_67 = %scan3A_3 to %scan3A_5 step %scan3A_6  : i32 {
      %mul3A_68 = arith.constant 16 : i32
      %mul3A_69 = arith.muli %mul3A_68, %scan3A_67 : i32
      %get3A_70 = arith.index_cast %mul3A_69 : i32 to index
      %get3A_71 = tpu.vector_load %arg10[%get3A_70] {strides = array<i32>} : memref<4096xi32, #tpu.memory_space<vmem>>, vector<16xi32>,
      %get3A_72 = vector.shape_cast %get3A_71 : vector<16xi32> to vector<16xi32>
      %mul3A_73 = arith.constant 16 : i32
      %mul3A_74 = arith.muli %mul3A_73, %scan3A_67 : i32
      %add3A_75 = vector.broadcast %mul3A_74 : i32 to vector<16xi32>
      %add3A_76 = arith.addi %add3A_75, %iota3A : vector<16xi32>
      %rem3A = arith.constant 64 : i32
      %rem3A_77 = vector.broadcast %rem3A : i32 to vector<16xi32>
      %rem3A_78 = arith.remsi %add3A_76, %rem3A_77 : vector<16xi32>
      %add3A_79 = vector.broadcast %mul3A_2 : i32 to vector<16xi32>
      %add3A_80 = arith.addi %add3A_79, %rem3A_78 : vector<16xi32>
      %mul3A_81 = arith.constant 64 : i32
      %mul3A_82 = vector.broadcast %mul3A_81 : i32 to vector<16xi32>
      %mul3A_83 = arith.muli %add3A_80, %mul3A_82 : vector<16xi32>
      %add3A_84 = arith.addi %mul3A_83, %get3A_72 : vector<16xi32>
      %mul3A_85 = arith.constant 16 : i32
      %mul3A_86 = arith.muli %mul3A_85, %scan3A_67 : i32
      %swap3A = arith.index_cast %mul3A_86 : i32 to index
      %swap3A_87 = tpu.vector_load %arg11[%swap3A] {strides = array<i32>} : memref<4096xi32, #tpu.memory_space<vmem>>, vector<16xi32>,
      %swap3A_88 = vector.shape_cast %swap3A_87 : vector<16xi32> to vector<16xi32>
      %swap3A_89 = vector.shape_cast %add3A_84 : vector<16xi32> to vector<16xi32>
      tpu.vector_store %arg11[%swap3A], %swap3A_89 {strides = array<i32>} : memref<4096xi32, #tpu.memory_space<vmem>>, vector<16xi32>,
    }
    %scan3A_7 = arith.constant 256 : i32
    %dma_start3A = arith.constant 0 : i32
    %dma_start3A_8 = tpu.memref_slice %arg5[%dma_start3A] : memref<131072xf32, #tpu.memory_space<hbm>> -> memref<131072xf32, #tpu.memory_space<hbm>>
    tpu.enqueue_indirect_dma source(%dma_start3A_8 : memref<131072xf32, #tpu.memory_space<hbm>>) target(%arg14 : memref<4096xf32, #tpu.memory_space<vmem>>) offsets(%arg11 : memref<4096xi32, #tpu.memory_space<vmem>>) semaphore(%arg19 : memref<!tpu.dma_semaphore, #tpu.memory_space<semaphore_mem>>)
    %dma_wait3A = arith.constant 0 : i32
    %dma_wait3A_9 = tpu.memref_slice %arg5[%dma_wait3A] : memref<131072xf32, #tpu.memory_space<hbm>> -> memref<131072xf32, #tpu.memory_space<hbm>>
    tpu.wait_indirect_dma semaphore(%arg19 : memref<!tpu.dma_semaphore, #tpu.memory_space<semaphore_mem>>) src(%dma_wait3A_9 : memref<131072xf32, #tpu.memory_space<hbm>>) dst(%arg14 : memref<4096xf32, #tpu.memory_space<vmem>>)
    %dma_start3A_10 = arith.constant 0 : i32
    %dma_start3A_11 = tpu.memref_slice %arg6[%dma_start3A_10] : memref<131072xf32, #tpu.memory_space<hbm>> -> memref<131072xf32, #tpu.memory_space<hbm>>
    tpu.enqueue_indirect_dma source(%dma_start3A_11 : memref<131072xf32, #tpu.memory_space<hbm>>) target(%arg15 : memref<4096xf32, #tpu.memory_space<vmem>>) offsets(%arg11 : memref<4096xi32, #tpu.memory_space<vmem>>) semaphore(%arg19 : memref<!tpu.dma_semaphore, #tpu.memory_space<semaphore_mem>>)
    %dma_wait3A_12 = arith.constant 0 : i32
    %dma_wait3A_13 = tpu.memref_slice %arg6[%dma_wait3A_12] : memref<131072xf32, #tpu.memory_space<hbm>> -> memref<131072xf32, #tpu.memory_space<hbm>>
    tpu.wait_indirect_dma semaphore(%arg19 : memref<!tpu.dma_semaphore, #tpu.memory_space<semaphore_mem>>) src(%dma_wait3A_13 : memref<131072xf32, #tpu.memory_space<hbm>>) dst(%arg15 : memref<4096xf32, #tpu.memory_space<vmem>>)
    %get3A = arith.constant 0 : index
    %get3A_14 = tpu.vector_load %arg16[%get3A] {strides = array<i32>} : memref<128xf32, #tpu.memory_space<vmem>>, vector<16xf32>,
    %get3A_15 = vector.shape_cast %get3A_14 : vector<16xf32> to vector<16xf32>
    %get3A_16 = arith.constant 16 : index
    %get3A_17 = tpu.vector_load %arg16[%get3A_16] {strides = array<i32>} : memref<128xf32, #tpu.memory_space<vmem>>, vector<16xf32>,
    %get3A_18 = vector.shape_cast %get3A_17 : vector<16xf32> to vector<16xf32>
    %get3A_19 = arith.constant 32 : index
    %get3A_20 = tpu.vector_load %arg16[%get3A_19] {strides = array<i32>} : memref<128xf32, #tpu.memory_space<vmem>>, vector<16xf32>,
    %get3A_21 = vector.shape_cast %get3A_20 : vector<16xf32> to vector<16xf32>
    %get3A_22 = arith.constant 48 : index
    %get3A_23 = tpu.vector_load %arg16[%get3A_22] {strides = array<i32>} : memref<128xf32, #tpu.memory_space<vmem>>, vector<16xf32>,
    %get3A_24 = vector.shape_cast %get3A_23 : vector<16xf32> to vector<16xf32>
    %get3A_25 = arith.constant 64 : index
    %get3A_26 = tpu.vector_load %arg16[%get3A_25] {strides = array<i32>} : memref<128xf32, #tpu.memory_space<vmem>>, vector<16xf32>,
    %get3A_27 = vector.shape_cast %get3A_26 : vector<16xf32> to vector<16xf32>
    %get3A_28 = arith.constant 80 : index
    %get3A_29 = tpu.vector_load %arg16[%get3A_28] {strides = array<i32>} : memref<128xf32, #tpu.memory_space<vmem>>, vector<16xf32>,
    %get3A_30 = vector.shape_cast %get3A_29 : vector<16xf32> to vector<16xf32>
    %get3A_31 = arith.constant 96 : index
    %get3A_32 = tpu.vector_load %arg16[%get3A_31] {strides = array<i32>} : memref<128xf32, #tpu.memory_space<vmem>>, vector<16xf32>,
    %get3A_33 = vector.shape_cast %get3A_32 : vector<16xf32> to vector<16xf32>
    %get3A_34 = arith.constant 112 : index
    %get3A_35 = tpu.vector_load %arg16[%get3A_34] {strides = array<i32>} : memref<128xf32, #tpu.memory_space<vmem>>, vector<16xf32>,
    %get3A_36 = vector.shape_cast %get3A_35 : vector<16xf32> to vector<16xf32>
    %get3A_37 = arith.constant 0 : index
    %get3A_38 = tpu.vector_load %arg17[%get3A_37] {strides = array<i32>} : memref<128xf32, #tpu.memory_space<vmem>>, vector<16xf32>,
    %get3A_39 = vector.shape_cast %get3A_38 : vector<16xf32> to vector<16xf32>
    %get3A_40 = arith.constant 16 : index
    %get3A_41 = tpu.vector_load %arg17[%get3A_40] {strides = array<i32>} : memref<128xf32, #tpu.memory_space<vmem>>, vector<16xf32>,
    %get3A_42 = vector.shape_cast %get3A_41 : vector<16xf32> to vector<16xf32>
    %get3A_43 = arith.constant 32 : index
    %get3A_44 = tpu.vector_load %arg17[%get3A_43] {strides = array<i32>} : memref<128xf32, #tpu.memory_space<vmem>>, vector<16xf32>,
    %get3A_45 = vector.shape_cast %get3A_44 : vector<16xf32> to vector<16xf32>
    %get3A_46 = arith.constant 48 : index
    %get3A_47 = tpu.vector_load %arg17[%get3A_46] {strides = array<i32>} : memref<128xf32, #tpu.memory_space<vmem>>, vector<16xf32>,
    %get3A_48 = vector.shape_cast %get3A_47 : vector<16xf32> to vector<16xf32>
    %get3A_49 = arith.constant 64 : index
    %get3A_50 = tpu.vector_load %arg17[%get3A_49] {strides = array<i32>} : memref<128xf32, #tpu.memory_space<vmem>>, vector<16xf32>,
    %get3A_51 = vector.shape_cast %get3A_50 : vector<16xf32> to vector<16xf32>
    %get3A_52 = arith.constant 80 : index
    %get3A_53 = tpu.vector_load %arg17[%get3A_52] {strides = array<i32>} : memref<128xf32, #tpu.memory_space<vmem>>, vector<16xf32>,
    %get3A_54 = vector.shape_cast %get3A_53 : vector<16xf32> to vector<16xf32>
    %get3A_55 = arith.constant 96 : index
    %get3A_56 = tpu.vector_load %arg17[%get3A_55] {strides = array<i32>} : memref<128xf32, #tpu.memory_space<vmem>>, vector<16xf32>,
    %get3A_57 = vector.shape_cast %get3A_56 : vector<16xf32> to vector<16xf32>
    %get3A_58 = arith.constant 112 : index
    %get3A_59 = tpu.vector_load %arg17[%get3A_58] {strides = array<i32>} : memref<128xf32, #tpu.memory_space<vmem>>, vector<16xf32>,
    %get3A_60 = vector.shape_cast %get3A_59 : vector<16xf32> to vector<16xf32>
    %scan3A_61 = arith.constant 0 : i32
    %scan3A_62 = arith.constant 0 : i32
    %scan3A_63 = arith.constant 64 : i32
    %scan3A_64 = arith.addi %scan3A_62, %scan3A_63 : i32
    %scan3A_65 = arith.constant 1 : i32
    scf.for %scan3A_67 = %scan3A_62 to %scan3A_64 step %scan3A_65  : i32 {
      %scan3A_68 = arith.constant 0 : i32
      %scan3A_69 = arith.constant 0 : i32
      %scan3A_70 = arith.constant 4 : i32
      %scan3A_71 = arith.addi %scan3A_69, %scan3A_70 : i32
      %scan3A_72 = arith.constant 1 : i32
      scf.for %scan3A_74 = %scan3A_69 to %scan3A_71 step %scan3A_72  : i32 {
        %mul3A_75 = arith.constant 16 : i32
        %mul3A_76 = arith.muli %scan3A_74, %mul3A_75 : i32
        %mul3A_77 = arith.constant 64 : i32
        %mul3A_78 = arith.muli %scan3A_67, %mul3A_77 : i32
        %add3A_79 = arith.addi %mul3A_78, %mul3A_76 : i32
        %get3A_80 = arith.index_cast %add3A_79 : i32 to index
        %get3A_81 = tpu.vector_load %arg10[%get3A_80] {strides = array<i32>} : memref<4096xi32, #tpu.memory_space<vmem>>, vector<16xi32>,
        %get3A_82 = vector.shape_cast %get3A_81 : vector<16xi32> to vector<16xi32>
        %get3A_83 = arith.index_cast %add3A_79 : i32 to index
        %get3A_84 = tpu.vector_load %arg15[%get3A_83] {strides = array<i32>} : memref<4096xf32, #tpu.memory_space<vmem>>, vector<16xf32>,
        %get3A_85 = vector.shape_cast %get3A_84 : vector<16xf32> to vector<16xf32>
        %get3A_86 = arith.index_cast %add3A_79 : i32 to index
        %get3A_87 = tpu.vector_load %arg14[%get3A_86] {strides = array<i32>} : memref<4096xf32, #tpu.memory_space<vmem>>, vector<16xf32>,
        %get3A_88 = vector.shape_cast %get3A_87 : vector<16xf32> to vector<16xf32>
        %neg3A = arith.constant 0.000000e+00 : f32
        %neg3A_89 = vector.broadcast %neg3A : f32 to vector<16xf32>
        %neg3A_90 = arith.subf %neg3A_89, %get3A_88 : vector<16xf32>
        %mul3A_91 = arith.mulf %neg3A_90, %get3A_85 : vector<16xf32>
        %add3A_92 = arith.constant 0 : i32
        %add3A_93 = arith.addi %mul3A_76, %add3A_92 : i32
        %slice3A = vector.extract_strided_slice %get3A_82 {offsets = [0], sizes = [1], strides = [1]} : vector<16xi32> to vector<1xi32>
        %squeeze3A = vector.extract %slice3A[0] : i32 from vector<1xi32>
        %slice3A_94 = vector.extract_strided_slice %get3A_85 {offsets = [0], sizes = [1], strides = [1]} : vector<16xf32> to vector<1xf32>
        %squeeze3A_95 = vector.extract %slice3A_94[0] : f32 from vector<1xf32>
        %slice3A_96 = vector.extract_strided_slice %mul3A_91 {offsets = [0], sizes = [1], strides = [1]} : vector<16xf32> to vector<1xf32>
        %squeeze3A_97 = vector.extract %slice3A_96[0] : f32 from vector<1xf32>
        %get3A_98 = arith.index_cast %squeeze3A : i32 to index
        %get3A_99 = arith.constant 0 : index
        %get3A_100 = tpu.vector_load %arg13[%get3A_98, %get3A_99] {strides = array<i32>} : memref<64x128xf32, #tpu.memory_space<vmem>>, vector<1x16xf32>,
        %get3A_101 = vector.shape_cast %get3A_100 : vector<1x16xf32> to vector<16xf32>
        %get3A_102 = arith.index_cast %add3A_93 : i32 to index
        %get3A_103 = arith.constant 0 : index
        %get3A_104 = tpu.vector_load %arg12[%get3A_102, %get3A_103] {strides = array<i32>} : memref<64x128xf32, #tpu.memory_space<vmem>>, vector<1x16xf32>,
        %get3A_105 = vector.shape_cast %get3A_104 : vector<1x16xf32> to vector<16xf32>
        %add3A_106 = arith.addf %get3A_101, %get3A_105 : vector<16xf32>
        %mul3A_107 = vector.broadcast %squeeze3A_95 : f32 to vector<16xf32>
        %mul3A_108 = arith.mulf %add3A_106, %mul3A_107 : vector<16xf32>
        %add3A_109 = vector.broadcast %squeeze3A_97 : f32 to vector<16xf32>
        %add3A_110 = arith.addf %mul3A_108, %add3A_109 : vector<16xf32>
        %mul3A_111 = arith.mulf %add3A_110, %get3A_15 : vector<16xf32>
        %add3A_112 = arith.addf %mul3A_111, %get3A_39 : vector<16xf32>
        %swap3A = arith.index_cast %add3A_93 : i32 to index
        %swap3A_113 = arith.constant 0 : index
        %swap3A_114 = tpu.vector_load %arg18[%swap3A, %swap3A_113] {strides = array<i32>} : memref<64x128xf32, #tpu.memory_space<vmem>>, vector<1x16xf32>,
        %swap3A_115 = vector.shape_cast %swap3A_114 : vector<1x16xf32> to vector<16xf32>
        %swap3A_116 = vector.shape_cast %add3A_112 : vector<16xf32> to vector<1x16xf32>
        tpu.vector_store %arg18[%swap3A, %swap3A_113], %swap3A_116 {strides = array<i32>} : memref<64x128xf32, #tpu.memory_space<vmem>>, vector<1x16xf32>,
        %get3A_117 = arith.index_cast %squeeze3A : i32 to index
        %get3A_118 = arith.constant 16 : index
        %get3A_119 = tpu.vector_load %arg13[%get3A_117, %get3A_118] {strides = array<i32>} : memref<64x128xf32, #tpu.memory_space<vmem>>, vector<1x16xf32>,
        %get3A_120 = vector.shape_cast %get3A_119 : vector<1x16xf32> to vector<16xf32>
        %get3A_121 = arith.index_cast %add3A_93 : i32 to index
        %get3A_122 = arith.constant 16 : index
        %get3A_123 = tpu.vector_load %arg12[%get3A_121, %get3A_122] {strides = array<i32>} : memref<64x128xf32, #tpu.memory_space<vmem>>, vector<1x16xf32>,
        %get3A_124 = vector.shape_cast %get3A_123 : vector<1x16xf32> to vector<16xf32>
        %add3A_125 = arith.addf %get3A_120, %get3A_124 : vector<16xf32>
        %mul3A_126 = vector.broadcast %squeeze3A_95 : f32 to vector<16xf32>
        %mul3A_127 = arith.mulf %add3A_125, %mul3A_126 : vector<16xf32>
        %add3A_128 = vector.broadcast %squeeze3A_97 : f32 to vector<16xf32>
        %add3A_129 = arith.addf %mul3A_127, %add3A_128 : vector<16xf32>
        %mul3A_130 = arith.mulf %add3A_129, %get3A_18 : vector<16xf32>
        %add3A_131 = arith.addf %mul3A_130, %get3A_42 : vector<16xf32>
        %swap3A_132 = arith.index_cast %add3A_93 : i32 to index
        %swap3A_133 = arith.constant 16 : index
        %swap3A_134 = tpu.vector_load %arg18[%swap3A_132, %swap3A_133] {strides = array<i32>} : memref<64x128xf32, #tpu.memory_space<vmem>>, vector<1x16xf32>,
        %swap3A_135 = vector.shape_cast %swap3A_134 : vector<1x16xf32> to vector<16xf32>
        %swap3A_136 = vector.shape_cast %add3A_131 : vector<16xf32> to vector<1x16xf32>
        tpu.vector_store %arg18[%swap3A_132, %swap3A_133], %swap3A_136 {strides = array<i32>} : memref<64x128xf32, #tpu.memory_space<vmem>>, vector<1x16xf32>,
        %get3A_137 = arith.index_cast %squeeze3A : i32 to index
        %get3A_138 = arith.constant 32 : index
        %get3A_139 = tpu.vector_load %arg13[%get3A_137, %get3A_138] {strides = array<i32>} : memref<64x128xf32, #tpu.memory_space<vmem>>, vector<1x16xf32>,
        %get3A_140 = vector.shape_cast %get3A_139 : vector<1x16xf32> to vector<16xf32>
        %get3A_141 = arith.index_cast %add3A_93 : i32 to index
        %get3A_142 = arith.constant 32 : index
        %get3A_143 = tpu.vector_load %arg12[%get3A_141, %get3A_142] {strides = array<i32>} : memref<64x128xf32, #tpu.memory_space<vmem>>, vector<1x16xf32>,
        %get3A_144 = vector.shape_cast %get3A_143 : vector<1x16xf32> to vector<16xf32>
        %add3A_145 = arith.addf %get3A_140, %get3A_144 : vector<16xf32>
        %mul3A_146 = vector.broadcast %squeeze3A_95 : f32 to vector<16xf32>
        %mul3A_147 = arith.mulf %add3A_145, %mul3A_146 : vector<16xf32>
        %add3A_148 = vector.broadcast %squeeze3A_97 : f32 to vector<16xf32>
        %add3A_149 = arith.addf %mul3A_147, %add3A_148 : vector<16xf32>
        %mul3A_150 = arith.mulf %add3A_149, %get3A_21 : vector<16xf32>
        %add3A_151 = arith.addf %mul3A_150, %get3A_45 : vector<16xf32>
        %swap3A_152 = arith.index_cast %add3A_93 : i32 to index
        %swap3A_153 = arith.constant 32 : index
        %swap3A_154 = tpu.vector_load %arg18[%swap3A_152, %swap3A_153] {strides = array<i32>} : memref<64x128xf32, #tpu.memory_space<vmem>>, vector<1x16xf32>,
        %swap3A_155 = vector.shape_cast %swap3A_154 : vector<1x16xf32> to vector<16xf32>
        %swap3A_156 = vector.shape_cast %add3A_151 : vector<16xf32> to vector<1x16xf32>
        tpu.vector_store %arg18[%swap3A_152, %swap3A_153], %swap3A_156 {strides = array<i32>} : memref<64x128xf32, #tpu.memory_space<vmem>>, vector<1x16xf32>,
        %get3A_157 = arith.index_cast %squeeze3A : i32 to index
        %get3A_158 = arith.constant 48 : index
        %get3A_159 = tpu.vector_load %arg13[%get3A_157, %get3A_158] {strides = array<i32>} : memref<64x128xf32, #tpu.memory_space<vmem>>, vector<1x16xf32>,
        %get3A_160 = vector.shape_cast %get3A_159 : vector<1x16xf32> to vector<16xf32>
        %get3A_161 = arith.index_cast %add3A_93 : i32 to index
        %get3A_162 = arith.constant 48 : index
        %get3A_163 = tpu.vector_load %arg12[%get3A_161, %get3A_162] {strides = array<i32>} : memref<64x128xf32, #tpu.memory_space<vmem>>, vector<1x16xf32>,
        %get3A_164 = vector.shape_cast %get3A_163 : vector<1x16xf32> to vector<16xf32>
        %add3A_165 = arith.addf %get3A_160, %get3A_164 : vector<16xf32>
        %mul3A_166 = vector.broadcast %squeeze3A_95 : f32 to vector<16xf32>
        %mul3A_167 = arith.mulf %add3A_165, %mul3A_166 : vector<16xf32>
        %add3A_168 = vector.broadcast %squeeze3A_97 : f32 to vector<16xf32>
        %add3A_169 = arith.addf %mul3A_167, %add3A_168 : vector<16xf32>
        %mul3A_170 = arith.mulf %add3A_169, %get3A_24 : vector<16xf32>
        %add3A_171 = arith.addf %mul3A_170, %get3A_48 : vector<16xf32>
        %swap3A_172 = arith.index_cast %add3A_93 : i32 to index
        %swap3A_173 = arith.constant 48 : index
        %swap3A_174 = tpu.vector_load %arg18[%swap3A_172, %swap3A_173] {strides = array<i32>} : memref<64x128xf32, #tpu.memory_space<vmem>>, vector<1x16xf32>,
        %swap3A_175 = vector.shape_cast %swap3A_174 : vector<1x16xf32> to vector<16xf32>
        %swap3A_176 = vector.shape_cast %add3A_171 : vector<16xf32> to vector<1x16xf32>
        tpu.vector_store %arg18[%swap3A_172, %swap3A_173], %swap3A_176 {strides = array<i32>} : memref<64x128xf32, #tpu.memory_space<vmem>>, vector<1x16xf32>,
        %get3A_177 = arith.index_cast %squeeze3A : i32 to index
        %get3A_178 = arith.constant 64 : index
        %get3A_179 = tpu.vector_load %arg13[%get3A_177, %get3A_178] {strides = array<i32>} : memref<64x128xf32, #tpu.memory_space<vmem>>, vector<1x16xf32>,
        %get3A_180 = vector.shape_cast %get3A_179 : vector<1x16xf32> to vector<16xf32>
        %get3A_181 = arith.index_cast %add3A_93 : i32 to index
        %get3A_182 = arith.constant 64 : index
        %get3A_183 = tpu.vector_load %arg12[%get3A_181, %get3A_182] {strides = array<i32>} : memref<64x128xf32, #tpu.memory_space<vmem>>, vector<1x16xf32>,
        %get3A_184 = vector.shape_cast %get3A_183 : vector<1x16xf32> to vector<16xf32>
        %add3A_185 = arith.addf %get3A_180, %get3A_184 : vector<16xf32>
        %mul3A_186 = vector.broadcast %squeeze3A_95 : f32 to vector<16xf32>
        %mul3A_187 = arith.mulf %add3A_185, %mul3A_186 : vector<16xf32>
        %add3A_188 = vector.broadcast %squeeze3A_97 : f32 to vector<16xf32>
        %add3A_189 = arith.addf %mul3A_187, %add3A_188 : vector<16xf32>
        %mul3A_190 = arith.mulf %add3A_189, %get3A_27 : vector<16xf32>
        %add3A_191 = arith.addf %mul3A_190, %get3A_51 : vector<16xf32>
        %swap3A_192 = arith.index_cast %add3A_93 : i32 to index
        %swap3A_193 = arith.constant 64 : index
        %swap3A_194 = tpu.vector_load %arg18[%swap3A_192, %swap3A_193] {strides = array<i32>} : memref<64x128xf32, #tpu.memory_space<vmem>>, vector<1x16xf32>,
        %swap3A_195 = vector.shape_cast %swap3A_194 : vector<1x16xf32> to vector<16xf32>
        %swap3A_196 = vector.shape_cast %add3A_191 : vector<16xf32> to vector<1x16xf32>
        tpu.vector_store %arg18[%swap3A_192, %swap3A_193], %swap3A_196 {strides = array<i32>} : memref<64x128xf32, #tpu.memory_space<vmem>>, vector<1x16xf32>,
        %get3A_197 = arith.index_cast %squeeze3A : i32 to index
        %get3A_198 = arith.constant 80 : index
        %get3A_199 = tpu.vector_load %arg13[%get3A_197, %get3A_198] {strides = array<i32>} : memref<64x128xf32, #tpu.memory_space<vmem>>, vector<1x16xf32>,
        %get3A_200 = vector.shape_cast %get3A_199 : vector<1x16xf32> to vector<16xf32>
        %get3A_201 = arith.index_cast %add3A_93 : i32 to index
        %get3A_202 = arith.constant 80 : index
        %get3A_203 = tpu.vector_load %arg12[%get3A_201, %get3A_202] {strides = array<i32>} : memref<64x128xf32, #tpu.memory_space<vmem>>, vector<1x16xf32>,
        %get3A_204 = vector.shape_cast %get3A_203 : vector<1x16xf32> to vector<16xf32>
        %add3A_205 = arith.addf %get3A_200, %get3A_204 : vector<16xf32>
        %mul3A_206 = vector.broadcast %squeeze3A_95 : f32 to vector<16xf32>
        %mul3A_207 = arith.mulf %add3A_205, %mul3A_206 : vector<16xf32>
        %add3A_208 = vector.broadcast %squeeze3A_97 : f32 to vector<16xf32>
        %add3A_209 = arith.addf %mul3A_207, %add3A_208 : vector<16xf32>
        %mul3A_210 = arith.mulf %add3A_209, %get3A_30 : vector<16xf32>
        %add3A_211 = arith.addf %mul3A_210, %get3A_54 : vector<16xf32>
        %swap3A_212 = arith.index_cast %add3A_93 : i32 to index
        %swap3A_213 = arith.constant 80 : index
        %swap3A_214 = tpu.vector_load %arg18[%swap3A_212, %swap3A_213] {strides = array<i32>} : memref<64x128xf32, #tpu.memory_space<vmem>>, vector<1x16xf32>,
        %swap3A_215 = vector.shape_cast %swap3A_214 : vector<1x16xf32> to vector<16xf32>
        %swap3A_216 = vector.shape_cast %add3A_211 : vector<16xf32> to vector<1x16xf32>
        tpu.vector_store %arg18[%swap3A_212, %swap3A_213], %swap3A_216 {strides = array<i32>} : memref<64x128xf32, #tpu.memory_space<vmem>>, vector<1x16xf32>,
        %get3A_217 = arith.index_cast %squeeze3A : i32 to index
        %get3A_218 = arith.constant 96 : index
        %get3A_219 = tpu.vector_load %arg13[%get3A_217, %get3A_218] {strides = array<i32>} : memref<64x128xf32, #tpu.memory_space<vmem>>, vector<1x16xf32>,
        %get3A_220 = vector.shape_cast %get3A_219 : vector<1x16xf32> to vector<16xf32>
        %get3A_221 = arith.index_cast %add3A_93 : i32 to index
        %get3A_222 = arith.constant 96 : index
        %get3A_223 = tpu.vector_load %arg12[%get3A_221, %get3A_222] {strides = array<i32>} : memref<64x128xf32, #tpu.memory_space<vmem>>, vector<1x16xf32>,
        %get3A_224 = vector.shape_cast %get3A_223 : vector<1x16xf32> to vector<16xf32>
        %add3A_225 = arith.addf %get3A_220, %get3A_224 : vector<16xf32>
        %mul3A_226 = vector.broadcast %squeeze3A_95 : f32 to vector<16xf32>
        %mul3A_227 = arith.mulf %add3A_225, %mul3A_226 : vector<16xf32>
        %add3A_228 = vector.broadcast %squeeze3A_97 : f32 to vector<16xf32>
        %add3A_229 = arith.addf %mul3A_227, %add3A_228 : vector<16xf32>
        %mul3A_230 = arith.mulf %add3A_229, %get3A_33 : vector<16xf32>
        %add3A_231 = arith.addf %mul3A_230, %get3A_57 : vector<16xf32>
        %swap3A_232 = arith.index_cast %add3A_93 : i32 to index
        %swap3A_233 = arith.constant 96 : index
        %swap3A_234 = tpu.vector_load %arg18[%swap3A_232, %swap3A_233] {strides = array<i32>} : memref<64x128xf32, #tpu.memory_space<vmem>>, vector<1x16xf32>,
        %swap3A_235 = vector.shape_cast %swap3A_234 : vector<1x16xf32> to vector<16xf32>
        %swap3A_236 = vector.shape_cast %add3A_231 : vector<16xf32> to vector<1x16xf32>
        tpu.vector_store %arg18[%swap3A_232, %swap3A_233], %swap3A_236 {strides = array<i32>} : memref<64x128xf32, #tpu.memory_space<vmem>>, vector<1x16xf32>,
        %get3A_237 = arith.index_cast %squeeze3A : i32 to index
        %get3A_238 = arith.constant 112 : index
        %get3A_239 = tpu.vector_load %arg13[%get3A_237, %get3A_238] {strides = array<i32>} : memref<64x128xf32, #tpu.memory_space<vmem>>, vector<1x16xf32>,
        %get3A_240 = vector.shape_cast %get3A_239 : vector<1x16xf32> to vector<16xf32>
        %get3A_241 = arith.index_cast %add3A_93 : i32 to index
        %get3A_242 = arith.constant 112 : index
        %get3A_243 = tpu.vector_load %arg12[%get3A_241, %get3A_242] {strides = array<i32>} : memref<64x128xf32, #tpu.memory_space<vmem>>, vector<1x16xf32>,
        %get3A_244 = vector.shape_cast %get3A_243 : vector<1x16xf32> to vector<16xf32>
        %add3A_245 = arith.addf %get3A_240, %get3A_244 : vector<16xf32>
        %mul3A_246 = vector.broadcast %squeeze3A_95 : f32 to vector<16xf32>
        %mul3A_247 = arith.mulf %add3A_245, %mul3A_246 : vector<16xf32>
        %add3A_248 = vector.broadcast %squeeze3A_97 : f32 to vector<16xf32>
        %add3A_249 = arith.addf %mul3A_247, %add3A_248 : vector<16xf32>
        %mul3A_250 = arith.mulf %add3A_249, %get3A_36 : vector<16xf32>
        %add3A_251 = arith.addf %mul3A_250, %get3A_60 : vector<16xf32>
        %swap3A_252 = arith.index_cast %add3A_93 : i32 to index
        %swap3A_253 = arith.constant 112 : index
        %swap3A_254 = tpu.vector_load %arg18[%swap3A_252, %swap3A_253] {strides = array<i32>} : memref<64x128xf32, #tpu.memory_space<vmem>>, vector<1x16xf32>,
        %swap3A_255 = vector.shape_cast %swap3A_254 : vector<1x16xf32> to vector<16xf32>
        %swap3A_256 = vector.shape_cast %add3A_251 : vector<16xf32> to vector<1x16xf32>
        tpu.vector_store %arg18[%swap3A_252, %swap3A_253], %swap3A_256 {strides = array<i32>} : memref<64x128xf32, #tpu.memory_space<vmem>>, vector<1x16xf32>,
        %add3A_257 = arith.constant 1 : i32
        %add3A_258 = arith.addi %mul3A_76, %add3A_257 : i32
        %slice3A_259 = vector.extract_strided_slice %get3A_82 {offsets = [1], sizes = [1], strides = [1]} : vector<16xi32> to vector<1xi32>
        %squeeze3A_260 = vector.extract %slice3A_259[0] : i32 from vector<1xi32>
        %slice3A_261 = vector.extract_strided_slice %get3A_85 {offsets = [1], sizes = [1], strides = [1]} : vector<16xf32> to vector<1xf32>
        %squeeze3A_262 = vector.extract %slice3A_261[0] : f32 from vector<1xf32>
        %slice3A_263 = vector.extract_strided_slice %mul3A_91 {offsets = [1], sizes = [1], strides = [1]} : vector<16xf32> to vector<1xf32>
        %squeeze3A_264 = vector.extract %slice3A_263[0] : f32 from vector<1xf32>
        %get3A_265 = arith.index_cast %squeeze3A_260 : i32 to index
        %get3A_266 = arith.constant 0 : index
        %get3A_267 = tpu.vector_load %arg13[%get3A_265, %get3A_266] {strides = array<i32>} : memref<64x128xf32, #tpu.memory_space<vmem>>, vector<1x16xf32>,
        %get3A_268 = vector.shape_cast %get3A_267 : vector<1x16xf32> to vector<16xf32>
        %get3A_269 = arith.index_cast %add3A_258 : i32 to index
        %get3A_270 = arith.constant 0 : index
        %get3A_271 = tpu.vector_load %arg12[%get3A_269, %get3A_270] {strides = array<i32>} : memref<64x128xf32, #tpu.memory_space<vmem>>, vector<1x16xf32>,
        %get3A_272 = vector.shape_cast %get3A_271 : vector<1x16xf32> to vector<16xf32>
        %add3A_273 = arith.addf %get3A_268, %get3A_272 : vector<16xf32>
        %mul3A_274 = vector.broadcast %squeeze3A_262 : f32 to vector<16xf32>
        %mul3A_275 = arith.mulf %add3A_273, %mul3A_274 : vector<16xf32>
        %add3A_276 = vector.broadcast %squeeze3A_264 : f32 to vector<16xf32>
        %add3A_277 = arith.addf %mul3A_275, %add3A_276 : vector<16xf32>
        %mul3A_278 = arith.mulf %add3A_277, %get3A_15 : vector<16xf32>
        %add3A_279 = arith.addf %mul3A_278, %get3A_39 : vector<16xf32>
        %swap3A_280 = arith.index_cast %add3A_258 : i32 to index
        %swap3A_281 = arith.constant 0 : index
        %swap3A_282 = tpu.vector_load %arg18[%swap3A_280, %swap3A_281] {strides = array<i32>} : memref<64x128xf32, #tpu.memory_space<vmem>>, vector<1x16xf32>,
        %swap3A_283 = vector.shape_cast %swap3A_282 : vector<1x16xf32> to vector<16xf32>
        %swap3A_284 = vector.shape_cast %add3A_279 : vector<16xf32> to vector<1x16xf32>
        tpu.vector_store %arg18[%swap3A_280, %swap3A_281], %swap3A_284 {strides = array<i32>} : memref<64x128xf32, #tpu.memory_space<vmem>>, vector<1x16xf32>,
        %get3A_285 = arith.index_cast %squeeze3A_260 : i32 to index
        %get3A_286 = arith.constant 16 : index
        %get3A_287 = tpu.vector_load %arg13[%get3A_285, %get3A_286] {strides = array<i32>} : memref<64x128xf32, #tpu.memory_space<vmem>>, vector<1x16xf32>,
        %get3A_288 = vector.shape_cast %get3A_287 : vector<1x16xf32> to vector<16xf32>
        %get3A_289 = arith.index_cast %add3A_258 : i32 to index
        %get3A_290 = arith.constant 16 : index
        %get3A_291 = tpu.vector_load %arg12[%get3A_289, %get3A_290] {strides = array<i32>} : memref<64x128xf32, #tpu.memory_space<vmem>>, vector<1x16xf32>,
        %get3A_292 = vector.shape_cast %get3A_291 : vector<1x16xf32> to vector<16xf32>
        %add3A_293 = arith.addf %get3A_288, %get3A_292 : vector<16xf32>
        %mul3A_294 = vector.broadcast %squeeze3A_262 : f32 to vector<16xf32>
        %mul3A_295 = arith.mulf %add3A_293, %mul3A_294 : vector<16xf32>
        %add3A_296 = vector.broadcast %squeeze3A_264 : f32 to vector<16xf32>
        %add3A_297 = arith.addf %mul3A_295, %add3A_296 : vector<16xf32>
        %mul3A_298 = arith.mulf %add3A_297, %get3A_18 : vector<16xf32>
        %add3A_299 = arith.addf %mul3A_298, %get3A_42 : vector<16xf32>
        %swap3A_300 = arith.index_cast %add3A_258 : i32 to index
        %swap3A_301 = arith.constant 16 : index
        %swap3A_302 = tpu.vector_load %arg18[%swap3A_300, %swap3A_301] {strides = array<i32>} : memref<64x128xf32, #tpu.memory_space<vmem>>, vector<1x16xf32>,
        %swap3A_303 = vector.shape_cast %swap3A_302 : vector<1x16xf32> to vector<16xf32>
        %swap3A_304 = vector.shape_cast %add3A_299 : vector<16xf32> to vector<1x16xf32>
        tpu.vector_store %arg18[%swap3A_300, %swap3A_301], %swap3A_304 {strides = array<i32>} : memref<64x128xf32, #tpu.memory_space<vmem>>, vector<1x16xf32>,
        %get3A_305 = arith.index_cast %squeeze3A_260 : i32 to index
        %get3A_306 = arith.constant 32 : index
        %get3A_307 = tpu.vector_load %arg13[%get3A_305, %get3A_306] {strides = array<i32>} : memref<64x128xf32, #tpu.memory_space<vmem>>, vector<1x16xf32>,
        %get3A_308 = vector.shape_cast %get3A_307 : vector<1x16xf32> to vector<16xf32>
        %get3A_309 = arith.index_cast %add3A_258 : i32 to index
        %get3A_310 = arith.constant 32 : index
        %get3A_311 = tpu.vector_load %arg12[%get3A_309, %get3A_310] {strides = array<i32>} : memref<64x128xf32, #tpu.memory_space<vmem>>, vector<1x16xf32>,
        %get3A_312 = vector.shape_cast %get3A_311 : vector<1x16xf32> to vector<16xf32>
        %add3A_313 = arith.addf %get3A_308, %get3A_312 : vector<16xf32>
        %mul3A_314 = vector.broadcast %squeeze3A_262 : f32 to vector<16xf32>
        %mul3A_315 = arith.mulf %add3A_313, %mul3A_314 : vector<16xf32>
        %add3A_316 = vector.broadcast %squeeze3A_264 : f32 to vector<16xf32>
        %add3A_317 = arith.addf %mul3A_315, %add3A_316 : vector<16xf32>
        %mul3A_318 = arith.mulf %add3A_317, %get3A_21 : vector<16xf32>
        %add3A_319 = arith.addf %mul3A_318, %get3A_45 : vector<16xf32>
        %swap3A_320 = arith.index_cast %add3A_258 : i32 to index
        %swap3A_321 = arith.constant 32 : index
        %swap3A_322 = tpu.vector_load %arg18[%swap3A_320, %swap3A_321] {strides = array<i32>} : memref<64x128xf32, #tpu.memory_space<vmem>>, vector<1x16xf32>,
        %swap3A_323 = vector.shape_cast %swap3A_322 : vector<1x16xf32> to vector<16xf32>
        %swap3A_324 = vector.shape_cast %add3A_319 : vector<16xf32> to vector<1x16xf32>
        tpu.vector_store %arg18[%swap3A_320, %swap3A_321], %swap3A_324 {strides = array<i32>} : memref<64x128xf32, #tpu.memory_space<vmem>>, vector<1x16xf32>,
        %get3A_325 = arith.index_cast %squeeze3A_260 : i32 to index
        %get3A_326 = arith.constant 48 : index
        %get3A_327 = tpu.vector_load %arg13[%get3A_325, %get3A_326] {strides = array<i32>} : memref<64x128xf32, #tpu.memory_space<vmem>>, vector<1x16xf32>,
        %get3A_328 = vector.shape_cast %get3A_327 : vector<1x16xf32> to vector<16xf32>
        %get3A_329 = arith.index_cast %add3A_258 : i32 to index
        %get3A_330 = arith.constant 48 : index
        %get3A_331 = tpu.vector_load %arg12[%get3A_329, %get3A_330] {strides = array<i32>} : memref<64x128xf32, #tpu.memory_space<vmem>>, vector<1x16xf32>,
        %get3A_332 = vector.shape_cast %get3A_331 : vector<1x16xf32> to vector<16xf32>
        %add3A_333 = arith.addf %get3A_328, %get3A_332 : vector<16xf32>
        %mul3A_334 = vector.broadcast %squeeze3A_262 : f32 to vector<16xf32>
        %mul3A_335 = arith.mulf %add3A_333, %mul3A_334 : vector<16xf32>
        %add3A_336 = vector.broadcast %squeeze3A_264 : f32 to vector<16xf32>
        %add3A_337 = arith.addf %mul3A_335, %add3A_336 : vector<16xf32>
        %mul3A_338 = arith.mulf %add3A_337, %get3A_24 : vector<16xf32>
        %add3A_339 = arith.addf %mul3A_338, %get3A_48 : vector<16xf32>
        %swap3A_340 = arith.index_cast %add3A_258 : i32 to index
        %swap3A_341 = arith.constant 48 : index
        %swap3A_342 = tpu.vector_load %arg18[%swap3A_340, %swap3A_341] {strides = array<i32>} : memref<64x128xf32, #tpu.memory_space<vmem>>, vector<1x16xf32>,
        %swap3A_343 = vector.shape_cast %swap3A_342 : vector<1x16xf32> to vector<16xf32>
        %swap3A_344 = vector.shape_cast %add3A_339 : vector<16xf32> to vector<1x16xf32>
        tpu.vector_store %arg18[%swap3A_340, %swap3A_341], %swap3A_344 {strides = array<i32>} : memref<64x128xf32, #tpu.memory_space<vmem>>, vector<1x16xf32>,
        %get3A_345 = arith.index_cast %squeeze3A_260 : i32 to index
        %get3A_346 = arith.constant 64 : index
        %get3A_347 = tpu.vector_load %arg13[%get3A_345, %get3A_346] {strides = array<i32>} : memref<64x128xf32, #tpu.memory_space<vmem>>, vector<1x16xf32>,
        %get3A_348 = vector.shape_cast %get3A_347 : vector<1x16xf32> to vector<16xf32>
        %get3A_349 = arith.index_cast %add3A_258 : i32 to index
        %get3A_350 = arith.constant 64 : index
        %get3A_351 = tpu.vector_load %arg12[%get3A_349, %get3A_350] {strides = array<i32>} : memref<64x128xf32, #tpu.memory_space<vmem>>, vector<1x16xf32>,
        %get3A_352 = vector.shape_cast %get3A_351 : vector<1x16xf32> to vector<16xf32>
        %add3A_353 = arith.addf %get3A_348, %get3A_352 : vector<16xf32>
        %mul3A_354 = vector.broadcast %squeeze3A_262 : f32 to vector<16xf32>
        %mul3A_355 = arith.mulf %add3A_353, %mul3A_354 : vector<16xf32>
        %add3A_356 = vector.broadcast %squeeze3A_264 : f32 to vector<16xf32>
        %add3A_357 = arith.addf %mul3A_355, %add3A_356 : vector<16xf32>
        %mul3A_358 = arith.mulf %add3A_357, %get3A_27 : vector<16xf32>
        %add3A_359 = arith.addf %mul3A_358, %get3A_51 : vector<16xf32>
        %swap3A_360 = arith.index_cast %add3A_258 : i32 to index
        %swap3A_361 = arith.constant 64 : index
        %swap3A_362 = tpu.vector_load %arg18[%swap3A_360, %swap3A_361] {strides = array<i32>} : memref<64x128xf32, #tpu.memory_space<vmem>>, vector<1x16xf32>,
        %swap3A_363 = vector.shape_cast %swap3A_362 : vector<1x16xf32> to vector<16xf32>
        %swap3A_364 = vector.shape_cast %add3A_359 : vector<16xf32> to vector<1x16xf32>
        tpu.vector_store %arg18[%swap3A_360, %swap3A_361], %swap3A_364 {strides = array<i32>} : memref<64x128xf32, #tpu.memory_space<vmem>>, vector<1x16xf32>,
        %get3A_365 = arith.index_cast %squeeze3A_260 : i32 to index
        %get3A_366 = arith.constant 80 : index
        %get3A_367 = tpu.vector_load %arg13[%get3A_365, %get3A_366] {strides = array<i32>} : memref<64x128xf32, #tpu.memory_space<vmem>>, vector<1x16xf32>,
        %get3A_368 = vector.shape_cast %get3A_367 : vector<1x16xf32> to vector<16xf32>
        %get3A_369 = arith.index_cast %add3A_258 : i32 to index
        %get3A_370 = arith.constant 80 : index
        %get3A_371 = tpu.vector_load %arg12[%get3A_369, %get3A_370] {strides = array<i32>} : memref<64x128xf32, #tpu.memory_space<vmem>>, vector<1x16xf32>,
        %get3A_372 = vector.shape_cast %get3A_371 : vector<1x16xf32> to vector<16xf32>
        %add3A_373 = arith.addf %get3A_368, %get3A_372 : vector<16xf32>
        %mul3A_374 = vector.broadcast %squeeze3A_262 : f32 to vector<16xf32>
        %mul3A_375 = arith.mulf %add3A_373, %mul3A_374 : vector<16xf32>
        %add3A_376 = vector.broadcast %squeeze3A_264 : f32 to vector<16xf32>
        %add3A_377 = arith.addf %mul3A_375, %add3A_376 : vector<16xf32>
        %mul3A_378 = arith.mulf %add3A_377, %get3A_30 : vector<16xf32>
        %add3A_379 = arith.addf %mul3A_378, %get3A_54 : vector<16xf32>
        %swap3A_380 = arith.index_cast %add3A_258 : i32 to index
        %swap3A_381 = arith.constant 80 : index
        %swap3A_382 = tpu.vector_load %arg18[%swap3A_380, %swap3A_381] {strides = array<i32>} : memref<64x128xf32, #tpu.memory_space<vmem>>, vector<1x16xf32>,
        %swap3A_383 = vector.shape_cast %swap3A_382 : vector<1x16xf32> to vector<16xf32>
        %swap3A_384 = vector.shape_cast %add3A_379 : vector<16xf32> to vector<1x16xf32>
        tpu.vector_store %arg18[%swap3A_380, %swap3A_381], %swap3A_384 {strides = array<i32>} : memref<64x128xf32, #tpu.memory_space<vmem>>, vector<1x16xf32>,
        %get3A_385 = arith.index_cast %squeeze3A_260 : i32 to index
        %get3A_386 = arith.constant 96 : index
        %get3A_387 = tpu.vector_load %arg13[%get3A_385, %get3A_386] {strides = array<i32>} : memref<64x128xf32, #tpu.memory_space<vmem>>, vector<1x16xf32>,
        %get3A_388 = vector.shape_cast %get3A_387 : vector<1x16xf32> to vector<16xf32>
        %get3A_389 = arith.index_cast %add3A_258 : i32 to index
        %get3A_390 = arith.constant 96 : index
        %get3A_391 = tpu.vector_load %arg12[%get3A_389, %get3A_390] {strides = array<i32>} : memref<64x128xf32, #tpu.memory_space<vmem>>, vector<1x16xf32>,
        %get3A_392 = vector.shape_cast %get3A_391 : vector<1x16xf32> to vector<16xf32>
        %add3A_393 = arith.addf %get3A_388, %get3A_392 : vector<16xf32>
        %mul3A_394 = vector.broadcast %squeeze3A_262 : f32 to vector<16xf32>
        %mul3A_395 = arith.mulf %add3A_393, %mul3A_394 : vector<16xf32>
        %add3A_396 = vector.broadcast %squeeze3A_264 : f32 to vector<16xf32>
        %add3A_397 = arith.addf %mul3A_395, %add3A_396 : vector<16xf32>
        %mul3A_398 = arith.mulf %add3A_397, %get3A_33 : vector<16xf32>
        %add3A_399 = arith.addf %mul3A_398, %get3A_57 : vector<16xf32>
        %swap3A_400 = arith.index_cast %add3A_258 : i32 to index
        %swap3A_401 = arith.constant 96 : index
        %swap3A_402 = tpu.vector_load %arg18[%swap3A_400, %swap3A_401] {strides = array<i32>} : memref<64x128xf32, #tpu.memory_space<vmem>>, vector<1x16xf32>,
        %swap3A_403 = vector.shape_cast %swap3A_402 : vector<1x16xf32> to vector<16xf32>
        %swap3A_404 = vector.shape_cast %add3A_399 : vector<16xf32> to vector<1x16xf32>
        tpu.vector_store %arg18[%swap3A_400, %swap3A_401], %swap3A_404 {strides = array<i32>} : memref<64x128xf32, #tpu.memory_space<vmem>>, vector<1x16xf32>,
        %get3A_405 = arith.index_cast %squeeze3A_260 : i32 to index
        %get3A_406 = arith.constant 112 : index
        %get3A_407 = tpu.vector_load %arg13[%get3A_405, %get3A_406] {strides = array<i32>} : memref<64x128xf32, #tpu.memory_space<vmem>>, vector<1x16xf32>,
        %get3A_408 = vector.shape_cast %get3A_407 : vector<1x16xf32> to vector<16xf32>
        %get3A_409 = arith.index_cast %add3A_258 : i32 to index
        %get3A_410 = arith.constant 112 : index
        %get3A_411 = tpu.vector_load %arg12[%get3A_409, %get3A_410] {strides = array<i32>} : memref<64x128xf32, #tpu.memory_space<vmem>>, vector<1x16xf32>,
        %get3A_412 = vector.shape_cast %get3A_411 : vector<1x16xf32> to vector<16xf32>
        %add3A_413 = arith.addf %get3A_408, %get3A_412 : vector<16xf32>
        %mul3A_414 = vector.broadcast %squeeze3A_262 : f32 to vector<16xf32>
        %mul3A_415 = arith.mulf %add3A_413, %mul3A_414 : vector<16xf32>
        %add3A_416 = vector.broadcast %squeeze3A_264 : f32 to vector<16xf32>
        %add3A_417 = arith.addf %mul3A_415, %add3A_416 : vector<16xf32>
        %mul3A_418 = arith.mulf %add3A_417, %get3A_36 : vector<16xf32>
        %add3A_419 = arith.addf %mul3A_418, %get3A_60 : vector<16xf32>
        %swap3A_420 = arith.index_cast %add3A_258 : i32 to index
        %swap3A_421 = arith.constant 112 : index
        %swap3A_422 = tpu.vector_load %arg18[%swap3A_420, %swap3A_421] {strides = array<i32>} : memref<64x128xf32, #tpu.memory_space<vmem>>, vector<1x16xf32>,
        %swap3A_423 = vector.shape_cast %swap3A_422 : vector<1x16xf32> to vector<16xf32>
        %swap3A_424 = vector.shape_cast %add3A_419 : vector<16xf32> to vector<1x16xf32>
        tpu.vector_store %arg18[%swap3A_420, %swap3A_421], %swap3A_424 {strides = array<i32>} : memref<64x128xf32, #tpu.memory_space<vmem>>, vector<1x16xf32>,
        %add3A_425 = arith.constant 2 : i32
        %add3A_426 = arith.addi %mul3A_76, %add3A_425 : i32
        %slice3A_427 = vector.extract_strided_slice %get3A_82 {offsets = [2], sizes = [1], strides = [1]} : vector<16xi32> to vector<1xi32>
        %squeeze3A_428 = vector.extract %slice3A_427[0] : i32 from vector<1xi32>
        %slice3A_429 = vector.extract_strided_slice %get3A_85 {offsets = [2], sizes = [1], strides = [1]} : vector<16xf32> to vector<1xf32>
        %squeeze3A_430 = vector.extract %slice3A_429[0] : f32 from vector<1xf32>
        %slice3A_431 = vector.extract_strided_slice %mul3A_91 {offsets = [2], sizes = [1], strides = [1]} : vector<16xf32> to vector<1xf32>
        %squeeze3A_432 = vector.extract %slice3A_431[0] : f32 from vector<1xf32>
        %get3A_433 = arith.index_cast %squeeze3A_428 : i32 to index
        %get3A_434 = arith.constant 0 : index
        %get3A_435 = tpu.vector_load %arg13[%get3A_433, %get3A_434] {strides = array<i32>} : memref<64x128xf32, #tpu.memory_space<vmem>>, vector<1x16xf32>,
        %get3A_436 = vector.shape_cast %get3A_435 : vector<1x16xf32> to vector<16xf32>
        %get3A_437 = arith.index_cast %add3A_426 : i32 to index
        %get3A_438 = arith.constant 0 : index
        %get3A_439 = tpu.vector_load %arg12[%get3A_437, %get3A_438] {strides = array<i32>} : memref<64x128xf32, #tpu.memory_space<vmem>>, vector<1x16xf32>,
        %get3A_440 = vector.shape_cast %get3A_439 : vector<1x16xf32> to vector<16xf32>
        %add3A_441 = arith.addf %get3A_436, %get3A_440 : vector<16xf32>
        %mul3A_442 = vector.broadcast %squeeze3A_430 : f32 to vector<16xf32>
        %mul3A_443 = arith.mulf %add3A_441, %mul3A_442 : vector<16xf32>
        %add3A_444 = vector.broadcast %squeeze3A_432 : f32 to vector<16xf32>
        %add3A_445 = arith.addf %mul3A_443, %add3A_444 : vector<16xf32>
        %mul3A_446 = arith.mulf %add3A_445, %get3A_15 : vector<16xf32>
        %add3A_447 = arith.addf %mul3A_446, %get3A_39 : vector<16xf32>
        %swap3A_448 = arith.index_cast %add3A_426 : i32 to index
        %swap3A_449 = arith.constant 0 : index
        %swap3A_450 = tpu.vector_load %arg18[%swap3A_448, %swap3A_449] {strides = array<i32>} : memref<64x128xf32, #tpu.memory_space<vmem>>, vector<1x16xf32>,
        %swap3A_451 = vector.shape_cast %swap3A_450 : vector<1x16xf32> to vector<16xf32>
        %swap3A_452 = vector.shape_cast %add3A_447 : vector<16xf32> to vector<1x16xf32>
        tpu.vector_store %arg18[%swap3A_448, %swap3A_449], %swap3A_452 {strides = array<i32>} : memref<64x128xf32, #tpu.memory_space<vmem>>, vector<1x16xf32>,
        %get3A_453 = arith.index_cast %squeeze3A_428 : i32 to index
        %get3A_454 = arith.constant 16 : index
        %get3A_455 = tpu.vector_load %arg13[%get3A_453, %get3A_454] {strides = array<i32>} : memref<64x128xf32, #tpu.memory_space<vmem>>, vector<1x16xf32>,
        %get3A_456 = vector.shape_cast %get3A_455 : vector<1x16xf32> to vector<16xf32>
        %get3A_457 = arith.index_cast %add3A_426 : i32 to index
        %get3A_458 = arith.constant 16 : index
        %get3A_459 = tpu.vector_load %arg12[%get3A_457, %get3A_458] {strides = array<i32>} : memref<64x128xf32, #tpu.memory_space<vmem>>, vector<1x16xf32>,
        %get3A_460 = vector.shape_cast %get3A_459 : vector<1x16xf32> to vector<16xf32>
        %add3A_461 = arith.addf %get3A_456, %get3A_460 : vector<16xf32>
        %mul3A_462 = vector.broadcast %squeeze3A_430 : f32 to vector<16xf32>
        %mul3A_463 = arith.mulf %add3A_461, %mul3A_462 : vector<16xf32>
        %add3A_464 = vector.broadcast %squeeze3A_432 : f32 to vector<16xf32>
        %add3A_465 = arith.addf %mul3A_463, %add3A_464 : vector<16xf32>
        %mul3A_466 = arith.mulf %add3A_465, %get3A_18 : vector<16xf32>
        %add3A_467 = arith.addf %mul3A_466, %get3A_42 : vector<16xf32>
        %swap3A_468 = arith.index_cast %add3A_426 : i32 to index
        %swap3A_469 = arith.constant 16 : index
        %swap3A_470 = tpu.vector_load %arg18[%swap3A_468, %swap3A_469] {strides = array<i32>} : memref<64x128xf32, #tpu.memory_space<vmem>>, vector<1x16xf32>,
        %swap3A_471 = vector.shape_cast %swap3A_470 : vector<1x16xf32> to vector<16xf32>
        %swap3A_472 = vector.shape_cast %add3A_467 : vector<16xf32> to vector<1x16xf32>
        tpu.vector_store %arg18[%swap3A_468, %swap3A_469], %swap3A_472 {strides = array<i32>} : memref<64x128xf32, #tpu.memory_space<vmem>>, vector<1x16xf32>,
        %get3A_473 = arith.index_cast %squeeze3A_428 : i32 to index
        %get3A_474 = arith.constant 32 : index
        %get3A_475 = tpu.vector_load %arg13[%get3A_473, %get3A_474] {strides = array<i32>} : memref<64x128xf32, #tpu.memory_space<vmem>>, vector<1x16xf32>,
        %get3A_476 = vector.shape_cast %get3A_475 : vector<1x16xf32> to vector<16xf32>
        %get3A_477 = arith.index_cast %add3A_426 : i32 to index
        %get3A_478 = arith.constant 32 : index
        %get3A_479 = tpu.vector_load %arg12[%get3A_477, %get3A_478] {strides = array<i32>} : memref<64x128xf32, #tpu.memory_space<vmem>>, vector<1x16xf32>,
        %get3A_480 = vector.shape_cast %get3A_479 : vector<1x16xf32> to vector<16xf32>
        %add3A_481 = arith.addf %get3A_476, %get3A_480 : vector<16xf32>
        %mul3A_482 = vector.broadcast %squeeze3A_430 : f32 to vector<16xf32>
        %mul3A_483 = arith.mulf %add3A_481, %mul3A_482 : vector<16xf32>
        %add3A_484 = vector.broadcast %squeeze3A_432 : f32 to vector<16xf32>
        %add3A_485 = arith.addf %mul3A_483, %add3A_484 : vector<16xf32>
        %mul3A_486 = arith.mulf %add3A_485, %get3A_21 : vector<16xf32>
        %add3A_487 = arith.addf %mul3A_486, %get3A_45 : vector<16xf32>
        %swap3A_488 = arith.index_cast %add3A_426 : i32 to index
        %swap3A_489 = arith.constant 32 : index
        %swap3A_490 = tpu.vector_load %arg18[%swap3A_488, %swap3A_489] {strides = array<i32>} : memref<64x128xf32, #tpu.memory_space<vmem>>, vector<1x16xf32>,
        %swap3A_491 = vector.shape_cast %swap3A_490 : vector<1x16xf32> to vector<16xf32>
        %swap3A_492 = vector.shape_cast %add3A_487 : vector<16xf32> to vector<1x16xf32>
        tpu.vector_store %arg18[%swap3A_488, %swap3A_489], %swap3A_492 {strides = array<i32>} : memref<64x128xf32, #tpu.memory_space<vmem>>, vector<1x16xf32>,
        %get3A_493 = arith.index_cast %squeeze3A_428 : i32 to index
        %get3A_494 = arith.constant 48 : index
        %get3A_495 = tpu.vector_load %arg13[%get3A_493, %get3A_494] {strides = array<i32>} : memref<64x128xf32, #tpu.memory_space<vmem>>, vector<1x16xf32>,
        %get3A_496 = vector.shape_cast %get3A_495 : vector<1x16xf32> to vector<16xf32>
        %get3A_497 = arith.index_cast %add3A_426 : i32 to index
        %get3A_498 = arith.constant 48 : index
        %get3A_499 = tpu.vector_load %arg12[%get3A_497, %get3A_498] {strides = array<i32>} : memref<64x128xf32, #tpu.memory_space<vmem>>, vector<1x16xf32>,
        %get3A_500 = vector.shape_cast %get3A_499 : vector<1x16xf32> to vector<16xf32>
        %add3A_501 = arith.addf %get3A_496, %get3A_500 : vector<16xf32>
        %mul3A_502 = vector.broadcast %squeeze3A_430 : f32 to vector<16xf32>
        %mul3A_503 = arith.mulf %add3A_501, %mul3A_502 : vector<16xf32>
        %add3A_504 = vector.broadcast %squeeze3A_432 : f32 to vector<16xf32>
        %add3A_505 = arith.addf %mul3A_503, %add3A_504 : vector<16xf32>
        %mul3A_506 = arith.mulf %add3A_505, %get3A_24 : vector<16xf32>
        %add3A_507 = arith.addf %mul3A_506, %get3A_48 : vector<16xf32>
        %swap3A_508 = arith.index_cast %add3A_426 : i32 to index
        %swap3A_509 = arith.constant 48 : index
        %swap3A_510 = tpu.vector_load %arg18[%swap3A_508, %swap3A_509] {strides = array<i32>} : memref<64x128xf32, #tpu.memory_space<vmem>>, vector<1x16xf32>,
        %swap3A_511 = vector.shape_cast %swap3A_510 : vector<1x16xf32> to vector<16xf32>
        %swap3A_512 = vector.shape_cast %add3A_507 : vector<16xf32> to vector<1x16xf32>
        tpu.vector_store %arg18[%swap3A_508, %swap3A_509], %swap3A_512 {strides = array<i32>} : memref<64x128xf32, #tpu.memory_space<vmem>>, vector<1x16xf32>,
        %get3A_513 = arith.index_cast %squeeze3A_428 : i32 to index
        %get3A_514 = arith.constant 64 : index
        %get3A_515 = tpu.vector_load %arg13[%get3A_513, %get3A_514] {strides = array<i32>} : memref<64x128xf32, #tpu.memory_space<vmem>>, vector<1x16xf32>,
        %get3A_516 = vector.shape_cast %get3A_515 : vector<1x16xf32> to vector<16xf32>
        %get3A_517 = arith.index_cast %add3A_426 : i32 to index
        %get3A_518 = arith.constant 64 : index
        %get3A_519 = tpu.vector_load %arg12[%get3A_517, %get3A_518] {strides = array<i32>} : memref<64x128xf32, #tpu.memory_space<vmem>>, vector<1x16xf32>,
        %get3A_520 = vector.shape_cast %get3A_519 : vector<1x16xf32> to vector<16xf32>
        %add3A_521 = arith.addf %get3A_516, %get3A_520 : vector<16xf32>
        %mul3A_522 = vector.broadcast %squeeze3A_430 : f32 to vector<16xf32>
        %mul3A_523 = arith.mulf %add3A_521, %mul3A_522 : vector<16xf32>
        %add3A_524 = vector.broadcast %squeeze3A_432 : f32 to vector<16xf32>
        %add3A_525 = arith.addf %mul3A_523, %add3A_524 : vector<16xf32>
        %mul3A_526 = arith.mulf %add3A_525, %get3A_27 : vector<16xf32>
        %add3A_527 = arith.addf %mul3A_526, %get3A_51 : vector<16xf32>
        %swap3A_528 = arith.index_cast %add3A_426 : i32 to index
        %swap3A_529 = arith.constant 64 : index
        %swap3A_530 = tpu.vector_load %arg18[%swap3A_528, %swap3A_529] {strides = array<i32>} : memref<64x128xf32, #tpu.memory_space<vmem>>, vector<1x16xf32>,
        %swap3A_531 = vector.shape_cast %swap3A_530 : vector<1x16xf32> to vector<16xf32>
        %swap3A_532 = vector.shape_cast %add3A_527 : vector<16xf32> to vector<1x16xf32>
        tpu.vector_store %arg18[%swap3A_528, %swap3A_529], %swap3A_532 {strides = array<i32>} : memref<64x128xf32, #tpu.memory_space<vmem>>, vector<1x16xf32>,
        %get3A_533 = arith.index_cast %squeeze3A_428 : i32 to index
        %get3A_534 = arith.constant 80 : index
        %get3A_535 = tpu.vector_load %arg13[%get3A_533, %get3A_534] {strides = array<i32>} : memref<64x128xf32, #tpu.memory_space<vmem>>, vector<1x16xf32>,
        %get3A_536 = vector.shape_cast %get3A_535 : vector<1x16xf32> to vector<16xf32>
        %get3A_537 = arith.index_cast %add3A_426 : i32 to index
        %get3A_538 = arith.constant 80 : index
        %get3A_539 = tpu.vector_load %arg12[%get3A_537, %get3A_538] {strides = array<i32>} : memref<64x128xf32, #tpu.memory_space<vmem>>, vector<1x16xf32>,
        %get3A_540 = vector.shape_cast %get3A_539 : vector<1x16xf32> to vector<16xf32>
        %add3A_541 = arith.addf %get3A_536, %get3A_540 : vector<16xf32>
        %mul3A_542 = vector.broadcast %squeeze3A_430 : f32 to vector<16xf32>
        %mul3A_543 = arith.mulf %add3A_541, %mul3A_542 : vector<16xf32>
        %add3A_544 = vector.broadcast %squeeze3A_432 : f32 to vector<16xf32>
        %add3A_545 = arith.addf %mul3A_543, %add3A_544 : vector<16xf32>
        %mul3A_546 = arith.mulf %add3A_545, %get3A_30 : vector<16xf32>
        %add3A_547 = arith.addf %mul3A_546, %get3A_54 : vector<16xf32>
        %swap3A_548 = arith.index_cast %add3A_426 : i32 to index
        %swap3A_549 = arith.constant 80 : index
        %swap3A_550 = tpu.vector_load %arg18[%swap3A_548, %swap3A_549] {strides = array<i32>} : memref<64x128xf32, #tpu.memory_space<vmem>>, vector<1x16xf32>,
        %swap3A_551 = vector.shape_cast %swap3A_550 : vector<1x16xf32> to vector<16xf32>
        %swap3A_552 = vector.shape_cast %add3A_547 : vector<16xf32> to vector<1x16xf32>
        tpu.vector_store %arg18[%swap3A_548, %swap3A_549], %swap3A_552 {strides = array<i32>} : memref<64x128xf32, #tpu.memory_space<vmem>>, vector<1x16xf32>,
        %get3A_553 = arith.index_cast %squeeze3A_428 : i32 to index
        %get3A_554 = arith.constant 96 : index
        %get3A_555 = tpu.vector_load %arg13[%get3A_553, %get3A_554] {strides = array<i32>} : memref<64x128xf32, #tpu.memory_space<vmem>>, vector<1x16xf32>,
        %get3A_556 = vector.shape_cast %get3A_555 : vector<1x16xf32> to vector<16xf32>
        %get3A_557 = arith.index_cast %add3A_426 : i32 to index
        %get3A_558 = arith.constant 96 : index
        %get3A_559 = tpu.vector_load %arg12[%get3A_557, %get3A_558] {strides = array<i32>} : memref<64x128xf32, #tpu.memory_space<vmem>>, vector<1x16xf32>,
        %get3A_560 = vector.shape_cast %get3A_559 : vector<1x16xf32> to vector<16xf32>
        %add3A_561 = arith.addf %get3A_556, %get3A_560 : vector<16xf32>
        %mul3A_562 = vector.broadcast %squeeze3A_430 : f32 to vector<16xf32>
        %mul3A_563 = arith.mulf %add3A_561, %mul3A_562 : vector<16xf32>
        %add3A_564 = vector.broadcast %squeeze3A_432 : f32 to vector<16xf32>
        %add3A_565 = arith.addf %mul3A_563, %add3A_564 : vector<16xf32>
        %mul3A_566 = arith.mulf %add3A_565, %get3A_33 : vector<16xf32>
        %add3A_567 = arith.addf %mul3A_566, %get3A_57 : vector<16xf32>
        %swap3A_568 = arith.index_cast %add3A_426 : i32 to index
        %swap3A_569 = arith.constant 96 : index
        %swap3A_570 = tpu.vector_load %arg18[%swap3A_568, %swap3A_569] {strides = array<i32>} : memref<64x128xf32, #tpu.memory_space<vmem>>, vector<1x16xf32>,
        %swap3A_571 = vector.shape_cast %swap3A_570 : vector<1x16xf32> to vector<16xf32>
        %swap3A_572 = vector.shape_cast %add3A_567 : vector<16xf32> to vector<1x16xf32>
        tpu.vector_store %arg18[%swap3A_568, %swap3A_569], %swap3A_572 {strides = array<i32>} : memref<64x128xf32, #tpu.memory_space<vmem>>, vector<1x16xf32>,
        %get3A_573 = arith.index_cast %squeeze3A_428 : i32 to index
        %get3A_574 = arith.constant 112 : index
        %get3A_575 = tpu.vector_load %arg13[%get3A_573, %get3A_574] {strides = array<i32>} : memref<64x128xf32, #tpu.memory_space<vmem>>, vector<1x16xf32>,
        %get3A_576 = vector.shape_cast %get3A_575 : vector<1x16xf32> to vector<16xf32>
        %get3A_577 = arith.index_cast %add3A_426 : i32 to index
        %get3A_578 = arith.constant 112 : index
        %get3A_579 = tpu.vector_load %arg12[%get3A_577, %get3A_578] {strides = array<i32>} : memref<64x128xf32, #tpu.memory_space<vmem>>, vector<1x16xf32>,
        %get3A_580 = vector.shape_cast %get3A_579 : vector<1x16xf32> to vector<16xf32>
        %add3A_581 = arith.addf %get3A_576, %get3A_580 : vector<16xf32>
        %mul3A_582 = vector.broadcast %squeeze3A_430 : f32 to vector<16xf32>
        %mul3A_583 = arith.mulf %add3A_581, %mul3A_582 : vector<16xf32>
        %add3A_584 = vector.broadcast %squeeze3A_432 : f32 to vector<16xf32>
        %add3A_585 = arith.addf %mul3A_583, %add3A_584 : vector<16xf32>
        %mul3A_586 = arith.mulf %add3A_585, %get3A_36 : vector<16xf32>
        %add3A_587 = arith.addf %mul3A_586, %get3A_60 : vector<16xf32>
        %swap3A_588 = arith.index_cast %add3A_426 : i32 to index
        %swap3A_589 = arith.constant 112 : index
        %swap3A_590 = tpu.vector_load %arg18[%swap3A_588, %swap3A_589] {strides = array<i32>} : memref<64x128xf32, #tpu.memory_space<vmem>>, vector<1x16xf32>,
        %swap3A_591 = vector.shape_cast %swap3A_590 : vector<1x16xf32> to vector<16xf32>
        %swap3A_592 = vector.shape_cast %add3A_587 : vector<16xf32> to vector<1x16xf32>
        tpu.vector_store %arg18[%swap3A_588, %swap3A_589], %swap3A_592 {strides = array<i32>} : memref<64x128xf32, #tpu.memory_space<vmem>>, vector<1x16xf32>,
        %add3A_593 = arith.constant 3 : i32
        %add3A_594 = arith.addi %mul3A_76, %add3A_593 : i32
        %slice3A_595 = vector.extract_strided_slice %get3A_82 {offsets = [3], sizes = [1], strides = [1]} : vector<16xi32> to vector<1xi32>
        %squeeze3A_596 = vector.extract %slice3A_595[0] : i32 from vector<1xi32>
        %slice3A_597 = vector.extract_strided_slice %get3A_85 {offsets = [3], sizes = [1], strides = [1]} : vector<16xf32> to vector<1xf32>
        %squeeze3A_598 = vector.extract %slice3A_597[0] : f32 from vector<1xf32>
        %slice3A_599 = vector.extract_strided_slice %mul3A_91 {offsets = [3], sizes = [1], strides = [1]} : vector<16xf32> to vector<1xf32>
        %squeeze3A_600 = vector.extract %slice3A_599[0] : f32 from vector<1xf32>
        %get3A_601 = arith.index_cast %squeeze3A_596 : i32 to index
        %get3A_602 = arith.constant 0 : index
        %get3A_603 = tpu.vector_load %arg13[%get3A_601, %get3A_602] {strides = array<i32>} : memref<64x128xf32, #tpu.memory_space<vmem>>, vector<1x16xf32>,
        %get3A_604 = vector.shape_cast %get3A_603 : vector<1x16xf32> to vector<16xf32>
        %get3A_605 = arith.index_cast %add3A_594 : i32 to index
        %get3A_606 = arith.constant 0 : index
        %get3A_607 = tpu.vector_load %arg12[%get3A_605, %get3A_606] {strides = array<i32>} : memref<64x128xf32, #tpu.memory_space<vmem>>, vector<1x16xf32>,
        %get3A_608 = vector.shape_cast %get3A_607 : vector<1x16xf32> to vector<16xf32>
        %add3A_609 = arith.addf %get3A_604, %get3A_608 : vector<16xf32>
        %mul3A_610 = vector.broadcast %squeeze3A_598 : f32 to vector<16xf32>
        %mul3A_611 = arith.mulf %add3A_609, %mul3A_610 : vector<16xf32>
        %add3A_612 = vector.broadcast %squeeze3A_600 : f32 to vector<16xf32>
        %add3A_613 = arith.addf %mul3A_611, %add3A_612 : vector<16xf32>
        %mul3A_614 = arith.mulf %add3A_613, %get3A_15 : vector<16xf32>
        %add3A_615 = arith.addf %mul3A_614, %get3A_39 : vector<16xf32>
        %swap3A_616 = arith.index_cast %add3A_594 : i32 to index
        %swap3A_617 = arith.constant 0 : index
        %swap3A_618 = tpu.vector_load %arg18[%swap3A_616, %swap3A_617] {strides = array<i32>} : memref<64x128xf32, #tpu.memory_space<vmem>>, vector<1x16xf32>,
        %swap3A_619 = vector.shape_cast %swap3A_618 : vector<1x16xf32> to vector<16xf32>
        %swap3A_620 = vector.shape_cast %add3A_615 : vector<16xf32> to vector<1x16xf32>
        tpu.vector_store %arg18[%swap3A_616, %swap3A_617], %swap3A_620 {strides = array<i32>} : memref<64x128xf32, #tpu.memory_space<vmem>>, vector<1x16xf32>,
        %get3A_621 = arith.index_cast %squeeze3A_596 : i32 to index
        %get3A_622 = arith.constant 16 : index
        %get3A_623 = tpu.vector_load %arg13[%get3A_621, %get3A_622] {strides = array<i32>} : memref<64x128xf32, #tpu.memory_space<vmem>>, vector<1x16xf32>,
        %get3A_624 = vector.shape_cast %get3A_623 : vector<1x16xf32> to vector<16xf32>
        %get3A_625 = arith.index_cast %add3A_594 : i32 to index
        %get3A_626 = arith.constant 16 : index
        %get3A_627 = tpu.vector_load %arg12[%get3A_625, %get3A_626] {strides = array<i32>} : memref<64x128xf32, #tpu.memory_space<vmem>>, vector<1x16xf32>,
        %get3A_628 = vector.shape_cast %get3A_627 : vector<1x16xf32> to vector<16xf32>
        %add3A_629 = arith.addf %get3A_624, %get3A_628 : vector<16xf32>
        %mul3A_630 = vector.broadcast %squeeze3A_598 : f32 to vector<16xf32>
        %mul3A_631 = arith.mulf %add3A_629, %mul3A_630 : vector<16xf32>
        %add3A_632 = vector.broadcast %squeeze3A_600 : f32 to vector<16xf32>
        %add3A_633 = arith.addf %mul3A_631, %add3A_632 : vector<16xf32>
        %mul3A_634 = arith.mulf %add3A_633, %get3A_18 : vector<16xf32>
        %add3A_635 = arith.addf %mul3A_634, %get3A_42 : vector<16xf32>
        %swap3A_636 = arith.index_cast %add3A_594 : i32 to index
        %swap3A_637 = arith.constant 16 : index
        %swap3A_638 = tpu.vector_load %arg18[%swap3A_636, %swap3A_637] {strides = array<i32>} : memref<64x128xf32, #tpu.memory_space<vmem>>, vector<1x16xf32>,
        %swap3A_639 = vector.shape_cast %swap3A_638 : vector<1x16xf32> to vector<16xf32>
        %swap3A_640 = vector.shape_cast %add3A_635 : vector<16xf32> to vector<1x16xf32>
        tpu.vector_store %arg18[%swap3A_636, %swap3A_637], %swap3A_640 {strides = array<i32>} : memref<64x128xf32, #tpu.memory_space<vmem>>, vector<1x16xf32>,
        %get3A_641 = arith.index_cast %squeeze3A_596 : i32 to index
        %get3A_642 = arith.constant 32 : index
        %get3A_643 = tpu.vector_load %arg13[%get3A_641, %get3A_642] {strides = array<i32>} : memref<64x128xf32, #tpu.memory_space<vmem>>, vector<1x16xf32>,
        %get3A_644 = vector.shape_cast %get3A_643 : vector<1x16xf32> to vector<16xf32>
        %get3A_645 = arith.index_cast %add3A_594 : i32 to index
        %get3A_646 = arith.constant 32 : index
        %get3A_647 = tpu.vector_load %arg12[%get3A_645, %get3A_646] {strides = array<i32>} : memref<64x128xf32, #tpu.memory_space<vmem>>, vector<1x16xf32>,
        %get3A_648 = vector.shape_cast %get3A_647 : vector<1x16xf32> to vector<16xf32>
        %add3A_649 = arith.addf %get3A_644, %get3A_648 : vector<16xf32>
        %mul3A_650 = vector.broadcast %squeeze3A_598 : f32 to vector<16xf32>
        %mul3A_651 = arith.mulf %add3A_649, %mul3A_650 : vector<16xf32>
        %add3A_652 = vector.broadcast %squeeze3A_600 : f32 to vector<16xf32>
        %add3A_653 = arith.addf %mul3A_651, %add3A_652 : vector<16xf32>
        %mul3A_654 = arith.mulf %add3A_653, %get3A_21 : vector<16xf32>
        %add3A_655 = arith.addf %mul3A_654, %get3A_45 : vector<16xf32>
        %swap3A_656 = arith.index_cast %add3A_594 : i32 to index
        %swap3A_657 = arith.constant 32 : index
        %swap3A_658 = tpu.vector_load %arg18[%swap3A_656, %swap3A_657] {strides = array<i32>} : memref<64x128xf32, #tpu.memory_space<vmem>>, vector<1x16xf32>,
        %swap3A_659 = vector.shape_cast %swap3A_658 : vector<1x16xf32> to vector<16xf32>
        %swap3A_660 = vector.shape_cast %add3A_655 : vector<16xf32> to vector<1x16xf32>
        tpu.vector_store %arg18[%swap3A_656, %swap3A_657], %swap3A_660 {strides = array<i32>} : memref<64x128xf32, #tpu.memory_space<vmem>>, vector<1x16xf32>,
        %get3A_661 = arith.index_cast %squeeze3A_596 : i32 to index
        %get3A_662 = arith.constant 48 : index
        %get3A_663 = tpu.vector_load %arg13[%get3A_661, %get3A_662] {strides = array<i32>} : memref<64x128xf32, #tpu.memory_space<vmem>>, vector<1x16xf32>,
        %get3A_664 = vector.shape_cast %get3A_663 : vector<1x16xf32> to vector<16xf32>
        %get3A_665 = arith.index_cast %add3A_594 : i32 to index
        %get3A_666 = arith.constant 48 : index
        %get3A_667 = tpu.vector_load %arg12[%get3A_665, %get3A_666] {strides = array<i32>} : memref<64x128xf32, #tpu.memory_space<vmem>>, vector<1x16xf32>,
        %get3A_668 = vector.shape_cast %get3A_667 : vector<1x16xf32> to vector<16xf32>
        %add3A_669 = arith.addf %get3A_664, %get3A_668 : vector<16xf32>
        %mul3A_670 = vector.broadcast %squeeze3A_598 : f32 to vector<16xf32>
        %mul3A_671 = arith.mulf %add3A_669, %mul3A_670 : vector<16xf32>
        %add3A_672 = vector.broadcast %squeeze3A_600 : f32 to vector<16xf32>
        %add3A_673 = arith.addf %mul3A_671, %add3A_672 : vector<16xf32>
        %mul3A_674 = arith.mulf %add3A_673, %get3A_24 : vector<16xf32>
        %add3A_675 = arith.addf %mul3A_674, %get3A_48 : vector<16xf32>
        %swap3A_676 = arith.index_cast %add3A_594 : i32 to index
        %swap3A_677 = arith.constant 48 : index
        %swap3A_678 = tpu.vector_load %arg18[%swap3A_676, %swap3A_677] {strides = array<i32>} : memref<64x128xf32, #tpu.memory_space<vmem>>, vector<1x16xf32>,
        %swap3A_679 = vector.shape_cast %swap3A_678 : vector<1x16xf32> to vector<16xf32>
        %swap3A_680 = vector.shape_cast %add3A_675 : vector<16xf32> to vector<1x16xf32>
        tpu.vector_store %arg18[%swap3A_676, %swap3A_677], %swap3A_680 {strides = array<i32>} : memref<64x128xf32, #tpu.memory_space<vmem>>, vector<1x16xf32>,
        %get3A_681 = arith.index_cast %squeeze3A_596 : i32 to index
        %get3A_682 = arith.constant 64 : index
        %get3A_683 = tpu.vector_load %arg13[%get3A_681, %get3A_682] {strides = array<i32>} : memref<64x128xf32, #tpu.memory_space<vmem>>, vector<1x16xf32>,
        %get3A_684 = vector.shape_cast %get3A_683 : vector<1x16xf32> to vector<16xf32>
        %get3A_685 = arith.index_cast %add3A_594 : i32 to index
        %get3A_686 = arith.constant 64 : index
        %get3A_687 = tpu.vector_load %arg12[%get3A_685, %get3A_686] {strides = array<i32>} : memref<64x128xf32, #tpu.memory_space<vmem>>, vector<1x16xf32>,
        %get3A_688 = vector.shape_cast %get3A_687 : vector<1x16xf32> to vector<16xf32>
        %add3A_689 = arith.addf %get3A_684, %get3A_688 : vector<16xf32>
        %mul3A_690 = vector.broadcast %squeeze3A_598 : f32 to vector<16xf32>
        %mul3A_691 = arith.mulf %add3A_689, %mul3A_690 : vector<16xf32>
        %add3A_692 = vector.broadcast %squeeze3A_600 : f32 to vector<16xf32>
        %add3A_693 = arith.addf %mul3A_691, %add3A_692 : vector<16xf32>
        %mul3A_694 = arith.mulf %add3A_693, %get3A_27 : vector<16xf32>
        %add3A_695 = arith.addf %mul3A_694, %get3A_51 : vector<16xf32>
        %swap3A_696 = arith.index_cast %add3A_594 : i32 to index
        %swap3A_697 = arith.constant 64 : index
        %swap3A_698 = tpu.vector_load %arg18[%swap3A_696, %swap3A_697] {strides = array<i32>} : memref<64x128xf32, #tpu.memory_space<vmem>>, vector<1x16xf32>,
        %swap3A_699 = vector.shape_cast %swap3A_698 : vector<1x16xf32> to vector<16xf32>
        %swap3A_700 = vector.shape_cast %add3A_695 : vector<16xf32> to vector<1x16xf32>
        tpu.vector_store %arg18[%swap3A_696, %swap3A_697], %swap3A_700 {strides = array<i32>} : memref<64x128xf32, #tpu.memory_space<vmem>>, vector<1x16xf32>,
        %get3A_701 = arith.index_cast %squeeze3A_596 : i32 to index
        %get3A_702 = arith.constant 80 : index
        %get3A_703 = tpu.vector_load %arg13[%get3A_701, %get3A_702] {strides = array<i32>} : memref<64x128xf32, #tpu.memory_space<vmem>>, vector<1x16xf32>,
        %get3A_704 = vector.shape_cast %get3A_703 : vector<1x16xf32> to vector<16xf32>
        %get3A_705 = arith.index_cast %add3A_594 : i32 to index
        %get3A_706 = arith.constant 80 : index
        %get3A_707 = tpu.vector_load %arg12[%get3A_705, %get3A_706] {strides = array<i32>} : memref<64x128xf32, #tpu.memory_space<vmem>>, vector<1x16xf32>,
        %get3A_708 = vector.shape_cast %get3A_707 : vector<1x16xf32> to vector<16xf32>
        %add3A_709 = arith.addf %get3A_704, %get3A_708 : vector<16xf32>
        %mul3A_710 = vector.broadcast %squeeze3A_598 : f32 to vector<16xf32>
        %mul3A_711 = arith.mulf %add3A_709, %mul3A_710 : vector<16xf32>
        %add3A_712 = vector.broadcast %squeeze3A_600 : f32 to vector<16xf32>
        %add3A_713 = arith.addf %mul3A_711, %add3A_712 : vector<16xf32>
        %mul3A_714 = arith.mulf %add3A_713, %get3A_30 : vector<16xf32>
        %add3A_715 = arith.addf %mul3A_714, %get3A_54 : vector<16xf32>
        %swap3A_716 = arith.index_cast %add3A_594 : i32 to index
        %swap3A_717 = arith.constant 80 : index
        %swap3A_718 = tpu.vector_load %arg18[%swap3A_716, %swap3A_717] {strides = array<i32>} : memref<64x128xf32, #tpu.memory_space<vmem>>, vector<1x16xf32>,
        %swap3A_719 = vector.shape_cast %swap3A_718 : vector<1x16xf32> to vector<16xf32>
        %swap3A_720 = vector.shape_cast %add3A_715 : vector<16xf32> to vector<1x16xf32>
        tpu.vector_store %arg18[%swap3A_716, %swap3A_717], %swap3A_720 {strides = array<i32>} : memref<64x128xf32, #tpu.memory_space<vmem>>, vector<1x16xf32>,
        %get3A_721 = arith.index_cast %squeeze3A_596 : i32 to index
        %get3A_722 = arith.constant 96 : index
        %get3A_723 = tpu.vector_load %arg13[%get3A_721, %get3A_722] {strides = array<i32>} : memref<64x128xf32, #tpu.memory_space<vmem>>, vector<1x16xf32>,
        %get3A_724 = vector.shape_cast %get3A_723 : vector<1x16xf32> to vector<16xf32>
        %get3A_725 = arith.index_cast %add3A_594 : i32 to index
        %get3A_726 = arith.constant 96 : index
        %get3A_727 = tpu.vector_load %arg12[%get3A_725, %get3A_726] {strides = array<i32>} : memref<64x128xf32, #tpu.memory_space<vmem>>, vector<1x16xf32>,
        %get3A_728 = vector.shape_cast %get3A_727 : vector<1x16xf32> to vector<16xf32>
        %add3A_729 = arith.addf %get3A_724, %get3A_728 : vector<16xf32>
        %mul3A_730 = vector.broadcast %squeeze3A_598 : f32 to vector<16xf32>
        %mul3A_731 = arith.mulf %add3A_729, %mul3A_730 : vector<16xf32>
        %add3A_732 = vector.broadcast %squeeze3A_600 : f32 to vector<16xf32>
        %add3A_733 = arith.addf %mul3A_731, %add3A_732 : vector<16xf32>
        %mul3A_734 = arith.mulf %add3A_733, %get3A_33 : vector<16xf32>
        %add3A_735 = arith.addf %mul3A_734, %get3A_57 : vector<16xf32>
        %swap3A_736 = arith.index_cast %add3A_594 : i32 to index
        %swap3A_737 = arith.constant 96 : index
        %swap3A_738 = tpu.vector_load %arg18[%swap3A_736, %swap3A_737] {strides = array<i32>} : memref<64x128xf32, #tpu.memory_space<vmem>>, vector<1x16xf32>,
        %swap3A_739 = vector.shape_cast %swap3A_738 : vector<1x16xf32> to vector<16xf32>
        %swap3A_740 = vector.shape_cast %add3A_735 : vector<16xf32> to vector<1x16xf32>
        tpu.vector_store %arg18[%swap3A_736, %swap3A_737], %swap3A_740 {strides = array<i32>} : memref<64x128xf32, #tpu.memory_space<vmem>>, vector<1x16xf32>,
        %get3A_741 = arith.index_cast %squeeze3A_596 : i32 to index
        %get3A_742 = arith.constant 112 : index
        %get3A_743 = tpu.vector_load %arg13[%get3A_741, %get3A_742] {strides = array<i32>} : memref<64x128xf32, #tpu.memory_space<vmem>>, vector<1x16xf32>,
        %get3A_744 = vector.shape_cast %get3A_743 : vector<1x16xf32> to vector<16xf32>
        %get3A_745 = arith.index_cast %add3A_594 : i32 to index
        %get3A_746 = arith.constant 112 : index
        %get3A_747 = tpu.vector_load %arg12[%get3A_745, %get3A_746] {strides = array<i32>} : memref<64x128xf32, #tpu.memory_space<vmem>>, vector<1x16xf32>,
        %get3A_748 = vector.shape_cast %get3A_747 : vector<1x16xf32> to vector<16xf32>
        %add3A_749 = arith.addf %get3A_744, %get3A_748 : vector<16xf32>
        %mul3A_750 = vector.broadcast %squeeze3A_598 : f32 to vector<16xf32>
        %mul3A_751 = arith.mulf %add3A_749, %mul3A_750 : vector<16xf32>
        %add3A_752 = vector.broadcast %squeeze3A_600 : f32 to vector<16xf32>
        %add3A_753 = arith.addf %mul3A_751, %add3A_752 : vector<16xf32>
        %mul3A_754 = arith.mulf %add3A_753, %get3A_36 : vector<16xf32>
        %add3A_755 = arith.addf %mul3A_754, %get3A_60 : vector<16xf32>
        %swap3A_756 = arith.index_cast %add3A_594 : i32 to index
        %swap3A_757 = arith.constant 112 : index
        %swap3A_758 = tpu.vector_load %arg18[%swap3A_756, %swap3A_757] {strides = array<i32>} : memref<64x128xf32, #tpu.memory_space<vmem>>, vector<1x16xf32>,
        %swap3A_759 = vector.shape_cast %swap3A_758 : vector<1x16xf32> to vector<16xf32>
        %swap3A_760 = vector.shape_cast %add3A_755 : vector<16xf32> to vector<1x16xf32>
        tpu.vector_store %arg18[%swap3A_756, %swap3A_757], %swap3A_760 {strides = array<i32>} : memref<64x128xf32, #tpu.memory_space<vmem>>, vector<1x16xf32>,
        %add3A_761 = arith.constant 4 : i32
        %add3A_762 = arith.addi %mul3A_76, %add3A_761 : i32
        %slice3A_763 = vector.extract_strided_slice %get3A_82 {offsets = [4], sizes = [1], strides = [1]} : vector<16xi32> to vector<1xi32>
        %squeeze3A_764 = vector.extract %slice3A_763[0] : i32 from vector<1xi32>
        %slice3A_765 = vector.extract_strided_slice %get3A_85 {offsets = [4], sizes = [1], strides = [1]} : vector<16xf32> to vector<1xf32>
        %squeeze3A_766 = vector.extract %slice3A_765[0] : f32 from vector<1xf32>
        %slice3A_767 = vector.extract_strided_slice %mul3A_91 {offsets = [4], sizes = [1], strides = [1]} : vector<16xf32> to vector<1xf32>
        %squeeze3A_768 = vector.extract %slice3A_767[0] : f32 from vector<1xf32>
        %get3A_769 = arith.index_cast %squeeze3A_764 : i32 to index
        %get3A_770 = arith.constant 0 : index
        %get3A_771 = tpu.vector_load %arg13[%get3A_769, %get3A_770] {strides = array<i32>} : memref<64x128xf32, #tpu.memory_space<vmem>>, vector<1x16xf32>,
        %get3A_772 = vector.shape_cast %get3A_771 : vector<1x16xf32> to vector<16xf32>
        %get3A_773 = arith.index_cast %add3A_762 : i32 to index
        %get3A_774 = arith.constant 0 : index
        %get3A_775 = tpu.vector_load %arg12[%get3A_773, %get3A_774] {strides = array<i32>} : memref<64x128xf32, #tpu.memory_space<vmem>>, vector<1x16xf32>,
        %get3A_776 = vector.shape_cast %get3A_775 : vector<1x16xf32> to vector<16xf32>
        %add3A_777 = arith.addf %get3A_772, %get3A_776 : vector<16xf32>
        %mul3A_778 = vector.broadcast %squeeze3A_766 : f32 to vector<16xf32>
        %mul3A_779 = arith.mulf %add3A_777, %mul3A_778 : vector<16xf32>
        %add3A_780 = vector.broadcast %squeeze3A_768 : f32 to vector<16xf32>
        %add3A_781 = arith.addf %mul3A_779, %add3A_780 : vector<16xf32>
        %mul3A_782 = arith.mulf %add3A_781, %get3A_15 : vector<16xf32>
        %add3A_783 = arith.addf %mul3A_782, %get3A_39 : vector<16xf32>
        %swap3A_784 = arith.index_cast %add3A_762 : i32 to index
        %swap3A_785 = arith.constant 0 : index
        %swap3A_786 = tpu.vector_load %arg18[%swap3A_784, %swap3A_785] {strides = array<i32>} : memref<64x128xf32, #tpu.memory_space<vmem>>, vector<1x16xf32>,
        %swap3A_787 = vector.shape_cast %swap3A_786 : vector<1x16xf32> to vector<16xf32>
        %swap3A_788 = vector.shape_cast %add3A_783 : vector<16xf32> to vector<1x16xf32>
        tpu.vector_store %arg18[%swap3A_784, %swap3A_785], %swap3A_788 {strides = array<i32>} : memref<64x128xf32, #tpu.memory_space<vmem>>, vector<1x16xf32>,
        %get3A_789 = arith.index_cast %squeeze3A_764 : i32 to index
        %get3A_790 = arith.constant 16 : index
        %get3A_791 = tpu.vector_load %arg13[%get3A_789, %get3A_790] {strides = array<i32>} : memref<64x128xf32, #tpu.memory_space<vmem>>, vector<1x16xf32>,
        %get3A_792 = vector.shape_cast %get3A_791 : vector<1x16xf32> to vector<16xf32>
        %get3A_793 = arith.index_cast %add3A_762 : i32 to index
        %get3A_794 = arith.constant 16 : index
        %get3A_795 = tpu.vector_load %arg12[%get3A_793, %get3A_794] {strides = array<i32>} : memref<64x128xf32, #tpu.memory_space<vmem>>, vector<1x16xf32>,
        %get3A_796 = vector.shape_cast %get3A_795 : vector<1x16xf32> to vector<16xf32>
        %add3A_797 = arith.addf %get3A_792, %get3A_796 : vector<16xf32>
        %mul3A_798 = vector.broadcast %squeeze3A_766 : f32 to vector<16xf32>
        %mul3A_799 = arith.mulf %add3A_797, %mul3A_798 : vector<16xf32>
        %add3A_800 = vector.broadcast %squeeze3A_768 : f32 to vector<16xf32>
        %add3A_801 = arith.addf %mul3A_799, %add3A_800 : vector<16xf32>
        %mul3A_802 = arith.mulf %add3A_801, %get3A_18 : vector<16xf32>
        %add3A_803 = arith.addf %mul3A_802, %get3A_42 : vector<16xf32>
        %swap3A_804 = arith.index_cast %add3A_762 : i32 to index
        %swap3A_805 = arith.constant 16 : index
        %swap3A_806 = tpu.vector_load %arg18[%swap3A_804, %swap3A_805] {strides = array<i32>} : memref<64x128xf32, #tpu.memory_space<vmem>>, vector<1x16xf32>,
        %swap3A_807 = vector.shape_cast %swap3A_806 : vector<1x16xf32> to vector<16xf32>
        %swap3A_808 = vector.shape_cast %add3A_803 : vector<16xf32> to vector<1x16xf32>
        tpu.vector_store %arg18[%swap3A_804, %swap3A_805], %swap3A_808 {strides = array<i32>} : memref<64x128xf32, #tpu.memory_space<vmem>>, vector<1x16xf32>,
        %get3A_809 = arith.index_cast %squeeze3A_764 : i32 to index
        %get3A_810 = arith.constant 32 : index
        %get3A_811 = tpu.vector_load %arg13[%get3A_809, %get3A_810] {strides = array<i32>} : memref<64x128xf32, #tpu.memory_space<vmem>>, vector<1x16xf32>,
        %get3A_812 = vector.shape_cast %get3A_811 : vector<1x16xf32> to vector<16xf32>
        %get3A_813 = arith.index_cast %add3A_762 : i32 to index
        %get3A_814 = arith.constant 32 : index
        %get3A_815 = tpu.vector_load %arg12[%get3A_813, %get3A_814] {strides = array<i32>} : memref<64x128xf32, #tpu.memory_space<vmem>>, vector<1x16xf32>,
        %get3A_816 = vector.shape_cast %get3A_815 : vector<1x16xf32> to vector<16xf32>
        %add3A_817 = arith.addf %get3A_812, %get3A_816 : vector<16xf32>
        %mul3A_818 = vector.broadcast %squeeze3A_766 : f32 to vector<16xf32>
        %mul3A_819 = arith.mulf %add3A_817, %mul3A_818 : vector<16xf32>
        %add3A_820 = vector.broadcast %squeeze3A_768 : f32 to vector<16xf32>
        %add3A_821 = arith.addf %mul3A_819, %add3A_820 : vector<16xf32>
        %mul3A_822 = arith.mulf %add3A_821, %get3A_21 : vector<16xf32>
        %add3A_823 = arith.addf %mul3A_822, %get3A_45 : vector<16xf32>
        %swap3A_824 = arith.index_cast %add3A_762 : i32 to index
        %swap3A_825 = arith.constant 32 : index
        %swap3A_826 = tpu.vector_load %arg18[%swap3A_824, %swap3A_825] {strides = array<i32>} : memref<64x128xf32, #tpu.memory_space<vmem>>, vector<1x16xf32>,
        %swap3A_827 = vector.shape_cast %swap3A_826 : vector<1x16xf32> to vector<16xf32>
        %swap3A_828 = vector.shape_cast %add3A_823 : vector<16xf32> to vector<1x16xf32>
        tpu.vector_store %arg18[%swap3A_824, %swap3A_825], %swap3A_828 {strides = array<i32>} : memref<64x128xf32, #tpu.memory_space<vmem>>, vector<1x16xf32>,
        %get3A_829 = arith.index_cast %squeeze3A_764 : i32 to index
        %get3A_830 = arith.constant 48 : index
        %get3A_831 = tpu.vector_load %arg13[%get3A_829, %get3A_830] {strides = array<i32>} : memref<64x128xf32, #tpu.memory_space<vmem>>, vector<1x16xf32>,
        %get3A_832 = vector.shape_cast %get3A_831 : vector<1x16xf32> to vector<16xf32>
        %get3A_833 = arith.index_cast %add3A_762 : i32 to index
        %get3A_834 = arith.constant 48 : index
        %get3A_835 = tpu.vector_load %arg12[%get3A_833, %get3A_834] {strides = array<i32>} : memref<64x128xf32, #tpu.memory_space<vmem>>, vector<1x16xf32>,
        %get3A_836 = vector.shape_cast %get3A_835 : vector<1x16xf32> to vector<16xf32>
        %add3A_837 = arith.addf %get3A_832, %get3A_836 : vector<16xf32>
        %mul3A_838 = vector.broadcast %squeeze3A_766 : f32 to vector<16xf32>
        %mul3A_839 = arith.mulf %add3A_837, %mul3A_838 : vector<16xf32>
        %add3A_840 = vector.broadcast %squeeze3A_768 : f32 to vector<16xf32>
        %add3A_841 = arith.addf %mul3A_839, %add3A_840 : vector<16xf32>
        %mul3A_842 = arith.mulf %add3A_841, %get3A_24 : vector<16xf32>
        %add3A_843 = arith.addf %mul3A_842, %get3A_48 : vector<16xf32>
        %swap3A_844 = arith.index_cast %add3A_762 : i32 to index
        %swap3A_845 = arith.constant 48 : index
        %swap3A_846 = tpu.vector_load %arg18[%swap3A_844, %swap3A_845] {strides = array<i32>} : memref<64x128xf32, #tpu.memory_space<vmem>>, vector<1x16xf32>,
        %swap3A_847 = vector.shape_cast %swap3A_846 : vector<1x16xf32> to vector<16xf32>
        %swap3A_848 = vector.shape_cast %add3A_843 : vector<16xf32> to vector<1x16xf32>
        tpu.vector_store %arg18[%swap3A_844, %swap3A_845], %swap3A_848 {strides = array<i32>} : memref<64x128xf32, #tpu.memory_space<vmem>>, vector<1x16xf32>,
        %get3A_849 = arith.index_cast %squeeze3A_764 : i32 to index
        %get3A_850 = arith.constant 64 : index
        %get3A_851 = tpu.vector_load %arg13[%get3A_849, %get3A_850] {strides = array<i32>} : memref<64x128xf32, #tpu.memory_space<vmem>>, vector<1x16xf32>,
        %get3A_852 = vector.shape_cast %get3A_851 : vector<1x16xf32> to vector<16xf32>
        %get3A_853 = arith.index_cast %add3A_762 : i32 to index
        %get3A_854 = arith.constant 64 : index
        %get3A_855 = tpu.vector_load %arg12[%get3A_853, %get3A_854] {strides = array<i32>} : memref<64x128xf32, #tpu.memory_space<vmem>>, vector<1x16xf32>,
        %get3A_856 = vector.shape_cast %get3A_855 : vector<1x16xf32> to vector<16xf32>
        %add3A_857 = arith.addf %get3A_852, %get3A_856 : vector<16xf32>
        %mul3A_858 = vector.broadcast %squeeze3A_766 : f32 to vector<16xf32>
        %mul3A_859 = arith.mulf %add3A_857, %mul3A_858 : vector<16xf32>
        %add3A_860 = vector.broadcast %squeeze3A_768 : f32 to vector<16xf32>
        %add3A_861 = arith.addf %mul3A_859, %add3A_860 : vector<16xf32>
        %mul3A_862 = arith.mulf %add3A_861, %get3A_27 : vector<16xf32>
        %add3A_863 = arith.addf %mul3A_862, %get3A_51 : vector<16xf32>
        %swap3A_864 = arith.index_cast %add3A_762 : i32 to index
        %swap3A_865 = arith.constant 64 : index
        %swap3A_866 = tpu.vector_load %arg18[%swap3A_864, %swap3A_865] {strides = array<i32>} : memref<64x128xf32, #tpu.memory_space<vmem>>, vector<1x16xf32>,
        %swap3A_867 = vector.shape_cast %swap3A_866 : vector<1x16xf32> to vector<16xf32>
        %swap3A_868 = vector.shape_cast %add3A_863 : vector<16xf32> to vector<1x16xf32>
        tpu.vector_store %arg18[%swap3A_864, %swap3A_865], %swap3A_868 {strides = array<i32>} : memref<64x128xf32, #tpu.memory_space<vmem>>, vector<1x16xf32>,
        %get3A_869 = arith.index_cast %squeeze3A_764 : i32 to index
        %get3A_870 = arith.constant 80 : index
        %get3A_871 = tpu.vector_load %arg13[%get3A_869, %get3A_870] {strides = array<i32>} : memref<64x128xf32, #tpu.memory_space<vmem>>, vector<1x16xf32>,
        %get3A_872 = vector.shape_cast %get3A_871 : vector<1x16xf32> to vector<16xf32>
        %get3A_873 = arith.index_cast %add3A_762 : i32 to index
        %get3A_874 = arith.constant 80 : index
        %get3A_875 = tpu.vector_load %arg12[%get3A_873, %get3A_874] {strides = array<i32>} : memref<64x128xf32, #tpu.memory_space<vmem>>, vector<1x16xf32>,
        %get3A_876 = vector.shape_cast %get3A_875 : vector<1x16xf32> to vector<16xf32>
        %add3A_877 = arith.addf %get3A_872, %get3A_876 : vector<16xf32>
        %mul3A_878 = vector.broadcast %squeeze3A_766 : f32 to vector<16xf32>
        %mul3A_879 = arith.mulf %add3A_877, %mul3A_878 : vector<16xf32>
        %add3A_880 = vector.broadcast %squeeze3A_768 : f32 to vector<16xf32>
        %add3A_881 = arith.addf %mul3A_879, %add3A_880 : vector<16xf32>
        %mul3A_882 = arith.mulf %add3A_881, %get3A_30 : vector<16xf32>
        %add3A_883 = arith.addf %mul3A_882, %get3A_54 : vector<16xf32>
        %swap3A_884 = arith.index_cast %add3A_762 : i32 to index
        %swap3A_885 = arith.constant 80 : index
        %swap3A_886 = tpu.vector_load %arg18[%swap3A_884, %swap3A_885] {strides = array<i32>} : memref<64x128xf32, #tpu.memory_space<vmem>>, vector<1x16xf32>,
        %swap3A_887 = vector.shape_cast %swap3A_886 : vector<1x16xf32> to vector<16xf32>
        %swap3A_888 = vector.shape_cast %add3A_883 : vector<16xf32> to vector<1x16xf32>
        tpu.vector_store %arg18[%swap3A_884, %swap3A_885], %swap3A_888 {strides = array<i32>} : memref<64x128xf32, #tpu.memory_space<vmem>>, vector<1x16xf32>,
        %get3A_889 = arith.index_cast %squeeze3A_764 : i32 to index
        %get3A_890 = arith.constant 96 : index
        %get3A_891 = tpu.vector_load %arg13[%get3A_889, %get3A_890] {strides = array<i32>} : memref<64x128xf32, #tpu.memory_space<vmem>>, vector<1x16xf32>,
        %get3A_892 = vector.shape_cast %get3A_891 : vector<1x16xf32> to vector<16xf32>
        %get3A_893 = arith.index_cast %add3A_762 : i32 to index
        %get3A_894 = arith.constant 96 : index
        %get3A_895 = tpu.vector_load %arg12[%get3A_893, %get3A_894] {strides = array<i32>} : memref<64x128xf32, #tpu.memory_space<vmem>>, vector<1x16xf32>,
        %get3A_896 = vector.shape_cast %get3A_895 : vector<1x16xf32> to vector<16xf32>
        %add3A_897 = arith.addf %get3A_892, %get3A_896 : vector<16xf32>
        %mul3A_898 = vector.broadcast %squeeze3A_766 : f32 to vector<16xf32>
        %mul3A_899 = arith.mulf %add3A_897, %mul3A_898 : vector<16xf32>
        %add3A_900 = vector.broadcast %squeeze3A_768 : f32 to vector<16xf32>
        %add3A_901 = arith.addf %mul3A_899, %add3A_900 : vector<16xf32>
        %mul3A_902 = arith.mulf %add3A_901, %get3A_33 : vector<16xf32>
        %add3A_903 = arith.addf %mul3A_902, %get3A_57 : vector<16xf32>
        %swap3A_904 = arith.index_cast %add3A_762 : i32 to index
        %swap3A_905 = arith.constant 96 : index
        %swap3A_906 = tpu.vector_load %arg18[%swap3A_904, %swap3A_905] {strides = array<i32>} : memref<64x128xf32, #tpu.memory_space<vmem>>, vector<1x16xf32>,
        %swap3A_907 = vector.shape_cast %swap3A_906 : vector<1x16xf32> to vector<16xf32>
        %swap3A_908 = vector.shape_cast %add3A_903 : vector<16xf32> to vector<1x16xf32>
        tpu.vector_store %arg18[%swap3A_904, %swap3A_905], %swap3A_908 {strides = array<i32>} : memref<64x128xf32, #tpu.memory_space<vmem>>, vector<1x16xf32>,
        %get3A_909 = arith.index_cast %squeeze3A_764 : i32 to index
        %get3A_910 = arith.constant 112 : index
        %get3A_911 = tpu.vector_load %arg13[%get3A_909, %get3A_910] {strides = array<i32>} : memref<64x128xf32, #tpu.memory_space<vmem>>, vector<1x16xf32>,
        %get3A_912 = vector.shape_cast %get3A_911 : vector<1x16xf32> to vector<16xf32>
        %get3A_913 = arith.index_cast %add3A_762 : i32 to index
        %get3A_914 = arith.constant 112 : index
        %get3A_915 = tpu.vector_load %arg12[%get3A_913, %get3A_914] {strides = array<i32>} : memref<64x128xf32, #tpu.memory_space<vmem>>, vector<1x16xf32>,
        %get3A_916 = vector.shape_cast %get3A_915 : vector<1x16xf32> to vector<16xf32>
        %add3A_917 = arith.addf %get3A_912, %get3A_916 : vector<16xf32>
        %mul3A_918 = vector.broadcast %squeeze3A_766 : f32 to vector<16xf32>
        %mul3A_919 = arith.mulf %add3A_917, %mul3A_918 : vector<16xf32>
        %add3A_920 = vector.broadcast %squeeze3A_768 : f32 to vector<16xf32>
        %add3A_921 = arith.addf %mul3A_919, %add3A_920 : vector<16xf32>
        %mul3A_922 = arith.mulf %add3A_921, %get3A_36 : vector<16xf32>
        %add3A_923 = arith.addf %mul3A_922, %get3A_60 : vector<16xf32>
        %swap3A_924 = arith.index_cast %add3A_762 : i32 to index
        %swap3A_925 = arith.constant 112 : index
        %swap3A_926 = tpu.vector_load %arg18[%swap3A_924, %swap3A_925] {strides = array<i32>} : memref<64x128xf32, #tpu.memory_space<vmem>>, vector<1x16xf32>,
        %swap3A_927 = vector.shape_cast %swap3A_926 : vector<1x16xf32> to vector<16xf32>
        %swap3A_928 = vector.shape_cast %add3A_923 : vector<16xf32> to vector<1x16xf32>
        tpu.vector_store %arg18[%swap3A_924, %swap3A_925], %swap3A_928 {strides = array<i32>} : memref<64x128xf32, #tpu.memory_space<vmem>>, vector<1x16xf32>,
        %add3A_929 = arith.constant 5 : i32
        %add3A_930 = arith.addi %mul3A_76, %add3A_929 : i32
        %slice3A_931 = vector.extract_strided_slice %get3A_82 {offsets = [5], sizes = [1], strides = [1]} : vector<16xi32> to vector<1xi32>
        %squeeze3A_932 = vector.extract %slice3A_931[0] : i32 from vector<1xi32>
        %slice3A_933 = vector.extract_strided_slice %get3A_85 {offsets = [5], sizes = [1], strides = [1]} : vector<16xf32> to vector<1xf32>
        %squeeze3A_934 = vector.extract %slice3A_933[0] : f32 from vector<1xf32>
        %slice3A_935 = vector.extract_strided_slice %mul3A_91 {offsets = [5], sizes = [1], strides = [1]} : vector<16xf32> to vector<1xf32>
        %squeeze3A_936 = vector.extract %slice3A_935[0] : f32 from vector<1xf32>
        %get3A_937 = arith.index_cast %squeeze3A_932 : i32 to index
        %get3A_938 = arith.constant 0 : index
        %get3A_939 = tpu.vector_load %arg13[%get3A_937, %get3A_938] {strides = array<i32>} : memref<64x128xf32, #tpu.memory_space<vmem>>, vector<1x16xf32>,
        %get3A_940 = vector.shape_cast %get3A_939 : vector<1x16xf32> to vector<16xf32>
        %get3A_941 = arith.index_cast %add3A_930 : i32 to index
        %get3A_942 = arith.constant 0 : index
        %get3A_943 = tpu.vector_load %arg12[%get3A_941, %get3A_942] {strides = array<i32>} : memref<64x128xf32, #tpu.memory_space<vmem>>, vector<1x16xf32>,
        %get3A_944 = vector.shape_cast %get3A_943 : vector<1x16xf32> to vector<16xf32>
        %add3A_945 = arith.addf %get3A_940, %get3A_944 : vector<16xf32>
        %mul3A_946 = vector.broadcast %squeeze3A_934 : f32 to vector<16xf32>
        %mul3A_947 = arith.mulf %add3A_945, %mul3A_946 : vector<16xf32>
        %add3A_948 = vector.broadcast %squeeze3A_936 : f32 to vector<16xf32>
        %add3A_949 = arith.addf %mul3A_947, %add3A_948 : vector<16xf32>
        %mul3A_950 = arith.mulf %add3A_949, %get3A_15 : vector<16xf32>
        %add3A_951 = arith.addf %mul3A_950, %get3A_39 : vector<16xf32>
        %swap3A_952 = arith.index_cast %add3A_930 : i32 to index
        %swap3A_953 = arith.constant 0 : index
        %swap3A_954 = tpu.vector_load %arg18[%swap3A_952, %swap3A_953] {strides = array<i32>} : memref<64x128xf32, #tpu.memory_space<vmem>>, vector<1x16xf32>,
        %swap3A_955 = vector.shape_cast %swap3A_954 : vector<1x16xf32> to vector<16xf32>
        %swap3A_956 = vector.shape_cast %add3A_951 : vector<16xf32> to vector<1x16xf32>
        tpu.vector_store %arg18[%swap3A_952, %swap3A_953], %swap3A_956 {strides = array<i32>} : memref<64x128xf32, #tpu.memory_space<vmem>>, vector<1x16xf32>,
        %get3A_957 = arith.index_cast %squeeze3A_932 : i32 to index
        %get3A_958 = arith.constant 16 : index
        %get3A_959 = tpu.vector_load %arg13[%get3A_957, %get3A_958] {strides = array<i32>} : memref<64x128xf32, #tpu.memory_space<vmem>>, vector<1x16xf32>,
        %get3A_960 = vector.shape_cast %get3A_959 : vector<1x16xf32> to vector<16xf32>
        %get3A_961 = arith.index_cast %add3A_930 : i32 to index
        %get3A_962 = arith.constant 16 : index
        %get3A_963 = tpu.vector_load %arg12[%get3A_961, %get3A_962] {strides = array<i32>} : memref<64x128xf32, #tpu.memory_space<vmem>>, vector<1x16xf32>,
        %get3A_964 = vector.shape_cast %get3A_963 : vector<1x16xf32> to vector<16xf32>
        %add3A_965 = arith.addf %get3A_960, %get3A_964 : vector<16xf32>
        %mul3A_966 = vector.broadcast %squeeze3A_934 : f32 to vector<16xf32>
        %mul3A_967 = arith.mulf %add3A_965, %mul3A_966 : vector<16xf32>
        %add3A_968 = vector.broadcast %squeeze3A_936 : f32 to vector<16xf32>
        %add3A_969 = arith.addf %mul3A_967, %add3A_968 : vector<16xf32>
        %mul3A_970 = arith.mulf %add3A_969, %get3A_18 : vector<16xf32>
        %add3A_971 = arith.addf %mul3A_970, %get3A_42 : vector<16xf32>
        %swap3A_972 = arith.index_cast %add3A_930 : i32 to index
        %swap3A_973 = arith.constant 16 : index
        %swap3A_974 = tpu.vector_load %arg18[%swap3A_972, %swap3A_973] {strides = array<i32>} : memref<64x128xf32, #tpu.memory_space<vmem>>, vector<1x16xf32>,
        %swap3A_975 = vector.shape_cast %swap3A_974 : vector<1x16xf32> to vector<16xf32>
        %swap3A_976 = vector.shape_cast %add3A_971 : vector<16xf32> to vector<1x16xf32>
        tpu.vector_store %arg18[%swap3A_972, %swap3A_973], %swap3A_976 {strides = array<i32>} : memref<64x128xf32, #tpu.memory_space<vmem>>, vector<1x16xf32>,
        %get3A_977 = arith.index_cast %squeeze3A_932 : i32 to index
        %get3A_978 = arith.constant 32 : index
        %get3A_979 = tpu.vector_load %arg13[%get3A_977, %get3A_978] {strides = array<i32>} : memref<64x128xf32, #tpu.memory_space<vmem>>, vector<1x16xf32>,
        %get3A_980 = vector.shape_cast %get3A_979 : vector<1x16xf32> to vector<16xf32>
        %get3A_981 = arith.index_cast %add3A_930 : i32 to index
        %get3A_982 = arith.constant 32 : index
        %get3A_983 = tpu.vector_load %arg12[%get3A_981, %get3A_982] {strides = array<i32>} : memref<64x128xf32, #tpu.memory_space<vmem>>, vector<1x16xf32>,
        %get3A_984 = vector.shape_cast %get3A_983 : vector<1x16xf32> to vector<16xf32>
        %add3A_985 = arith.addf %get3A_980, %get3A_984 : vector<16xf32>
        %mul3A_986 = vector.broadcast %squeeze3A_934 : f32 to vector<16xf32>
        %mul3A_987 = arith.mulf %add3A_985, %mul3A_986 : vector<16xf32>
        %add3A_988 = vector.broadcast %squeeze3A_936 : f32 to vector<16xf32>
        %add3A_989 = arith.addf %mul3A_987, %add3A_988 : vector<16xf32>
        %mul3A_990 = arith.mulf %add3A_989, %get3A_21 : vector<16xf32>
        %add3A_991 = arith.addf %mul3A_990, %get3A_45 : vector<16xf32>
        %swap3A_992 = arith.index_cast %add3A_930 : i32 to index
        %swap3A_993 = arith.constant 32 : index
        %swap3A_994 = tpu.vector_load %arg18[%swap3A_992, %swap3A_993] {strides = array<i32>} : memref<64x128xf32, #tpu.memory_space<vmem>>, vector<1x16xf32>,
        %swap3A_995 = vector.shape_cast %swap3A_994 : vector<1x16xf32> to vector<16xf32>
        %swap3A_996 = vector.shape_cast %add3A_991 : vector<16xf32> to vector<1x16xf32>
        tpu.vector_store %arg18[%swap3A_992, %swap3A_993], %swap3A_996 {strides = array<i32>} : memref<64x128xf32, #tpu.memory_space<vmem>>, vector<1x16xf32>,
        %get3A_997 = arith.index_cast %squeeze3A_932 : i32 to index
        %get3A_998 = arith.constant 48 : index
        %get3A_999 = tpu.vector_load %arg13[%get3A_997, %get3A_998] {strides = array<i32>} : memref<64x128xf32, #tpu.memory_space<vmem>>, vector<1x16xf32>,
        %get3A_1000 = vector.shape_cast %get3A_999 : vector<1x16xf32> to vector<16xf32>
        %get3A_1001 = arith.index_cast %add3A_930 : i32 to index
        %get3A_1002 = arith.constant 48 : index
        %get3A_1003 = tpu.vector_load %arg12[%get3A_1001, %get3A_1002] {strides = array<i32>} : memref<64x128xf32, #tpu.memory_space<vmem>>, vector<1x16xf32>,
        %get3A_1004 = vector.shape_cast %get3A_1003 : vector<1x16xf32> to vector<16xf32>
        %add3A_1005 = arith.addf %get3A_1000, %get3A_1004 : vector<16xf32>
        %mul3A_1006 = vector.broadcast %squeeze3A_934 : f32 to vector<16xf32>
        %mul3A_1007 = arith.mulf %add3A_1005, %mul3A_1006 : vector<16xf32>
        %add3A_1008 = vector.broadcast %squeeze3A_936 : f32 to vector<16xf32>
        %add3A_1009 = arith.addf %mul3A_1007, %add3A_1008 : vector<16xf32>
        %mul3A_1010 = arith.mulf %add3A_1009, %get3A_24 : vector<16xf32>
        %add3A_1011 = arith.addf %mul3A_1010, %get3A_48 : vector<16xf32>
        %swap3A_1012 = arith.index_cast %add3A_930 : i32 to index
        %swap3A_1013 = arith.constant 48 : index
        %swap3A_1014 = tpu.vector_load %arg18[%swap3A_1012, %swap3A_1013] {strides = array<i32>} : memref<64x128xf32, #tpu.memory_space<vmem>>, vector<1x16xf32>,
        %swap3A_1015 = vector.shape_cast %swap3A_1014 : vector<1x16xf32> to vector<16xf32>
        %swap3A_1016 = vector.shape_cast %add3A_1011 : vector<16xf32> to vector<1x16xf32>
        tpu.vector_store %arg18[%swap3A_1012, %swap3A_1013], %swap3A_1016 {strides = array<i32>} : memref<64x128xf32, #tpu.memory_space<vmem>>, vector<1x16xf32>,
        %get3A_1017 = arith.index_cast %squeeze3A_932 : i32 to index
        %get3A_1018 = arith.constant 64 : index
        %get3A_1019 = tpu.vector_load %arg13[%get3A_1017, %get3A_1018] {strides = array<i32>} : memref<64x128xf32, #tpu.memory_space<vmem>>, vector<1x16xf32>,
        %get3A_1020 = vector.shape_cast %get3A_1019 : vector<1x16xf32> to vector<16xf32>
        %get3A_1021 = arith.index_cast %add3A_930 : i32 to index
        %get3A_1022 = arith.constant 64 : index
        %get3A_1023 = tpu.vector_load %arg12[%get3A_1021, %get3A_1022] {strides = array<i32>} : memref<64x128xf32, #tpu.memory_space<vmem>>, vector<1x16xf32>,
        %get3A_1024 = vector.shape_cast %get3A_1023 : vector<1x16xf32> to vector<16xf32>
        %add3A_1025 = arith.addf %get3A_1020, %get3A_1024 : vector<16xf32>
        %mul3A_1026 = vector.broadcast %squeeze3A_934 : f32 to vector<16xf32>
        %mul3A_1027 = arith.mulf %add3A_1025, %mul3A_1026 : vector<16xf32>
        %add3A_1028 = vector.broadcast %squeeze3A_936 : f32 to vector<16xf32>
        %add3A_1029 = arith.addf %mul3A_1027, %add3A_1028 : vector<16xf32>
        %mul3A_1030 = arith.mulf %add3A_1029, %get3A_27 : vector<16xf32>
        %add3A_1031 = arith.addf %mul3A_1030, %get3A_51 : vector<16xf32>
        %swap3A_1032 = arith.index_cast %add3A_930 : i32 to index
        %swap3A_1033 = arith.constant 64 : index
        %swap3A_1034 = tpu.vector_load %arg18[%swap3A_1032, %swap3A_1033] {strides = array<i32>} : memref<64x128xf32, #tpu.memory_space<vmem>>, vector<1x16xf32>,
        %swap3A_1035 = vector.shape_cast %swap3A_1034 : vector<1x16xf32> to vector<16xf32>
        %swap3A_1036 = vector.shape_cast %add3A_1031 : vector<16xf32> to vector<1x16xf32>
        tpu.vector_store %arg18[%swap3A_1032, %swap3A_1033], %swap3A_1036 {strides = array<i32>} : memref<64x128xf32, #tpu.memory_space<vmem>>, vector<1x16xf32>,
        %get3A_1037 = arith.index_cast %squeeze3A_932 : i32 to index
        %get3A_1038 = arith.constant 80 : index
        %get3A_1039 = tpu.vector_load %arg13[%get3A_1037, %get3A_1038] {strides = array<i32>} : memref<64x128xf32, #tpu.memory_space<vmem>>, vector<1x16xf32>,
        %get3A_1040 = vector.shape_cast %get3A_1039 : vector<1x16xf32> to vector<16xf32>
        %get3A_1041 = arith.index_cast %add3A_930 : i32 to index
        %get3A_1042 = arith.constant 80 : index
        %get3A_1043 = tpu.vector_load %arg12[%get3A_1041, %get3A_1042] {strides = array<i32>} : memref<64x128xf32, #tpu.memory_space<vmem>>, vector<1x16xf32>,
        %get3A_1044 = vector.shape_cast %get3A_1043 : vector<1x16xf32> to vector<16xf32>
        %add3A_1045 = arith.addf %get3A_1040, %get3A_1044 : vector<16xf32>
        %mul3A_1046 = vector.broadcast %squeeze3A_934 : f32 to vector<16xf32>
        %mul3A_1047 = arith.mulf %add3A_1045, %mul3A_1046 : vector<16xf32>
        %add3A_1048 = vector.broadcast %squeeze3A_936 : f32 to vector<16xf32>
        %add3A_1049 = arith.addf %mul3A_1047, %add3A_1048 : vector<16xf32>
        %mul3A_1050 = arith.mulf %add3A_1049, %get3A_30 : vector<16xf32>
        %add3A_1051 = arith.addf %mul3A_1050, %get3A_54 : vector<16xf32>
        %swap3A_1052 = arith.index_cast %add3A_930 : i32 to index
        %swap3A_1053 = arith.constant 80 : index
        %swap3A_1054 = tpu.vector_load %arg18[%swap3A_1052, %swap3A_1053] {strides = array<i32>} : memref<64x128xf32, #tpu.memory_space<vmem>>, vector<1x16xf32>,
        %swap3A_1055 = vector.shape_cast %swap3A_1054 : vector<1x16xf32> to vector<16xf32>
        %swap3A_1056 = vector.shape_cast %add3A_1051 : vector<16xf32> to vector<1x16xf32>
        tpu.vector_store %arg18[%swap3A_1052, %swap3A_1053], %swap3A_1056 {strides = array<i32>} : memref<64x128xf32, #tpu.memory_space<vmem>>, vector<1x16xf32>,
        %get3A_1057 = arith.index_cast %squeeze3A_932 : i32 to index
        %get3A_1058 = arith.constant 96 : index
        %get3A_1059 = tpu.vector_load %arg13[%get3A_1057, %get3A_1058] {strides = array<i32>} : memref<64x128xf32, #tpu.memory_space<vmem>>, vector<1x16xf32>,
        %get3A_1060 = vector.shape_cast %get3A_1059 : vector<1x16xf32> to vector<16xf32>
        %get3A_1061 = arith.index_cast %add3A_930 : i32 to index
        %get3A_1062 = arith.constant 96 : index
        %get3A_1063 = tpu.vector_load %arg12[%get3A_1061, %get3A_1062] {strides = array<i32>} : memref<64x128xf32, #tpu.memory_space<vmem>>, vector<1x16xf32>,
        %get3A_1064 = vector.shape_cast %get3A_1063 : vector<1x16xf32> to vector<16xf32>
        %add3A_1065 = arith.addf %get3A_1060, %get3A_1064 : vector<16xf32>
        %mul3A_1066 = vector.broadcast %squeeze3A_934 : f32 to vector<16xf32>
        %mul3A_1067 = arith.mulf %add3A_1065, %mul3A_1066 : vector<16xf32>
        %add3A_1068 = vector.broadcast %squeeze3A_936 : f32 to vector<16xf32>
        %add3A_1069 = arith.addf %mul3A_1067, %add3A_1068 : vector<16xf32>
        %mul3A_1070 = arith.mulf %add3A_1069, %get3A_33 : vector<16xf32>
        %add3A_1071 = arith.addf %mul3A_1070, %get3A_57 : vector<16xf32>
        %swap3A_1072 = arith.index_cast %add3A_930 : i32 to index
        %swap3A_1073 = arith.constant 96 : index
        %swap3A_1074 = tpu.vector_load %arg18[%swap3A_1072, %swap3A_1073] {strides = array<i32>} : memref<64x128xf32, #tpu.memory_space<vmem>>, vector<1x16xf32>,
        %swap3A_1075 = vector.shape_cast %swap3A_1074 : vector<1x16xf32> to vector<16xf32>
        %swap3A_1076 = vector.shape_cast %add3A_1071 : vector<16xf32> to vector<1x16xf32>
        tpu.vector_store %arg18[%swap3A_1072, %swap3A_1073], %swap3A_1076 {strides = array<i32>} : memref<64x128xf32, #tpu.memory_space<vmem>>, vector<1x16xf32>,
        %get3A_1077 = arith.index_cast %squeeze3A_932 : i32 to index
        %get3A_1078 = arith.constant 112 : index
        %get3A_1079 = tpu.vector_load %arg13[%get3A_1077, %get3A_1078] {strides = array<i32>} : memref<64x128xf32, #tpu.memory_space<vmem>>, vector<1x16xf32>,
        %get3A_1080 = vector.shape_cast %get3A_1079 : vector<1x16xf32> to vector<16xf32>
        %get3A_1081 = arith.index_cast %add3A_930 : i32 to index
        %get3A_1082 = arith.constant 112 : index
        %get3A_1083 = tpu.vector_load %arg12[%get3A_1081, %get3A_1082] {strides = array<i32>} : memref<64x128xf32, #tpu.memory_space<vmem>>, vector<1x16xf32>,
        %get3A_1084 = vector.shape_cast %get3A_1083 : vector<1x16xf32> to vector<16xf32>
        %add3A_1085 = arith.addf %get3A_1080, %get3A_1084 : vector<16xf32>
        %mul3A_1086 = vector.broadcast %squeeze3A_934 : f32 to vector<16xf32>
        %mul3A_1087 = arith.mulf %add3A_1085, %mul3A_1086 : vector<16xf32>
        %add3A_1088 = vector.broadcast %squeeze3A_936 : f32 to vector<16xf32>
        %add3A_1089 = arith.addf %mul3A_1087, %add3A_1088 : vector<16xf32>
        %mul3A_1090 = arith.mulf %add3A_1089, %get3A_36 : vector<16xf32>
        %add3A_1091 = arith.addf %mul3A_1090, %get3A_60 : vector<16xf32>
        %swap3A_1092 = arith.index_cast %add3A_930 : i32 to index
        %swap3A_1093 = arith.constant 112 : index
        %swap3A_1094 = tpu.vector_load %arg18[%swap3A_1092, %swap3A_1093] {strides = array<i32>} : memref<64x128xf32, #tpu.memory_space<vmem>>, vector<1x16xf32>,
        %swap3A_1095 = vector.shape_cast %swap3A_1094 : vector<1x16xf32> to vector<16xf32>
        %swap3A_1096 = vector.shape_cast %add3A_1091 : vector<16xf32> to vector<1x16xf32>
        tpu.vector_store %arg18[%swap3A_1092, %swap3A_1093], %swap3A_1096 {strides = array<i32>} : memref<64x128xf32, #tpu.memory_space<vmem>>, vector<1x16xf32>,
        %add3A_1097 = arith.constant 6 : i32
        %add3A_1098 = arith.addi %mul3A_76, %add3A_1097 : i32
        %slice3A_1099 = vector.extract_strided_slice %get3A_82 {offsets = [6], sizes = [1], strides = [1]} : vector<16xi32> to vector<1xi32>
        %squeeze3A_1100 = vector.extract %slice3A_1099[0] : i32 from vector<1xi32>
        %slice3A_1101 = vector.extract_strided_slice %get3A_85 {offsets = [6], sizes = [1], strides = [1]} : vector<16xf32> to vector<1xf32>
        %squeeze3A_1102 = vector.extract %slice3A_1101[0] : f32 from vector<1xf32>
        %slice3A_1103 = vector.extract_strided_slice %mul3A_91 {offsets = [6], sizes = [1], strides = [1]} : vector<16xf32> to vector<1xf32>
        %squeeze3A_1104 = vector.extract %slice3A_1103[0] : f32 from vector<1xf32>
        %get3A_1105 = arith.index_cast %squeeze3A_1100 : i32 to index
        %get3A_1106 = arith.constant 0 : index
        %get3A_1107 = tpu.vector_load %arg13[%get3A_1105, %get3A_1106] {strides = array<i32>} : memref<64x128xf32, #tpu.memory_space<vmem>>, vector<1x16xf32>,
        %get3A_1108 = vector.shape_cast %get3A_1107 : vector<1x16xf32> to vector<16xf32>
        %get3A_1109 = arith.index_cast %add3A_1098 : i32 to index
        %get3A_1110 = arith.constant 0 : index
        %get3A_1111 = tpu.vector_load %arg12[%get3A_1109, %get3A_1110] {strides = array<i32>} : memref<64x128xf32, #tpu.memory_space<vmem>>, vector<1x16xf32>,
        %get3A_1112 = vector.shape_cast %get3A_1111 : vector<1x16xf32> to vector<16xf32>
        %add3A_1113 = arith.addf %get3A_1108, %get3A_1112 : vector<16xf32>
        %mul3A_1114 = vector.broadcast %squeeze3A_1102 : f32 to vector<16xf32>
        %mul3A_1115 = arith.mulf %add3A_1113, %mul3A_1114 : vector<16xf32>
        %add3A_1116 = vector.broadcast %squeeze3A_1104 : f32 to vector<16xf32>
        %add3A_1117 = arith.addf %mul3A_1115, %add3A_1116 : vector<16xf32>
        %mul3A_1118 = arith.mulf %add3A_1117, %get3A_15 : vector<16xf32>
        %add3A_1119 = arith.addf %mul3A_1118, %get3A_39 : vector<16xf32>
        %swap3A_1120 = arith.index_cast %add3A_1098 : i32 to index
        %swap3A_1121 = arith.constant 0 : index
        %swap3A_1122 = tpu.vector_load %arg18[%swap3A_1120, %swap3A_1121] {strides = array<i32>} : memref<64x128xf32, #tpu.memory_space<vmem>>, vector<1x16xf32>,
        %swap3A_1123 = vector.shape_cast %swap3A_1122 : vector<1x16xf32> to vector<16xf32>
        %swap3A_1124 = vector.shape_cast %add3A_1119 : vector<16xf32> to vector<1x16xf32>
        tpu.vector_store %arg18[%swap3A_1120, %swap3A_1121], %swap3A_1124 {strides = array<i32>} : memref<64x128xf32, #tpu.memory_space<vmem>>, vector<1x16xf32>,
        %get3A_1125 = arith.index_cast %squeeze3A_1100 : i32 to index
        %get3A_1126 = arith.constant 16 : index
        %get3A_1127 = tpu.vector_load %arg13[%get3A_1125, %get3A_1126] {strides = array<i32>} : memref<64x128xf32, #tpu.memory_space<vmem>>, vector<1x16xf32>,
        %get3A_1128 = vector.shape_cast %get3A_1127 : vector<1x16xf32> to vector<16xf32>
        %get3A_1129 = arith.index_cast %add3A_1098 : i32 to index
        %get3A_1130 = arith.constant 16 : index
        %get3A_1131 = tpu.vector_load %arg12[%get3A_1129, %get3A_1130] {strides = array<i32>} : memref<64x128xf32, #tpu.memory_space<vmem>>, vector<1x16xf32>,
        %get3A_1132 = vector.shape_cast %get3A_1131 : vector<1x16xf32> to vector<16xf32>
        %add3A_1133 = arith.addf %get3A_1128, %get3A_1132 : vector<16xf32>
        %mul3A_1134 = vector.broadcast %squeeze3A_1102 : f32 to vector<16xf32>
        %mul3A_1135 = arith.mulf %add3A_1133, %mul3A_1134 : vector<16xf32>
        %add3A_1136 = vector.broadcast %squeeze3A_1104 : f32 to vector<16xf32>
        %add3A_1137 = arith.addf %mul3A_1135, %add3A_1136 : vector<16xf32>
        %mul3A_1138 = arith.mulf %add3A_1137, %get3A_18 : vector<16xf32>
        %add3A_1139 = arith.addf %mul3A_1138, %get3A_42 : vector<16xf32>
        %swap3A_1140 = arith.index_cast %add3A_1098 : i32 to index
        %swap3A_1141 = arith.constant 16 : index
        %swap3A_1142 = tpu.vector_load %arg18[%swap3A_1140, %swap3A_1141] {strides = array<i32>} : memref<64x128xf32, #tpu.memory_space<vmem>>, vector<1x16xf32>,
        %swap3A_1143 = vector.shape_cast %swap3A_1142 : vector<1x16xf32> to vector<16xf32>
        %swap3A_1144 = vector.shape_cast %add3A_1139 : vector<16xf32> to vector<1x16xf32>
        tpu.vector_store %arg18[%swap3A_1140, %swap3A_1141], %swap3A_1144 {strides = array<i32>} : memref<64x128xf32, #tpu.memory_space<vmem>>, vector<1x16xf32>,
        %get3A_1145 = arith.index_cast %squeeze3A_1100 : i32 to index
        %get3A_1146 = arith.constant 32 : index
        %get3A_1147 = tpu.vector_load %arg13[%get3A_1145, %get3A_1146] {strides = array<i32>} : memref<64x128xf32, #tpu.memory_space<vmem>>, vector<1x16xf32>,
        %get3A_1148 = vector.shape_cast %get3A_1147 : vector<1x16xf32> to vector<16xf32>
        %get3A_1149 = arith.index_cast %add3A_1098 : i32 to index
        %get3A_1150 = arith.constant 32 : index
        %get3A_1151 = tpu.vector_load %arg12[%get3A_1149, %get3A_1150] {strides = array<i32>} : memref<64x128xf32, #tpu.memory_space<vmem>>, vector<1x16xf32>,
        %get3A_1152 = vector.shape_cast %get3A_1151 : vector<1x16xf32> to vector<16xf32>
        %add3A_1153 = arith.addf %get3A_1148, %get3A_1152 : vector<16xf32>
        %mul3A_1154 = vector.broadcast %squeeze3A_1102 : f32 to vector<16xf32>
        %mul3A_1155 = arith.mulf %add3A_1153, %mul3A_1154 : vector<16xf32>
        %add3A_1156 = vector.broadcast %squeeze3A_1104 : f32 to vector<16xf32>
        %add3A_1157 = arith.addf %mul3A_1155, %add3A_1156 : vector<16xf32>
        %mul3A_1158 = arith.mulf %add3A_1157, %get3A_21 : vector<16xf32>
        %add3A_1159 = arith.addf %mul3A_1158, %get3A_45 : vector<16xf32>
        %swap3A_1160 = arith.index_cast %add3A_1098 : i32 to index
        %swap3A_1161 = arith.constant 32 : index
        %swap3A_1162 = tpu.vector_load %arg18[%swap3A_1160, %swap3A_1161] {strides = array<i32>} : memref<64x128xf32, #tpu.memory_space<vmem>>, vector<1x16xf32>,
        %swap3A_1163 = vector.shape_cast %swap3A_1162 : vector<1x16xf32> to vector<16xf32>
        %swap3A_1164 = vector.shape_cast %add3A_1159 : vector<16xf32> to vector<1x16xf32>
        tpu.vector_store %arg18[%swap3A_1160, %swap3A_1161], %swap3A_1164 {strides = array<i32>} : memref<64x128xf32, #tpu.memory_space<vmem>>, vector<1x16xf32>,
        %get3A_1165 = arith.index_cast %squeeze3A_1100 : i32 to index
        %get3A_1166 = arith.constant 48 : index
        %get3A_1167 = tpu.vector_load %arg13[%get3A_1165, %get3A_1166] {strides = array<i32>} : memref<64x128xf32, #tpu.memory_space<vmem>>, vector<1x16xf32>,
        %get3A_1168 = vector.shape_cast %get3A_1167 : vector<1x16xf32> to vector<16xf32>
        %get3A_1169 = arith.index_cast %add3A_1098 : i32 to index
        %get3A_1170 = arith.constant 48 : index
        %get3A_1171 = tpu.vector_load %arg12[%get3A_1169, %get3A_1170] {strides = array<i32>} : memref<64x128xf32, #tpu.memory_space<vmem>>, vector<1x16xf32>,
        %get3A_1172 = vector.shape_cast %get3A_1171 : vector<1x16xf32> to vector<16xf32>
        %add3A_1173 = arith.addf %get3A_1168, %get3A_1172 : vector<16xf32>
        %mul3A_1174 = vector.broadcast %squeeze3A_1102 : f32 to vector<16xf32>
        %mul3A_1175 = arith.mulf %add3A_1173, %mul3A_1174 : vector<16xf32>
        %add3A_1176 = vector.broadcast %squeeze3A_1104 : f32 to vector<16xf32>
        %add3A_1177 = arith.addf %mul3A_1175, %add3A_1176 : vector<16xf32>
        %mul3A_1178 = arith.mulf %add3A_1177, %get3A_24 : vector<16xf32>
        %add3A_1179 = arith.addf %mul3A_1178, %get3A_48 : vector<16xf32>
        %swap3A_1180 = arith.index_cast %add3A_1098 : i32 to index
        %swap3A_1181 = arith.constant 48 : index
        %swap3A_1182 = tpu.vector_load %arg18[%swap3A_1180, %swap3A_1181] {strides = array<i32>} : memref<64x128xf32, #tpu.memory_space<vmem>>, vector<1x16xf32>,
        %swap3A_1183 = vector.shape_cast %swap3A_1182 : vector<1x16xf32> to vector<16xf32>
        %swap3A_1184 = vector.shape_cast %add3A_1179 : vector<16xf32> to vector<1x16xf32>
        tpu.vector_store %arg18[%swap3A_1180, %swap3A_1181], %swap3A_1184 {strides = array<i32>} : memref<64x128xf32, #tpu.memory_space<vmem>>, vector<1x16xf32>,
        %get3A_1185 = arith.index_cast %squeeze3A_1100 : i32 to index
        %get3A_1186 = arith.constant 64 : index
        %get3A_1187 = tpu.vector_load %arg13[%get3A_1185, %get3A_1186] {strides = array<i32>} : memref<64x128xf32, #tpu.memory_space<vmem>>, vector<1x16xf32>,
        %get3A_1188 = vector.shape_cast %get3A_1187 : vector<1x16xf32> to vector<16xf32>
        %get3A_1189 = arith.index_cast %add3A_1098 : i32 to index
        %get3A_1190 = arith.constant 64 : index
        %get3A_1191 = tpu.vector_load %arg12[%get3A_1189, %get3A_1190] {strides = array<i32>} : memref<64x128xf32, #tpu.memory_space<vmem>>, vector<1x16xf32>,
        %get3A_1192 = vector.shape_cast %get3A_1191 : vector<1x16xf32> to vector<16xf32>
        %add3A_1193 = arith.addf %get3A_1188, %get3A_1192 : vector<16xf32>
        %mul3A_1194 = vector.broadcast %squeeze3A_1102 : f32 to vector<16xf32>
        %mul3A_1195 = arith.mulf %add3A_1193, %mul3A_1194 : vector<16xf32>
        %add3A_1196 = vector.broadcast %squeeze3A_1104 : f32 to vector<16xf32>
        %add3A_1197 = arith.addf %mul3A_1195, %add3A_1196 : vector<16xf32>
        %mul3A_1198 = arith.mulf %add3A_1197, %get3A_27 : vector<16xf32>
        %add3A_1199 = arith.addf %mul3A_1198, %get3A_51 : vector<16xf32>
        %swap3A_1200 = arith.index_cast %add3A_1098 : i32 to index
        %swap3A_1201 = arith.constant 64 : index
        %swap3A_1202 = tpu.vector_load %arg18[%swap3A_1200, %swap3A_1201] {strides = array<i32>} : memref<64x128xf32, #tpu.memory_space<vmem>>, vector<1x16xf32>,
        %swap3A_1203 = vector.shape_cast %swap3A_1202 : vector<1x16xf32> to vector<16xf32>
        %swap3A_1204 = vector.shape_cast %add3A_1199 : vector<16xf32> to vector<1x16xf32>
        tpu.vector_store %arg18[%swap3A_1200, %swap3A_1201], %swap3A_1204 {strides = array<i32>} : memref<64x128xf32, #tpu.memory_space<vmem>>, vector<1x16xf32>,
        %get3A_1205 = arith.index_cast %squeeze3A_1100 : i32 to index
        %get3A_1206 = arith.constant 80 : index
        %get3A_1207 = tpu.vector_load %arg13[%get3A_1205, %get3A_1206] {strides = array<i32>} : memref<64x128xf32, #tpu.memory_space<vmem>>, vector<1x16xf32>,
        %get3A_1208 = vector.shape_cast %get3A_1207 : vector<1x16xf32> to vector<16xf32>
        %get3A_1209 = arith.index_cast %add3A_1098 : i32 to index
        %get3A_1210 = arith.constant 80 : index
        %get3A_1211 = tpu.vector_load %arg12[%get3A_1209, %get3A_1210] {strides = array<i32>} : memref<64x128xf32, #tpu.memory_space<vmem>>, vector<1x16xf32>,
        %get3A_1212 = vector.shape_cast %get3A_1211 : vector<1x16xf32> to vector<16xf32>
        %add3A_1213 = arith.addf %get3A_1208, %get3A_1212 : vector<16xf32>
        %mul3A_1214 = vector.broadcast %squeeze3A_1102 : f32 to vector<16xf32>
        %mul3A_1215 = arith.mulf %add3A_1213, %mul3A_1214 : vector<16xf32>
        %add3A_1216 = vector.broadcast %squeeze3A_1104 : f32 to vector<16xf32>
        %add3A_1217 = arith.addf %mul3A_1215, %add3A_1216 : vector<16xf32>
        %mul3A_1218 = arith.mulf %add3A_1217, %get3A_30 : vector<16xf32>
        %add3A_1219 = arith.addf %mul3A_1218, %get3A_54 : vector<16xf32>
        %swap3A_1220 = arith.index_cast %add3A_1098 : i32 to index
        %swap3A_1221 = arith.constant 80 : index
        %swap3A_1222 = tpu.vector_load %arg18[%swap3A_1220, %swap3A_1221] {strides = array<i32>} : memref<64x128xf32, #tpu.memory_space<vmem>>, vector<1x16xf32>,
        %swap3A_1223 = vector.shape_cast %swap3A_1222 : vector<1x16xf32> to vector<16xf32>
        %swap3A_1224 = vector.shape_cast %add3A_1219 : vector<16xf32> to vector<1x16xf32>
        tpu.vector_store %arg18[%swap3A_1220, %swap3A_1221], %swap3A_1224 {strides = array<i32>} : memref<64x128xf32, #tpu.memory_space<vmem>>, vector<1x16xf32>,
        %get3A_1225 = arith.index_cast %squeeze3A_1100 : i32 to index
        %get3A_1226 = arith.constant 96 : index
        %get3A_1227 = tpu.vector_load %arg13[%get3A_1225, %get3A_1226] {strides = array<i32>} : memref<64x128xf32, #tpu.memory_space<vmem>>, vector<1x16xf32>,
        %get3A_1228 = vector.shape_cast %get3A_1227 : vector<1x16xf32> to vector<16xf32>
        %get3A_1229 = arith.index_cast %add3A_1098 : i32 to index
        %get3A_1230 = arith.constant 96 : index
        %get3A_1231 = tpu.vector_load %arg12[%get3A_1229, %get3A_1230] {strides = array<i32>} : memref<64x128xf32, #tpu.memory_space<vmem>>, vector<1x16xf32>,
        %get3A_1232 = vector.shape_cast %get3A_1231 : vector<1x16xf32> to vector<16xf32>
        %add3A_1233 = arith.addf %get3A_1228, %get3A_1232 : vector<16xf32>
        %mul3A_1234 = vector.broadcast %squeeze3A_1102 : f32 to vector<16xf32>
        %mul3A_1235 = arith.mulf %add3A_1233, %mul3A_1234 : vector<16xf32>
        %add3A_1236 = vector.broadcast %squeeze3A_1104 : f32 to vector<16xf32>
        %add3A_1237 = arith.addf %mul3A_1235, %add3A_1236 : vector<16xf32>
        %mul3A_1238 = arith.mulf %add3A_1237, %get3A_33 : vector<16xf32>
        %add3A_1239 = arith.addf %mul3A_1238, %get3A_57 : vector<16xf32>
        %swap3A_1240 = arith.index_cast %add3A_1098 : i32 to index
        %swap3A_1241 = arith.constant 96 : index
        %swap3A_1242 = tpu.vector_load %arg18[%swap3A_1240, %swap3A_1241] {strides = array<i32>} : memref<64x128xf32, #tpu.memory_space<vmem>>, vector<1x16xf32>,
        %swap3A_1243 = vector.shape_cast %swap3A_1242 : vector<1x16xf32> to vector<16xf32>
        %swap3A_1244 = vector.shape_cast %add3A_1239 : vector<16xf32> to vector<1x16xf32>
        tpu.vector_store %arg18[%swap3A_1240, %swap3A_1241], %swap3A_1244 {strides = array<i32>} : memref<64x128xf32, #tpu.memory_space<vmem>>, vector<1x16xf32>,
        %get3A_1245 = arith.index_cast %squeeze3A_1100 : i32 to index
        %get3A_1246 = arith.constant 112 : index
        %get3A_1247 = tpu.vector_load %arg13[%get3A_1245, %get3A_1246] {strides = array<i32>} : memref<64x128xf32, #tpu.memory_space<vmem>>, vector<1x16xf32>,
        %get3A_1248 = vector.shape_cast %get3A_1247 : vector<1x16xf32> to vector<16xf32>
        %get3A_1249 = arith.index_cast %add3A_1098 : i32 to index
        %get3A_1250 = arith.constant 112 : index
        %get3A_1251 = tpu.vector_load %arg12[%get3A_1249, %get3A_1250] {strides = array<i32>} : memref<64x128xf32, #tpu.memory_space<vmem>>, vector<1x16xf32>,
        %get3A_1252 = vector.shape_cast %get3A_1251 : vector<1x16xf32> to vector<16xf32>
        %add3A_1253 = arith.addf %get3A_1248, %get3A_1252 : vector<16xf32>
        %mul3A_1254 = vector.broadcast %squeeze3A_1102 : f32 to vector<16xf32>
        %mul3A_1255 = arith.mulf %add3A_1253, %mul3A_1254 : vector<16xf32>
        %add3A_1256 = vector.broadcast %squeeze3A_1104 : f32 to vector<16xf32>
        %add3A_1257 = arith.addf %mul3A_1255, %add3A_1256 : vector<16xf32>
        %mul3A_1258 = arith.mulf %add3A_1257, %get3A_36 : vector<16xf32>
        %add3A_1259 = arith.addf %mul3A_1258, %get3A_60 : vector<16xf32>
        %swap3A_1260 = arith.index_cast %add3A_1098 : i32 to index
        %swap3A_1261 = arith.constant 112 : index
        %swap3A_1262 = tpu.vector_load %arg18[%swap3A_1260, %swap3A_1261] {strides = array<i32>} : memref<64x128xf32, #tpu.memory_space<vmem>>, vector<1x16xf32>,
        %swap3A_1263 = vector.shape_cast %swap3A_1262 : vector<1x16xf32> to vector<16xf32>
        %swap3A_1264 = vector.shape_cast %add3A_1259 : vector<16xf32> to vector<1x16xf32>
        tpu.vector_store %arg18[%swap3A_1260, %swap3A_1261], %swap3A_1264 {strides = array<i32>} : memref<64x128xf32, #tpu.memory_space<vmem>>, vector<1x16xf32>,
        %add3A_1265 = arith.constant 7 : i32
        %add3A_1266 = arith.addi %mul3A_76, %add3A_1265 : i32
        %slice3A_1267 = vector.extract_strided_slice %get3A_82 {offsets = [7], sizes = [1], strides = [1]} : vector<16xi32> to vector<1xi32>
        %squeeze3A_1268 = vector.extract %slice3A_1267[0] : i32 from vector<1xi32>
        %slice3A_1269 = vector.extract_strided_slice %get3A_85 {offsets = [7], sizes = [1], strides = [1]} : vector<16xf32> to vector<1xf32>
        %squeeze3A_1270 = vector.extract %slice3A_1269[0] : f32 from vector<1xf32>
        %slice3A_1271 = vector.extract_strided_slice %mul3A_91 {offsets = [7], sizes = [1], strides = [1]} : vector<16xf32> to vector<1xf32>
        %squeeze3A_1272 = vector.extract %slice3A_1271[0] : f32 from vector<1xf32>
        %get3A_1273 = arith.index_cast %squeeze3A_1268 : i32 to index
        %get3A_1274 = arith.constant 0 : index
        %get3A_1275 = tpu.vector_load %arg13[%get3A_1273, %get3A_1274] {strides = array<i32>} : memref<64x128xf32, #tpu.memory_space<vmem>>, vector<1x16xf32>,
        %get3A_1276 = vector.shape_cast %get3A_1275 : vector<1x16xf32> to vector<16xf32>
        %get3A_1277 = arith.index_cast %add3A_1266 : i32 to index
        %get3A_1278 = arith.constant 0 : index
        %get3A_1279 = tpu.vector_load %arg12[%get3A_1277, %get3A_1278] {strides = array<i32>} : memref<64x128xf32, #tpu.memory_space<vmem>>, vector<1x16xf32>,
        %get3A_1280 = vector.shape_cast %get3A_1279 : vector<1x16xf32> to vector<16xf32>
        %add3A_1281 = arith.addf %get3A_1276, %get3A_1280 : vector<16xf32>
        %mul3A_1282 = vector.broadcast %squeeze3A_1270 : f32 to vector<16xf32>
        %mul3A_1283 = arith.mulf %add3A_1281, %mul3A_1282 : vector<16xf32>
        %add3A_1284 = vector.broadcast %squeeze3A_1272 : f32 to vector<16xf32>
        %add3A_1285 = arith.addf %mul3A_1283, %add3A_1284 : vector<16xf32>
        %mul3A_1286 = arith.mulf %add3A_1285, %get3A_15 : vector<16xf32>
        %add3A_1287 = arith.addf %mul3A_1286, %get3A_39 : vector<16xf32>
        %swap3A_1288 = arith.index_cast %add3A_1266 : i32 to index
        %swap3A_1289 = arith.constant 0 : index
        %swap3A_1290 = tpu.vector_load %arg18[%swap3A_1288, %swap3A_1289] {strides = array<i32>} : memref<64x128xf32, #tpu.memory_space<vmem>>, vector<1x16xf32>,
        %swap3A_1291 = vector.shape_cast %swap3A_1290 : vector<1x16xf32> to vector<16xf32>
        %swap3A_1292 = vector.shape_cast %add3A_1287 : vector<16xf32> to vector<1x16xf32>
        tpu.vector_store %arg18[%swap3A_1288, %swap3A_1289], %swap3A_1292 {strides = array<i32>} : memref<64x128xf32, #tpu.memory_space<vmem>>, vector<1x16xf32>,
        %get3A_1293 = arith.index_cast %squeeze3A_1268 : i32 to index
        %get3A_1294 = arith.constant 16 : index
        %get3A_1295 = tpu.vector_load %arg13[%get3A_1293, %get3A_1294] {strides = array<i32>} : memref<64x128xf32, #tpu.memory_space<vmem>>, vector<1x16xf32>,
        %get3A_1296 = vector.shape_cast %get3A_1295 : vector<1x16xf32> to vector<16xf32>
        %get3A_1297 = arith.index_cast %add3A_1266 : i32 to index
        %get3A_1298 = arith.constant 16 : index
        %get3A_1299 = tpu.vector_load %arg12[%get3A_1297, %get3A_1298] {strides = array<i32>} : memref<64x128xf32, #tpu.memory_space<vmem>>, vector<1x16xf32>,
        %get3A_1300 = vector.shape_cast %get3A_1299 : vector<1x16xf32> to vector<16xf32>
        %add3A_1301 = arith.addf %get3A_1296, %get3A_1300 : vector<16xf32>
        %mul3A_1302 = vector.broadcast %squeeze3A_1270 : f32 to vector<16xf32>
        %mul3A_1303 = arith.mulf %add3A_1301, %mul3A_1302 : vector<16xf32>
        %add3A_1304 = vector.broadcast %squeeze3A_1272 : f32 to vector<16xf32>
        %add3A_1305 = arith.addf %mul3A_1303, %add3A_1304 : vector<16xf32>
        %mul3A_1306 = arith.mulf %add3A_1305, %get3A_18 : vector<16xf32>
        %add3A_1307 = arith.addf %mul3A_1306, %get3A_42 : vector<16xf32>
        %swap3A_1308 = arith.index_cast %add3A_1266 : i32 to index
        %swap3A_1309 = arith.constant 16 : index
        %swap3A_1310 = tpu.vector_load %arg18[%swap3A_1308, %swap3A_1309] {strides = array<i32>} : memref<64x128xf32, #tpu.memory_space<vmem>>, vector<1x16xf32>,
        %swap3A_1311 = vector.shape_cast %swap3A_1310 : vector<1x16xf32> to vector<16xf32>
        %swap3A_1312 = vector.shape_cast %add3A_1307 : vector<16xf32> to vector<1x16xf32>
        tpu.vector_store %arg18[%swap3A_1308, %swap3A_1309], %swap3A_1312 {strides = array<i32>} : memref<64x128xf32, #tpu.memory_space<vmem>>, vector<1x16xf32>,
        %get3A_1313 = arith.index_cast %squeeze3A_1268 : i32 to index
        %get3A_1314 = arith.constant 32 : index
        %get3A_1315 = tpu.vector_load %arg13[%get3A_1313, %get3A_1314] {strides = array<i32>} : memref<64x128xf32, #tpu.memory_space<vmem>>, vector<1x16xf32>,
        %get3A_1316 = vector.shape_cast %get3A_1315 : vector<1x16xf32> to vector<16xf32>
        %get3A_1317 = arith.index_cast %add3A_1266 : i32 to index
        %get3A_1318 = arith.constant 32 : index
        %get3A_1319 = tpu.vector_load %arg12[%get3A_1317, %get3A_1318] {strides = array<i32>} : memref<64x128xf32, #tpu.memory_space<vmem>>, vector<1x16xf32>,
        %get3A_1320 = vector.shape_cast %get3A_1319 : vector<1x16xf32> to vector<16xf32>
        %add3A_1321 = arith.addf %get3A_1316, %get3A_1320 : vector<16xf32>
        %mul3A_1322 = vector.broadcast %squeeze3A_1270 : f32 to vector<16xf32>
        %mul3A_1323 = arith.mulf %add3A_1321, %mul3A_1322 : vector<16xf32>
        %add3A_1324 = vector.broadcast %squeeze3A_1272 : f32 to vector<16xf32>
        %add3A_1325 = arith.addf %mul3A_1323, %add3A_1324 : vector<16xf32>
        %mul3A_1326 = arith.mulf %add3A_1325, %get3A_21 : vector<16xf32>
        %add3A_1327 = arith.addf %mul3A_1326, %get3A_45 : vector<16xf32>
        %swap3A_1328 = arith.index_cast %add3A_1266 : i32 to index
        %swap3A_1329 = arith.constant 32 : index
        %swap3A_1330 = tpu.vector_load %arg18[%swap3A_1328, %swap3A_1329] {strides = array<i32>} : memref<64x128xf32, #tpu.memory_space<vmem>>, vector<1x16xf32>,
        %swap3A_1331 = vector.shape_cast %swap3A_1330 : vector<1x16xf32> to vector<16xf32>
        %swap3A_1332 = vector.shape_cast %add3A_1327 : vector<16xf32> to vector<1x16xf32>
        tpu.vector_store %arg18[%swap3A_1328, %swap3A_1329], %swap3A_1332 {strides = array<i32>} : memref<64x128xf32, #tpu.memory_space<vmem>>, vector<1x16xf32>,
        %get3A_1333 = arith.index_cast %squeeze3A_1268 : i32 to index
        %get3A_1334 = arith.constant 48 : index
        %get3A_1335 = tpu.vector_load %arg13[%get3A_1333, %get3A_1334] {strides = array<i32>} : memref<64x128xf32, #tpu.memory_space<vmem>>, vector<1x16xf32>,
        %get3A_1336 = vector.shape_cast %get3A_1335 : vector<1x16xf32> to vector<16xf32>
        %get3A_1337 = arith.index_cast %add3A_1266 : i32 to index
        %get3A_1338 = arith.constant 48 : index
        %get3A_1339 = tpu.vector_load %arg12[%get3A_1337, %get3A_1338] {strides = array<i32>} : memref<64x128xf32, #tpu.memory_space<vmem>>, vector<1x16xf32>,
        %get3A_1340 = vector.shape_cast %get3A_1339 : vector<1x16xf32> to vector<16xf32>
        %add3A_1341 = arith.addf %get3A_1336, %get3A_1340 : vector<16xf32>
        %mul3A_1342 = vector.broadcast %squeeze3A_1270 : f32 to vector<16xf32>
        %mul3A_1343 = arith.mulf %add3A_1341, %mul3A_1342 : vector<16xf32>
        %add3A_1344 = vector.broadcast %squeeze3A_1272 : f32 to vector<16xf32>
        %add3A_1345 = arith.addf %mul3A_1343, %add3A_1344 : vector<16xf32>
        %mul3A_1346 = arith.mulf %add3A_1345, %get3A_24 : vector<16xf32>
        %add3A_1347 = arith.addf %mul3A_1346, %get3A_48 : vector<16xf32>
        %swap3A_1348 = arith.index_cast %add3A_1266 : i32 to index
        %swap3A_1349 = arith.constant 48 : index
        %swap3A_1350 = tpu.vector_load %arg18[%swap3A_1348, %swap3A_1349] {strides = array<i32>} : memref<64x128xf32, #tpu.memory_space<vmem>>, vector<1x16xf32>,
        %swap3A_1351 = vector.shape_cast %swap3A_1350 : vector<1x16xf32> to vector<16xf32>
        %swap3A_1352 = vector.shape_cast %add3A_1347 : vector<16xf32> to vector<1x16xf32>
        tpu.vector_store %arg18[%swap3A_1348, %swap3A_1349], %swap3A_1352 {strides = array<i32>} : memref<64x128xf32, #tpu.memory_space<vmem>>, vector<1x16xf32>,
        %get3A_1353 = arith.index_cast %squeeze3A_1268 : i32 to index
        %get3A_1354 = arith.constant 64 : index
        %get3A_1355 = tpu.vector_load %arg13[%get3A_1353, %get3A_1354] {strides = array<i32>} : memref<64x128xf32, #tpu.memory_space<vmem>>, vector<1x16xf32>,
        %get3A_1356 = vector.shape_cast %get3A_1355 : vector<1x16xf32> to vector<16xf32>
        %get3A_1357 = arith.index_cast %add3A_1266 : i32 to index
        %get3A_1358 = arith.constant 64 : index
        %get3A_1359 = tpu.vector_load %arg12[%get3A_1357, %get3A_1358] {strides = array<i32>} : memref<64x128xf32, #tpu.memory_space<vmem>>, vector<1x16xf32>,
        %get3A_1360 = vector.shape_cast %get3A_1359 : vector<1x16xf32> to vector<16xf32>
        %add3A_1361 = arith.addf %get3A_1356, %get3A_1360 : vector<16xf32>
        %mul3A_1362 = vector.broadcast %squeeze3A_1270 : f32 to vector<16xf32>
        %mul3A_1363 = arith.mulf %add3A_1361, %mul3A_1362 : vector<16xf32>
        %add3A_1364 = vector.broadcast %squeeze3A_1272 : f32 to vector<16xf32>
        %add3A_1365 = arith.addf %mul3A_1363, %add3A_1364 : vector<16xf32>
        %mul3A_1366 = arith.mulf %add3A_1365, %get3A_27 : vector<16xf32>
        %add3A_1367 = arith.addf %mul3A_1366, %get3A_51 : vector<16xf32>
        %swap3A_1368 = arith.index_cast %add3A_1266 : i32 to index
        %swap3A_1369 = arith.constant 64 : index
        %swap3A_1370 = tpu.vector_load %arg18[%swap3A_1368, %swap3A_1369] {strides = array<i32>} : memref<64x128xf32, #tpu.memory_space<vmem>>, vector<1x16xf32>,
        %swap3A_1371 = vector.shape_cast %swap3A_1370 : vector<1x16xf32> to vector<16xf32>
        %swap3A_1372 = vector.shape_cast %add3A_1367 : vector<16xf32> to vector<1x16xf32>
        tpu.vector_store %arg18[%swap3A_1368, %swap3A_1369], %swap3A_1372 {strides = array<i32>} : memref<64x128xf32, #tpu.memory_space<vmem>>, vector<1x16xf32>,
        %get3A_1373 = arith.index_cast %squeeze3A_1268 : i32 to index
        %get3A_1374 = arith.constant 80 : index
        %get3A_1375 = tpu.vector_load %arg13[%get3A_1373, %get3A_1374] {strides = array<i32>} : memref<64x128xf32, #tpu.memory_space<vmem>>, vector<1x16xf32>,
        %get3A_1376 = vector.shape_cast %get3A_1375 : vector<1x16xf32> to vector<16xf32>
        %get3A_1377 = arith.index_cast %add3A_1266 : i32 to index
        %get3A_1378 = arith.constant 80 : index
        %get3A_1379 = tpu.vector_load %arg12[%get3A_1377, %get3A_1378] {strides = array<i32>} : memref<64x128xf32, #tpu.memory_space<vmem>>, vector<1x16xf32>,
        %get3A_1380 = vector.shape_cast %get3A_1379 : vector<1x16xf32> to vector<16xf32>
        %add3A_1381 = arith.addf %get3A_1376, %get3A_1380 : vector<16xf32>
        %mul3A_1382 = vector.broadcast %squeeze3A_1270 : f32 to vector<16xf32>
        %mul3A_1383 = arith.mulf %add3A_1381, %mul3A_1382 : vector<16xf32>
        %add3A_1384 = vector.broadcast %squeeze3A_1272 : f32 to vector<16xf32>
        %add3A_1385 = arith.addf %mul3A_1383, %add3A_1384 : vector<16xf32>
        %mul3A_1386 = arith.mulf %add3A_1385, %get3A_30 : vector<16xf32>
        %add3A_1387 = arith.addf %mul3A_1386, %get3A_54 : vector<16xf32>
        %swap3A_1388 = arith.index_cast %add3A_1266 : i32 to index
        %swap3A_1389 = arith.constant 80 : index
        %swap3A_1390 = tpu.vector_load %arg18[%swap3A_1388, %swap3A_1389] {strides = array<i32>} : memref<64x128xf32, #tpu.memory_space<vmem>>, vector<1x16xf32>,
        %swap3A_1391 = vector.shape_cast %swap3A_1390 : vector<1x16xf32> to vector<16xf32>
        %swap3A_1392 = vector.shape_cast %add3A_1387 : vector<16xf32> to vector<1x16xf32>
        tpu.vector_store %arg18[%swap3A_1388, %swap3A_1389], %swap3A_1392 {strides = array<i32>} : memref<64x128xf32, #tpu.memory_space<vmem>>, vector<1x16xf32>,
        %get3A_1393 = arith.index_cast %squeeze3A_1268 : i32 to index
        %get3A_1394 = arith.constant 96 : index
        %get3A_1395 = tpu.vector_load %arg13[%get3A_1393, %get3A_1394] {strides = array<i32>} : memref<64x128xf32, #tpu.memory_space<vmem>>, vector<1x16xf32>,
        %get3A_1396 = vector.shape_cast %get3A_1395 : vector<1x16xf32> to vector<16xf32>
        %get3A_1397 = arith.index_cast %add3A_1266 : i32 to index
        %get3A_1398 = arith.constant 96 : index
        %get3A_1399 = tpu.vector_load %arg12[%get3A_1397, %get3A_1398] {strides = array<i32>} : memref<64x128xf32, #tpu.memory_space<vmem>>, vector<1x16xf32>,
        %get3A_1400 = vector.shape_cast %get3A_1399 : vector<1x16xf32> to vector<16xf32>
        %add3A_1401 = arith.addf %get3A_1396, %get3A_1400 : vector<16xf32>
        %mul3A_1402 = vector.broadcast %squeeze3A_1270 : f32 to vector<16xf32>
        %mul3A_1403 = arith.mulf %add3A_1401, %mul3A_1402 : vector<16xf32>
        %add3A_1404 = vector.broadcast %squeeze3A_1272 : f32 to vector<16xf32>
        %add3A_1405 = arith.addf %mul3A_1403, %add3A_1404 : vector<16xf32>
        %mul3A_1406 = arith.mulf %add3A_1405, %get3A_33 : vector<16xf32>
        %add3A_1407 = arith.addf %mul3A_1406, %get3A_57 : vector<16xf32>
        %swap3A_1408 = arith.index_cast %add3A_1266 : i32 to index
        %swap3A_1409 = arith.constant 96 : index
        %swap3A_1410 = tpu.vector_load %arg18[%swap3A_1408, %swap3A_1409] {strides = array<i32>} : memref<64x128xf32, #tpu.memory_space<vmem>>, vector<1x16xf32>,
        %swap3A_1411 = vector.shape_cast %swap3A_1410 : vector<1x16xf32> to vector<16xf32>
        %swap3A_1412 = vector.shape_cast %add3A_1407 : vector<16xf32> to vector<1x16xf32>
        tpu.vector_store %arg18[%swap3A_1408, %swap3A_1409], %swap3A_1412 {strides = array<i32>} : memref<64x128xf32, #tpu.memory_space<vmem>>, vector<1x16xf32>,
        %get3A_1413 = arith.index_cast %squeeze3A_1268 : i32 to index
        %get3A_1414 = arith.constant 112 : index
        %get3A_1415 = tpu.vector_load %arg13[%get3A_1413, %get3A_1414] {strides = array<i32>} : memref<64x128xf32, #tpu.memory_space<vmem>>, vector<1x16xf32>,
        %get3A_1416 = vector.shape_cast %get3A_1415 : vector<1x16xf32> to vector<16xf32>
        %get3A_1417 = arith.index_cast %add3A_1266 : i32 to index
        %get3A_1418 = arith.constant 112 : index
        %get3A_1419 = tpu.vector_load %arg12[%get3A_1417, %get3A_1418] {strides = array<i32>} : memref<64x128xf32, #tpu.memory_space<vmem>>, vector<1x16xf32>,
        %get3A_1420 = vector.shape_cast %get3A_1419 : vector<1x16xf32> to vector<16xf32>
        %add3A_1421 = arith.addf %get3A_1416, %get3A_1420 : vector<16xf32>
        %mul3A_1422 = vector.broadcast %squeeze3A_1270 : f32 to vector<16xf32>
        %mul3A_1423 = arith.mulf %add3A_1421, %mul3A_1422 : vector<16xf32>
        %add3A_1424 = vector.broadcast %squeeze3A_1272 : f32 to vector<16xf32>
        %add3A_1425 = arith.addf %mul3A_1423, %add3A_1424 : vector<16xf32>
        %mul3A_1426 = arith.mulf %add3A_1425, %get3A_36 : vector<16xf32>
        %add3A_1427 = arith.addf %mul3A_1426, %get3A_60 : vector<16xf32>
        %swap3A_1428 = arith.index_cast %add3A_1266 : i32 to index
        %swap3A_1429 = arith.constant 112 : index
        %swap3A_1430 = tpu.vector_load %arg18[%swap3A_1428, %swap3A_1429] {strides = array<i32>} : memref<64x128xf32, #tpu.memory_space<vmem>>, vector<1x16xf32>,
        %swap3A_1431 = vector.shape_cast %swap3A_1430 : vector<1x16xf32> to vector<16xf32>
        %swap3A_1432 = vector.shape_cast %add3A_1427 : vector<16xf32> to vector<1x16xf32>
        tpu.vector_store %arg18[%swap3A_1428, %swap3A_1429], %swap3A_1432 {strides = array<i32>} : memref<64x128xf32, #tpu.memory_space<vmem>>, vector<1x16xf32>,
        %add3A_1433 = arith.constant 8 : i32
        %add3A_1434 = arith.addi %mul3A_76, %add3A_1433 : i32
        %slice3A_1435 = vector.extract_strided_slice %get3A_82 {offsets = [8], sizes = [1], strides = [1]} : vector<16xi32> to vector<1xi32>
        %squeeze3A_1436 = vector.extract %slice3A_1435[0] : i32 from vector<1xi32>
        %slice3A_1437 = vector.extract_strided_slice %get3A_85 {offsets = [8], sizes = [1], strides = [1]} : vector<16xf32> to vector<1xf32>
        %squeeze3A_1438 = vector.extract %slice3A_1437[0] : f32 from vector<1xf32>
        %slice3A_1439 = vector.extract_strided_slice %mul3A_91 {offsets = [8], sizes = [1], strides = [1]} : vector<16xf32> to vector<1xf32>
        %squeeze3A_1440 = vector.extract %slice3A_1439[0] : f32 from vector<1xf32>
        %get3A_1441 = arith.index_cast %squeeze3A_1436 : i32 to index
        %get3A_1442 = arith.constant 0 : index
        %get3A_1443 = tpu.vector_load %arg13[%get3A_1441, %get3A_1442] {strides = array<i32>} : memref<64x128xf32, #tpu.memory_space<vmem>>, vector<1x16xf32>,
        %get3A_1444 = vector.shape_cast %get3A_1443 : vector<1x16xf32> to vector<16xf32>
        %get3A_1445 = arith.index_cast %add3A_1434 : i32 to index
        %get3A_1446 = arith.constant 0 : index
        %get3A_1447 = tpu.vector_load %arg12[%get3A_1445, %get3A_1446] {strides = array<i32>} : memref<64x128xf32, #tpu.memory_space<vmem>>, vector<1x16xf32>,
        %get3A_1448 = vector.shape_cast %get3A_1447 : vector<1x16xf32> to vector<16xf32>
        %add3A_1449 = arith.addf %get3A_1444, %get3A_1448 : vector<16xf32>
        %mul3A_1450 = vector.broadcast %squeeze3A_1438 : f32 to vector<16xf32>
        %mul3A_1451 = arith.mulf %add3A_1449, %mul3A_1450 : vector<16xf32>
        %add3A_1452 = vector.broadcast %squeeze3A_1440 : f32 to vector<16xf32>
        %add3A_1453 = arith.addf %mul3A_1451, %add3A_1452 : vector<16xf32>
        %mul3A_1454 = arith.mulf %add3A_1453, %get3A_15 : vector<16xf32>
        %add3A_1455 = arith.addf %mul3A_1454, %get3A_39 : vector<16xf32>
        %swap3A_1456 = arith.index_cast %add3A_1434 : i32 to index
        %swap3A_1457 = arith.constant 0 : index
        %swap3A_1458 = tpu.vector_load %arg18[%swap3A_1456, %swap3A_1457] {strides = array<i32>} : memref<64x128xf32, #tpu.memory_space<vmem>>, vector<1x16xf32>,
        %swap3A_1459 = vector.shape_cast %swap3A_1458 : vector<1x16xf32> to vector<16xf32>
        %swap3A_1460 = vector.shape_cast %add3A_1455 : vector<16xf32> to vector<1x16xf32>
        tpu.vector_store %arg18[%swap3A_1456, %swap3A_1457], %swap3A_1460 {strides = array<i32>} : memref<64x128xf32, #tpu.memory_space<vmem>>, vector<1x16xf32>,
        %get3A_1461 = arith.index_cast %squeeze3A_1436 : i32 to index
        %get3A_1462 = arith.constant 16 : index
        %get3A_1463 = tpu.vector_load %arg13[%get3A_1461, %get3A_1462] {strides = array<i32>} : memref<64x128xf32, #tpu.memory_space<vmem>>, vector<1x16xf32>,
        %get3A_1464 = vector.shape_cast %get3A_1463 : vector<1x16xf32> to vector<16xf32>
        %get3A_1465 = arith.index_cast %add3A_1434 : i32 to index
        %get3A_1466 = arith.constant 16 : index
        %get3A_1467 = tpu.vector_load %arg12[%get3A_1465, %get3A_1466] {strides = array<i32>} : memref<64x128xf32, #tpu.memory_space<vmem>>, vector<1x16xf32>,
        %get3A_1468 = vector.shape_cast %get3A_1467 : vector<1x16xf32> to vector<16xf32>
        %add3A_1469 = arith.addf %get3A_1464, %get3A_1468 : vector<16xf32>
        %mul3A_1470 = vector.broadcast %squeeze3A_1438 : f32 to vector<16xf32>
        %mul3A_1471 = arith.mulf %add3A_1469, %mul3A_1470 : vector<16xf32>
        %add3A_1472 = vector.broadcast %squeeze3A_1440 : f32 to vector<16xf32>
        %add3A_1473 = arith.addf %mul3A_1471, %add3A_1472 : vector<16xf32>
        %mul3A_1474 = arith.mulf %add3A_1473, %get3A_18 : vector<16xf32>
        %add3A_1475 = arith.addf %mul3A_1474, %get3A_42 : vector<16xf32>
        %swap3A_1476 = arith.index_cast %add3A_1434 : i32 to index
        %swap3A_1477 = arith.constant 16 : index
        %swap3A_1478 = tpu.vector_load %arg18[%swap3A_1476, %swap3A_1477] {strides = array<i32>} : memref<64x128xf32, #tpu.memory_space<vmem>>, vector<1x16xf32>,
        %swap3A_1479 = vector.shape_cast %swap3A_1478 : vector<1x16xf32> to vector<16xf32>
        %swap3A_1480 = vector.shape_cast %add3A_1475 : vector<16xf32> to vector<1x16xf32>
        tpu.vector_store %arg18[%swap3A_1476, %swap3A_1477], %swap3A_1480 {strides = array<i32>} : memref<64x128xf32, #tpu.memory_space<vmem>>, vector<1x16xf32>,
        %get3A_1481 = arith.index_cast %squeeze3A_1436 : i32 to index
        %get3A_1482 = arith.constant 32 : index
        %get3A_1483 = tpu.vector_load %arg13[%get3A_1481, %get3A_1482] {strides = array<i32>} : memref<64x128xf32, #tpu.memory_space<vmem>>, vector<1x16xf32>,
        %get3A_1484 = vector.shape_cast %get3A_1483 : vector<1x16xf32> to vector<16xf32>
        %get3A_1485 = arith.index_cast %add3A_1434 : i32 to index
        %get3A_1486 = arith.constant 32 : index
        %get3A_1487 = tpu.vector_load %arg12[%get3A_1485, %get3A_1486] {strides = array<i32>} : memref<64x128xf32, #tpu.memory_space<vmem>>, vector<1x16xf32>,
        %get3A_1488 = vector.shape_cast %get3A_1487 : vector<1x16xf32> to vector<16xf32>
        %add3A_1489 = arith.addf %get3A_1484, %get3A_1488 : vector<16xf32>
        %mul3A_1490 = vector.broadcast %squeeze3A_1438 : f32 to vector<16xf32>
        %mul3A_1491 = arith.mulf %add3A_1489, %mul3A_1490 : vector<16xf32>
        %add3A_1492 = vector.broadcast %squeeze3A_1440 : f32 to vector<16xf32>
        %add3A_1493 = arith.addf %mul3A_1491, %add3A_1492 : vector<16xf32>
        %mul3A_1494 = arith.mulf %add3A_1493, %get3A_21 : vector<16xf32>
        %add3A_1495 = arith.addf %mul3A_1494, %get3A_45 : vector<16xf32>
        %swap3A_1496 = arith.index_cast %add3A_1434 : i32 to index
        %swap3A_1497 = arith.constant 32 : index
        %swap3A_1498 = tpu.vector_load %arg18[%swap3A_1496, %swap3A_1497] {strides = array<i32>} : memref<64x128xf32, #tpu.memory_space<vmem>>, vector<1x16xf32>,
        %swap3A_1499 = vector.shape_cast %swap3A_1498 : vector<1x16xf32> to vector<16xf32>
        %swap3A_1500 = vector.shape_cast %add3A_1495 : vector<16xf32> to vector<1x16xf32>
        tpu.vector_store %arg18[%swap3A_1496, %swap3A_1497], %swap3A_1500 {strides = array<i32>} : memref<64x128xf32, #tpu.memory_space<vmem>>, vector<1x16xf32>,
        %get3A_1501 = arith.index_cast %squeeze3A_1436 : i32 to index
        %get3A_1502 = arith.constant 48 : index
        %get3A_1503 = tpu.vector_load %arg13[%get3A_1501, %get3A_1502] {strides = array<i32>} : memref<64x128xf32, #tpu.memory_space<vmem>>, vector<1x16xf32>,
        %get3A_1504 = vector.shape_cast %get3A_1503 : vector<1x16xf32> to vector<16xf32>
        %get3A_1505 = arith.index_cast %add3A_1434 : i32 to index
        %get3A_1506 = arith.constant 48 : index
        %get3A_1507 = tpu.vector_load %arg12[%get3A_1505, %get3A_1506] {strides = array<i32>} : memref<64x128xf32, #tpu.memory_space<vmem>>, vector<1x16xf32>,
        %get3A_1508 = vector.shape_cast %get3A_1507 : vector<1x16xf32> to vector<16xf32>
        %add3A_1509 = arith.addf %get3A_1504, %get3A_1508 : vector<16xf32>
        %mul3A_1510 = vector.broadcast %squeeze3A_1438 : f32 to vector<16xf32>
        %mul3A_1511 = arith.mulf %add3A_1509, %mul3A_1510 : vector<16xf32>
        %add3A_1512 = vector.broadcast %squeeze3A_1440 : f32 to vector<16xf32>
        %add3A_1513 = arith.addf %mul3A_1511, %add3A_1512 : vector<16xf32>
        %mul3A_1514 = arith.mulf %add3A_1513, %get3A_24 : vector<16xf32>
        %add3A_1515 = arith.addf %mul3A_1514, %get3A_48 : vector<16xf32>
        %swap3A_1516 = arith.index_cast %add3A_1434 : i32 to index
        %swap3A_1517 = arith.constant 48 : index
        %swap3A_1518 = tpu.vector_load %arg18[%swap3A_1516, %swap3A_1517] {strides = array<i32>} : memref<64x128xf32, #tpu.memory_space<vmem>>, vector<1x16xf32>,
        %swap3A_1519 = vector.shape_cast %swap3A_1518 : vector<1x16xf32> to vector<16xf32>
        %swap3A_1520 = vector.shape_cast %add3A_1515 : vector<16xf32> to vector<1x16xf32>
        tpu.vector_store %arg18[%swap3A_1516, %swap3A_1517], %swap3A_1520 {strides = array<i32>} : memref<64x128xf32, #tpu.memory_space<vmem>>, vector<1x16xf32>,
        %get3A_1521 = arith.index_cast %squeeze3A_1436 : i32 to index
        %get3A_1522 = arith.constant 64 : index
        %get3A_1523 = tpu.vector_load %arg13[%get3A_1521, %get3A_1522] {strides = array<i32>} : memref<64x128xf32, #tpu.memory_space<vmem>>, vector<1x16xf32>,
        %get3A_1524 = vector.shape_cast %get3A_1523 : vector<1x16xf32> to vector<16xf32>
        %get3A_1525 = arith.index_cast %add3A_1434 : i32 to index
        %get3A_1526 = arith.constant 64 : index
        %get3A_1527 = tpu.vector_load %arg12[%get3A_1525, %get3A_1526] {strides = array<i32>} : memref<64x128xf32, #tpu.memory_space<vmem>>, vector<1x16xf32>,
        %get3A_1528 = vector.shape_cast %get3A_1527 : vector<1x16xf32> to vector<16xf32>
        %add3A_1529 = arith.addf %get3A_1524, %get3A_1528 : vector<16xf32>
        %mul3A_1530 = vector.broadcast %squeeze3A_1438 : f32 to vector<16xf32>
        %mul3A_1531 = arith.mulf %add3A_1529, %mul3A_1530 : vector<16xf32>
        %add3A_1532 = vector.broadcast %squeeze3A_1440 : f32 to vector<16xf32>
        %add3A_1533 = arith.addf %mul3A_1531, %add3A_1532 : vector<16xf32>
        %mul3A_1534 = arith.mulf %add3A_1533, %get3A_27 : vector<16xf32>
        %add3A_1535 = arith.addf %mul3A_1534, %get3A_51 : vector<16xf32>
        %swap3A_1536 = arith.index_cast %add3A_1434 : i32 to index
        %swap3A_1537 = arith.constant 64 : index
        %swap3A_1538 = tpu.vector_load %arg18[%swap3A_1536, %swap3A_1537] {strides = array<i32>} : memref<64x128xf32, #tpu.memory_space<vmem>>, vector<1x16xf32>,
        %swap3A_1539 = vector.shape_cast %swap3A_1538 : vector<1x16xf32> to vector<16xf32>
        %swap3A_1540 = vector.shape_cast %add3A_1535 : vector<16xf32> to vector<1x16xf32>
        tpu.vector_store %arg18[%swap3A_1536, %swap3A_1537], %swap3A_1540 {strides = array<i32>} : memref<64x128xf32, #tpu.memory_space<vmem>>, vector<1x16xf32>,
        %get3A_1541 = arith.index_cast %squeeze3A_1436 : i32 to index
        %get3A_1542 = arith.constant 80 : index
        %get3A_1543 = tpu.vector_load %arg13[%get3A_1541, %get3A_1542] {strides = array<i32>} : memref<64x128xf32, #tpu.memory_space<vmem>>, vector<1x16xf32>,
        %get3A_1544 = vector.shape_cast %get3A_1543 : vector<1x16xf32> to vector<16xf32>
        %get3A_1545 = arith.index_cast %add3A_1434 : i32 to index
        %get3A_1546 = arith.constant 80 : index
        %get3A_1547 = tpu.vector_load %arg12[%get3A_1545, %get3A_1546] {strides = array<i32>} : memref<64x128xf32, #tpu.memory_space<vmem>>, vector<1x16xf32>,
        %get3A_1548 = vector.shape_cast %get3A_1547 : vector<1x16xf32> to vector<16xf32>
        %add3A_1549 = arith.addf %get3A_1544, %get3A_1548 : vector<16xf32>
        %mul3A_1550 = vector.broadcast %squeeze3A_1438 : f32 to vector<16xf32>
        %mul3A_1551 = arith.mulf %add3A_1549, %mul3A_1550 : vector<16xf32>
        %add3A_1552 = vector.broadcast %squeeze3A_1440 : f32 to vector<16xf32>
        %add3A_1553 = arith.addf %mul3A_1551, %add3A_1552 : vector<16xf32>
        %mul3A_1554 = arith.mulf %add3A_1553, %get3A_30 : vector<16xf32>
        %add3A_1555 = arith.addf %mul3A_1554, %get3A_54 : vector<16xf32>
        %swap3A_1556 = arith.index_cast %add3A_1434 : i32 to index
        %swap3A_1557 = arith.constant 80 : index
        %swap3A_1558 = tpu.vector_load %arg18[%swap3A_1556, %swap3A_1557] {strides = array<i32>} : memref<64x128xf32, #tpu.memory_space<vmem>>, vector<1x16xf32>,
        %swap3A_1559 = vector.shape_cast %swap3A_1558 : vector<1x16xf32> to vector<16xf32>
        %swap3A_1560 = vector.shape_cast %add3A_1555 : vector<16xf32> to vector<1x16xf32>
        tpu.vector_store %arg18[%swap3A_1556, %swap3A_1557], %swap3A_1560 {strides = array<i32>} : memref<64x128xf32, #tpu.memory_space<vmem>>, vector<1x16xf32>,
        %get3A_1561 = arith.index_cast %squeeze3A_1436 : i32 to index
        %get3A_1562 = arith.constant 96 : index
        %get3A_1563 = tpu.vector_load %arg13[%get3A_1561, %get3A_1562] {strides = array<i32>} : memref<64x128xf32, #tpu.memory_space<vmem>>, vector<1x16xf32>,
        %get3A_1564 = vector.shape_cast %get3A_1563 : vector<1x16xf32> to vector<16xf32>
        %get3A_1565 = arith.index_cast %add3A_1434 : i32 to index
        %get3A_1566 = arith.constant 96 : index
        %get3A_1567 = tpu.vector_load %arg12[%get3A_1565, %get3A_1566] {strides = array<i32>} : memref<64x128xf32, #tpu.memory_space<vmem>>, vector<1x16xf32>,
        %get3A_1568 = vector.shape_cast %get3A_1567 : vector<1x16xf32> to vector<16xf32>
        %add3A_1569 = arith.addf %get3A_1564, %get3A_1568 : vector<16xf32>
        %mul3A_1570 = vector.broadcast %squeeze3A_1438 : f32 to vector<16xf32>
        %mul3A_1571 = arith.mulf %add3A_1569, %mul3A_1570 : vector<16xf32>
        %add3A_1572 = vector.broadcast %squeeze3A_1440 : f32 to vector<16xf32>
        %add3A_1573 = arith.addf %mul3A_1571, %add3A_1572 : vector<16xf32>
        %mul3A_1574 = arith.mulf %add3A_1573, %get3A_33 : vector<16xf32>
        %add3A_1575 = arith.addf %mul3A_1574, %get3A_57 : vector<16xf32>
        %swap3A_1576 = arith.index_cast %add3A_1434 : i32 to index
        %swap3A_1577 = arith.constant 96 : index
        %swap3A_1578 = tpu.vector_load %arg18[%swap3A_1576, %swap3A_1577] {strides = array<i32>} : memref<64x128xf32, #tpu.memory_space<vmem>>, vector<1x16xf32>,
        %swap3A_1579 = vector.shape_cast %swap3A_1578 : vector<1x16xf32> to vector<16xf32>
        %swap3A_1580 = vector.shape_cast %add3A_1575 : vector<16xf32> to vector<1x16xf32>
        tpu.vector_store %arg18[%swap3A_1576, %swap3A_1577], %swap3A_1580 {strides = array<i32>} : memref<64x128xf32, #tpu.memory_space<vmem>>, vector<1x16xf32>,
        %get3A_1581 = arith.index_cast %squeeze3A_1436 : i32 to index
        %get3A_1582 = arith.constant 112 : index
        %get3A_1583 = tpu.vector_load %arg13[%get3A_1581, %get3A_1582] {strides = array<i32>} : memref<64x128xf32, #tpu.memory_space<vmem>>, vector<1x16xf32>,
        %get3A_1584 = vector.shape_cast %get3A_1583 : vector<1x16xf32> to vector<16xf32>
        %get3A_1585 = arith.index_cast %add3A_1434 : i32 to index
        %get3A_1586 = arith.constant 112 : index
        %get3A_1587 = tpu.vector_load %arg12[%get3A_1585, %get3A_1586] {strides = array<i32>} : memref<64x128xf32, #tpu.memory_space<vmem>>, vector<1x16xf32>,
        %get3A_1588 = vector.shape_cast %get3A_1587 : vector<1x16xf32> to vector<16xf32>
        %add3A_1589 = arith.addf %get3A_1584, %get3A_1588 : vector<16xf32>
        %mul3A_1590 = vector.broadcast %squeeze3A_1438 : f32 to vector<16xf32>
        %mul3A_1591 = arith.mulf %add3A_1589, %mul3A_1590 : vector<16xf32>
        %add3A_1592 = vector.broadcast %squeeze3A_1440 : f32 to vector<16xf32>
        %add3A_1593 = arith.addf %mul3A_1591, %add3A_1592 : vector<16xf32>
        %mul3A_1594 = arith.mulf %add3A_1593, %get3A_36 : vector<16xf32>
        %add3A_1595 = arith.addf %mul3A_1594, %get3A_60 : vector<16xf32>
        %swap3A_1596 = arith.index_cast %add3A_1434 : i32 to index
        %swap3A_1597 = arith.constant 112 : index
        %swap3A_1598 = tpu.vector_load %arg18[%swap3A_1596, %swap3A_1597] {strides = array<i32>} : memref<64x128xf32, #tpu.memory_space<vmem>>, vector<1x16xf32>,
        %swap3A_1599 = vector.shape_cast %swap3A_1598 : vector<1x16xf32> to vector<16xf32>
        %swap3A_1600 = vector.shape_cast %add3A_1595 : vector<16xf32> to vector<1x16xf32>
        tpu.vector_store %arg18[%swap3A_1596, %swap3A_1597], %swap3A_1600 {strides = array<i32>} : memref<64x128xf32, #tpu.memory_space<vmem>>, vector<1x16xf32>,
        %add3A_1601 = arith.constant 9 : i32
        %add3A_1602 = arith.addi %mul3A_76, %add3A_1601 : i32
        %slice3A_1603 = vector.extract_strided_slice %get3A_82 {offsets = [9], sizes = [1], strides = [1]} : vector<16xi32> to vector<1xi32>
        %squeeze3A_1604 = vector.extract %slice3A_1603[0] : i32 from vector<1xi32>
        %slice3A_1605 = vector.extract_strided_slice %get3A_85 {offsets = [9], sizes = [1], strides = [1]} : vector<16xf32> to vector<1xf32>
        %squeeze3A_1606 = vector.extract %slice3A_1605[0] : f32 from vector<1xf32>
        %slice3A_1607 = vector.extract_strided_slice %mul3A_91 {offsets = [9], sizes = [1], strides = [1]} : vector<16xf32> to vector<1xf32>
        %squeeze3A_1608 = vector.extract %slice3A_1607[0] : f32 from vector<1xf32>
        %get3A_1609 = arith.index_cast %squeeze3A_1604 : i32 to index
        %get3A_1610 = arith.constant 0 : index
        %get3A_1611 = tpu.vector_load %arg13[%get3A_1609, %get3A_1610] {strides = array<i32>} : memref<64x128xf32, #tpu.memory_space<vmem>>, vector<1x16xf32>,
        %get3A_1612 = vector.shape_cast %get3A_1611 : vector<1x16xf32> to vector<16xf32>
        %get3A_1613 = arith.index_cast %add3A_1602 : i32 to index
        %get3A_1614 = arith.constant 0 : index
        %get3A_1615 = tpu.vector_load %arg12[%get3A_1613, %get3A_1614] {strides = array<i32>} : memref<64x128xf32, #tpu.memory_space<vmem>>, vector<1x16xf32>,
        %get3A_1616 = vector.shape_cast %get3A_1615 : vector<1x16xf32> to vector<16xf32>
        %add3A_1617 = arith.addf %get3A_1612, %get3A_1616 : vector<16xf32>
        %mul3A_1618 = vector.broadcast %squeeze3A_1606 : f32 to vector<16xf32>
        %mul3A_1619 = arith.mulf %add3A_1617, %mul3A_1618 : vector<16xf32>
        %add3A_1620 = vector.broadcast %squeeze3A_1608 : f32 to vector<16xf32>
        %add3A_1621 = arith.addf %mul3A_1619, %add3A_1620 : vector<16xf32>
        %mul3A_1622 = arith.mulf %add3A_1621, %get3A_15 : vector<16xf32>
        %add3A_1623 = arith.addf %mul3A_1622, %get3A_39 : vector<16xf32>
        %swap3A_1624 = arith.index_cast %add3A_1602 : i32 to index
        %swap3A_1625 = arith.constant 0 : index
        %swap3A_1626 = tpu.vector_load %arg18[%swap3A_1624, %swap3A_1625] {strides = array<i32>} : memref<64x128xf32, #tpu.memory_space<vmem>>, vector<1x16xf32>,
        %swap3A_1627 = vector.shape_cast %swap3A_1626 : vector<1x16xf32> to vector<16xf32>
        %swap3A_1628 = vector.shape_cast %add3A_1623 : vector<16xf32> to vector<1x16xf32>
        tpu.vector_store %arg18[%swap3A_1624, %swap3A_1625], %swap3A_1628 {strides = array<i32>} : memref<64x128xf32, #tpu.memory_space<vmem>>, vector<1x16xf32>,
        %get3A_1629 = arith.index_cast %squeeze3A_1604 : i32 to index
        %get3A_1630 = arith.constant 16 : index
        %get3A_1631 = tpu.vector_load %arg13[%get3A_1629, %get3A_1630] {strides = array<i32>} : memref<64x128xf32, #tpu.memory_space<vmem>>, vector<1x16xf32>,
        %get3A_1632 = vector.shape_cast %get3A_1631 : vector<1x16xf32> to vector<16xf32>
        %get3A_1633 = arith.index_cast %add3A_1602 : i32 to index
        %get3A_1634 = arith.constant 16 : index
        %get3A_1635 = tpu.vector_load %arg12[%get3A_1633, %get3A_1634] {strides = array<i32>} : memref<64x128xf32, #tpu.memory_space<vmem>>, vector<1x16xf32>,
        %get3A_1636 = vector.shape_cast %get3A_1635 : vector<1x16xf32> to vector<16xf32>
        %add3A_1637 = arith.addf %get3A_1632, %get3A_1636 : vector<16xf32>
        %mul3A_1638 = vector.broadcast %squeeze3A_1606 : f32 to vector<16xf32>
        %mul3A_1639 = arith.mulf %add3A_1637, %mul3A_1638 : vector<16xf32>
        %add3A_1640 = vector.broadcast %squeeze3A_1608 : f32 to vector<16xf32>
        %add3A_1641 = arith.addf %mul3A_1639, %add3A_1640 : vector<16xf32>
        %mul3A_1642 = arith.mulf %add3A_1641, %get3A_18 : vector<16xf32>
        %add3A_1643 = arith.addf %mul3A_1642, %get3A_42 : vector<16xf32>
        %swap3A_1644 = arith.index_cast %add3A_1602 : i32 to index
        %swap3A_1645 = arith.constant 16 : index
        %swap3A_1646 = tpu.vector_load %arg18[%swap3A_1644, %swap3A_1645] {strides = array<i32>} : memref<64x128xf32, #tpu.memory_space<vmem>>, vector<1x16xf32>,
        %swap3A_1647 = vector.shape_cast %swap3A_1646 : vector<1x16xf32> to vector<16xf32>
        %swap3A_1648 = vector.shape_cast %add3A_1643 : vector<16xf32> to vector<1x16xf32>
        tpu.vector_store %arg18[%swap3A_1644, %swap3A_1645], %swap3A_1648 {strides = array<i32>} : memref<64x128xf32, #tpu.memory_space<vmem>>, vector<1x16xf32>,
        %get3A_1649 = arith.index_cast %squeeze3A_1604 : i32 to index
        %get3A_1650 = arith.constant 32 : index
        %get3A_1651 = tpu.vector_load %arg13[%get3A_1649, %get3A_1650] {strides = array<i32>} : memref<64x128xf32, #tpu.memory_space<vmem>>, vector<1x16xf32>,
        %get3A_1652 = vector.shape_cast %get3A_1651 : vector<1x16xf32> to vector<16xf32>
        %get3A_1653 = arith.index_cast %add3A_1602 : i32 to index
        %get3A_1654 = arith.constant 32 : index
        %get3A_1655 = tpu.vector_load %arg12[%get3A_1653, %get3A_1654] {strides = array<i32>} : memref<64x128xf32, #tpu.memory_space<vmem>>, vector<1x16xf32>,
        %get3A_1656 = vector.shape_cast %get3A_1655 : vector<1x16xf32> to vector<16xf32>
        %add3A_1657 = arith.addf %get3A_1652, %get3A_1656 : vector<16xf32>
        %mul3A_1658 = vector.broadcast %squeeze3A_1606 : f32 to vector<16xf32>
        %mul3A_1659 = arith.mulf %add3A_1657, %mul3A_1658 : vector<16xf32>
        %add3A_1660 = vector.broadcast %squeeze3A_1608 : f32 to vector<16xf32>
        %add3A_1661 = arith.addf %mul3A_1659, %add3A_1660 : vector<16xf32>
        %mul3A_1662 = arith.mulf %add3A_1661, %get3A_21 : vector<16xf32>
        %add3A_1663 = arith.addf %mul3A_1662, %get3A_45 : vector<16xf32>
        %swap3A_1664 = arith.index_cast %add3A_1602 : i32 to index
        %swap3A_1665 = arith.constant 32 : index
        %swap3A_1666 = tpu.vector_load %arg18[%swap3A_1664, %swap3A_1665] {strides = array<i32>} : memref<64x128xf32, #tpu.memory_space<vmem>>, vector<1x16xf32>,
        %swap3A_1667 = vector.shape_cast %swap3A_1666 : vector<1x16xf32> to vector<16xf32>
        %swap3A_1668 = vector.shape_cast %add3A_1663 : vector<16xf32> to vector<1x16xf32>
        tpu.vector_store %arg18[%swap3A_1664, %swap3A_1665], %swap3A_1668 {strides = array<i32>} : memref<64x128xf32, #tpu.memory_space<vmem>>, vector<1x16xf32>,
        %get3A_1669 = arith.index_cast %squeeze3A_1604 : i32 to index
        %get3A_1670 = arith.constant 48 : index
        %get3A_1671 = tpu.vector_load %arg13[%get3A_1669, %get3A_1670] {strides = array<i32>} : memref<64x128xf32, #tpu.memory_space<vmem>>, vector<1x16xf32>,
        %get3A_1672 = vector.shape_cast %get3A_1671 : vector<1x16xf32> to vector<16xf32>
        %get3A_1673 = arith.index_cast %add3A_1602 : i32 to index
        %get3A_1674 = arith.constant 48 : index
        %get3A_1675 = tpu.vector_load %arg12[%get3A_1673, %get3A_1674] {strides = array<i32>} : memref<64x128xf32, #tpu.memory_space<vmem>>, vector<1x16xf32>,
        %get3A_1676 = vector.shape_cast %get3A_1675 : vector<1x16xf32> to vector<16xf32>
        %add3A_1677 = arith.addf %get3A_1672, %get3A_1676 : vector<16xf32>
        %mul3A_1678 = vector.broadcast %squeeze3A_1606 : f32 to vector<16xf32>
        %mul3A_1679 = arith.mulf %add3A_1677, %mul3A_1678 : vector<16xf32>
        %add3A_1680 = vector.broadcast %squeeze3A_1608 : f32 to vector<16xf32>
        %add3A_1681 = arith.addf %mul3A_1679, %add3A_1680 : vector<16xf32>
        %mul3A_1682 = arith.mulf %add3A_1681, %get3A_24 : vector<16xf32>
        %add3A_1683 = arith.addf %mul3A_1682, %get3A_48 : vector<16xf32>
        %swap3A_1684 = arith.index_cast %add3A_1602 : i32 to index
        %swap3A_1685 = arith.constant 48 : index
        %swap3A_1686 = tpu.vector_load %arg18[%swap3A_1684, %swap3A_1685] {strides = array<i32>} : memref<64x128xf32, #tpu.memory_space<vmem>>, vector<1x16xf32>,
        %swap3A_1687 = vector.shape_cast %swap3A_1686 : vector<1x16xf32> to vector<16xf32>
        %swap3A_1688 = vector.shape_cast %add3A_1683 : vector<16xf32> to vector<1x16xf32>
        tpu.vector_store %arg18[%swap3A_1684, %swap3A_1685], %swap3A_1688 {strides = array<i32>} : memref<64x128xf32, #tpu.memory_space<vmem>>, vector<1x16xf32>,
        %get3A_1689 = arith.index_cast %squeeze3A_1604 : i32 to index
        %get3A_1690 = arith.constant 64 : index
        %get3A_1691 = tpu.vector_load %arg13[%get3A_1689, %get3A_1690] {strides = array<i32>} : memref<64x128xf32, #tpu.memory_space<vmem>>, vector<1x16xf32>,
        %get3A_1692 = vector.shape_cast %get3A_1691 : vector<1x16xf32> to vector<16xf32>
        %get3A_1693 = arith.index_cast %add3A_1602 : i32 to index
        %get3A_1694 = arith.constant 64 : index
        %get3A_1695 = tpu.vector_load %arg12[%get3A_1693, %get3A_1694] {strides = array<i32>} : memref<64x128xf32, #tpu.memory_space<vmem>>, vector<1x16xf32>,
        %get3A_1696 = vector.shape_cast %get3A_1695 : vector<1x16xf32> to vector<16xf32>
        %add3A_1697 = arith.addf %get3A_1692, %get3A_1696 : vector<16xf32>
        %mul3A_1698 = vector.broadcast %squeeze3A_1606 : f32 to vector<16xf32>
        %mul3A_1699 = arith.mulf %add3A_1697, %mul3A_1698 : vector<16xf32>
        %add3A_1700 = vector.broadcast %squeeze3A_1608 : f32 to vector<16xf32>
        %add3A_1701 = arith.addf %mul3A_1699, %add3A_1700 : vector<16xf32>
        %mul3A_1702 = arith.mulf %add3A_1701, %get3A_27 : vector<16xf32>
        %add3A_1703 = arith.addf %mul3A_1702, %get3A_51 : vector<16xf32>
        %swap3A_1704 = arith.index_cast %add3A_1602 : i32 to index
        %swap3A_1705 = arith.constant 64 : index
        %swap3A_1706 = tpu.vector_load %arg18[%swap3A_1704, %swap3A_1705] {strides = array<i32>} : memref<64x128xf32, #tpu.memory_space<vmem>>, vector<1x16xf32>,
        %swap3A_1707 = vector.shape_cast %swap3A_1706 : vector<1x16xf32> to vector<16xf32>
        %swap3A_1708 = vector.shape_cast %add3A_1703 : vector<16xf32> to vector<1x16xf32>
        tpu.vector_store %arg18[%swap3A_1704, %swap3A_1705], %swap3A_1708 {strides = array<i32>} : memref<64x128xf32, #tpu.memory_space<vmem>>, vector<1x16xf32>,
        %get3A_1709 = arith.index_cast %squeeze3A_1604 : i32 to index
        %get3A_1710 = arith.constant 80 : index
        %get3A_1711 = tpu.vector_load %arg13[%get3A_1709, %get3A_1710] {strides = array<i32>} : memref<64x128xf32, #tpu.memory_space<vmem>>, vector<1x16xf32>,
        %get3A_1712 = vector.shape_cast %get3A_1711 : vector<1x16xf32> to vector<16xf32>
        %get3A_1713 = arith.index_cast %add3A_1602 : i32 to index
        %get3A_1714 = arith.constant 80 : index
        %get3A_1715 = tpu.vector_load %arg12[%get3A_1713, %get3A_1714] {strides = array<i32>} : memref<64x128xf32, #tpu.memory_space<vmem>>, vector<1x16xf32>,
        %get3A_1716 = vector.shape_cast %get3A_1715 : vector<1x16xf32> to vector<16xf32>
        %add3A_1717 = arith.addf %get3A_1712, %get3A_1716 : vector<16xf32>
        %mul3A_1718 = vector.broadcast %squeeze3A_1606 : f32 to vector<16xf32>
        %mul3A_1719 = arith.mulf %add3A_1717, %mul3A_1718 : vector<16xf32>
        %add3A_1720 = vector.broadcast %squeeze3A_1608 : f32 to vector<16xf32>
        %add3A_1721 = arith.addf %mul3A_1719, %add3A_1720 : vector<16xf32>
        %mul3A_1722 = arith.mulf %add3A_1721, %get3A_30 : vector<16xf32>
        %add3A_1723 = arith.addf %mul3A_1722, %get3A_54 : vector<16xf32>
        %swap3A_1724 = arith.index_cast %add3A_1602 : i32 to index
        %swap3A_1725 = arith.constant 80 : index
        %swap3A_1726 = tpu.vector_load %arg18[%swap3A_1724, %swap3A_1725] {strides = array<i32>} : memref<64x128xf32, #tpu.memory_space<vmem>>, vector<1x16xf32>,
        %swap3A_1727 = vector.shape_cast %swap3A_1726 : vector<1x16xf32> to vector<16xf32>
        %swap3A_1728 = vector.shape_cast %add3A_1723 : vector<16xf32> to vector<1x16xf32>
        tpu.vector_store %arg18[%swap3A_1724, %swap3A_1725], %swap3A_1728 {strides = array<i32>} : memref<64x128xf32, #tpu.memory_space<vmem>>, vector<1x16xf32>,
        %get3A_1729 = arith.index_cast %squeeze3A_1604 : i32 to index
        %get3A_1730 = arith.constant 96 : index
        %get3A_1731 = tpu.vector_load %arg13[%get3A_1729, %get3A_1730] {strides = array<i32>} : memref<64x128xf32, #tpu.memory_space<vmem>>, vector<1x16xf32>,
        %get3A_1732 = vector.shape_cast %get3A_1731 : vector<1x16xf32> to vector<16xf32>
        %get3A_1733 = arith.index_cast %add3A_1602 : i32 to index
        %get3A_1734 = arith.constant 96 : index
        %get3A_1735 = tpu.vector_load %arg12[%get3A_1733, %get3A_1734] {strides = array<i32>} : memref<64x128xf32, #tpu.memory_space<vmem>>, vector<1x16xf32>,
        %get3A_1736 = vector.shape_cast %get3A_1735 : vector<1x16xf32> to vector<16xf32>
        %add3A_1737 = arith.addf %get3A_1732, %get3A_1736 : vector<16xf32>
        %mul3A_1738 = vector.broadcast %squeeze3A_1606 : f32 to vector<16xf32>
        %mul3A_1739 = arith.mulf %add3A_1737, %mul3A_1738 : vector<16xf32>
        %add3A_1740 = vector.broadcast %squeeze3A_1608 : f32 to vector<16xf32>
        %add3A_1741 = arith.addf %mul3A_1739, %add3A_1740 : vector<16xf32>
        %mul3A_1742 = arith.mulf %add3A_1741, %get3A_33 : vector<16xf32>
        %add3A_1743 = arith.addf %mul3A_1742, %get3A_57 : vector<16xf32>
        %swap3A_1744 = arith.index_cast %add3A_1602 : i32 to index
        %swap3A_1745 = arith.constant 96 : index
        %swap3A_1746 = tpu.vector_load %arg18[%swap3A_1744, %swap3A_1745] {strides = array<i32>} : memref<64x128xf32, #tpu.memory_space<vmem>>, vector<1x16xf32>,
        %swap3A_1747 = vector.shape_cast %swap3A_1746 : vector<1x16xf32> to vector<16xf32>
        %swap3A_1748 = vector.shape_cast %add3A_1743 : vector<16xf32> to vector<1x16xf32>
        tpu.vector_store %arg18[%swap3A_1744, %swap3A_1745], %swap3A_1748 {strides = array<i32>} : memref<64x128xf32, #tpu.memory_space<vmem>>, vector<1x16xf32>,
        %get3A_1749 = arith.index_cast %squeeze3A_1604 : i32 to index
        %get3A_1750 = arith.constant 112 : index
        %get3A_1751 = tpu.vector_load %arg13[%get3A_1749, %get3A_1750] {strides = array<i32>} : memref<64x128xf32, #tpu.memory_space<vmem>>, vector<1x16xf32>,
        %get3A_1752 = vector.shape_cast %get3A_1751 : vector<1x16xf32> to vector<16xf32>
        %get3A_1753 = arith.index_cast %add3A_1602 : i32 to index
        %get3A_1754 = arith.constant 112 : index
        %get3A_1755 = tpu.vector_load %arg12[%get3A_1753, %get3A_1754] {strides = array<i32>} : memref<64x128xf32, #tpu.memory_space<vmem>>, vector<1x16xf32>,
        %get3A_1756 = vector.shape_cast %get3A_1755 : vector<1x16xf32> to vector<16xf32>
        %add3A_1757 = arith.addf %get3A_1752, %get3A_1756 : vector<16xf32>
        %mul3A_1758 = vector.broadcast %squeeze3A_1606 : f32 to vector<16xf32>
        %mul3A_1759 = arith.mulf %add3A_1757, %mul3A_1758 : vector<16xf32>
        %add3A_1760 = vector.broadcast %squeeze3A_1608 : f32 to vector<16xf32>
        %add3A_1761 = arith.addf %mul3A_1759, %add3A_1760 : vector<16xf32>
        %mul3A_1762 = arith.mulf %add3A_1761, %get3A_36 : vector<16xf32>
        %add3A_1763 = arith.addf %mul3A_1762, %get3A_60 : vector<16xf32>
        %swap3A_1764 = arith.index_cast %add3A_1602 : i32 to index
        %swap3A_1765 = arith.constant 112 : index
        %swap3A_1766 = tpu.vector_load %arg18[%swap3A_1764, %swap3A_1765] {strides = array<i32>} : memref<64x128xf32, #tpu.memory_space<vmem>>, vector<1x16xf32>,
        %swap3A_1767 = vector.shape_cast %swap3A_1766 : vector<1x16xf32> to vector<16xf32>
        %swap3A_1768 = vector.shape_cast %add3A_1763 : vector<16xf32> to vector<1x16xf32>
        tpu.vector_store %arg18[%swap3A_1764, %swap3A_1765], %swap3A_1768 {strides = array<i32>} : memref<64x128xf32, #tpu.memory_space<vmem>>, vector<1x16xf32>,
        %add3A_1769 = arith.constant 10 : i32
        %add3A_1770 = arith.addi %mul3A_76, %add3A_1769 : i32
        %slice3A_1771 = vector.extract_strided_slice %get3A_82 {offsets = [10], sizes = [1], strides = [1]} : vector<16xi32> to vector<1xi32>
        %squeeze3A_1772 = vector.extract %slice3A_1771[0] : i32 from vector<1xi32>
        %slice3A_1773 = vector.extract_strided_slice %get3A_85 {offsets = [10], sizes = [1], strides = [1]} : vector<16xf32> to vector<1xf32>
        %squeeze3A_1774 = vector.extract %slice3A_1773[0] : f32 from vector<1xf32>
        %slice3A_1775 = vector.extract_strided_slice %mul3A_91 {offsets = [10], sizes = [1], strides = [1]} : vector<16xf32> to vector<1xf32>
        %squeeze3A_1776 = vector.extract %slice3A_1775[0] : f32 from vector<1xf32>
        %get3A_1777 = arith.index_cast %squeeze3A_1772 : i32 to index
        %get3A_1778 = arith.constant 0 : index
        %get3A_1779 = tpu.vector_load %arg13[%get3A_1777, %get3A_1778] {strides = array<i32>} : memref<64x128xf32, #tpu.memory_space<vmem>>, vector<1x16xf32>,
        %get3A_1780 = vector.shape_cast %get3A_1779 : vector<1x16xf32> to vector<16xf32>
        %get3A_1781 = arith.index_cast %add3A_1770 : i32 to index
        %get3A_1782 = arith.constant 0 : index
        %get3A_1783 = tpu.vector_load %arg12[%get3A_1781, %get3A_1782] {strides = array<i32>} : memref<64x128xf32, #tpu.memory_space<vmem>>, vector<1x16xf32>,
        %get3A_1784 = vector.shape_cast %get3A_1783 : vector<1x16xf32> to vector<16xf32>
        %add3A_1785 = arith.addf %get3A_1780, %get3A_1784 : vector<16xf32>
        %mul3A_1786 = vector.broadcast %squeeze3A_1774 : f32 to vector<16xf32>
        %mul3A_1787 = arith.mulf %add3A_1785, %mul3A_1786 : vector<16xf32>
        %add3A_1788 = vector.broadcast %squeeze3A_1776 : f32 to vector<16xf32>
        %add3A_1789 = arith.addf %mul3A_1787, %add3A_1788 : vector<16xf32>
        %mul3A_1790 = arith.mulf %add3A_1789, %get3A_15 : vector<16xf32>
        %add3A_1791 = arith.addf %mul3A_1790, %get3A_39 : vector<16xf32>
        %swap3A_1792 = arith.index_cast %add3A_1770 : i32 to index
        %swap3A_1793 = arith.constant 0 : index
        %swap3A_1794 = tpu.vector_load %arg18[%swap3A_1792, %swap3A_1793] {strides = array<i32>} : memref<64x128xf32, #tpu.memory_space<vmem>>, vector<1x16xf32>,
        %swap3A_1795 = vector.shape_cast %swap3A_1794 : vector<1x16xf32> to vector<16xf32>
        %swap3A_1796 = vector.shape_cast %add3A_1791 : vector<16xf32> to vector<1x16xf32>
        tpu.vector_store %arg18[%swap3A_1792, %swap3A_1793], %swap3A_1796 {strides = array<i32>} : memref<64x128xf32, #tpu.memory_space<vmem>>, vector<1x16xf32>,
        %get3A_1797 = arith.index_cast %squeeze3A_1772 : i32 to index
        %get3A_1798 = arith.constant 16 : index
        %get3A_1799 = tpu.vector_load %arg13[%get3A_1797, %get3A_1798] {strides = array<i32>} : memref<64x128xf32, #tpu.memory_space<vmem>>, vector<1x16xf32>,
        %get3A_1800 = vector.shape_cast %get3A_1799 : vector<1x16xf32> to vector<16xf32>
        %get3A_1801 = arith.index_cast %add3A_1770 : i32 to index
        %get3A_1802 = arith.constant 16 : index
        %get3A_1803 = tpu.vector_load %arg12[%get3A_1801, %get3A_1802] {strides = array<i32>} : memref<64x128xf32, #tpu.memory_space<vmem>>, vector<1x16xf32>,
        %get3A_1804 = vector.shape_cast %get3A_1803 : vector<1x16xf32> to vector<16xf32>
        %add3A_1805 = arith.addf %get3A_1800, %get3A_1804 : vector<16xf32>
        %mul3A_1806 = vector.broadcast %squeeze3A_1774 : f32 to vector<16xf32>
        %mul3A_1807 = arith.mulf %add3A_1805, %mul3A_1806 : vector<16xf32>
        %add3A_1808 = vector.broadcast %squeeze3A_1776 : f32 to vector<16xf32>
        %add3A_1809 = arith.addf %mul3A_1807, %add3A_1808 : vector<16xf32>
        %mul3A_1810 = arith.mulf %add3A_1809, %get3A_18 : vector<16xf32>
        %add3A_1811 = arith.addf %mul3A_1810, %get3A_42 : vector<16xf32>
        %swap3A_1812 = arith.index_cast %add3A_1770 : i32 to index
        %swap3A_1813 = arith.constant 16 : index
        %swap3A_1814 = tpu.vector_load %arg18[%swap3A_1812, %swap3A_1813] {strides = array<i32>} : memref<64x128xf32, #tpu.memory_space<vmem>>, vector<1x16xf32>,
        %swap3A_1815 = vector.shape_cast %swap3A_1814 : vector<1x16xf32> to vector<16xf32>
        %swap3A_1816 = vector.shape_cast %add3A_1811 : vector<16xf32> to vector<1x16xf32>
        tpu.vector_store %arg18[%swap3A_1812, %swap3A_1813], %swap3A_1816 {strides = array<i32>} : memref<64x128xf32, #tpu.memory_space<vmem>>, vector<1x16xf32>,
        %get3A_1817 = arith.index_cast %squeeze3A_1772 : i32 to index
        %get3A_1818 = arith.constant 32 : index
        %get3A_1819 = tpu.vector_load %arg13[%get3A_1817, %get3A_1818] {strides = array<i32>} : memref<64x128xf32, #tpu.memory_space<vmem>>, vector<1x16xf32>,
        %get3A_1820 = vector.shape_cast %get3A_1819 : vector<1x16xf32> to vector<16xf32>
        %get3A_1821 = arith.index_cast %add3A_1770 : i32 to index
        %get3A_1822 = arith.constant 32 : index
        %get3A_1823 = tpu.vector_load %arg12[%get3A_1821, %get3A_1822] {strides = array<i32>} : memref<64x128xf32, #tpu.memory_space<vmem>>, vector<1x16xf32>,
        %get3A_1824 = vector.shape_cast %get3A_1823 : vector<1x16xf32> to vector<16xf32>
        %add3A_1825 = arith.addf %get3A_1820, %get3A_1824 : vector<16xf32>
        %mul3A_1826 = vector.broadcast %squeeze3A_1774 : f32 to vector<16xf32>
        %mul3A_1827 = arith.mulf %add3A_1825, %mul3A_1826 : vector<16xf32>
        %add3A_1828 = vector.broadcast %squeeze3A_1776 : f32 to vector<16xf32>
        %add3A_1829 = arith.addf %mul3A_1827, %add3A_1828 : vector<16xf32>
        %mul3A_1830 = arith.mulf %add3A_1829, %get3A_21 : vector<16xf32>
        %add3A_1831 = arith.addf %mul3A_1830, %get3A_45 : vector<16xf32>
        %swap3A_1832 = arith.index_cast %add3A_1770 : i32 to index
        %swap3A_1833 = arith.constant 32 : index
        %swap3A_1834 = tpu.vector_load %arg18[%swap3A_1832, %swap3A_1833] {strides = array<i32>} : memref<64x128xf32, #tpu.memory_space<vmem>>, vector<1x16xf32>,
        %swap3A_1835 = vector.shape_cast %swap3A_1834 : vector<1x16xf32> to vector<16xf32>
        %swap3A_1836 = vector.shape_cast %add3A_1831 : vector<16xf32> to vector<1x16xf32>
        tpu.vector_store %arg18[%swap3A_1832, %swap3A_1833], %swap3A_1836 {strides = array<i32>} : memref<64x128xf32, #tpu.memory_space<vmem>>, vector<1x16xf32>,
        %get3A_1837 = arith.index_cast %squeeze3A_1772 : i32 to index
        %get3A_1838 = arith.constant 48 : index
        %get3A_1839 = tpu.vector_load %arg13[%get3A_1837, %get3A_1838] {strides = array<i32>} : memref<64x128xf32, #tpu.memory_space<vmem>>, vector<1x16xf32>,
        %get3A_1840 = vector.shape_cast %get3A_1839 : vector<1x16xf32> to vector<16xf32>
        %get3A_1841 = arith.index_cast %add3A_1770 : i32 to index
        %get3A_1842 = arith.constant 48 : index
        %get3A_1843 = tpu.vector_load %arg12[%get3A_1841, %get3A_1842] {strides = array<i32>} : memref<64x128xf32, #tpu.memory_space<vmem>>, vector<1x16xf32>,
        %get3A_1844 = vector.shape_cast %get3A_1843 : vector<1x16xf32> to vector<16xf32>
        %add3A_1845 = arith.addf %get3A_1840, %get3A_1844 : vector<16xf32>
        %mul3A_1846 = vector.broadcast %squeeze3A_1774 : f32 to vector<16xf32>
        %mul3A_1847 = arith.mulf %add3A_1845, %mul3A_1846 : vector<16xf32>
        %add3A_1848 = vector.broadcast %squeeze3A_1776 : f32 to vector<16xf32>
        %add3A_1849 = arith.addf %mul3A_1847, %add3A_1848 : vector<16xf32>
        %mul3A_1850 = arith.mulf %add3A_1849, %get3A_24 : vector<16xf32>
        %add3A_1851 = arith.addf %mul3A_1850, %get3A_48 : vector<16xf32>
        %swap3A_1852 = arith.index_cast %add3A_1770 : i32 to index
        %swap3A_1853 = arith.constant 48 : index
        %swap3A_1854 = tpu.vector_load %arg18[%swap3A_1852, %swap3A_1853] {strides = array<i32>} : memref<64x128xf32, #tpu.memory_space<vmem>>, vector<1x16xf32>,
        %swap3A_1855 = vector.shape_cast %swap3A_1854 : vector<1x16xf32> to vector<16xf32>
        %swap3A_1856 = vector.shape_cast %add3A_1851 : vector<16xf32> to vector<1x16xf32>
        tpu.vector_store %arg18[%swap3A_1852, %swap3A_1853], %swap3A_1856 {strides = array<i32>} : memref<64x128xf32, #tpu.memory_space<vmem>>, vector<1x16xf32>,
        %get3A_1857 = arith.index_cast %squeeze3A_1772 : i32 to index
        %get3A_1858 = arith.constant 64 : index
        %get3A_1859 = tpu.vector_load %arg13[%get3A_1857, %get3A_1858] {strides = array<i32>} : memref<64x128xf32, #tpu.memory_space<vmem>>, vector<1x16xf32>,
        %get3A_1860 = vector.shape_cast %get3A_1859 : vector<1x16xf32> to vector<16xf32>
        %get3A_1861 = arith.index_cast %add3A_1770 : i32 to index
        %get3A_1862 = arith.constant 64 : index
        %get3A_1863 = tpu.vector_load %arg12[%get3A_1861, %get3A_1862] {strides = array<i32>} : memref<64x128xf32, #tpu.memory_space<vmem>>, vector<1x16xf32>,
        %get3A_1864 = vector.shape_cast %get3A_1863 : vector<1x16xf32> to vector<16xf32>
        %add3A_1865 = arith.addf %get3A_1860, %get3A_1864 : vector<16xf32>
        %mul3A_1866 = vector.broadcast %squeeze3A_1774 : f32 to vector<16xf32>
        %mul3A_1867 = arith.mulf %add3A_1865, %mul3A_1866 : vector<16xf32>
        %add3A_1868 = vector.broadcast %squeeze3A_1776 : f32 to vector<16xf32>
        %add3A_1869 = arith.addf %mul3A_1867, %add3A_1868 : vector<16xf32>
        %mul3A_1870 = arith.mulf %add3A_1869, %get3A_27 : vector<16xf32>
        %add3A_1871 = arith.addf %mul3A_1870, %get3A_51 : vector<16xf32>
        %swap3A_1872 = arith.index_cast %add3A_1770 : i32 to index
        %swap3A_1873 = arith.constant 64 : index
        %swap3A_1874 = tpu.vector_load %arg18[%swap3A_1872, %swap3A_1873] {strides = array<i32>} : memref<64x128xf32, #tpu.memory_space<vmem>>, vector<1x16xf32>,
        %swap3A_1875 = vector.shape_cast %swap3A_1874 : vector<1x16xf32> to vector<16xf32>
        %swap3A_1876 = vector.shape_cast %add3A_1871 : vector<16xf32> to vector<1x16xf32>
        tpu.vector_store %arg18[%swap3A_1872, %swap3A_1873], %swap3A_1876 {strides = array<i32>} : memref<64x128xf32, #tpu.memory_space<vmem>>, vector<1x16xf32>,
        %get3A_1877 = arith.index_cast %squeeze3A_1772 : i32 to index
        %get3A_1878 = arith.constant 80 : index
        %get3A_1879 = tpu.vector_load %arg13[%get3A_1877, %get3A_1878] {strides = array<i32>} : memref<64x128xf32, #tpu.memory_space<vmem>>, vector<1x16xf32>,
        %get3A_1880 = vector.shape_cast %get3A_1879 : vector<1x16xf32> to vector<16xf32>
        %get3A_1881 = arith.index_cast %add3A_1770 : i32 to index
        %get3A_1882 = arith.constant 80 : index
        %get3A_1883 = tpu.vector_load %arg12[%get3A_1881, %get3A_1882] {strides = array<i32>} : memref<64x128xf32, #tpu.memory_space<vmem>>, vector<1x16xf32>,
        %get3A_1884 = vector.shape_cast %get3A_1883 : vector<1x16xf32> to vector<16xf32>
        %add3A_1885 = arith.addf %get3A_1880, %get3A_1884 : vector<16xf32>
        %mul3A_1886 = vector.broadcast %squeeze3A_1774 : f32 to vector<16xf32>
        %mul3A_1887 = arith.mulf %add3A_1885, %mul3A_1886 : vector<16xf32>
        %add3A_1888 = vector.broadcast %squeeze3A_1776 : f32 to vector<16xf32>
        %add3A_1889 = arith.addf %mul3A_1887, %add3A_1888 : vector<16xf32>
        %mul3A_1890 = arith.mulf %add3A_1889, %get3A_30 : vector<16xf32>
        %add3A_1891 = arith.addf %mul3A_1890, %get3A_54 : vector<16xf32>
        %swap3A_1892 = arith.index_cast %add3A_1770 : i32 to index
        %swap3A_1893 = arith.constant 80 : index
        %swap3A_1894 = tpu.vector_load %arg18[%swap3A_1892, %swap3A_1893] {strides = array<i32>} : memref<64x128xf32, #tpu.memory_space<vmem>>, vector<1x16xf32>,
        %swap3A_1895 = vector.shape_cast %swap3A_1894 : vector<1x16xf32> to vector<16xf32>
        %swap3A_1896 = vector.shape_cast %add3A_1891 : vector<16xf32> to vector<1x16xf32>
        tpu.vector_store %arg18[%swap3A_1892, %swap3A_1893], %swap3A_1896 {strides = array<i32>} : memref<64x128xf32, #tpu.memory_space<vmem>>, vector<1x16xf32>,
        %get3A_1897 = arith.index_cast %squeeze3A_1772 : i32 to index
        %get3A_1898 = arith.constant 96 : index
        %get3A_1899 = tpu.vector_load %arg13[%get3A_1897, %get3A_1898] {strides = array<i32>} : memref<64x128xf32, #tpu.memory_space<vmem>>, vector<1x16xf32>,
        %get3A_1900 = vector.shape_cast %get3A_1899 : vector<1x16xf32> to vector<16xf32>
        %get3A_1901 = arith.index_cast %add3A_1770 : i32 to index
        %get3A_1902 = arith.constant 96 : index
        %get3A_1903 = tpu.vector_load %arg12[%get3A_1901, %get3A_1902] {strides = array<i32>} : memref<64x128xf32, #tpu.memory_space<vmem>>, vector<1x16xf32>,
        %get3A_1904 = vector.shape_cast %get3A_1903 : vector<1x16xf32> to vector<16xf32>
        %add3A_1905 = arith.addf %get3A_1900, %get3A_1904 : vector<16xf32>
        %mul3A_1906 = vector.broadcast %squeeze3A_1774 : f32 to vector<16xf32>
        %mul3A_1907 = arith.mulf %add3A_1905, %mul3A_1906 : vector<16xf32>
        %add3A_1908 = vector.broadcast %squeeze3A_1776 : f32 to vector<16xf32>
        %add3A_1909 = arith.addf %mul3A_1907, %add3A_1908 : vector<16xf32>
        %mul3A_1910 = arith.mulf %add3A_1909, %get3A_33 : vector<16xf32>
        %add3A_1911 = arith.addf %mul3A_1910, %get3A_57 : vector<16xf32>
        %swap3A_1912 = arith.index_cast %add3A_1770 : i32 to index
        %swap3A_1913 = arith.constant 96 : index
        %swap3A_1914 = tpu.vector_load %arg18[%swap3A_1912, %swap3A_1913] {strides = array<i32>} : memref<64x128xf32, #tpu.memory_space<vmem>>, vector<1x16xf32>,
        %swap3A_1915 = vector.shape_cast %swap3A_1914 : vector<1x16xf32> to vector<16xf32>
        %swap3A_1916 = vector.shape_cast %add3A_1911 : vector<16xf32> to vector<1x16xf32>
        tpu.vector_store %arg18[%swap3A_1912, %swap3A_1913], %swap3A_1916 {strides = array<i32>} : memref<64x128xf32, #tpu.memory_space<vmem>>, vector<1x16xf32>,
        %get3A_1917 = arith.index_cast %squeeze3A_1772 : i32 to index
        %get3A_1918 = arith.constant 112 : index
        %get3A_1919 = tpu.vector_load %arg13[%get3A_1917, %get3A_1918] {strides = array<i32>} : memref<64x128xf32, #tpu.memory_space<vmem>>, vector<1x16xf32>,
        %get3A_1920 = vector.shape_cast %get3A_1919 : vector<1x16xf32> to vector<16xf32>
        %get3A_1921 = arith.index_cast %add3A_1770 : i32 to index
        %get3A_1922 = arith.constant 112 : index
        %get3A_1923 = tpu.vector_load %arg12[%get3A_1921, %get3A_1922] {strides = array<i32>} : memref<64x128xf32, #tpu.memory_space<vmem>>, vector<1x16xf32>,
        %get3A_1924 = vector.shape_cast %get3A_1923 : vector<1x16xf32> to vector<16xf32>
        %add3A_1925 = arith.addf %get3A_1920, %get3A_1924 : vector<16xf32>
        %mul3A_1926 = vector.broadcast %squeeze3A_1774 : f32 to vector<16xf32>
        %mul3A_1927 = arith.mulf %add3A_1925, %mul3A_1926 : vector<16xf32>
        %add3A_1928 = vector.broadcast %squeeze3A_1776 : f32 to vector<16xf32>
        %add3A_1929 = arith.addf %mul3A_1927, %add3A_1928 : vector<16xf32>
        %mul3A_1930 = arith.mulf %add3A_1929, %get3A_36 : vector<16xf32>
        %add3A_1931 = arith.addf %mul3A_1930, %get3A_60 : vector<16xf32>
        %swap3A_1932 = arith.index_cast %add3A_1770 : i32 to index
        %swap3A_1933 = arith.constant 112 : index
        %swap3A_1934 = tpu.vector_load %arg18[%swap3A_1932, %swap3A_1933] {strides = array<i32>} : memref<64x128xf32, #tpu.memory_space<vmem>>, vector<1x16xf32>,
        %swap3A_1935 = vector.shape_cast %swap3A_1934 : vector<1x16xf32> to vector<16xf32>
        %swap3A_1936 = vector.shape_cast %add3A_1931 : vector<16xf32> to vector<1x16xf32>
        tpu.vector_store %arg18[%swap3A_1932, %swap3A_1933], %swap3A_1936 {strides = array<i32>} : memref<64x128xf32, #tpu.memory_space<vmem>>, vector<1x16xf32>,
        %add3A_1937 = arith.constant 11 : i32
        %add3A_1938 = arith.addi %mul3A_76, %add3A_1937 : i32
        %slice3A_1939 = vector.extract_strided_slice %get3A_82 {offsets = [11], sizes = [1], strides = [1]} : vector<16xi32> to vector<1xi32>
        %squeeze3A_1940 = vector.extract %slice3A_1939[0] : i32 from vector<1xi32>
        %slice3A_1941 = vector.extract_strided_slice %get3A_85 {offsets = [11], sizes = [1], strides = [1]} : vector<16xf32> to vector<1xf32>
        %squeeze3A_1942 = vector.extract %slice3A_1941[0] : f32 from vector<1xf32>
        %slice3A_1943 = vector.extract_strided_slice %mul3A_91 {offsets = [11], sizes = [1], strides = [1]} : vector<16xf32> to vector<1xf32>
        %squeeze3A_1944 = vector.extract %slice3A_1943[0] : f32 from vector<1xf32>
        %get3A_1945 = arith.index_cast %squeeze3A_1940 : i32 to index
        %get3A_1946 = arith.constant 0 : index
        %get3A_1947 = tpu.vector_load %arg13[%get3A_1945, %get3A_1946] {strides = array<i32>} : memref<64x128xf32, #tpu.memory_space<vmem>>, vector<1x16xf32>,
        %get3A_1948 = vector.shape_cast %get3A_1947 : vector<1x16xf32> to vector<16xf32>
        %get3A_1949 = arith.index_cast %add3A_1938 : i32 to index
        %get3A_1950 = arith.constant 0 : index
        %get3A_1951 = tpu.vector_load %arg12[%get3A_1949, %get3A_1950] {strides = array<i32>} : memref<64x128xf32, #tpu.memory_space<vmem>>, vector<1x16xf32>,
        %get3A_1952 = vector.shape_cast %get3A_1951 : vector<1x16xf32> to vector<16xf32>
        %add3A_1953 = arith.addf %get3A_1948, %get3A_1952 : vector<16xf32>
        %mul3A_1954 = vector.broadcast %squeeze3A_1942 : f32 to vector<16xf32>
        %mul3A_1955 = arith.mulf %add3A_1953, %mul3A_1954 : vector<16xf32>
        %add3A_1956 = vector.broadcast %squeeze3A_1944 : f32 to vector<16xf32>
        %add3A_1957 = arith.addf %mul3A_1955, %add3A_1956 : vector<16xf32>
        %mul3A_1958 = arith.mulf %add3A_1957, %get3A_15 : vector<16xf32>
        %add3A_1959 = arith.addf %mul3A_1958, %get3A_39 : vector<16xf32>
        %swap3A_1960 = arith.index_cast %add3A_1938 : i32 to index
        %swap3A_1961 = arith.constant 0 : index
        %swap3A_1962 = tpu.vector_load %arg18[%swap3A_1960, %swap3A_1961] {strides = array<i32>} : memref<64x128xf32, #tpu.memory_space<vmem>>, vector<1x16xf32>,
        %swap3A_1963 = vector.shape_cast %swap3A_1962 : vector<1x16xf32> to vector<16xf32>
        %swap3A_1964 = vector.shape_cast %add3A_1959 : vector<16xf32> to vector<1x16xf32>
        tpu.vector_store %arg18[%swap3A_1960, %swap3A_1961], %swap3A_1964 {strides = array<i32>} : memref<64x128xf32, #tpu.memory_space<vmem>>, vector<1x16xf32>,
        %get3A_1965 = arith.index_cast %squeeze3A_1940 : i32 to index
        %get3A_1966 = arith.constant 16 : index
        %get3A_1967 = tpu.vector_load %arg13[%get3A_1965, %get3A_1966] {strides = array<i32>} : memref<64x128xf32, #tpu.memory_space<vmem>>, vector<1x16xf32>,
        %get3A_1968 = vector.shape_cast %get3A_1967 : vector<1x16xf32> to vector<16xf32>
        %get3A_1969 = arith.index_cast %add3A_1938 : i32 to index
        %get3A_1970 = arith.constant 16 : index
        %get3A_1971 = tpu.vector_load %arg12[%get3A_1969, %get3A_1970] {strides = array<i32>} : memref<64x128xf32, #tpu.memory_space<vmem>>, vector<1x16xf32>,
        %get3A_1972 = vector.shape_cast %get3A_1971 : vector<1x16xf32> to vector<16xf32>
        %add3A_1973 = arith.addf %get3A_1968, %get3A_1972 : vector<16xf32>
        %mul3A_1974 = vector.broadcast %squeeze3A_1942 : f32 to vector<16xf32>
        %mul3A_1975 = arith.mulf %add3A_1973, %mul3A_1974 : vector<16xf32>
        %add3A_1976 = vector.broadcast %squeeze3A_1944 : f32 to vector<16xf32>
        %add3A_1977 = arith.addf %mul3A_1975, %add3A_1976 : vector<16xf32>
        %mul3A_1978 = arith.mulf %add3A_1977, %get3A_18 : vector<16xf32>
        %add3A_1979 = arith.addf %mul3A_1978, %get3A_42 : vector<16xf32>
        %swap3A_1980 = arith.index_cast %add3A_1938 : i32 to index
        %swap3A_1981 = arith.constant 16 : index
        %swap3A_1982 = tpu.vector_load %arg18[%swap3A_1980, %swap3A_1981] {strides = array<i32>} : memref<64x128xf32, #tpu.memory_space<vmem>>, vector<1x16xf32>,
        %swap3A_1983 = vector.shape_cast %swap3A_1982 : vector<1x16xf32> to vector<16xf32>
        %swap3A_1984 = vector.shape_cast %add3A_1979 : vector<16xf32> to vector<1x16xf32>
        tpu.vector_store %arg18[%swap3A_1980, %swap3A_1981], %swap3A_1984 {strides = array<i32>} : memref<64x128xf32, #tpu.memory_space<vmem>>, vector<1x16xf32>,
        %get3A_1985 = arith.index_cast %squeeze3A_1940 : i32 to index
        %get3A_1986 = arith.constant 32 : index
        %get3A_1987 = tpu.vector_load %arg13[%get3A_1985, %get3A_1986] {strides = array<i32>} : memref<64x128xf32, #tpu.memory_space<vmem>>, vector<1x16xf32>,
        %get3A_1988 = vector.shape_cast %get3A_1987 : vector<1x16xf32> to vector<16xf32>
        %get3A_1989 = arith.index_cast %add3A_1938 : i32 to index
        %get3A_1990 = arith.constant 32 : index
        %get3A_1991 = tpu.vector_load %arg12[%get3A_1989, %get3A_1990] {strides = array<i32>} : memref<64x128xf32, #tpu.memory_space<vmem>>, vector<1x16xf32>,
        %get3A_1992 = vector.shape_cast %get3A_1991 : vector<1x16xf32> to vector<16xf32>
        %add3A_1993 = arith.addf %get3A_1988, %get3A_1992 : vector<16xf32>
        %mul3A_1994 = vector.broadcast %squeeze3A_1942 : f32 to vector<16xf32>
        %mul3A_1995 = arith.mulf %add3A_1993, %mul3A_1994 : vector<16xf32>
        %add3A_1996 = vector.broadcast %squeeze3A_1944 : f32 to vector<16xf32>
        %add3A_1997 = arith.addf %mul3A_1995, %add3A_1996 : vector<16xf32>
        %mul3A_1998 = arith.mulf %add3A_1997, %get3A_21 : vector<16xf32>
        %add3A_1999 = arith.addf %mul3A_1998, %get3A_45 : vector<16xf32>
        %swap3A_2000 = arith.index_cast %add3A_1938 : i32 to index
        %swap3A_2001 = arith.constant 32 : index
        %swap3A_2002 = tpu.vector_load %arg18[%swap3A_2000, %swap3A_2001] {strides = array<i32>} : memref<64x128xf32, #tpu.memory_space<vmem>>, vector<1x16xf32>,
        %swap3A_2003 = vector.shape_cast %swap3A_2002 : vector<1x16xf32> to vector<16xf32>
        %swap3A_2004 = vector.shape_cast %add3A_1999 : vector<16xf32> to vector<1x16xf32>
        tpu.vector_store %arg18[%swap3A_2000, %swap3A_2001], %swap3A_2004 {strides = array<i32>} : memref<64x128xf32, #tpu.memory_space<vmem>>, vector<1x16xf32>,
        %get3A_2005 = arith.index_cast %squeeze3A_1940 : i32 to index
        %get3A_2006 = arith.constant 48 : index
        %get3A_2007 = tpu.vector_load %arg13[%get3A_2005, %get3A_2006] {strides = array<i32>} : memref<64x128xf32, #tpu.memory_space<vmem>>, vector<1x16xf32>,
        %get3A_2008 = vector.shape_cast %get3A_2007 : vector<1x16xf32> to vector<16xf32>
        %get3A_2009 = arith.index_cast %add3A_1938 : i32 to index
        %get3A_2010 = arith.constant 48 : index
        %get3A_2011 = tpu.vector_load %arg12[%get3A_2009, %get3A_2010] {strides = array<i32>} : memref<64x128xf32, #tpu.memory_space<vmem>>, vector<1x16xf32>,
        %get3A_2012 = vector.shape_cast %get3A_2011 : vector<1x16xf32> to vector<16xf32>
        %add3A_2013 = arith.addf %get3A_2008, %get3A_2012 : vector<16xf32>
        %mul3A_2014 = vector.broadcast %squeeze3A_1942 : f32 to vector<16xf32>
        %mul3A_2015 = arith.mulf %add3A_2013, %mul3A_2014 : vector<16xf32>
        %add3A_2016 = vector.broadcast %squeeze3A_1944 : f32 to vector<16xf32>
        %add3A_2017 = arith.addf %mul3A_2015, %add3A_2016 : vector<16xf32>
        %mul3A_2018 = arith.mulf %add3A_2017, %get3A_24 : vector<16xf32>
        %add3A_2019 = arith.addf %mul3A_2018, %get3A_48 : vector<16xf32>
        %swap3A_2020 = arith.index_cast %add3A_1938 : i32 to index
        %swap3A_2021 = arith.constant 48 : index
        %swap3A_2022 = tpu.vector_load %arg18[%swap3A_2020, %swap3A_2021] {strides = array<i32>} : memref<64x128xf32, #tpu.memory_space<vmem>>, vector<1x16xf32>,
        %swap3A_2023 = vector.shape_cast %swap3A_2022 : vector<1x16xf32> to vector<16xf32>
        %swap3A_2024 = vector.shape_cast %add3A_2019 : vector<16xf32> to vector<1x16xf32>
        tpu.vector_store %arg18[%swap3A_2020, %swap3A_2021], %swap3A_2024 {strides = array<i32>} : memref<64x128xf32, #tpu.memory_space<vmem>>, vector<1x16xf32>,
        %get3A_2025 = arith.index_cast %squeeze3A_1940 : i32 to index
        %get3A_2026 = arith.constant 64 : index
        %get3A_2027 = tpu.vector_load %arg13[%get3A_2025, %get3A_2026] {strides = array<i32>} : memref<64x128xf32, #tpu.memory_space<vmem>>, vector<1x16xf32>,
        %get3A_2028 = vector.shape_cast %get3A_2027 : vector<1x16xf32> to vector<16xf32>
        %get3A_2029 = arith.index_cast %add3A_1938 : i32 to index
        %get3A_2030 = arith.constant 64 : index
        %get3A_2031 = tpu.vector_load %arg12[%get3A_2029, %get3A_2030] {strides = array<i32>} : memref<64x128xf32, #tpu.memory_space<vmem>>, vector<1x16xf32>,
        %get3A_2032 = vector.shape_cast %get3A_2031 : vector<1x16xf32> to vector<16xf32>
        %add3A_2033 = arith.addf %get3A_2028, %get3A_2032 : vector<16xf32>
        %mul3A_2034 = vector.broadcast %squeeze3A_1942 : f32 to vector<16xf32>
        %mul3A_2035 = arith.mulf %add3A_2033, %mul3A_2034 : vector<16xf32>
        %add3A_2036 = vector.broadcast %squeeze3A_1944 : f32 to vector<16xf32>
        %add3A_2037 = arith.addf %mul3A_2035, %add3A_2036 : vector<16xf32>
        %mul3A_2038 = arith.mulf %add3A_2037, %get3A_27 : vector<16xf32>
        %add3A_2039 = arith.addf %mul3A_2038, %get3A_51 : vector<16xf32>
        %swap3A_2040 = arith.index_cast %add3A_1938 : i32 to index
        %swap3A_2041 = arith.constant 64 : index
        %swap3A_2042 = tpu.vector_load %arg18[%swap3A_2040, %swap3A_2041] {strides = array<i32>} : memref<64x128xf32, #tpu.memory_space<vmem>>, vector<1x16xf32>,
        %swap3A_2043 = vector.shape_cast %swap3A_2042 : vector<1x16xf32> to vector<16xf32>
        %swap3A_2044 = vector.shape_cast %add3A_2039 : vector<16xf32> to vector<1x16xf32>
        tpu.vector_store %arg18[%swap3A_2040, %swap3A_2041], %swap3A_2044 {strides = array<i32>} : memref<64x128xf32, #tpu.memory_space<vmem>>, vector<1x16xf32>,
        %get3A_2045 = arith.index_cast %squeeze3A_1940 : i32 to index
        %get3A_2046 = arith.constant 80 : index
        %get3A_2047 = tpu.vector_load %arg13[%get3A_2045, %get3A_2046] {strides = array<i32>} : memref<64x128xf32, #tpu.memory_space<vmem>>, vector<1x16xf32>,
        %get3A_2048 = vector.shape_cast %get3A_2047 : vector<1x16xf32> to vector<16xf32>
        %get3A_2049 = arith.index_cast %add3A_1938 : i32 to index
        %get3A_2050 = arith.constant 80 : index
        %get3A_2051 = tpu.vector_load %arg12[%get3A_2049, %get3A_2050] {strides = array<i32>} : memref<64x128xf32, #tpu.memory_space<vmem>>, vector<1x16xf32>,
        %get3A_2052 = vector.shape_cast %get3A_2051 : vector<1x16xf32> to vector<16xf32>
        %add3A_2053 = arith.addf %get3A_2048, %get3A_2052 : vector<16xf32>
        %mul3A_2054 = vector.broadcast %squeeze3A_1942 : f32 to vector<16xf32>
        %mul3A_2055 = arith.mulf %add3A_2053, %mul3A_2054 : vector<16xf32>
        %add3A_2056 = vector.broadcast %squeeze3A_1944 : f32 to vector<16xf32>
        %add3A_2057 = arith.addf %mul3A_2055, %add3A_2056 : vector<16xf32>
        %mul3A_2058 = arith.mulf %add3A_2057, %get3A_30 : vector<16xf32>
        %add3A_2059 = arith.addf %mul3A_2058, %get3A_54 : vector<16xf32>
        %swap3A_2060 = arith.index_cast %add3A_1938 : i32 to index
        %swap3A_2061 = arith.constant 80 : index
        %swap3A_2062 = tpu.vector_load %arg18[%swap3A_2060, %swap3A_2061] {strides = array<i32>} : memref<64x128xf32, #tpu.memory_space<vmem>>, vector<1x16xf32>,
        %swap3A_2063 = vector.shape_cast %swap3A_2062 : vector<1x16xf32> to vector<16xf32>
        %swap3A_2064 = vector.shape_cast %add3A_2059 : vector<16xf32> to vector<1x16xf32>
        tpu.vector_store %arg18[%swap3A_2060, %swap3A_2061], %swap3A_2064 {strides = array<i32>} : memref<64x128xf32, #tpu.memory_space<vmem>>, vector<1x16xf32>,
        %get3A_2065 = arith.index_cast %squeeze3A_1940 : i32 to index
        %get3A_2066 = arith.constant 96 : index
        %get3A_2067 = tpu.vector_load %arg13[%get3A_2065, %get3A_2066] {strides = array<i32>} : memref<64x128xf32, #tpu.memory_space<vmem>>, vector<1x16xf32>,
        %get3A_2068 = vector.shape_cast %get3A_2067 : vector<1x16xf32> to vector<16xf32>
        %get3A_2069 = arith.index_cast %add3A_1938 : i32 to index
        %get3A_2070 = arith.constant 96 : index
        %get3A_2071 = tpu.vector_load %arg12[%get3A_2069, %get3A_2070] {strides = array<i32>} : memref<64x128xf32, #tpu.memory_space<vmem>>, vector<1x16xf32>,
        %get3A_2072 = vector.shape_cast %get3A_2071 : vector<1x16xf32> to vector<16xf32>
        %add3A_2073 = arith.addf %get3A_2068, %get3A_2072 : vector<16xf32>
        %mul3A_2074 = vector.broadcast %squeeze3A_1942 : f32 to vector<16xf32>
        %mul3A_2075 = arith.mulf %add3A_2073, %mul3A_2074 : vector<16xf32>
        %add3A_2076 = vector.broadcast %squeeze3A_1944 : f32 to vector<16xf32>
        %add3A_2077 = arith.addf %mul3A_2075, %add3A_2076 : vector<16xf32>
        %mul3A_2078 = arith.mulf %add3A_2077, %get3A_33 : vector<16xf32>
        %add3A_2079 = arith.addf %mul3A_2078, %get3A_57 : vector<16xf32>
        %swap3A_2080 = arith.index_cast %add3A_1938 : i32 to index
        %swap3A_2081 = arith.constant 96 : index
        %swap3A_2082 = tpu.vector_load %arg18[%swap3A_2080, %swap3A_2081] {strides = array<i32>} : memref<64x128xf32, #tpu.memory_space<vmem>>, vector<1x16xf32>,
        %swap3A_2083 = vector.shape_cast %swap3A_2082 : vector<1x16xf32> to vector<16xf32>
        %swap3A_2084 = vector.shape_cast %add3A_2079 : vector<16xf32> to vector<1x16xf32>
        tpu.vector_store %arg18[%swap3A_2080, %swap3A_2081], %swap3A_2084 {strides = array<i32>} : memref<64x128xf32, #tpu.memory_space<vmem>>, vector<1x16xf32>,
        %get3A_2085 = arith.index_cast %squeeze3A_1940 : i32 to index
        %get3A_2086 = arith.constant 112 : index
        %get3A_2087 = tpu.vector_load %arg13[%get3A_2085, %get3A_2086] {strides = array<i32>} : memref<64x128xf32, #tpu.memory_space<vmem>>, vector<1x16xf32>,
        %get3A_2088 = vector.shape_cast %get3A_2087 : vector<1x16xf32> to vector<16xf32>
        %get3A_2089 = arith.index_cast %add3A_1938 : i32 to index
        %get3A_2090 = arith.constant 112 : index
        %get3A_2091 = tpu.vector_load %arg12[%get3A_2089, %get3A_2090] {strides = array<i32>} : memref<64x128xf32, #tpu.memory_space<vmem>>, vector<1x16xf32>,
        %get3A_2092 = vector.shape_cast %get3A_2091 : vector<1x16xf32> to vector<16xf32>
        %add3A_2093 = arith.addf %get3A_2088, %get3A_2092 : vector<16xf32>
        %mul3A_2094 = vector.broadcast %squeeze3A_1942 : f32 to vector<16xf32>
        %mul3A_2095 = arith.mulf %add3A_2093, %mul3A_2094 : vector<16xf32>
        %add3A_2096 = vector.broadcast %squeeze3A_1944 : f32 to vector<16xf32>
        %add3A_2097 = arith.addf %mul3A_2095, %add3A_2096 : vector<16xf32>
        %mul3A_2098 = arith.mulf %add3A_2097, %get3A_36 : vector<16xf32>
        %add3A_2099 = arith.addf %mul3A_2098, %get3A_60 : vector<16xf32>
        %swap3A_2100 = arith.index_cast %add3A_1938 : i32 to index
        %swap3A_2101 = arith.constant 112 : index
        %swap3A_2102 = tpu.vector_load %arg18[%swap3A_2100, %swap3A_2101] {strides = array<i32>} : memref<64x128xf32, #tpu.memory_space<vmem>>, vector<1x16xf32>,
        %swap3A_2103 = vector.shape_cast %swap3A_2102 : vector<1x16xf32> to vector<16xf32>
        %swap3A_2104 = vector.shape_cast %add3A_2099 : vector<16xf32> to vector<1x16xf32>
        tpu.vector_store %arg18[%swap3A_2100, %swap3A_2101], %swap3A_2104 {strides = array<i32>} : memref<64x128xf32, #tpu.memory_space<vmem>>, vector<1x16xf32>,
        %add3A_2105 = arith.constant 12 : i32
        %add3A_2106 = arith.addi %mul3A_76, %add3A_2105 : i32
        %slice3A_2107 = vector.extract_strided_slice %get3A_82 {offsets = [12], sizes = [1], strides = [1]} : vector<16xi32> to vector<1xi32>
        %squeeze3A_2108 = vector.extract %slice3A_2107[0] : i32 from vector<1xi32>
        %slice3A_2109 = vector.extract_strided_slice %get3A_85 {offsets = [12], sizes = [1], strides = [1]} : vector<16xf32> to vector<1xf32>
        %squeeze3A_2110 = vector.extract %slice3A_2109[0] : f32 from vector<1xf32>
        %slice3A_2111 = vector.extract_strided_slice %mul3A_91 {offsets = [12], sizes = [1], strides = [1]} : vector<16xf32> to vector<1xf32>
        %squeeze3A_2112 = vector.extract %slice3A_2111[0] : f32 from vector<1xf32>
        %get3A_2113 = arith.index_cast %squeeze3A_2108 : i32 to index
        %get3A_2114 = arith.constant 0 : index
        %get3A_2115 = tpu.vector_load %arg13[%get3A_2113, %get3A_2114] {strides = array<i32>} : memref<64x128xf32, #tpu.memory_space<vmem>>, vector<1x16xf32>,
        %get3A_2116 = vector.shape_cast %get3A_2115 : vector<1x16xf32> to vector<16xf32>
        %get3A_2117 = arith.index_cast %add3A_2106 : i32 to index
        %get3A_2118 = arith.constant 0 : index
        %get3A_2119 = tpu.vector_load %arg12[%get3A_2117, %get3A_2118] {strides = array<i32>} : memref<64x128xf32, #tpu.memory_space<vmem>>, vector<1x16xf32>,
        %get3A_2120 = vector.shape_cast %get3A_2119 : vector<1x16xf32> to vector<16xf32>
        %add3A_2121 = arith.addf %get3A_2116, %get3A_2120 : vector<16xf32>
        %mul3A_2122 = vector.broadcast %squeeze3A_2110 : f32 to vector<16xf32>
        %mul3A_2123 = arith.mulf %add3A_2121, %mul3A_2122 : vector<16xf32>
        %add3A_2124 = vector.broadcast %squeeze3A_2112 : f32 to vector<16xf32>
        %add3A_2125 = arith.addf %mul3A_2123, %add3A_2124 : vector<16xf32>
        %mul3A_2126 = arith.mulf %add3A_2125, %get3A_15 : vector<16xf32>
        %add3A_2127 = arith.addf %mul3A_2126, %get3A_39 : vector<16xf32>
        %swap3A_2128 = arith.index_cast %add3A_2106 : i32 to index
        %swap3A_2129 = arith.constant 0 : index
        %swap3A_2130 = tpu.vector_load %arg18[%swap3A_2128, %swap3A_2129] {strides = array<i32>} : memref<64x128xf32, #tpu.memory_space<vmem>>, vector<1x16xf32>,
        %swap3A_2131 = vector.shape_cast %swap3A_2130 : vector<1x16xf32> to vector<16xf32>
        %swap3A_2132 = vector.shape_cast %add3A_2127 : vector<16xf32> to vector<1x16xf32>
        tpu.vector_store %arg18[%swap3A_2128, %swap3A_2129], %swap3A_2132 {strides = array<i32>} : memref<64x128xf32, #tpu.memory_space<vmem>>, vector<1x16xf32>,
        %get3A_2133 = arith.index_cast %squeeze3A_2108 : i32 to index
        %get3A_2134 = arith.constant 16 : index
        %get3A_2135 = tpu.vector_load %arg13[%get3A_2133, %get3A_2134] {strides = array<i32>} : memref<64x128xf32, #tpu.memory_space<vmem>>, vector<1x16xf32>,
        %get3A_2136 = vector.shape_cast %get3A_2135 : vector<1x16xf32> to vector<16xf32>
        %get3A_2137 = arith.index_cast %add3A_2106 : i32 to index
        %get3A_2138 = arith.constant 16 : index
        %get3A_2139 = tpu.vector_load %arg12[%get3A_2137, %get3A_2138] {strides = array<i32>} : memref<64x128xf32, #tpu.memory_space<vmem>>, vector<1x16xf32>,
        %get3A_2140 = vector.shape_cast %get3A_2139 : vector<1x16xf32> to vector<16xf32>
        %add3A_2141 = arith.addf %get3A_2136, %get3A_2140 : vector<16xf32>
        %mul3A_2142 = vector.broadcast %squeeze3A_2110 : f32 to vector<16xf32>
        %mul3A_2143 = arith.mulf %add3A_2141, %mul3A_2142 : vector<16xf32>
        %add3A_2144 = vector.broadcast %squeeze3A_2112 : f32 to vector<16xf32>
        %add3A_2145 = arith.addf %mul3A_2143, %add3A_2144 : vector<16xf32>
        %mul3A_2146 = arith.mulf %add3A_2145, %get3A_18 : vector<16xf32>
        %add3A_2147 = arith.addf %mul3A_2146, %get3A_42 : vector<16xf32>
        %swap3A_2148 = arith.index_cast %add3A_2106 : i32 to index
        %swap3A_2149 = arith.constant 16 : index
        %swap3A_2150 = tpu.vector_load %arg18[%swap3A_2148, %swap3A_2149] {strides = array<i32>} : memref<64x128xf32, #tpu.memory_space<vmem>>, vector<1x16xf32>,
        %swap3A_2151 = vector.shape_cast %swap3A_2150 : vector<1x16xf32> to vector<16xf32>
        %swap3A_2152 = vector.shape_cast %add3A_2147 : vector<16xf32> to vector<1x16xf32>
        tpu.vector_store %arg18[%swap3A_2148, %swap3A_2149], %swap3A_2152 {strides = array<i32>} : memref<64x128xf32, #tpu.memory_space<vmem>>, vector<1x16xf32>,
        %get3A_2153 = arith.index_cast %squeeze3A_2108 : i32 to index
        %get3A_2154 = arith.constant 32 : index
        %get3A_2155 = tpu.vector_load %arg13[%get3A_2153, %get3A_2154] {strides = array<i32>} : memref<64x128xf32, #tpu.memory_space<vmem>>, vector<1x16xf32>,
        %get3A_2156 = vector.shape_cast %get3A_2155 : vector<1x16xf32> to vector<16xf32>
        %get3A_2157 = arith.index_cast %add3A_2106 : i32 to index
        %get3A_2158 = arith.constant 32 : index
        %get3A_2159 = tpu.vector_load %arg12[%get3A_2157, %get3A_2158] {strides = array<i32>} : memref<64x128xf32, #tpu.memory_space<vmem>>, vector<1x16xf32>,
        %get3A_2160 = vector.shape_cast %get3A_2159 : vector<1x16xf32> to vector<16xf32>
        %add3A_2161 = arith.addf %get3A_2156, %get3A_2160 : vector<16xf32>
        %mul3A_2162 = vector.broadcast %squeeze3A_2110 : f32 to vector<16xf32>
        %mul3A_2163 = arith.mulf %add3A_2161, %mul3A_2162 : vector<16xf32>
        %add3A_2164 = vector.broadcast %squeeze3A_2112 : f32 to vector<16xf32>
        %add3A_2165 = arith.addf %mul3A_2163, %add3A_2164 : vector<16xf32>
        %mul3A_2166 = arith.mulf %add3A_2165, %get3A_21 : vector<16xf32>
        %add3A_2167 = arith.addf %mul3A_2166, %get3A_45 : vector<16xf32>
        %swap3A_2168 = arith.index_cast %add3A_2106 : i32 to index
        %swap3A_2169 = arith.constant 32 : index
        %swap3A_2170 = tpu.vector_load %arg18[%swap3A_2168, %swap3A_2169] {strides = array<i32>} : memref<64x128xf32, #tpu.memory_space<vmem>>, vector<1x16xf32>,
        %swap3A_2171 = vector.shape_cast %swap3A_2170 : vector<1x16xf32> to vector<16xf32>
        %swap3A_2172 = vector.shape_cast %add3A_2167 : vector<16xf32> to vector<1x16xf32>
        tpu.vector_store %arg18[%swap3A_2168, %swap3A_2169], %swap3A_2172 {strides = array<i32>} : memref<64x128xf32, #tpu.memory_space<vmem>>, vector<1x16xf32>,
        %get3A_2173 = arith.index_cast %squeeze3A_2108 : i32 to index
        %get3A_2174 = arith.constant 48 : index
        %get3A_2175 = tpu.vector_load %arg13[%get3A_2173, %get3A_2174] {strides = array<i32>} : memref<64x128xf32, #tpu.memory_space<vmem>>, vector<1x16xf32>,
        %get3A_2176 = vector.shape_cast %get3A_2175 : vector<1x16xf32> to vector<16xf32>
        %get3A_2177 = arith.index_cast %add3A_2106 : i32 to index
        %get3A_2178 = arith.constant 48 : index
        %get3A_2179 = tpu.vector_load %arg12[%get3A_2177, %get3A_2178] {strides = array<i32>} : memref<64x128xf32, #tpu.memory_space<vmem>>, vector<1x16xf32>,
        %get3A_2180 = vector.shape_cast %get3A_2179 : vector<1x16xf32> to vector<16xf32>
        %add3A_2181 = arith.addf %get3A_2176, %get3A_2180 : vector<16xf32>
        %mul3A_2182 = vector.broadcast %squeeze3A_2110 : f32 to vector<16xf32>
        %mul3A_2183 = arith.mulf %add3A_2181, %mul3A_2182 : vector<16xf32>
        %add3A_2184 = vector.broadcast %squeeze3A_2112 : f32 to vector<16xf32>
        %add3A_2185 = arith.addf %mul3A_2183, %add3A_2184 : vector<16xf32>
        %mul3A_2186 = arith.mulf %add3A_2185, %get3A_24 : vector<16xf32>
        %add3A_2187 = arith.addf %mul3A_2186, %get3A_48 : vector<16xf32>
        %swap3A_2188 = arith.index_cast %add3A_2106 : i32 to index
        %swap3A_2189 = arith.constant 48 : index
        %swap3A_2190 = tpu.vector_load %arg18[%swap3A_2188, %swap3A_2189] {strides = array<i32>} : memref<64x128xf32, #tpu.memory_space<vmem>>, vector<1x16xf32>,
        %swap3A_2191 = vector.shape_cast %swap3A_2190 : vector<1x16xf32> to vector<16xf32>
        %swap3A_2192 = vector.shape_cast %add3A_2187 : vector<16xf32> to vector<1x16xf32>
        tpu.vector_store %arg18[%swap3A_2188, %swap3A_2189], %swap3A_2192 {strides = array<i32>} : memref<64x128xf32, #tpu.memory_space<vmem>>, vector<1x16xf32>,
        %get3A_2193 = arith.index_cast %squeeze3A_2108 : i32 to index
        %get3A_2194 = arith.constant 64 : index
        %get3A_2195 = tpu.vector_load %arg13[%get3A_2193, %get3A_2194] {strides = array<i32>} : memref<64x128xf32, #tpu.memory_space<vmem>>, vector<1x16xf32>,
        %get3A_2196 = vector.shape_cast %get3A_2195 : vector<1x16xf32> to vector<16xf32>
        %get3A_2197 = arith.index_cast %add3A_2106 : i32 to index
        %get3A_2198 = arith.constant 64 : index
        %get3A_2199 = tpu.vector_load %arg12[%get3A_2197, %get3A_2198] {strides = array<i32>} : memref<64x128xf32, #tpu.memory_space<vmem>>, vector<1x16xf32>,
        %get3A_2200 = vector.shape_cast %get3A_2199 : vector<1x16xf32> to vector<16xf32>
        %add3A_2201 = arith.addf %get3A_2196, %get3A_2200 : vector<16xf32>
        %mul3A_2202 = vector.broadcast %squeeze3A_2110 : f32 to vector<16xf32>
        %mul3A_2203 = arith.mulf %add3A_2201, %mul3A_2202 : vector<16xf32>
        %add3A_2204 = vector.broadcast %squeeze3A_2112 : f32 to vector<16xf32>
        %add3A_2205 = arith.addf %mul3A_2203, %add3A_2204 : vector<16xf32>
        %mul3A_2206 = arith.mulf %add3A_2205, %get3A_27 : vector<16xf32>
        %add3A_2207 = arith.addf %mul3A_2206, %get3A_51 : vector<16xf32>
        %swap3A_2208 = arith.index_cast %add3A_2106 : i32 to index
        %swap3A_2209 = arith.constant 64 : index
        %swap3A_2210 = tpu.vector_load %arg18[%swap3A_2208, %swap3A_2209] {strides = array<i32>} : memref<64x128xf32, #tpu.memory_space<vmem>>, vector<1x16xf32>,
        %swap3A_2211 = vector.shape_cast %swap3A_2210 : vector<1x16xf32> to vector<16xf32>
        %swap3A_2212 = vector.shape_cast %add3A_2207 : vector<16xf32> to vector<1x16xf32>
        tpu.vector_store %arg18[%swap3A_2208, %swap3A_2209], %swap3A_2212 {strides = array<i32>} : memref<64x128xf32, #tpu.memory_space<vmem>>, vector<1x16xf32>,
        %get3A_2213 = arith.index_cast %squeeze3A_2108 : i32 to index
        %get3A_2214 = arith.constant 80 : index
        %get3A_2215 = tpu.vector_load %arg13[%get3A_2213, %get3A_2214] {strides = array<i32>} : memref<64x128xf32, #tpu.memory_space<vmem>>, vector<1x16xf32>,
        %get3A_2216 = vector.shape_cast %get3A_2215 : vector<1x16xf32> to vector<16xf32>
        %get3A_2217 = arith.index_cast %add3A_2106 : i32 to index
        %get3A_2218 = arith.constant 80 : index
        %get3A_2219 = tpu.vector_load %arg12[%get3A_2217, %get3A_2218] {strides = array<i32>} : memref<64x128xf32, #tpu.memory_space<vmem>>, vector<1x16xf32>,
        %get3A_2220 = vector.shape_cast %get3A_2219 : vector<1x16xf32> to vector<16xf32>
        %add3A_2221 = arith.addf %get3A_2216, %get3A_2220 : vector<16xf32>
        %mul3A_2222 = vector.broadcast %squeeze3A_2110 : f32 to vector<16xf32>
        %mul3A_2223 = arith.mulf %add3A_2221, %mul3A_2222 : vector<16xf32>
        %add3A_2224 = vector.broadcast %squeeze3A_2112 : f32 to vector<16xf32>
        %add3A_2225 = arith.addf %mul3A_2223, %add3A_2224 : vector<16xf32>
        %mul3A_2226 = arith.mulf %add3A_2225, %get3A_30 : vector<16xf32>
        %add3A_2227 = arith.addf %mul3A_2226, %get3A_54 : vector<16xf32>
        %swap3A_2228 = arith.index_cast %add3A_2106 : i32 to index
        %swap3A_2229 = arith.constant 80 : index
        %swap3A_2230 = tpu.vector_load %arg18[%swap3A_2228, %swap3A_2229] {strides = array<i32>} : memref<64x128xf32, #tpu.memory_space<vmem>>, vector<1x16xf32>,
        %swap3A_2231 = vector.shape_cast %swap3A_2230 : vector<1x16xf32> to vector<16xf32>
        %swap3A_2232 = vector.shape_cast %add3A_2227 : vector<16xf32> to vector<1x16xf32>
        tpu.vector_store %arg18[%swap3A_2228, %swap3A_2229], %swap3A_2232 {strides = array<i32>} : memref<64x128xf32, #tpu.memory_space<vmem>>, vector<1x16xf32>,
        %get3A_2233 = arith.index_cast %squeeze3A_2108 : i32 to index
        %get3A_2234 = arith.constant 96 : index
        %get3A_2235 = tpu.vector_load %arg13[%get3A_2233, %get3A_2234] {strides = array<i32>} : memref<64x128xf32, #tpu.memory_space<vmem>>, vector<1x16xf32>,
        %get3A_2236 = vector.shape_cast %get3A_2235 : vector<1x16xf32> to vector<16xf32>
        %get3A_2237 = arith.index_cast %add3A_2106 : i32 to index
        %get3A_2238 = arith.constant 96 : index
        %get3A_2239 = tpu.vector_load %arg12[%get3A_2237, %get3A_2238] {strides = array<i32>} : memref<64x128xf32, #tpu.memory_space<vmem>>, vector<1x16xf32>,
        %get3A_2240 = vector.shape_cast %get3A_2239 : vector<1x16xf32> to vector<16xf32>
        %add3A_2241 = arith.addf %get3A_2236, %get3A_2240 : vector<16xf32>
        %mul3A_2242 = vector.broadcast %squeeze3A_2110 : f32 to vector<16xf32>
        %mul3A_2243 = arith.mulf %add3A_2241, %mul3A_2242 : vector<16xf32>
        %add3A_2244 = vector.broadcast %squeeze3A_2112 : f32 to vector<16xf32>
        %add3A_2245 = arith.addf %mul3A_2243, %add3A_2244 : vector<16xf32>
        %mul3A_2246 = arith.mulf %add3A_2245, %get3A_33 : vector<16xf32>
        %add3A_2247 = arith.addf %mul3A_2246, %get3A_57 : vector<16xf32>
        %swap3A_2248 = arith.index_cast %add3A_2106 : i32 to index
        %swap3A_2249 = arith.constant 96 : index
        %swap3A_2250 = tpu.vector_load %arg18[%swap3A_2248, %swap3A_2249] {strides = array<i32>} : memref<64x128xf32, #tpu.memory_space<vmem>>, vector<1x16xf32>,
        %swap3A_2251 = vector.shape_cast %swap3A_2250 : vector<1x16xf32> to vector<16xf32>
        %swap3A_2252 = vector.shape_cast %add3A_2247 : vector<16xf32> to vector<1x16xf32>
        tpu.vector_store %arg18[%swap3A_2248, %swap3A_2249], %swap3A_2252 {strides = array<i32>} : memref<64x128xf32, #tpu.memory_space<vmem>>, vector<1x16xf32>,
        %get3A_2253 = arith.index_cast %squeeze3A_2108 : i32 to index
        %get3A_2254 = arith.constant 112 : index
        %get3A_2255 = tpu.vector_load %arg13[%get3A_2253, %get3A_2254] {strides = array<i32>} : memref<64x128xf32, #tpu.memory_space<vmem>>, vector<1x16xf32>,
        %get3A_2256 = vector.shape_cast %get3A_2255 : vector<1x16xf32> to vector<16xf32>
        %get3A_2257 = arith.index_cast %add3A_2106 : i32 to index
        %get3A_2258 = arith.constant 112 : index
        %get3A_2259 = tpu.vector_load %arg12[%get3A_2257, %get3A_2258] {strides = array<i32>} : memref<64x128xf32, #tpu.memory_space<vmem>>, vector<1x16xf32>,
        %get3A_2260 = vector.shape_cast %get3A_2259 : vector<1x16xf32> to vector<16xf32>
        %add3A_2261 = arith.addf %get3A_2256, %get3A_2260 : vector<16xf32>
        %mul3A_2262 = vector.broadcast %squeeze3A_2110 : f32 to vector<16xf32>
        %mul3A_2263 = arith.mulf %add3A_2261, %mul3A_2262 : vector<16xf32>
        %add3A_2264 = vector.broadcast %squeeze3A_2112 : f32 to vector<16xf32>
        %add3A_2265 = arith.addf %mul3A_2263, %add3A_2264 : vector<16xf32>
        %mul3A_2266 = arith.mulf %add3A_2265, %get3A_36 : vector<16xf32>
        %add3A_2267 = arith.addf %mul3A_2266, %get3A_60 : vector<16xf32>
        %swap3A_2268 = arith.index_cast %add3A_2106 : i32 to index
        %swap3A_2269 = arith.constant 112 : index
        %swap3A_2270 = tpu.vector_load %arg18[%swap3A_2268, %swap3A_2269] {strides = array<i32>} : memref<64x128xf32, #tpu.memory_space<vmem>>, vector<1x16xf32>,
        %swap3A_2271 = vector.shape_cast %swap3A_2270 : vector<1x16xf32> to vector<16xf32>
        %swap3A_2272 = vector.shape_cast %add3A_2267 : vector<16xf32> to vector<1x16xf32>
        tpu.vector_store %arg18[%swap3A_2268, %swap3A_2269], %swap3A_2272 {strides = array<i32>} : memref<64x128xf32, #tpu.memory_space<vmem>>, vector<1x16xf32>,
        %add3A_2273 = arith.constant 13 : i32
        %add3A_2274 = arith.addi %mul3A_76, %add3A_2273 : i32
        %slice3A_2275 = vector.extract_strided_slice %get3A_82 {offsets = [13], sizes = [1], strides = [1]} : vector<16xi32> to vector<1xi32>
        %squeeze3A_2276 = vector.extract %slice3A_2275[0] : i32 from vector<1xi32>
        %slice3A_2277 = vector.extract_strided_slice %get3A_85 {offsets = [13], sizes = [1], strides = [1]} : vector<16xf32> to vector<1xf32>
        %squeeze3A_2278 = vector.extract %slice3A_2277[0] : f32 from vector<1xf32>
        %slice3A_2279 = vector.extract_strided_slice %mul3A_91 {offsets = [13], sizes = [1], strides = [1]} : vector<16xf32> to vector<1xf32>
        %squeeze3A_2280 = vector.extract %slice3A_2279[0] : f32 from vector<1xf32>
        %get3A_2281 = arith.index_cast %squeeze3A_2276 : i32 to index
        %get3A_2282 = arith.constant 0 : index
        %get3A_2283 = tpu.vector_load %arg13[%get3A_2281, %get3A_2282] {strides = array<i32>} : memref<64x128xf32, #tpu.memory_space<vmem>>, vector<1x16xf32>,
        %get3A_2284 = vector.shape_cast %get3A_2283 : vector<1x16xf32> to vector<16xf32>
        %get3A_2285 = arith.index_cast %add3A_2274 : i32 to index
        %get3A_2286 = arith.constant 0 : index
        %get3A_2287 = tpu.vector_load %arg12[%get3A_2285, %get3A_2286] {strides = array<i32>} : memref<64x128xf32, #tpu.memory_space<vmem>>, vector<1x16xf32>,
        %get3A_2288 = vector.shape_cast %get3A_2287 : vector<1x16xf32> to vector<16xf32>
        %add3A_2289 = arith.addf %get3A_2284, %get3A_2288 : vector<16xf32>
        %mul3A_2290 = vector.broadcast %squeeze3A_2278 : f32 to vector<16xf32>
        %mul3A_2291 = arith.mulf %add3A_2289, %mul3A_2290 : vector<16xf32>
        %add3A_2292 = vector.broadcast %squeeze3A_2280 : f32 to vector<16xf32>
        %add3A_2293 = arith.addf %mul3A_2291, %add3A_2292 : vector<16xf32>
        %mul3A_2294 = arith.mulf %add3A_2293, %get3A_15 : vector<16xf32>
        %add3A_2295 = arith.addf %mul3A_2294, %get3A_39 : vector<16xf32>
        %swap3A_2296 = arith.index_cast %add3A_2274 : i32 to index
        %swap3A_2297 = arith.constant 0 : index
        %swap3A_2298 = tpu.vector_load %arg18[%swap3A_2296, %swap3A_2297] {strides = array<i32>} : memref<64x128xf32, #tpu.memory_space<vmem>>, vector<1x16xf32>,
        %swap3A_2299 = vector.shape_cast %swap3A_2298 : vector<1x16xf32> to vector<16xf32>
        %swap3A_2300 = vector.shape_cast %add3A_2295 : vector<16xf32> to vector<1x16xf32>
        tpu.vector_store %arg18[%swap3A_2296, %swap3A_2297], %swap3A_2300 {strides = array<i32>} : memref<64x128xf32, #tpu.memory_space<vmem>>, vector<1x16xf32>,
        %get3A_2301 = arith.index_cast %squeeze3A_2276 : i32 to index
        %get3A_2302 = arith.constant 16 : index
        %get3A_2303 = tpu.vector_load %arg13[%get3A_2301, %get3A_2302] {strides = array<i32>} : memref<64x128xf32, #tpu.memory_space<vmem>>, vector<1x16xf32>,
        %get3A_2304 = vector.shape_cast %get3A_2303 : vector<1x16xf32> to vector<16xf32>
        %get3A_2305 = arith.index_cast %add3A_2274 : i32 to index
        %get3A_2306 = arith.constant 16 : index
        %get3A_2307 = tpu.vector_load %arg12[%get3A_2305, %get3A_2306] {strides = array<i32>} : memref<64x128xf32, #tpu.memory_space<vmem>>, vector<1x16xf32>,
        %get3A_2308 = vector.shape_cast %get3A_2307 : vector<1x16xf32> to vector<16xf32>
        %add3A_2309 = arith.addf %get3A_2304, %get3A_2308 : vector<16xf32>
        %mul3A_2310 = vector.broadcast %squeeze3A_2278 : f32 to vector<16xf32>
        %mul3A_2311 = arith.mulf %add3A_2309, %mul3A_2310 : vector<16xf32>
        %add3A_2312 = vector.broadcast %squeeze3A_2280 : f32 to vector<16xf32>
        %add3A_2313 = arith.addf %mul3A_2311, %add3A_2312 : vector<16xf32>
        %mul3A_2314 = arith.mulf %add3A_2313, %get3A_18 : vector<16xf32>
        %add3A_2315 = arith.addf %mul3A_2314, %get3A_42 : vector<16xf32>
        %swap3A_2316 = arith.index_cast %add3A_2274 : i32 to index
        %swap3A_2317 = arith.constant 16 : index
        %swap3A_2318 = tpu.vector_load %arg18[%swap3A_2316, %swap3A_2317] {strides = array<i32>} : memref<64x128xf32, #tpu.memory_space<vmem>>, vector<1x16xf32>,
        %swap3A_2319 = vector.shape_cast %swap3A_2318 : vector<1x16xf32> to vector<16xf32>
        %swap3A_2320 = vector.shape_cast %add3A_2315 : vector<16xf32> to vector<1x16xf32>
        tpu.vector_store %arg18[%swap3A_2316, %swap3A_2317], %swap3A_2320 {strides = array<i32>} : memref<64x128xf32, #tpu.memory_space<vmem>>, vector<1x16xf32>,
        %get3A_2321 = arith.index_cast %squeeze3A_2276 : i32 to index
        %get3A_2322 = arith.constant 32 : index
        %get3A_2323 = tpu.vector_load %arg13[%get3A_2321, %get3A_2322] {strides = array<i32>} : memref<64x128xf32, #tpu.memory_space<vmem>>, vector<1x16xf32>,
        %get3A_2324 = vector.shape_cast %get3A_2323 : vector<1x16xf32> to vector<16xf32>
        %get3A_2325 = arith.index_cast %add3A_2274 : i32 to index
        %get3A_2326 = arith.constant 32 : index
        %get3A_2327 = tpu.vector_load %arg12[%get3A_2325, %get3A_2326] {strides = array<i32>} : memref<64x128xf32, #tpu.memory_space<vmem>>, vector<1x16xf32>,
        %get3A_2328 = vector.shape_cast %get3A_2327 : vector<1x16xf32> to vector<16xf32>
        %add3A_2329 = arith.addf %get3A_2324, %get3A_2328 : vector<16xf32>
        %mul3A_2330 = vector.broadcast %squeeze3A_2278 : f32 to vector<16xf32>
        %mul3A_2331 = arith.mulf %add3A_2329, %mul3A_2330 : vector<16xf32>
        %add3A_2332 = vector.broadcast %squeeze3A_2280 : f32 to vector<16xf32>
        %add3A_2333 = arith.addf %mul3A_2331, %add3A_2332 : vector<16xf32>
        %mul3A_2334 = arith.mulf %add3A_2333, %get3A_21 : vector<16xf32>
        %add3A_2335 = arith.addf %mul3A_2334, %get3A_45 : vector<16xf32>
        %swap3A_2336 = arith.index_cast %add3A_2274 : i32 to index
        %swap3A_2337 = arith.constant 32 : index
        %swap3A_2338 = tpu.vector_load %arg18[%swap3A_2336, %swap3A_2337] {strides = array<i32>} : memref<64x128xf32, #tpu.memory_space<vmem>>, vector<1x16xf32>,
        %swap3A_2339 = vector.shape_cast %swap3A_2338 : vector<1x16xf32> to vector<16xf32>
        %swap3A_2340 = vector.shape_cast %add3A_2335 : vector<16xf32> to vector<1x16xf32>
        tpu.vector_store %arg18[%swap3A_2336, %swap3A_2337], %swap3A_2340 {strides = array<i32>} : memref<64x128xf32, #tpu.memory_space<vmem>>, vector<1x16xf32>,
        %get3A_2341 = arith.index_cast %squeeze3A_2276 : i32 to index
        %get3A_2342 = arith.constant 48 : index
        %get3A_2343 = tpu.vector_load %arg13[%get3A_2341, %get3A_2342] {strides = array<i32>} : memref<64x128xf32, #tpu.memory_space<vmem>>, vector<1x16xf32>,
        %get3A_2344 = vector.shape_cast %get3A_2343 : vector<1x16xf32> to vector<16xf32>
        %get3A_2345 = arith.index_cast %add3A_2274 : i32 to index
        %get3A_2346 = arith.constant 48 : index
        %get3A_2347 = tpu.vector_load %arg12[%get3A_2345, %get3A_2346] {strides = array<i32>} : memref<64x128xf32, #tpu.memory_space<vmem>>, vector<1x16xf32>,
        %get3A_2348 = vector.shape_cast %get3A_2347 : vector<1x16xf32> to vector<16xf32>
        %add3A_2349 = arith.addf %get3A_2344, %get3A_2348 : vector<16xf32>
        %mul3A_2350 = vector.broadcast %squeeze3A_2278 : f32 to vector<16xf32>
        %mul3A_2351 = arith.mulf %add3A_2349, %mul3A_2350 : vector<16xf32>
        %add3A_2352 = vector.broadcast %squeeze3A_2280 : f32 to vector<16xf32>
        %add3A_2353 = arith.addf %mul3A_2351, %add3A_2352 : vector<16xf32>
        %mul3A_2354 = arith.mulf %add3A_2353, %get3A_24 : vector<16xf32>
        %add3A_2355 = arith.addf %mul3A_2354, %get3A_48 : vector<16xf32>
        %swap3A_2356 = arith.index_cast %add3A_2274 : i32 to index
        %swap3A_2357 = arith.constant 48 : index
        %swap3A_2358 = tpu.vector_load %arg18[%swap3A_2356, %swap3A_2357] {strides = array<i32>} : memref<64x128xf32, #tpu.memory_space<vmem>>, vector<1x16xf32>,
        %swap3A_2359 = vector.shape_cast %swap3A_2358 : vector<1x16xf32> to vector<16xf32>
        %swap3A_2360 = vector.shape_cast %add3A_2355 : vector<16xf32> to vector<1x16xf32>
        tpu.vector_store %arg18[%swap3A_2356, %swap3A_2357], %swap3A_2360 {strides = array<i32>} : memref<64x128xf32, #tpu.memory_space<vmem>>, vector<1x16xf32>,
        %get3A_2361 = arith.index_cast %squeeze3A_2276 : i32 to index
        %get3A_2362 = arith.constant 64 : index
        %get3A_2363 = tpu.vector_load %arg13[%get3A_2361, %get3A_2362] {strides = array<i32>} : memref<64x128xf32, #tpu.memory_space<vmem>>, vector<1x16xf32>,
        %get3A_2364 = vector.shape_cast %get3A_2363 : vector<1x16xf32> to vector<16xf32>
        %get3A_2365 = arith.index_cast %add3A_2274 : i32 to index
        %get3A_2366 = arith.constant 64 : index
        %get3A_2367 = tpu.vector_load %arg12[%get3A_2365, %get3A_2366] {strides = array<i32>} : memref<64x128xf32, #tpu.memory_space<vmem>>, vector<1x16xf32>,
        %get3A_2368 = vector.shape_cast %get3A_2367 : vector<1x16xf32> to vector<16xf32>
        %add3A_2369 = arith.addf %get3A_2364, %get3A_2368 : vector<16xf32>
        %mul3A_2370 = vector.broadcast %squeeze3A_2278 : f32 to vector<16xf32>
        %mul3A_2371 = arith.mulf %add3A_2369, %mul3A_2370 : vector<16xf32>
        %add3A_2372 = vector.broadcast %squeeze3A_2280 : f32 to vector<16xf32>
        %add3A_2373 = arith.addf %mul3A_2371, %add3A_2372 : vector<16xf32>
        %mul3A_2374 = arith.mulf %add3A_2373, %get3A_27 : vector<16xf32>
        %add3A_2375 = arith.addf %mul3A_2374, %get3A_51 : vector<16xf32>
        %swap3A_2376 = arith.index_cast %add3A_2274 : i32 to index
        %swap3A_2377 = arith.constant 64 : index
        %swap3A_2378 = tpu.vector_load %arg18[%swap3A_2376, %swap3A_2377] {strides = array<i32>} : memref<64x128xf32, #tpu.memory_space<vmem>>, vector<1x16xf32>,
        %swap3A_2379 = vector.shape_cast %swap3A_2378 : vector<1x16xf32> to vector<16xf32>
        %swap3A_2380 = vector.shape_cast %add3A_2375 : vector<16xf32> to vector<1x16xf32>
        tpu.vector_store %arg18[%swap3A_2376, %swap3A_2377], %swap3A_2380 {strides = array<i32>} : memref<64x128xf32, #tpu.memory_space<vmem>>, vector<1x16xf32>,
        %get3A_2381 = arith.index_cast %squeeze3A_2276 : i32 to index
        %get3A_2382 = arith.constant 80 : index
        %get3A_2383 = tpu.vector_load %arg13[%get3A_2381, %get3A_2382] {strides = array<i32>} : memref<64x128xf32, #tpu.memory_space<vmem>>, vector<1x16xf32>,
        %get3A_2384 = vector.shape_cast %get3A_2383 : vector<1x16xf32> to vector<16xf32>
        %get3A_2385 = arith.index_cast %add3A_2274 : i32 to index
        %get3A_2386 = arith.constant 80 : index
        %get3A_2387 = tpu.vector_load %arg12[%get3A_2385, %get3A_2386] {strides = array<i32>} : memref<64x128xf32, #tpu.memory_space<vmem>>, vector<1x16xf32>,
        %get3A_2388 = vector.shape_cast %get3A_2387 : vector<1x16xf32> to vector<16xf32>
        %add3A_2389 = arith.addf %get3A_2384, %get3A_2388 : vector<16xf32>
        %mul3A_2390 = vector.broadcast %squeeze3A_2278 : f32 to vector<16xf32>
        %mul3A_2391 = arith.mulf %add3A_2389, %mul3A_2390 : vector<16xf32>
        %add3A_2392 = vector.broadcast %squeeze3A_2280 : f32 to vector<16xf32>
        %add3A_2393 = arith.addf %mul3A_2391, %add3A_2392 : vector<16xf32>
        %mul3A_2394 = arith.mulf %add3A_2393, %get3A_30 : vector<16xf32>
        %add3A_2395 = arith.addf %mul3A_2394, %get3A_54 : vector<16xf32>
        %swap3A_2396 = arith.index_cast %add3A_2274 : i32 to index
        %swap3A_2397 = arith.constant 80 : index
        %swap3A_2398 = tpu.vector_load %arg18[%swap3A_2396, %swap3A_2397] {strides = array<i32>} : memref<64x128xf32, #tpu.memory_space<vmem>>, vector<1x16xf32>,
        %swap3A_2399 = vector.shape_cast %swap3A_2398 : vector<1x16xf32> to vector<16xf32>
        %swap3A_2400 = vector.shape_cast %add3A_2395 : vector<16xf32> to vector<1x16xf32>
        tpu.vector_store %arg18[%swap3A_2396, %swap3A_2397], %swap3A_2400 {strides = array<i32>} : memref<64x128xf32, #tpu.memory_space<vmem>>, vector<1x16xf32>,
        %get3A_2401 = arith.index_cast %squeeze3A_2276 : i32 to index
        %get3A_2402 = arith.constant 96 : index
        %get3A_2403 = tpu.vector_load %arg13[%get3A_2401, %get3A_2402] {strides = array<i32>} : memref<64x128xf32, #tpu.memory_space<vmem>>, vector<1x16xf32>,
        %get3A_2404 = vector.shape_cast %get3A_2403 : vector<1x16xf32> to vector<16xf32>
        %get3A_2405 = arith.index_cast %add3A_2274 : i32 to index
        %get3A_2406 = arith.constant 96 : index
        %get3A_2407 = tpu.vector_load %arg12[%get3A_2405, %get3A_2406] {strides = array<i32>} : memref<64x128xf32, #tpu.memory_space<vmem>>, vector<1x16xf32>,
        %get3A_2408 = vector.shape_cast %get3A_2407 : vector<1x16xf32> to vector<16xf32>
        %add3A_2409 = arith.addf %get3A_2404, %get3A_2408 : vector<16xf32>
        %mul3A_2410 = vector.broadcast %squeeze3A_2278 : f32 to vector<16xf32>
        %mul3A_2411 = arith.mulf %add3A_2409, %mul3A_2410 : vector<16xf32>
        %add3A_2412 = vector.broadcast %squeeze3A_2280 : f32 to vector<16xf32>
        %add3A_2413 = arith.addf %mul3A_2411, %add3A_2412 : vector<16xf32>
        %mul3A_2414 = arith.mulf %add3A_2413, %get3A_33 : vector<16xf32>
        %add3A_2415 = arith.addf %mul3A_2414, %get3A_57 : vector<16xf32>
        %swap3A_2416 = arith.index_cast %add3A_2274 : i32 to index
        %swap3A_2417 = arith.constant 96 : index
        %swap3A_2418 = tpu.vector_load %arg18[%swap3A_2416, %swap3A_2417] {strides = array<i32>} : memref<64x128xf32, #tpu.memory_space<vmem>>, vector<1x16xf32>,
        %swap3A_2419 = vector.shape_cast %swap3A_2418 : vector<1x16xf32> to vector<16xf32>
        %swap3A_2420 = vector.shape_cast %add3A_2415 : vector<16xf32> to vector<1x16xf32>
        tpu.vector_store %arg18[%swap3A_2416, %swap3A_2417], %swap3A_2420 {strides = array<i32>} : memref<64x128xf32, #tpu.memory_space<vmem>>, vector<1x16xf32>,
        %get3A_2421 = arith.index_cast %squeeze3A_2276 : i32 to index
        %get3A_2422 = arith.constant 112 : index
        %get3A_2423 = tpu.vector_load %arg13[%get3A_2421, %get3A_2422] {strides = array<i32>} : memref<64x128xf32, #tpu.memory_space<vmem>>, vector<1x16xf32>,
        %get3A_2424 = vector.shape_cast %get3A_2423 : vector<1x16xf32> to vector<16xf32>
        %get3A_2425 = arith.index_cast %add3A_2274 : i32 to index
        %get3A_2426 = arith.constant 112 : index
        %get3A_2427 = tpu.vector_load %arg12[%get3A_2425, %get3A_2426] {strides = array<i32>} : memref<64x128xf32, #tpu.memory_space<vmem>>, vector<1x16xf32>,
        %get3A_2428 = vector.shape_cast %get3A_2427 : vector<1x16xf32> to vector<16xf32>
        %add3A_2429 = arith.addf %get3A_2424, %get3A_2428 : vector<16xf32>
        %mul3A_2430 = vector.broadcast %squeeze3A_2278 : f32 to vector<16xf32>
        %mul3A_2431 = arith.mulf %add3A_2429, %mul3A_2430 : vector<16xf32>
        %add3A_2432 = vector.broadcast %squeeze3A_2280 : f32 to vector<16xf32>
        %add3A_2433 = arith.addf %mul3A_2431, %add3A_2432 : vector<16xf32>
        %mul3A_2434 = arith.mulf %add3A_2433, %get3A_36 : vector<16xf32>
        %add3A_2435 = arith.addf %mul3A_2434, %get3A_60 : vector<16xf32>
        %swap3A_2436 = arith.index_cast %add3A_2274 : i32 to index
        %swap3A_2437 = arith.constant 112 : index
        %swap3A_2438 = tpu.vector_load %arg18[%swap3A_2436, %swap3A_2437] {strides = array<i32>} : memref<64x128xf32, #tpu.memory_space<vmem>>, vector<1x16xf32>,
        %swap3A_2439 = vector.shape_cast %swap3A_2438 : vector<1x16xf32> to vector<16xf32>
        %swap3A_2440 = vector.shape_cast %add3A_2435 : vector<16xf32> to vector<1x16xf32>
        tpu.vector_store %arg18[%swap3A_2436, %swap3A_2437], %swap3A_2440 {strides = array<i32>} : memref<64x128xf32, #tpu.memory_space<vmem>>, vector<1x16xf32>,
        %add3A_2441 = arith.constant 14 : i32
        %add3A_2442 = arith.addi %mul3A_76, %add3A_2441 : i32
        %slice3A_2443 = vector.extract_strided_slice %get3A_82 {offsets = [14], sizes = [1], strides = [1]} : vector<16xi32> to vector<1xi32>
        %squeeze3A_2444 = vector.extract %slice3A_2443[0] : i32 from vector<1xi32>
        %slice3A_2445 = vector.extract_strided_slice %get3A_85 {offsets = [14], sizes = [1], strides = [1]} : vector<16xf32> to vector<1xf32>
        %squeeze3A_2446 = vector.extract %slice3A_2445[0] : f32 from vector<1xf32>
        %slice3A_2447 = vector.extract_strided_slice %mul3A_91 {offsets = [14], sizes = [1], strides = [1]} : vector<16xf32> to vector<1xf32>
        %squeeze3A_2448 = vector.extract %slice3A_2447[0] : f32 from vector<1xf32>
        %get3A_2449 = arith.index_cast %squeeze3A_2444 : i32 to index
        %get3A_2450 = arith.constant 0 : index
        %get3A_2451 = tpu.vector_load %arg13[%get3A_2449, %get3A_2450] {strides = array<i32>} : memref<64x128xf32, #tpu.memory_space<vmem>>, vector<1x16xf32>,
        %get3A_2452 = vector.shape_cast %get3A_2451 : vector<1x16xf32> to vector<16xf32>
        %get3A_2453 = arith.index_cast %add3A_2442 : i32 to index
        %get3A_2454 = arith.constant 0 : index
        %get3A_2455 = tpu.vector_load %arg12[%get3A_2453, %get3A_2454] {strides = array<i32>} : memref<64x128xf32, #tpu.memory_space<vmem>>, vector<1x16xf32>,
        %get3A_2456 = vector.shape_cast %get3A_2455 : vector<1x16xf32> to vector<16xf32>
        %add3A_2457 = arith.addf %get3A_2452, %get3A_2456 : vector<16xf32>
        %mul3A_2458 = vector.broadcast %squeeze3A_2446 : f32 to vector<16xf32>
        %mul3A_2459 = arith.mulf %add3A_2457, %mul3A_2458 : vector<16xf32>
        %add3A_2460 = vector.broadcast %squeeze3A_2448 : f32 to vector<16xf32>
        %add3A_2461 = arith.addf %mul3A_2459, %add3A_2460 : vector<16xf32>
        %mul3A_2462 = arith.mulf %add3A_2461, %get3A_15 : vector<16xf32>
        %add3A_2463 = arith.addf %mul3A_2462, %get3A_39 : vector<16xf32>
        %swap3A_2464 = arith.index_cast %add3A_2442 : i32 to index
        %swap3A_2465 = arith.constant 0 : index
        %swap3A_2466 = tpu.vector_load %arg18[%swap3A_2464, %swap3A_2465] {strides = array<i32>} : memref<64x128xf32, #tpu.memory_space<vmem>>, vector<1x16xf32>,
        %swap3A_2467 = vector.shape_cast %swap3A_2466 : vector<1x16xf32> to vector<16xf32>
        %swap3A_2468 = vector.shape_cast %add3A_2463 : vector<16xf32> to vector<1x16xf32>
        tpu.vector_store %arg18[%swap3A_2464, %swap3A_2465], %swap3A_2468 {strides = array<i32>} : memref<64x128xf32, #tpu.memory_space<vmem>>, vector<1x16xf32>,
        %get3A_2469 = arith.index_cast %squeeze3A_2444 : i32 to index
        %get3A_2470 = arith.constant 16 : index
        %get3A_2471 = tpu.vector_load %arg13[%get3A_2469, %get3A_2470] {strides = array<i32>} : memref<64x128xf32, #tpu.memory_space<vmem>>, vector<1x16xf32>,
        %get3A_2472 = vector.shape_cast %get3A_2471 : vector<1x16xf32> to vector<16xf32>
        %get3A_2473 = arith.index_cast %add3A_2442 : i32 to index
        %get3A_2474 = arith.constant 16 : index
        %get3A_2475 = tpu.vector_load %arg12[%get3A_2473, %get3A_2474] {strides = array<i32>} : memref<64x128xf32, #tpu.memory_space<vmem>>, vector<1x16xf32>,
        %get3A_2476 = vector.shape_cast %get3A_2475 : vector<1x16xf32> to vector<16xf32>
        %add3A_2477 = arith.addf %get3A_2472, %get3A_2476 : vector<16xf32>
        %mul3A_2478 = vector.broadcast %squeeze3A_2446 : f32 to vector<16xf32>
        %mul3A_2479 = arith.mulf %add3A_2477, %mul3A_2478 : vector<16xf32>
        %add3A_2480 = vector.broadcast %squeeze3A_2448 : f32 to vector<16xf32>
        %add3A_2481 = arith.addf %mul3A_2479, %add3A_2480 : vector<16xf32>
        %mul3A_2482 = arith.mulf %add3A_2481, %get3A_18 : vector<16xf32>
        %add3A_2483 = arith.addf %mul3A_2482, %get3A_42 : vector<16xf32>
        %swap3A_2484 = arith.index_cast %add3A_2442 : i32 to index
        %swap3A_2485 = arith.constant 16 : index
        %swap3A_2486 = tpu.vector_load %arg18[%swap3A_2484, %swap3A_2485] {strides = array<i32>} : memref<64x128xf32, #tpu.memory_space<vmem>>, vector<1x16xf32>,
        %swap3A_2487 = vector.shape_cast %swap3A_2486 : vector<1x16xf32> to vector<16xf32>
        %swap3A_2488 = vector.shape_cast %add3A_2483 : vector<16xf32> to vector<1x16xf32>
        tpu.vector_store %arg18[%swap3A_2484, %swap3A_2485], %swap3A_2488 {strides = array<i32>} : memref<64x128xf32, #tpu.memory_space<vmem>>, vector<1x16xf32>,
        %get3A_2489 = arith.index_cast %squeeze3A_2444 : i32 to index
        %get3A_2490 = arith.constant 32 : index
        %get3A_2491 = tpu.vector_load %arg13[%get3A_2489, %get3A_2490] {strides = array<i32>} : memref<64x128xf32, #tpu.memory_space<vmem>>, vector<1x16xf32>,
        %get3A_2492 = vector.shape_cast %get3A_2491 : vector<1x16xf32> to vector<16xf32>
        %get3A_2493 = arith.index_cast %add3A_2442 : i32 to index
        %get3A_2494 = arith.constant 32 : index
        %get3A_2495 = tpu.vector_load %arg12[%get3A_2493, %get3A_2494] {strides = array<i32>} : memref<64x128xf32, #tpu.memory_space<vmem>>, vector<1x16xf32>,
        %get3A_2496 = vector.shape_cast %get3A_2495 : vector<1x16xf32> to vector<16xf32>
        %add3A_2497 = arith.addf %get3A_2492, %get3A_2496 : vector<16xf32>
        %mul3A_2498 = vector.broadcast %squeeze3A_2446 : f32 to vector<16xf32>
        %mul3A_2499 = arith.mulf %add3A_2497, %mul3A_2498 : vector<16xf32>
        %add3A_2500 = vector.broadcast %squeeze3A_2448 : f32 to vector<16xf32>
        %add3A_2501 = arith.addf %mul3A_2499, %add3A_2500 : vector<16xf32>
        %mul3A_2502 = arith.mulf %add3A_2501, %get3A_21 : vector<16xf32>
        %add3A_2503 = arith.addf %mul3A_2502, %get3A_45 : vector<16xf32>
        %swap3A_2504 = arith.index_cast %add3A_2442 : i32 to index
        %swap3A_2505 = arith.constant 32 : index
        %swap3A_2506 = tpu.vector_load %arg18[%swap3A_2504, %swap3A_2505] {strides = array<i32>} : memref<64x128xf32, #tpu.memory_space<vmem>>, vector<1x16xf32>,
        %swap3A_2507 = vector.shape_cast %swap3A_2506 : vector<1x16xf32> to vector<16xf32>
        %swap3A_2508 = vector.shape_cast %add3A_2503 : vector<16xf32> to vector<1x16xf32>
        tpu.vector_store %arg18[%swap3A_2504, %swap3A_2505], %swap3A_2508 {strides = array<i32>} : memref<64x128xf32, #tpu.memory_space<vmem>>, vector<1x16xf32>,
        %get3A_2509 = arith.index_cast %squeeze3A_2444 : i32 to index
        %get3A_2510 = arith.constant 48 : index
        %get3A_2511 = tpu.vector_load %arg13[%get3A_2509, %get3A_2510] {strides = array<i32>} : memref<64x128xf32, #tpu.memory_space<vmem>>, vector<1x16xf32>,
        %get3A_2512 = vector.shape_cast %get3A_2511 : vector<1x16xf32> to vector<16xf32>
        %get3A_2513 = arith.index_cast %add3A_2442 : i32 to index
        %get3A_2514 = arith.constant 48 : index
        %get3A_2515 = tpu.vector_load %arg12[%get3A_2513, %get3A_2514] {strides = array<i32>} : memref<64x128xf32, #tpu.memory_space<vmem>>, vector<1x16xf32>,
        %get3A_2516 = vector.shape_cast %get3A_2515 : vector<1x16xf32> to vector<16xf32>
        %add3A_2517 = arith.addf %get3A_2512, %get3A_2516 : vector<16xf32>
        %mul3A_2518 = vector.broadcast %squeeze3A_2446 : f32 to vector<16xf32>
        %mul3A_2519 = arith.mulf %add3A_2517, %mul3A_2518 : vector<16xf32>
        %add3A_2520 = vector.broadcast %squeeze3A_2448 : f32 to vector<16xf32>
        %add3A_2521 = arith.addf %mul3A_2519, %add3A_2520 : vector<16xf32>
        %mul3A_2522 = arith.mulf %add3A_2521, %get3A_24 : vector<16xf32>
        %add3A_2523 = arith.addf %mul3A_2522, %get3A_48 : vector<16xf32>
        %swap3A_2524 = arith.index_cast %add3A_2442 : i32 to index
        %swap3A_2525 = arith.constant 48 : index
        %swap3A_2526 = tpu.vector_load %arg18[%swap3A_2524, %swap3A_2525] {strides = array<i32>} : memref<64x128xf32, #tpu.memory_space<vmem>>, vector<1x16xf32>,
        %swap3A_2527 = vector.shape_cast %swap3A_2526 : vector<1x16xf32> to vector<16xf32>
        %swap3A_2528 = vector.shape_cast %add3A_2523 : vector<16xf32> to vector<1x16xf32>
        tpu.vector_store %arg18[%swap3A_2524, %swap3A_2525], %swap3A_2528 {strides = array<i32>} : memref<64x128xf32, #tpu.memory_space<vmem>>, vector<1x16xf32>,
        %get3A_2529 = arith.index_cast %squeeze3A_2444 : i32 to index
        %get3A_2530 = arith.constant 64 : index
        %get3A_2531 = tpu.vector_load %arg13[%get3A_2529, %get3A_2530] {strides = array<i32>} : memref<64x128xf32, #tpu.memory_space<vmem>>, vector<1x16xf32>,
        %get3A_2532 = vector.shape_cast %get3A_2531 : vector<1x16xf32> to vector<16xf32>
        %get3A_2533 = arith.index_cast %add3A_2442 : i32 to index
        %get3A_2534 = arith.constant 64 : index
        %get3A_2535 = tpu.vector_load %arg12[%get3A_2533, %get3A_2534] {strides = array<i32>} : memref<64x128xf32, #tpu.memory_space<vmem>>, vector<1x16xf32>,
        %get3A_2536 = vector.shape_cast %get3A_2535 : vector<1x16xf32> to vector<16xf32>
        %add3A_2537 = arith.addf %get3A_2532, %get3A_2536 : vector<16xf32>
        %mul3A_2538 = vector.broadcast %squeeze3A_2446 : f32 to vector<16xf32>
        %mul3A_2539 = arith.mulf %add3A_2537, %mul3A_2538 : vector<16xf32>
        %add3A_2540 = vector.broadcast %squeeze3A_2448 : f32 to vector<16xf32>
        %add3A_2541 = arith.addf %mul3A_2539, %add3A_2540 : vector<16xf32>
        %mul3A_2542 = arith.mulf %add3A_2541, %get3A_27 : vector<16xf32>
        %add3A_2543 = arith.addf %mul3A_2542, %get3A_51 : vector<16xf32>
        %swap3A_2544 = arith.index_cast %add3A_2442 : i32 to index
        %swap3A_2545 = arith.constant 64 : index
        %swap3A_2546 = tpu.vector_load %arg18[%swap3A_2544, %swap3A_2545] {strides = array<i32>} : memref<64x128xf32, #tpu.memory_space<vmem>>, vector<1x16xf32>,
        %swap3A_2547 = vector.shape_cast %swap3A_2546 : vector<1x16xf32> to vector<16xf32>
        %swap3A_2548 = vector.shape_cast %add3A_2543 : vector<16xf32> to vector<1x16xf32>
        tpu.vector_store %arg18[%swap3A_2544, %swap3A_2545], %swap3A_2548 {strides = array<i32>} : memref<64x128xf32, #tpu.memory_space<vmem>>, vector<1x16xf32>,
        %get3A_2549 = arith.index_cast %squeeze3A_2444 : i32 to index
        %get3A_2550 = arith.constant 80 : index
        %get3A_2551 = tpu.vector_load %arg13[%get3A_2549, %get3A_2550] {strides = array<i32>} : memref<64x128xf32, #tpu.memory_space<vmem>>, vector<1x16xf32>,
        %get3A_2552 = vector.shape_cast %get3A_2551 : vector<1x16xf32> to vector<16xf32>
        %get3A_2553 = arith.index_cast %add3A_2442 : i32 to index
        %get3A_2554 = arith.constant 80 : index
        %get3A_2555 = tpu.vector_load %arg12[%get3A_2553, %get3A_2554] {strides = array<i32>} : memref<64x128xf32, #tpu.memory_space<vmem>>, vector<1x16xf32>,
        %get3A_2556 = vector.shape_cast %get3A_2555 : vector<1x16xf32> to vector<16xf32>
        %add3A_2557 = arith.addf %get3A_2552, %get3A_2556 : vector<16xf32>
        %mul3A_2558 = vector.broadcast %squeeze3A_2446 : f32 to vector<16xf32>
        %mul3A_2559 = arith.mulf %add3A_2557, %mul3A_2558 : vector<16xf32>
        %add3A_2560 = vector.broadcast %squeeze3A_2448 : f32 to vector<16xf32>
        %add3A_2561 = arith.addf %mul3A_2559, %add3A_2560 : vector<16xf32>
        %mul3A_2562 = arith.mulf %add3A_2561, %get3A_30 : vector<16xf32>
        %add3A_2563 = arith.addf %mul3A_2562, %get3A_54 : vector<16xf32>
        %swap3A_2564 = arith.index_cast %add3A_2442 : i32 to index
        %swap3A_2565 = arith.constant 80 : index
        %swap3A_2566 = tpu.vector_load %arg18[%swap3A_2564, %swap3A_2565] {strides = array<i32>} : memref<64x128xf32, #tpu.memory_space<vmem>>, vector<1x16xf32>,
        %swap3A_2567 = vector.shape_cast %swap3A_2566 : vector<1x16xf32> to vector<16xf32>
        %swap3A_2568 = vector.shape_cast %add3A_2563 : vector<16xf32> to vector<1x16xf32>
        tpu.vector_store %arg18[%swap3A_2564, %swap3A_2565], %swap3A_2568 {strides = array<i32>} : memref<64x128xf32, #tpu.memory_space<vmem>>, vector<1x16xf32>,
        %get3A_2569 = arith.index_cast %squeeze3A_2444 : i32 to index
        %get3A_2570 = arith.constant 96 : index
        %get3A_2571 = tpu.vector_load %arg13[%get3A_2569, %get3A_2570] {strides = array<i32>} : memref<64x128xf32, #tpu.memory_space<vmem>>, vector<1x16xf32>,
        %get3A_2572 = vector.shape_cast %get3A_2571 : vector<1x16xf32> to vector<16xf32>
        %get3A_2573 = arith.index_cast %add3A_2442 : i32 to index
        %get3A_2574 = arith.constant 96 : index
        %get3A_2575 = tpu.vector_load %arg12[%get3A_2573, %get3A_2574] {strides = array<i32>} : memref<64x128xf32, #tpu.memory_space<vmem>>, vector<1x16xf32>,
        %get3A_2576 = vector.shape_cast %get3A_2575 : vector<1x16xf32> to vector<16xf32>
        %add3A_2577 = arith.addf %get3A_2572, %get3A_2576 : vector<16xf32>
        %mul3A_2578 = vector.broadcast %squeeze3A_2446 : f32 to vector<16xf32>
        %mul3A_2579 = arith.mulf %add3A_2577, %mul3A_2578 : vector<16xf32>
        %add3A_2580 = vector.broadcast %squeeze3A_2448 : f32 to vector<16xf32>
        %add3A_2581 = arith.addf %mul3A_2579, %add3A_2580 : vector<16xf32>
        %mul3A_2582 = arith.mulf %add3A_2581, %get3A_33 : vector<16xf32>
        %add3A_2583 = arith.addf %mul3A_2582, %get3A_57 : vector<16xf32>
        %swap3A_2584 = arith.index_cast %add3A_2442 : i32 to index
        %swap3A_2585 = arith.constant 96 : index
        %swap3A_2586 = tpu.vector_load %arg18[%swap3A_2584, %swap3A_2585] {strides = array<i32>} : memref<64x128xf32, #tpu.memory_space<vmem>>, vector<1x16xf32>,
        %swap3A_2587 = vector.shape_cast %swap3A_2586 : vector<1x16xf32> to vector<16xf32>
        %swap3A_2588 = vector.shape_cast %add3A_2583 : vector<16xf32> to vector<1x16xf32>
        tpu.vector_store %arg18[%swap3A_2584, %swap3A_2585], %swap3A_2588 {strides = array<i32>} : memref<64x128xf32, #tpu.memory_space<vmem>>, vector<1x16xf32>,
        %get3A_2589 = arith.index_cast %squeeze3A_2444 : i32 to index
        %get3A_2590 = arith.constant 112 : index
        %get3A_2591 = tpu.vector_load %arg13[%get3A_2589, %get3A_2590] {strides = array<i32>} : memref<64x128xf32, #tpu.memory_space<vmem>>, vector<1x16xf32>,
        %get3A_2592 = vector.shape_cast %get3A_2591 : vector<1x16xf32> to vector<16xf32>
        %get3A_2593 = arith.index_cast %add3A_2442 : i32 to index
        %get3A_2594 = arith.constant 112 : index
        %get3A_2595 = tpu.vector_load %arg12[%get3A_2593, %get3A_2594] {strides = array<i32>} : memref<64x128xf32, #tpu.memory_space<vmem>>, vector<1x16xf32>,
        %get3A_2596 = vector.shape_cast %get3A_2595 : vector<1x16xf32> to vector<16xf32>
        %add3A_2597 = arith.addf %get3A_2592, %get3A_2596 : vector<16xf32>
        %mul3A_2598 = vector.broadcast %squeeze3A_2446 : f32 to vector<16xf32>
        %mul3A_2599 = arith.mulf %add3A_2597, %mul3A_2598 : vector<16xf32>
        %add3A_2600 = vector.broadcast %squeeze3A_2448 : f32 to vector<16xf32>
        %add3A_2601 = arith.addf %mul3A_2599, %add3A_2600 : vector<16xf32>
        %mul3A_2602 = arith.mulf %add3A_2601, %get3A_36 : vector<16xf32>
        %add3A_2603 = arith.addf %mul3A_2602, %get3A_60 : vector<16xf32>
        %swap3A_2604 = arith.index_cast %add3A_2442 : i32 to index
        %swap3A_2605 = arith.constant 112 : index
        %swap3A_2606 = tpu.vector_load %arg18[%swap3A_2604, %swap3A_2605] {strides = array<i32>} : memref<64x128xf32, #tpu.memory_space<vmem>>, vector<1x16xf32>,
        %swap3A_2607 = vector.shape_cast %swap3A_2606 : vector<1x16xf32> to vector<16xf32>
        %swap3A_2608 = vector.shape_cast %add3A_2603 : vector<16xf32> to vector<1x16xf32>
        tpu.vector_store %arg18[%swap3A_2604, %swap3A_2605], %swap3A_2608 {strides = array<i32>} : memref<64x128xf32, #tpu.memory_space<vmem>>, vector<1x16xf32>,
        %add3A_2609 = arith.constant 15 : i32
        %add3A_2610 = arith.addi %mul3A_76, %add3A_2609 : i32
        %slice3A_2611 = vector.extract_strided_slice %get3A_82 {offsets = [15], sizes = [1], strides = [1]} : vector<16xi32> to vector<1xi32>
        %squeeze3A_2612 = vector.extract %slice3A_2611[0] : i32 from vector<1xi32>
        %slice3A_2613 = vector.extract_strided_slice %get3A_85 {offsets = [15], sizes = [1], strides = [1]} : vector<16xf32> to vector<1xf32>
        %squeeze3A_2614 = vector.extract %slice3A_2613[0] : f32 from vector<1xf32>
        %slice3A_2615 = vector.extract_strided_slice %mul3A_91 {offsets = [15], sizes = [1], strides = [1]} : vector<16xf32> to vector<1xf32>
        %squeeze3A_2616 = vector.extract %slice3A_2615[0] : f32 from vector<1xf32>
        %get3A_2617 = arith.index_cast %squeeze3A_2612 : i32 to index
        %get3A_2618 = arith.constant 0 : index
        %get3A_2619 = tpu.vector_load %arg13[%get3A_2617, %get3A_2618] {strides = array<i32>} : memref<64x128xf32, #tpu.memory_space<vmem>>, vector<1x16xf32>,
        %get3A_2620 = vector.shape_cast %get3A_2619 : vector<1x16xf32> to vector<16xf32>
        %get3A_2621 = arith.index_cast %add3A_2610 : i32 to index
        %get3A_2622 = arith.constant 0 : index
        %get3A_2623 = tpu.vector_load %arg12[%get3A_2621, %get3A_2622] {strides = array<i32>} : memref<64x128xf32, #tpu.memory_space<vmem>>, vector<1x16xf32>,
        %get3A_2624 = vector.shape_cast %get3A_2623 : vector<1x16xf32> to vector<16xf32>
        %add3A_2625 = arith.addf %get3A_2620, %get3A_2624 : vector<16xf32>
        %mul3A_2626 = vector.broadcast %squeeze3A_2614 : f32 to vector<16xf32>
        %mul3A_2627 = arith.mulf %add3A_2625, %mul3A_2626 : vector<16xf32>
        %add3A_2628 = vector.broadcast %squeeze3A_2616 : f32 to vector<16xf32>
        %add3A_2629 = arith.addf %mul3A_2627, %add3A_2628 : vector<16xf32>
        %mul3A_2630 = arith.mulf %add3A_2629, %get3A_15 : vector<16xf32>
        %add3A_2631 = arith.addf %mul3A_2630, %get3A_39 : vector<16xf32>
        %swap3A_2632 = arith.index_cast %add3A_2610 : i32 to index
        %swap3A_2633 = arith.constant 0 : index
        %swap3A_2634 = tpu.vector_load %arg18[%swap3A_2632, %swap3A_2633] {strides = array<i32>} : memref<64x128xf32, #tpu.memory_space<vmem>>, vector<1x16xf32>,
        %swap3A_2635 = vector.shape_cast %swap3A_2634 : vector<1x16xf32> to vector<16xf32>
        %swap3A_2636 = vector.shape_cast %add3A_2631 : vector<16xf32> to vector<1x16xf32>
        tpu.vector_store %arg18[%swap3A_2632, %swap3A_2633], %swap3A_2636 {strides = array<i32>} : memref<64x128xf32, #tpu.memory_space<vmem>>, vector<1x16xf32>,
        %get3A_2637 = arith.index_cast %squeeze3A_2612 : i32 to index
        %get3A_2638 = arith.constant 16 : index
        %get3A_2639 = tpu.vector_load %arg13[%get3A_2637, %get3A_2638] {strides = array<i32>} : memref<64x128xf32, #tpu.memory_space<vmem>>, vector<1x16xf32>,
        %get3A_2640 = vector.shape_cast %get3A_2639 : vector<1x16xf32> to vector<16xf32>
        %get3A_2641 = arith.index_cast %add3A_2610 : i32 to index
        %get3A_2642 = arith.constant 16 : index
        %get3A_2643 = tpu.vector_load %arg12[%get3A_2641, %get3A_2642] {strides = array<i32>} : memref<64x128xf32, #tpu.memory_space<vmem>>, vector<1x16xf32>,
        %get3A_2644 = vector.shape_cast %get3A_2643 : vector<1x16xf32> to vector<16xf32>
        %add3A_2645 = arith.addf %get3A_2640, %get3A_2644 : vector<16xf32>
        %mul3A_2646 = vector.broadcast %squeeze3A_2614 : f32 to vector<16xf32>
        %mul3A_2647 = arith.mulf %add3A_2645, %mul3A_2646 : vector<16xf32>
        %add3A_2648 = vector.broadcast %squeeze3A_2616 : f32 to vector<16xf32>
        %add3A_2649 = arith.addf %mul3A_2647, %add3A_2648 : vector<16xf32>
        %mul3A_2650 = arith.mulf %add3A_2649, %get3A_18 : vector<16xf32>
        %add3A_2651 = arith.addf %mul3A_2650, %get3A_42 : vector<16xf32>
        %swap3A_2652 = arith.index_cast %add3A_2610 : i32 to index
        %swap3A_2653 = arith.constant 16 : index
        %swap3A_2654 = tpu.vector_load %arg18[%swap3A_2652, %swap3A_2653] {strides = array<i32>} : memref<64x128xf32, #tpu.memory_space<vmem>>, vector<1x16xf32>,
        %swap3A_2655 = vector.shape_cast %swap3A_2654 : vector<1x16xf32> to vector<16xf32>
        %swap3A_2656 = vector.shape_cast %add3A_2651 : vector<16xf32> to vector<1x16xf32>
        tpu.vector_store %arg18[%swap3A_2652, %swap3A_2653], %swap3A_2656 {strides = array<i32>} : memref<64x128xf32, #tpu.memory_space<vmem>>, vector<1x16xf32>,
        %get3A_2657 = arith.index_cast %squeeze3A_2612 : i32 to index
        %get3A_2658 = arith.constant 32 : index
        %get3A_2659 = tpu.vector_load %arg13[%get3A_2657, %get3A_2658] {strides = array<i32>} : memref<64x128xf32, #tpu.memory_space<vmem>>, vector<1x16xf32>,
        %get3A_2660 = vector.shape_cast %get3A_2659 : vector<1x16xf32> to vector<16xf32>
        %get3A_2661 = arith.index_cast %add3A_2610 : i32 to index
        %get3A_2662 = arith.constant 32 : index
        %get3A_2663 = tpu.vector_load %arg12[%get3A_2661, %get3A_2662] {strides = array<i32>} : memref<64x128xf32, #tpu.memory_space<vmem>>, vector<1x16xf32>,
        %get3A_2664 = vector.shape_cast %get3A_2663 : vector<1x16xf32> to vector<16xf32>
        %add3A_2665 = arith.addf %get3A_2660, %get3A_2664 : vector<16xf32>
        %mul3A_2666 = vector.broadcast %squeeze3A_2614 : f32 to vector<16xf32>
        %mul3A_2667 = arith.mulf %add3A_2665, %mul3A_2666 : vector<16xf32>
        %add3A_2668 = vector.broadcast %squeeze3A_2616 : f32 to vector<16xf32>
        %add3A_2669 = arith.addf %mul3A_2667, %add3A_2668 : vector<16xf32>
        %mul3A_2670 = arith.mulf %add3A_2669, %get3A_21 : vector<16xf32>
        %add3A_2671 = arith.addf %mul3A_2670, %get3A_45 : vector<16xf32>
        %swap3A_2672 = arith.index_cast %add3A_2610 : i32 to index
        %swap3A_2673 = arith.constant 32 : index
        %swap3A_2674 = tpu.vector_load %arg18[%swap3A_2672, %swap3A_2673] {strides = array<i32>} : memref<64x128xf32, #tpu.memory_space<vmem>>, vector<1x16xf32>,
        %swap3A_2675 = vector.shape_cast %swap3A_2674 : vector<1x16xf32> to vector<16xf32>
        %swap3A_2676 = vector.shape_cast %add3A_2671 : vector<16xf32> to vector<1x16xf32>
        tpu.vector_store %arg18[%swap3A_2672, %swap3A_2673], %swap3A_2676 {strides = array<i32>} : memref<64x128xf32, #tpu.memory_space<vmem>>, vector<1x16xf32>,
        %get3A_2677 = arith.index_cast %squeeze3A_2612 : i32 to index
        %get3A_2678 = arith.constant 48 : index
        %get3A_2679 = tpu.vector_load %arg13[%get3A_2677, %get3A_2678] {strides = array<i32>} : memref<64x128xf32, #tpu.memory_space<vmem>>, vector<1x16xf32>,
        %get3A_2680 = vector.shape_cast %get3A_2679 : vector<1x16xf32> to vector<16xf32>
        %get3A_2681 = arith.index_cast %add3A_2610 : i32 to index
        %get3A_2682 = arith.constant 48 : index
        %get3A_2683 = tpu.vector_load %arg12[%get3A_2681, %get3A_2682] {strides = array<i32>} : memref<64x128xf32, #tpu.memory_space<vmem>>, vector<1x16xf32>,
        %get3A_2684 = vector.shape_cast %get3A_2683 : vector<1x16xf32> to vector<16xf32>
        %add3A_2685 = arith.addf %get3A_2680, %get3A_2684 : vector<16xf32>
        %mul3A_2686 = vector.broadcast %squeeze3A_2614 : f32 to vector<16xf32>
        %mul3A_2687 = arith.mulf %add3A_2685, %mul3A_2686 : vector<16xf32>
        %add3A_2688 = vector.broadcast %squeeze3A_2616 : f32 to vector<16xf32>
        %add3A_2689 = arith.addf %mul3A_2687, %add3A_2688 : vector<16xf32>
        %mul3A_2690 = arith.mulf %add3A_2689, %get3A_24 : vector<16xf32>
        %add3A_2691 = arith.addf %mul3A_2690, %get3A_48 : vector<16xf32>
        %swap3A_2692 = arith.index_cast %add3A_2610 : i32 to index
        %swap3A_2693 = arith.constant 48 : index
        %swap3A_2694 = tpu.vector_load %arg18[%swap3A_2692, %swap3A_2693] {strides = array<i32>} : memref<64x128xf32, #tpu.memory_space<vmem>>, vector<1x16xf32>,
        %swap3A_2695 = vector.shape_cast %swap3A_2694 : vector<1x16xf32> to vector<16xf32>
        %swap3A_2696 = vector.shape_cast %add3A_2691 : vector<16xf32> to vector<1x16xf32>
        tpu.vector_store %arg18[%swap3A_2692, %swap3A_2693], %swap3A_2696 {strides = array<i32>} : memref<64x128xf32, #tpu.memory_space<vmem>>, vector<1x16xf32>,
        %get3A_2697 = arith.index_cast %squeeze3A_2612 : i32 to index
        %get3A_2698 = arith.constant 64 : index
        %get3A_2699 = tpu.vector_load %arg13[%get3A_2697, %get3A_2698] {strides = array<i32>} : memref<64x128xf32, #tpu.memory_space<vmem>>, vector<1x16xf32>,
        %get3A_2700 = vector.shape_cast %get3A_2699 : vector<1x16xf32> to vector<16xf32>
        %get3A_2701 = arith.index_cast %add3A_2610 : i32 to index
        %get3A_2702 = arith.constant 64 : index
        %get3A_2703 = tpu.vector_load %arg12[%get3A_2701, %get3A_2702] {strides = array<i32>} : memref<64x128xf32, #tpu.memory_space<vmem>>, vector<1x16xf32>,
        %get3A_2704 = vector.shape_cast %get3A_2703 : vector<1x16xf32> to vector<16xf32>
        %add3A_2705 = arith.addf %get3A_2700, %get3A_2704 : vector<16xf32>
        %mul3A_2706 = vector.broadcast %squeeze3A_2614 : f32 to vector<16xf32>
        %mul3A_2707 = arith.mulf %add3A_2705, %mul3A_2706 : vector<16xf32>
        %add3A_2708 = vector.broadcast %squeeze3A_2616 : f32 to vector<16xf32>
        %add3A_2709 = arith.addf %mul3A_2707, %add3A_2708 : vector<16xf32>
        %mul3A_2710 = arith.mulf %add3A_2709, %get3A_27 : vector<16xf32>
        %add3A_2711 = arith.addf %mul3A_2710, %get3A_51 : vector<16xf32>
        %swap3A_2712 = arith.index_cast %add3A_2610 : i32 to index
        %swap3A_2713 = arith.constant 64 : index
        %swap3A_2714 = tpu.vector_load %arg18[%swap3A_2712, %swap3A_2713] {strides = array<i32>} : memref<64x128xf32, #tpu.memory_space<vmem>>, vector<1x16xf32>,
        %swap3A_2715 = vector.shape_cast %swap3A_2714 : vector<1x16xf32> to vector<16xf32>
        %swap3A_2716 = vector.shape_cast %add3A_2711 : vector<16xf32> to vector<1x16xf32>
        tpu.vector_store %arg18[%swap3A_2712, %swap3A_2713], %swap3A_2716 {strides = array<i32>} : memref<64x128xf32, #tpu.memory_space<vmem>>, vector<1x16xf32>,
        %get3A_2717 = arith.index_cast %squeeze3A_2612 : i32 to index
        %get3A_2718 = arith.constant 80 : index
        %get3A_2719 = tpu.vector_load %arg13[%get3A_2717, %get3A_2718] {strides = array<i32>} : memref<64x128xf32, #tpu.memory_space<vmem>>, vector<1x16xf32>,
        %get3A_2720 = vector.shape_cast %get3A_2719 : vector<1x16xf32> to vector<16xf32>
        %get3A_2721 = arith.index_cast %add3A_2610 : i32 to index
        %get3A_2722 = arith.constant 80 : index
        %get3A_2723 = tpu.vector_load %arg12[%get3A_2721, %get3A_2722] {strides = array<i32>} : memref<64x128xf32, #tpu.memory_space<vmem>>, vector<1x16xf32>,
        %get3A_2724 = vector.shape_cast %get3A_2723 : vector<1x16xf32> to vector<16xf32>
        %add3A_2725 = arith.addf %get3A_2720, %get3A_2724 : vector<16xf32>
        %mul3A_2726 = vector.broadcast %squeeze3A_2614 : f32 to vector<16xf32>
        %mul3A_2727 = arith.mulf %add3A_2725, %mul3A_2726 : vector<16xf32>
        %add3A_2728 = vector.broadcast %squeeze3A_2616 : f32 to vector<16xf32>
        %add3A_2729 = arith.addf %mul3A_2727, %add3A_2728 : vector<16xf32>
        %mul3A_2730 = arith.mulf %add3A_2729, %get3A_30 : vector<16xf32>
        %add3A_2731 = arith.addf %mul3A_2730, %get3A_54 : vector<16xf32>
        %swap3A_2732 = arith.index_cast %add3A_2610 : i32 to index
        %swap3A_2733 = arith.constant 80 : index
        %swap3A_2734 = tpu.vector_load %arg18[%swap3A_2732, %swap3A_2733] {strides = array<i32>} : memref<64x128xf32, #tpu.memory_space<vmem>>, vector<1x16xf32>,
        %swap3A_2735 = vector.shape_cast %swap3A_2734 : vector<1x16xf32> to vector<16xf32>
        %swap3A_2736 = vector.shape_cast %add3A_2731 : vector<16xf32> to vector<1x16xf32>
        tpu.vector_store %arg18[%swap3A_2732, %swap3A_2733], %swap3A_2736 {strides = array<i32>} : memref<64x128xf32, #tpu.memory_space<vmem>>, vector<1x16xf32>,
        %get3A_2737 = arith.index_cast %squeeze3A_2612 : i32 to index
        %get3A_2738 = arith.constant 96 : index
        %get3A_2739 = tpu.vector_load %arg13[%get3A_2737, %get3A_2738] {strides = array<i32>} : memref<64x128xf32, #tpu.memory_space<vmem>>, vector<1x16xf32>,
        %get3A_2740 = vector.shape_cast %get3A_2739 : vector<1x16xf32> to vector<16xf32>
        %get3A_2741 = arith.index_cast %add3A_2610 : i32 to index
        %get3A_2742 = arith.constant 96 : index
        %get3A_2743 = tpu.vector_load %arg12[%get3A_2741, %get3A_2742] {strides = array<i32>} : memref<64x128xf32, #tpu.memory_space<vmem>>, vector<1x16xf32>,
        %get3A_2744 = vector.shape_cast %get3A_2743 : vector<1x16xf32> to vector<16xf32>
        %add3A_2745 = arith.addf %get3A_2740, %get3A_2744 : vector<16xf32>
        %mul3A_2746 = vector.broadcast %squeeze3A_2614 : f32 to vector<16xf32>
        %mul3A_2747 = arith.mulf %add3A_2745, %mul3A_2746 : vector<16xf32>
        %add3A_2748 = vector.broadcast %squeeze3A_2616 : f32 to vector<16xf32>
        %add3A_2749 = arith.addf %mul3A_2747, %add3A_2748 : vector<16xf32>
        %mul3A_2750 = arith.mulf %add3A_2749, %get3A_33 : vector<16xf32>
        %add3A_2751 = arith.addf %mul3A_2750, %get3A_57 : vector<16xf32>
        %swap3A_2752 = arith.index_cast %add3A_2610 : i32 to index
        %swap3A_2753 = arith.constant 96 : index
        %swap3A_2754 = tpu.vector_load %arg18[%swap3A_2752, %swap3A_2753] {strides = array<i32>} : memref<64x128xf32, #tpu.memory_space<vmem>>, vector<1x16xf32>,
        %swap3A_2755 = vector.shape_cast %swap3A_2754 : vector<1x16xf32> to vector<16xf32>
        %swap3A_2756 = vector.shape_cast %add3A_2751 : vector<16xf32> to vector<1x16xf32>
        tpu.vector_store %arg18[%swap3A_2752, %swap3A_2753], %swap3A_2756 {strides = array<i32>} : memref<64x128xf32, #tpu.memory_space<vmem>>, vector<1x16xf32>,
        %get3A_2757 = arith.index_cast %squeeze3A_2612 : i32 to index
        %get3A_2758 = arith.constant 112 : index
        %get3A_2759 = tpu.vector_load %arg13[%get3A_2757, %get3A_2758] {strides = array<i32>} : memref<64x128xf32, #tpu.memory_space<vmem>>, vector<1x16xf32>,
        %get3A_2760 = vector.shape_cast %get3A_2759 : vector<1x16xf32> to vector<16xf32>
        %get3A_2761 = arith.index_cast %add3A_2610 : i32 to index
        %get3A_2762 = arith.constant 112 : index
        %get3A_2763 = tpu.vector_load %arg12[%get3A_2761, %get3A_2762] {strides = array<i32>} : memref<64x128xf32, #tpu.memory_space<vmem>>, vector<1x16xf32>,
        %get3A_2764 = vector.shape_cast %get3A_2763 : vector<1x16xf32> to vector<16xf32>
        %add3A_2765 = arith.addf %get3A_2760, %get3A_2764 : vector<16xf32>
        %mul3A_2766 = vector.broadcast %squeeze3A_2614 : f32 to vector<16xf32>
        %mul3A_2767 = arith.mulf %add3A_2765, %mul3A_2766 : vector<16xf32>
        %add3A_2768 = vector.broadcast %squeeze3A_2616 : f32 to vector<16xf32>
        %add3A_2769 = arith.addf %mul3A_2767, %add3A_2768 : vector<16xf32>
        %mul3A_2770 = arith.mulf %add3A_2769, %get3A_36 : vector<16xf32>
        %add3A_2771 = arith.addf %mul3A_2770, %get3A_60 : vector<16xf32>
        %swap3A_2772 = arith.index_cast %add3A_2610 : i32 to index
        %swap3A_2773 = arith.constant 112 : index
        %swap3A_2774 = tpu.vector_load %arg18[%swap3A_2772, %swap3A_2773] {strides = array<i32>} : memref<64x128xf32, #tpu.memory_space<vmem>>, vector<1x16xf32>,
        %swap3A_2775 = vector.shape_cast %swap3A_2774 : vector<1x16xf32> to vector<16xf32>
        %swap3A_2776 = vector.shape_cast %add3A_2771 : vector<16xf32> to vector<1x16xf32>
        tpu.vector_store %arg18[%swap3A_2772, %swap3A_2773], %swap3A_2776 {strides = array<i32>} : memref<64x128xf32, #tpu.memory_space<vmem>>, vector<1x16xf32>,
      }
      %scan3A_73 = arith.constant 4 : i32
    }
    %scan3A_66 = arith.constant 64 : i32
    %run_scoped3A = arith.constant 0 : i32
    "tpu.region"() ({
      %run_scoped3A_67 = tpu.sem_alloc : memref<!tpu.dma_semaphore, #tpu.memory_space<semaphore_mem>>
      %dma_start3A_68 = arith.constant 0 : i32
      %dma_start3A_69 = tpu.memref_slice %arg9[%run_scoped3A, %mul3A_2, %dma_start3A_68] : memref<64x2048x128xf32, #tpu.memory_space<hbm>> -> memref<1x64x128xf32, #tpu.memory_space<hbm>>
      %dma_start3A_70 = tpu.memref_squeeze %dma_start3A_69 : memref<1x64x128xf32, #tpu.memory_space<hbm>> -> memref<64x128xf32, #tpu.memory_space<hbm>>
      %dma_start3A_71 = arith.constant 0 : i32
      %dma_start3A_72 = tpu.memref_slice %arg9[%run_scoped3A, %mul3A_2, %dma_start3A_71] : memref<64x2048x128xf32, #tpu.memory_space<hbm>> -> memref<1x64x128xf32, #tpu.memory_space<hbm>>
      %dma_start3A_73 = tpu.memref_squeeze %dma_start3A_72 : memref<1x64x128xf32, #tpu.memory_space<hbm>> -> memref<64x128xf32, #tpu.memory_space<hbm>>
      tpu.enqueue_dma source(%arg18 : memref<64x128xf32, #tpu.memory_space<vmem>>) target(%dma_start3A_73 : memref<64x128xf32, #tpu.memory_space<hbm>>) target_semaphore(%run_scoped3A_67 : memref<!tpu.dma_semaphore, #tpu.memory_space<semaphore_mem>>)
      %dma_wait3A_74 = arith.constant 0 : i32
      %dma_wait3A_75 = tpu.memref_slice %arg9[%run_scoped3A, %mul3A_2, %dma_wait3A_74] : memref<64x2048x128xf32, #tpu.memory_space<hbm>> -> memref<1x64x128xf32, #tpu.memory_space<hbm>>
      %dma_wait3A_76 = tpu.memref_squeeze %dma_wait3A_75 : memref<1x64x128xf32, #tpu.memory_space<hbm>> -> memref<64x128xf32, #tpu.memory_space<hbm>>
      %dma_wait3A_77 = arith.constant 0 : i32
      %dma_wait3A_78 = tpu.memref_slice %arg9[%run_scoped3A, %mul3A_2, %dma_wait3A_77] : memref<64x2048x128xf32, #tpu.memory_space<hbm>> -> memref<1x64x128xf32, #tpu.memory_space<hbm>>
      %dma_wait3A_79 = tpu.memref_squeeze %dma_wait3A_78 : memref<1x64x128xf32, #tpu.memory_space<hbm>> -> memref<64x128xf32, #tpu.memory_space<hbm>>
      tpu.wait_dma2 semaphore(%run_scoped3A_67 : memref<!tpu.dma_semaphore, #tpu.memory_space<semaphore_mem>>) src(%arg18 : memref<64x128xf32, #tpu.memory_space<vmem>>) dst(%dma_wait3A_79 : memref<64x128xf32, #tpu.memory_space<hbm>>)
      tpu.yield
    }) : () -> ()
    return
  }
}

module attributes {stable_mosaic.version = 14 : i64} {
  func.func @_precompute_kernel(%arg0: i32, %arg1: memref<2048x64xf32, #tpu.memory_space<vmem>>, %arg2: memref<64x64xf32, #tpu.memory_space<vmem>>, %arg3: memref<128x128xf32, #tpu.memory_space<vmem>>, %arg4: memref<1x128xf32, #tpu.memory_space<vmem>>, %arg5: memref<2048x128xf32, #tpu.memory_space<vmem>>, %arg6: memref<2048x128xf32, #tpu.memory_space<vmem>>, %arg7: memref<64x128xf32, #tpu.memory_space<vmem>>, %arg8: memref<2048x64xf32, #tpu.memory_space<vmem>>, %arg9: memref<2048x64xf32, #tpu.memory_space<vmem>>) attributes {dimension_semantics = [#tpu.dimension_semantics<arbitrary>], iteration_bounds = array<i64: 1>, scalar_prefetch = 0 : i64, scratch_operands = 0 : i64, tpu.core_type = #tpu.core_type<tc>, window_params = [{transform_indices = @transform_0, window_bounds = array<i64: 2048, 64>}, {pipeline_mode = #tpu.pipeline_mode<synchronous>, transform_indices = @transform_1, window_bounds = array<i64: 64, 64>}, {pipeline_mode = #tpu.pipeline_mode<synchronous>, transform_indices = @transform_2, window_bounds = array<i64: 128, 128>}, {pipeline_mode = #tpu.pipeline_mode<synchronous>, transform_indices = @transform_3, window_bounds = array<i64: 1, 128>}, {pipeline_mode = #tpu.pipeline_mode<synchronous>, transform_indices = @transform_4, window_bounds = array<i64: 2048, 128>}, {pipeline_mode = #tpu.pipeline_mode<synchronous>, transform_indices = @transform_5, window_bounds = array<i64: 2048, 128>}, {pipeline_mode = #tpu.pipeline_mode<synchronous>, transform_indices = @transform_6, window_bounds = array<i64: 64, 128>}, {pipeline_mode = #tpu.pipeline_mode<synchronous>, transform_indices = @transform_7, window_bounds = array<i64: 2048, 64>}, {pipeline_mode = #tpu.pipeline_mode<synchronous>, transform_indices = @transform_8, window_bounds = array<i64: 2048, 64>}]} {
    %get3A = arith.constant 0 : index
    %get3A_0 = arith.constant 0 : index
    %get3A_1 = vector.load %arg3[%get3A, %get3A_0] : memref<128x128xf32, #tpu.memory_space<vmem>>, vector<64x128xf32>
    %get3A_2 = arith.constant 64 : index
    %get3A_3 = arith.constant 0 : index
    %get3A_4 = vector.load %arg3[%get3A_2, %get3A_3] : memref<128x128xf32, #tpu.memory_space<vmem>>, vector<64x128xf32>
    %get3A_5 = arith.constant 0 : index
    %get3A_6 = arith.constant 0 : index
    %get3A_7 = vector.load %arg1[%get3A_5, %get3A_6] : memref<2048x64xf32, #tpu.memory_space<vmem>>, vector<2048x64xf32>
    %dot_general3A = arith.constant dense<0.000000e+00> : vector<2048x128xf32>
    %dot_general3A_8 = tpu.matmul %get3A_7, %get3A_1, %dot_general3A {dimension_numbers = #tpu.dot_dimension_numbers<[1], [0], [0], [1], [0, 0, 1, 1], [], []>, transpose_lhs_hint = false} : vector<2048x64xf32>, vector<64x128xf32>, vector<2048x128xf32> -> vector<2048x128xf32>
    %get3A_9 = arith.constant 0 : index
    %get3A_10 = arith.constant 0 : index
    %get3A_11 = vector.load %arg4[%get3A_9, %get3A_10] : memref<1x128xf32, #tpu.memory_space<vmem>>, vector<1x128xf32>
    %add3A = vector.broadcast %get3A_11 : vector<1x128xf32> to vector<2048x128xf32>
    %add3A_12 = arith.addf %dot_general3A_8, %add3A : vector<2048x128xf32>
    %get3A_13 = arith.constant 0 : index
    %get3A_14 = arith.constant 0 : index
    %get3A_15 = vector.load %arg5[%get3A_13, %get3A_14] : memref<2048x128xf32, #tpu.memory_space<vmem>>, vector<2048x128xf32>
    %add3A_16 = arith.addf %add3A_12, %get3A_15 : vector<2048x128xf32>
    %get3A_17 = arith.constant 0 : index
    %get3A_18 = arith.constant 0 : index
    %get3A_19 = vector.load %arg2[%get3A_17, %get3A_18] : memref<64x64xf32, #tpu.memory_space<vmem>>, vector<64x64xf32>
    %dot_general3A_20 = arith.constant dense<0.000000e+00> : vector<64x128xf32>
    %dot_general3A_21 = tpu.matmul %get3A_19, %get3A_4, %dot_general3A_20 {dimension_numbers = #tpu.dot_dimension_numbers<[1], [0], [0], [1], [0, 0, 1, 1], [], []>, transpose_lhs_hint = false} : vector<64x64xf32>, vector<64x128xf32>, vector<64x128xf32> -> vector<64x128xf32>
    %swap3A = arith.constant 0 : index
    %swap3A_22 = arith.constant 0 : index
    %swap3A_23 = vector.load %arg6[%swap3A, %swap3A_22] : memref<2048x128xf32, #tpu.memory_space<vmem>>, vector<2048x128xf32>
    tpu.vector_store %arg6[%swap3A, %swap3A_22], %add3A_16 {strides = array<i32>} : memref<2048x128xf32, #tpu.memory_space<vmem>>, vector<2048x128xf32>,
    %swap3A_24 = arith.constant 0 : index
    %swap3A_25 = arith.constant 0 : index
    %swap3A_26 = vector.load %arg7[%swap3A_24, %swap3A_25] : memref<64x128xf32, #tpu.memory_space<vmem>>, vector<64x128xf32>
    tpu.vector_store %arg7[%swap3A_24, %swap3A_25], %dot_general3A_21 {strides = array<i32>} : memref<64x128xf32, #tpu.memory_space<vmem>>, vector<64x128xf32>,
    %broadcast_in_dim3A = arith.constant 1.000000e+00 : f32
    %broadcast_in_dim3A_27 = vector.broadcast %broadcast_in_dim3A : f32 to vector<1x128xf32>
    %reduce_sum3A = arith.constant dense<0.000000e+00> : vector<2048xf32>
    %reduce_sum3A_28 = vector.multi_reduction <add>, %add3A_16, %reduce_sum3A [1] : vector<2048x128xf32> to vector<2048xf32>
    %broadcast_in_dim3A_29 = vector.shape_cast %reduce_sum3A_28 : vector<2048xf32> to vector<2048x1xf32>
    %mul3A = arith.constant 7.812500e-03 : f32
    %mul3A_30 = vector.broadcast %mul3A : f32 to vector<2048x1xf32>
    %mul3A_31 = arith.mulf %broadcast_in_dim3A_29, %mul3A_30 : vector<2048x1xf32>
    %dot_general3A_32 = arith.constant dense<0.000000e+00> : vector<1x64xf32>
    %dot_general3A_33 = tpu.matmul %broadcast_in_dim3A_27, %dot_general3A_21, %dot_general3A_32 {dimension_numbers = #tpu.dot_dimension_numbers<[1], [1], [0], [0], [0, 0, 1, 0], [], []>, transpose_lhs_hint = false} : vector<1x128xf32>, vector<64x128xf32>, vector<1x64xf32> -> vector<1x64xf32>
    %mul3A_34 = arith.constant 7.812500e-03 : f32
    %mul3A_35 = vector.broadcast %mul3A_34 : f32 to vector<1x64xf32>
    %mul3A_36 = arith.mulf %dot_general3A_33, %mul3A_35 : vector<1x64xf32>
    %mul3A_37 = arith.mulf %add3A_16, %add3A_16 : vector<2048x128xf32>
    %reduce_sum3A_38 = arith.constant dense<0.000000e+00> : vector<2048xf32>
    %reduce_sum3A_39 = vector.multi_reduction <add>, %mul3A_37, %reduce_sum3A_38 [1] : vector<2048x128xf32> to vector<2048xf32>
    %broadcast_in_dim3A_40 = vector.shape_cast %reduce_sum3A_39 : vector<2048xf32> to vector<2048x1xf32>
    %mul3A_41 = arith.mulf %dot_general3A_21, %dot_general3A_21 : vector<64x128xf32>
    %dot_general3A_42 = arith.constant dense<0.000000e+00> : vector<1x64xf32>
    %dot_general3A_43 = tpu.matmul %broadcast_in_dim3A_27, %mul3A_41, %dot_general3A_42 {dimension_numbers = #tpu.dot_dimension_numbers<[1], [1], [0], [0], [0, 0, 1, 0], [], []>, transpose_lhs_hint = false} : vector<1x128xf32>, vector<64x128xf32>, vector<1x64xf32> -> vector<1x64xf32>
    %dot_general3A_44 = arith.constant dense<0.000000e+00> : vector<2048x64xf32>
    %dot_general3A_45 = tpu.matmul %add3A_16, %dot_general3A_21, %dot_general3A_44 {dimension_numbers = #tpu.dot_dimension_numbers<[1], [1], [0], [0], [0, 0, 1, 0], [], []>, transpose_lhs_hint = false} : vector<2048x128xf32>, vector<64x128xf32>, vector<2048x64xf32> -> vector<2048x64xf32>
    %add3A_46 = vector.broadcast %mul3A_31 : vector<2048x1xf32> to vector<2048x64xf32>
    %add3A_47 = vector.broadcast %mul3A_36 : vector<1x64xf32> to vector<2048x64xf32>
    %add3A_48 = arith.addf %add3A_46, %add3A_47 : vector<2048x64xf32>
    %mul3A_49 = arith.constant 2.000000e+00 : f32
    %mul3A_50 = vector.broadcast %mul3A_49 : f32 to vector<2048x64xf32>
    %mul3A_51 = arith.mulf %mul3A_50, %dot_general3A_45 : vector<2048x64xf32>
    %add3A_52 = vector.broadcast %broadcast_in_dim3A_40 : vector<2048x1xf32> to vector<2048x64xf32>
    %add3A_53 = arith.addf %add3A_52, %mul3A_51 : vector<2048x64xf32>
    %add3A_54 = vector.broadcast %dot_general3A_43 : vector<1x64xf32> to vector<2048x64xf32>
    %add3A_55 = arith.addf %add3A_53, %add3A_54 : vector<2048x64xf32>
    %mul3A_56 = arith.constant 7.812500e-03 : f32
    %mul3A_57 = vector.broadcast %mul3A_56 : f32 to vector<2048x64xf32>
    %mul3A_58 = arith.mulf %add3A_55, %mul3A_57 : vector<2048x64xf32>
    %mul3A_59 = arith.mulf %add3A_48, %add3A_48 : vector<2048x64xf32>
    %sub3A = arith.subf %mul3A_58, %mul3A_59 : vector<2048x64xf32>
    %add3A_60 = arith.constant 9.99999974E-6 : f32
    %add3A_61 = vector.broadcast %add3A_60 : f32 to vector<2048x64xf32>
    %add3A_62 = arith.addf %sub3A, %add3A_61 : vector<2048x64xf32>
    %swap3A_63 = arith.constant 0 : index
    %swap3A_64 = arith.constant 0 : index
    %swap3A_65 = vector.load %arg8[%swap3A_63, %swap3A_64] : memref<2048x64xf32, #tpu.memory_space<vmem>>, vector<2048x64xf32>
    tpu.vector_store %arg8[%swap3A_63, %swap3A_64], %add3A_48 {strides = array<i32>} : memref<2048x64xf32, #tpu.memory_space<vmem>>, vector<2048x64xf32>,
    %rsqrt3A = math.rsqrt %add3A_62 : vector<2048x64xf32>
    %swap3A_66 = arith.constant 0 : index
    %swap3A_67 = arith.constant 0 : index
    %swap3A_68 = vector.load %arg9[%swap3A_66, %swap3A_67] : memref<2048x64xf32, #tpu.memory_space<vmem>>, vector<2048x64xf32>
    tpu.vector_store %arg9[%swap3A_66, %swap3A_67], %rsqrt3A {strides = array<i32>} : memref<2048x64xf32, #tpu.memory_space<vmem>>, vector<2048x64xf32>,
    return
  }
  func.func @transform_0(%arg0: i32) -> (i32, i32) {
    %c0_i32 = arith.constant 0 : i32
    %c0_i32_0 = arith.constant 0 : i32
    %c0_i32_1 = arith.constant 0 : i32
    return %c0_i32, %c0_i32_0 : i32, i32
  }
  func.func @transform_1(%arg0: i32) -> (i32, i32) {
    %c0_i32 = arith.constant 0 : i32
    %c0_i32_0 = arith.constant 0 : i32
    %c0_i32_1 = arith.constant 0 : i32
    return %c0_i32, %c0_i32_0 : i32, i32
  }
  func.func @transform_2(%arg0: i32) -> (i32, i32) {
    %c0_i32 = arith.constant 0 : i32
    %c0_i32_0 = arith.constant 0 : i32
    %c0_i32_1 = arith.constant 0 : i32
    return %c0_i32, %c0_i32_0 : i32, i32
  }
  func.func @transform_3(%arg0: i32) -> (i32, i32) {
    %c0_i32 = arith.constant 0 : i32
    %c0_i32_0 = arith.constant 0 : i32
    %c0_i32_1 = arith.constant 0 : i32
    return %c0_i32, %c0_i32_0 : i32, i32
  }
  func.func @transform_4(%arg0: i32) -> (i32, i32) {
    %c0_i32 = arith.constant 0 : i32
    %c0_i32_0 = arith.constant 0 : i32
    %c0_i32_1 = arith.constant 0 : i32
    return %c0_i32, %c0_i32_0 : i32, i32
  }
  func.func @transform_5(%arg0: i32) -> (i32, i32) {
    %c0_i32 = arith.constant 0 : i32
    %c0_i32_0 = arith.constant 0 : i32
    %c0_i32_1 = arith.constant 0 : i32
    return %c0_i32, %c0_i32_0 : i32, i32
  }
  func.func @transform_6(%arg0: i32) -> (i32, i32) {
    %c0_i32 = arith.constant 0 : i32
    %c0_i32_0 = arith.constant 0 : i32
    %c0_i32_1 = arith.constant 0 : i32
    return %c0_i32, %c0_i32_0 : i32, i32
  }
  func.func @transform_7(%arg0: i32) -> (i32, i32) {
    %c0_i32 = arith.constant 0 : i32
    %c0_i32_0 = arith.constant 0 : i32
    %c0_i32_1 = arith.constant 0 : i32
    return %c0_i32, %c0_i32_0 : i32, i32
  }
  func.func @transform_8(%arg0: i32) -> (i32, i32) {
    %c0_i32 = arith.constant 0 : i32
    %c0_i32_0 = arith.constant 0 : i32
    %c0_i32_1 = arith.constant 0 : i32
    return %c0_i32, %c0_i32_0 : i32, i32
  }
}

</mosaic_0001>

<sc_bundles>
// kernel: kernel.4.cloned.1.call-start
scs
__scs_entry_jumppad:
0x0: {  	(pc) =	sbr.rel $0x88, $3  }
0x1: {  	(tag) =	ssettag $0x0;
	lr =	simm.s32 $0x1  }
0x2: {  	[smem:$0x3F99] =	sst lr;
	_ =	strace $0xD0000000  }
0x3: {  	_ = 	snop  }
0x4: {  	_ = 	snop  }
0x5: {  	_ = 	snop  }
0x6: {  	_ = 	snop  }
0x7: {  	_ = 	snop  }
__scs_overlays_trampoline_lowered:
0x8: {  	[smem:$0x3FA8] =	sst s0  }
0x9: {  	[smem:$0x3FA9] =	sst s1  }
0xa: {  	[smem:$0x3FAA] =	sst s2  }
0xb: {  	[smem:$0x3FAB] =	sst s3  }
0xc: {  	[smem:$0x3FAC] =	sst s4  }
0xd: {  	[smem:$0x3FAD] =	sst s5  }
0xe: {  	[smem:$0x3FAE] =	sst s6  }
0xf: {  	[smem:$0x3FAF] =	sst s7  }
0x10: {  	[smem:$0x3FB0] =	sst s8  }
0x11: {  	[smem:$0x3FB1] =	sst s9;
	s0 =	simm.s32 @!p0 $0x0  }
0x12: {  	s1 =	sld [smem:$0x3F97];
	s0 =	simm.s32 @p0 $0x1  }
0x13: {  	[smem:$0x3FB2] =	sst s0;
	s0 =	simm.s32 @!p1 $0x0  }
0x14: {  	s2 =	sld [smem:$0x3F96];
	s0 =	simm.s32 @p1 $0x1  }
0x15: {  	[smem:$0x3FB3] =	sst s0;
	s0 =	simm.s32 @!p2 $0x0  }
0x16: {  	s3 =	sld [smem:$0x3FDB];
	s0 =	simm.s32 @p2 $0x1  }
0x17: {  	s4 =	simm.s32 $0x1BF5;
	[smem:$0x3FB5] =	sst s0  }
0x18: {  	s0 =	sld [smem:$0x3F98];
	_ =	swait.ge [sflag:s4], $0x0  }
0x19: {  	s7 =	sld [smem:$0x3F99]  }
0x1a: {  	s8 =	sadd.s32 $0xFFFFE003, lr  }
0x1b: {  	s9 =	sadd.s32 $0xFFFFFEF7, lr;
	s5 =	simm.s32 $0xFFFFFFFF;
	p2 =	slt.u32 s8, $0xFFFFF086  }
0x1c: {  	p1 =	slt.u32 s9, $0xF7A;
	s5 =	simm.s32 @!p2 $0x0  }
0x1d: {  	s5 =	simm.s32 @p1 $0x1;
	p0 =	seq.s32 s7, s2  }
0x1e: {  	s7 =	smul.u32 @!p0 $0xF7A, s2;
	p2 =	seq.s32 @!p0 s5, $0x0  }
0x1f: {  	s9 =	smul.u32 $0xF7A, s1;
	s8 =	simm.s32 @!p0 $0x1BF5;
	p2 =	por !p2, p0  }
0x20: {  	[sflag:s8] =	ssyncset.s32 @!p0 $0xFFFFF086;
	s6 =	sadd.s32 @!p0 s3, s7;
	s7 =	simm.s32 @!p0 $0x108  }
0x21: {  	s3 =	sadd.s32 s3, s9;
	s6 =	sadd.s32 @!p0 $0x88, s6;
	s7 =	simm.s32 @p2 $0x1082  }
0x22: {  	[simem:s7], [sflag:s8] =	dma.local @!p0 [hbm:s6], $0xF7A  }
0x23: {  	s9 =	sor.u32 $0xD0000000, s2;
	s6 =	simm.s32 $0x108;
	_ =	swait.ge @!p0 [sflag:s8], $0x0  }
0x24: {  	s3 =	sadd.s32 $0x88, s3;
	s6 =	simm.s32 @!p1 $0x1082;
	[sflag:s4] =	ssyncset.s32 $0xFFFFF086  }
0x25: {  	[simem:s6], [sflag:s4] =	dma.local [hbm:s3], $0xF7A  }
0x26: {  	[smem:$0x3F99] =	sst s1;
	(tag) =	ssettag s2;
	_ =	strace s9  }
0x27: {  	s1 =	sld [smem:$0x3FA9]  }
0x28: {  	s2 =	sld [smem:$0x3FAA]  }
0x29: {  	s4 =	sld [smem:$0x3FAC]  }
0x2a: {  	p0 =	seq.s32 s5, $0x0;
	s5 =	sld [smem:$0x3FAD]  }
0x2b: {  	s6 =	sld [smem:$0x3FAE]  }
0x2c: {  	s7 =	sld [smem:$0x3FAF]  }
0x2d: {  	s3 =	simm.s32 $0x108;
	s8 =	sld [smem:$0x3FB0]  }
0x2e: {  	s3 =	simm.s32 @!p0 $0x1082;
	s9 =	sld [smem:$0x3FB1]  }
0x2f: {  	lr =	sadd.s32 s0, s3;
	s0 =	sld [smem:$0x3FA8]  }
0x30: {  	s3 =	sld [smem:$0x3FAB]  }
0x31: {  	[smem:$0x3FB4] =	sst s10  }
0x32: {  	s10 =	sld [smem:$0x3FB2];
	_ =	sdelay $0x3  }
0x33: {  	p0 =	seq.s32 s10, $0x1;
	s10 =	sld [smem:$0x3FB4];
	_ =	sdelay $0x3  }
0x34: {  	[smem:$0x3FB4] =	sst s10  }
0x35: {  	s10 =	sld [smem:$0x3FB3];
	_ =	sdelay $0x3  }
0x36: {  	p1 =	seq.s32 s10, $0x1;
	s10 =	sld [smem:$0x3FB4];
	_ =	sdelay $0x3  }
0x37: {  	[smem:$0x3FB4] =	sst s10  }
0x38: {  	s10 =	sld [smem:$0x3FB5]  }
0x39: {  	_ = 	snop;
	(pc) =	sbr.ind lr, $3  }
0x3a: {  	_ = 	snop  }
0x3b: {  	_ = 	snop  }
0x3c: {  	p2 =	seq.s32 s10, $0x1;
	s10 =	sld [smem:$0x3FB4]  }
0x3d: {  	_ =	shalt  }
0x3e: {  	_ =	shalt  }
0x3f: {  	_ =	shalt  }
0x40: {  	_ =	shalt  }
0x41: {  	_ =	shalt  }
0x42: {  	_ =	shalt  }
0x43: {  	_ =	shalt  }
0x44: {  	_ =	shalt  }
0x45: {  	_ =	shalt  }
0x46: {  	_ =	shalt  }
0x47: {  	_ =	shalt  }
0x48: {  	_ =	shalt  }
0x49: {  	_ =	shalt  }
0x4a: {  	_ =	shalt  }
0x4b: {  	_ =	shalt  }
0x4c: {  	_ =	shalt  }
0x4d: {  	_ =	shalt  }
0x4e: {  	_ =	shalt  }
0x4f: {  	_ =	shalt  }
0x50: {  	_ =	shalt  }
0x51: {  	_ =	shalt  }
0x52: {  	_ =	shalt  }
0x53: {  	_ =	shalt  }
0x54: {  	_ =	shalt  }
0x55: {  	_ =	shalt  }
0x56: {  	_ =	shalt  }
0x57: {  	_ =	shalt  }
0x58: {  	_ =	shalt  }
0x59: {  	_ =	shalt  }
0x5a: {  	_ =	shalt  }
0x5b: {  	_ =	shalt  }
0x5c: {  	_ =	shalt  }
0x5d: {  	_ =	shalt  }
0x5e: {  	_ =	shalt  }
0x5f: {  	_ =	shalt  }
0x60: {  	_ =	shalt  }
0x61: {  	_ =	shalt  }
0x62: {  	_ =	shalt  }
0x63: {  	_ =	shalt  }
0x64: {  	_ =	shalt  }
0x65: {  	_ =	shalt  }
0x66: {  	_ =	shalt  }
0x67: {  	_ =	shalt  }
0x68: {  	_ =	shalt  }
0x69: {  	_ =	shalt  }
0x6a: {  	_ =	shalt  }
0x6b: {  	_ =	shalt  }
0x6c: {  	_ =	shalt  }
0x6d: {  	_ =	shalt  }
0x6e: {  	_ =	shalt  }
0x6f: {  	_ =	shalt  }
0x70: {  	_ =	shalt  }
0x71: {  	_ =	shalt  }
0x72: {  	_ =	shalt  }
0x73: {  	_ =	shalt  }
0x74: {  	_ =	shalt  }
0x75: {  	_ =	shalt  }
0x76: {  	_ =	shalt  }
0x77: {  	_ =	shalt  }
0x78: {  	_ =	shalt  }
0x79: {  	_ =	shalt  }
0x7a: {  	_ =	shalt  }
0x7b: {  	_ =	shalt  }
0x7c: {  	_ =	shalt  }
0x7d: {  	_ =	shalt  }
0x7e: {  	_ =	shalt  }
0x7f: {  	_ =	shalt  }
0x80: {  	_ =	shalt  }
0x81: {  	_ =	shalt  }
0x82: {  	_ =	shalt  }
0x83: {  	_ =	shalt  }
0x84: {  	_ =	shalt  }
0x85: {  	_ =	shalt  }
0x86: {  	_ =	shalt  }
0x87: {  	_ =	shalt  }
.Lfunc_end0:
.L_simem_size_0:
called_computation_lowered:
.L_overlay_start_0:
0x88: {  	s2 =	sld [smem:$0x3FD9]  }
0x89: {  	s3 =	sld [smem:$0x3FFE];
	_ =	sdelay $0x1  }
0x8a: {  	s1 =	srdreg.scid  }
0x8b: {  	s0 =	sand.u32 $0x1, s1  }
0x8c: {  	s17 =	sshll.u32 s0, $0xA;
	s2 =	sadd.s32 s3, s2  }
0x8d: {  	s2 =	sadd.s32 s2, s17  }
0x8e: {  	[smem:$0x3FC0] =	sst s2  }
0x8f: {  	_ = 	snop  }
0x90: {  	s2 =	sld [smem:$0x3FC3]  }
0x91: {  	s18 =	sld [smem:$0x3FC2]  }
0x92: {  	s4 =	sld [smem:$0x3FD0];
	(tm) =	ssettm $0x1  }
0x93: {  	s5 =	sld [smem:$0x3FFB];
	_ =	sdelay $0x3  }
0x94: {  	_ =	strace s5  }
0x95: {  	s5 =	sld [smem:$0x3FFC];
	_ =	sdelay $0x3  }
0x96: {  	_ =	strace s5  }
0x97: {  	s5 =	sld [smem:$0x3FFD];
	_ =	sdelay $0x3  }
0x98: {  	_ =	strace s5  }
0x99: {  	_ =	strace $0x8FFFFFFF  }
0x9a: {  	s19 =	sld [smem:$0x3FDB];
	_ =	sdelay $0x1  }
0x9b: {  	s6 =	simm.s32 $_scs_section_size  }
0x9c: {  	s7 =	simm.s32 $_size__tile_overlayer_lowered;
	s8 =	simm.s32 $_tile_overlayer_lowered  }
0x9d: {  	s22 =	simm.s32 $0x1BFF;
	s21 =	sshll.u32 s8, $0x1;
	s5 =	sadd.s32 s6, s19  }
0x9e: {  	s9 =	simm.s32 $0x0;
	s20 =	sshll.u32 s7, $0x1;
	s7 =	sadd.s32 s21, s5  }
0x9f: {  	[timem:s9], [sflag:s22] =	dma.local [hbm:s7], s20  }
0xa0: {  	_ =	swait.ge [sflag:s22], s20  }
0xa1: {  	s6 =	ssub.s32 $0x0, s20;
	[sflag:s22] =	ssyncset.done $0x0  }
0xa2: {  	[sflag:s22] =	ssyncadd.s32 s6;
	_ =	sdelay $0x1  }
0xa3: {  	s23 =	simm.s32 $0x1B8B  }
0xa4: {  	_ =	swait.ge [sflag:s23], $0x1  }
0xa5: {  	[sflag:s23] =	ssyncset.done $0x0  }
0xa6: {  	s25 =	simm.s32 $0x1B8E;
	s24 =	sld [smem:$0x3FFE];
	[sflag:s23] =	ssyncadd.s32 $0xFFFFFFFF  }
0xa7: {  	s26 =	simm.s32 $execute0_lowered;
	[smem:$0x3FD2] =	sst s25  }
0xa8: {  	s7 =	sshll.u32 s26, $0x1;
	_ =	strace $0x80000046;
	[dreg:$0x1] =	wrdreg $0xFFFFFFFF  }
0xa9: {  	s28 =	simm.s32 $_size_execute0_lowered;
	s5 =	sadd.s32 s5, s7;
	[dreg:$0x0] =	wrdreg $0x0  }
0xaa: {  	s7 =	sshll.u32 s28, $0x1;
	[dreg:$0x2] =	wrdreg s5  }
0xab: {  	[dreg:$0x3] =	wrdreg s7  }
0xac: {  	[dreg:$0x4] =	wrdreg $0xC0  }
0xad: {  	_ =	task [dreg:s9], $0x5FFFF  }
0xae: {  	[dreg:$0x1] =	wrdreg $0xFFFFFFFF  }
0xaf: {  	[dreg:$0x0] =	wrdreg $0x60  }
0xb0: {  	[dreg:$0x2] =	wrdreg s24  }
0xb1: {  	[dreg:$0x3] =	wrdreg s2  }
0xb2: {  	[dreg:$0x4] =	wrdreg s18  }
0xb3: {  	[dreg:$0x5] =	wrdreg s4  }
0xb4: {  	[dreg:$0x6] =	wrdreg $0x9  }
0xb5: {  	_ =	task.clear_ibuf [dreg:s9], $0x7FFFF;
	_ =	strace $0x90000046  }
0xb6: {  	s29 =	simm.s32 $0x9;
	_ =	strace $0x80000048  }
0xb7: {  	_ =	swait.ge [sflag:s29], $0x1  }
0xb8: {  	[sflag:s29] =	ssyncadd.s32 $0xFFFFFFFF  }
0xb9: {  	_ =	strace $0x90000048  }
0xba: {  	_ =	sfence  }
0xbb: {  	s30 =	sld [smem:$0x0];
	_ =	sdelay $0x2  }
0xbc: {  	s31 =	sshll.u32 s1, $0xD;
	s1 =	sshrl.u32 s1, $0x2  }
0xbd: {  	s3 =	sand.u32 $0x4000, s31;
	s1 =	sadd.s32 s1, s30  }
0xbe: {  	s0 =	sor.u32 s3, s0;
	s1 =	sshll.u32 s1, $0x11  }
0xbf: {  	s0 =	sor.u32 s1, s0  }
0xc0: {  	s0 =	sadd.s32 $0x8F2B, s0  }
0xc1: {  	[sflag:s0] =	ssyncadd.remote.s32 $0x1  }
0xc2: {  	_ =	sfence.sel $0xFFFF  }
0xc3: {  	[dreg:$0x0] =	wrdreg $0xFFFFFFFF;
	(pc) =	sbr.abs _section_cstart, $3  }
0xc4: {  	[dreg:$0x1] =	wrdreg $0xFFFFFFFF  }
0xc5: {  	_ =	task.clear_ibuf [dreg:s9], $0x2FFFF;
	_ =	strace $0x9FFFFFFF  }
0xc6: {  	(tm) =	ssettm $0x7FFFFFFF  }
0xc7: {  	_ =	shalt  }
tec
execute0_lowered:
.L_overlay_start_1:
0x0: {  	(tag) =	ssettag $0x1  }
0x1: {  	s7 =	rddreg [dreg:$0x0]  }
0x2: {  	s2 =	rddreg [dreg:$0x1]  }
0x3: {  	s3 =	rddreg [dreg:$0x2]  }
0x4: {  	s10 =	rddreg [dreg:$0x3]  }
0x5: {  	s1 =	stileid.u32;
	s4 =	srdreg.scid  }
0x6: {  	s0 =	rddreg [dreg:$0x4];
	s16 =	simm.s32 $0x4000;
	s17 =	simm.s32 $0x8000  }
0x7: {  	s18 =	simm.s32 $0x8080;
	s19 =	simm.s32 $0x1000;
	s20 =	simm.s32 $0x6000  }
0x8: {  	s21 =	simm.s32 $0x1;
	s23 =	simm.s32 $0x8100;
	s24 =	simm.s32 $0x0  }
0x9: {  	s6 =	sand.u32 $0x1, s4;
	s5 =	sshll.u32 s1, $0x1;
	s4 =	simm.s32 $0x0  }
0xa: {  	s8 =	sshll.u32 s1, $0xA;
	s9 =	sor.u32 s6, s5;
	[smem:$0x7FF] =	sst s4  }
0xb: {  	s31 =	sand.u32 $0x3000, s8;
	s5 =	sadd.s32 $0xD200, s7;
	s13 =	ssub.s32 $0x2, s6  }
0xc: {  	s6 =	sadd.s32 $0xD600, s7;
	s11 =	sshll.u32 s9, $0xA;
	_ =	strace $0x80000047  }
0xd: {  	s8 =	sadd.s32 s31, s7;
	s14 =	sshll.u32 s9, $0x4;
	s15 =	sshrl.u32 s13, $0x1  }
0xe: {  	s22 =	sshll.u32 s9, $0x6;
	s12 =	sadd.s32 s11, s7;
	s14 =	sand.u32 $0x70, s14  }
0xf: {  	s7 =	sadd.s32 $0x11600, s7;
	s13 =	ssub.s32 s13, s15;
	s10 =	sadd.s32 s10, s11  }
0x10: {  	s15 =	simm.s32 $0x2000;
	v0 =	vmov s22;
	s22 =	simm.s32 $0x7000;
	s8 =	sadd.s32 s14, s8  }
0x11: {  	s9 =	sadd.s32 $0x5200, s12;
	s11 =	smax.u32 s13, $0x1;
	s12 =	simm.s32 $0x80  }
0x12: {  	v1 =	vlaneseq.u32;
	s13 =	simm.s32 $0x400;
	s14 =	simm.s32 $0x2;
	s8 =	sadd.s32 $0x1200, s8  }
.LBB2_1:
0x13: {  	[tilespmem:s4], [sflag:$0x2] =	stream.strided.gather [hbm4b:s8+s12], $0x1000, s13, s12, $0x38;
	[tilespmem:$0xA100] =	vst v63  }
0x14: {  	_ =	swait.ge [sflag:s14], $0x1000  }
0x15: {  	[sflag:s14] =	ssyncset.done $0x0  }
0x16: {  	[sflag:s14] =	ssyncadd.s32 $0xFFFFF000  }
0x17: {  	[tilespmem:s15], [sflag:$0x2] =	stream.linear.gather [hbm4b:s9+s4], $0x2000, $0x38;
	[tilespmem:$0xA100] =	vst v63  }
0x18: {  	_ =	swait.ge [sflag:s14], $0x2000  }
0x19: {  	[sflag:s14] =	ssyncset.done $0x0  }
0x1a: {  	[sflag:s14] =	ssyncadd.s32 $0xFFFFE000  }
0x1b: {  	[tilespmem:s16], [sflag:$0x2] =	stream.linear.gather [hbm4b:s5+s4], $0x2000, $0x38;
	[tilespmem:$0xA100] =	vst v63  }
0x1c: {  	_ =	swait.ge [sflag:s14], $0x2000  }
0x1d: {  	[sflag:s14] =	ssyncset.done $0x0  }
0x1e: {  	[sflag:s14] =	ssyncadd.s32 $0xFFFFE000  }
0x1f: {  	[tilespmem:s17], [sflag:$0x2] =	stream.linear.gather [hbm4b:s2+s4], $0x80, $0x38;
	[tilespmem:$0xA100] =	vst v63  }
0x20: {  	_ =	swait.ge [sflag:s14], $0x80  }
0x21: {  	[sflag:s14] =	ssyncset.done $0x0  }
0x22: {  	[sflag:s14] =	ssyncadd.s32 $0xFFFFFF80  }
0x23: {  	[tilespmem:s18], [sflag:$0x2] =	stream.linear.gather [hbm4b:s3+s4], $0x80, $0x38;
	[tilespmem:$0xA100] =	vst v63  }
0x24: {  	_ =	swait.ge [sflag:s14], $0x80  }
0x25: {  	[sflag:s14] =	ssyncset.done $0x0  }
0x26: {  	[sflag:s14] =	ssyncadd.s32 $0xFFFFFF80  }
0x27: {  	v2 =	vld [tilespmem:s4+$0x0]  }
0x28: {  	v3 =	vor.u32 s4, v1  }
0x29: {  	v3 =	vand.u32 $0x3F, v3  }
0x2a: {  	v3 =	vor.u32 v0, v3  }
0x2b: {  	v3 =	vshll.u32 v3, $0x6  }
0x2c: {  	v2 =	vadd.s32 v3, v2  }
0x2d: {  	s26 =	simm.s32 $0x10;
	[tilespmem:s19+$0x0] =	vst v2  }
0x2e: {  	s28 =	simm.s32 $0x20;
	s25 =	simm.s32 $0x1000;
	s29 =	simm.s32 $0x10;
	v2 =	vld [tilespmem:s26+$0x0]  }
.LBB2_2:
0x2f: {  	p0 =	sne.s32 s28, $0xFF0;
	v3 =	vor.u32 s26, v1;
	s26 =	smov.u32 s28  }
0x30: {  	v3 =	vand.u32 $0x3F, v3  }
.Ltmp0:
0x31: {  	v3 =	vor.u32 v0, v3;
	(pc) =	sbr.rel @p0 .LBB2_2-.Ltmp0, $4  }
0x32: {  	v3 =	vshll.u32 v3, $0x6  }
0x33: {  	s25 =	sadd.s32 $0x10, s25;
	v2 =	vadd.s32 v3, v2  }
0x34: {  	s29 =	sadd.s32 $0x10, s29;
	[tilespmem:s25+$0x0] =	vst v2  }
0x35: {  	s28 =	sadd.s32 $0x10, s28;
	v2 =	vld [tilespmem:s29+$0x0]  }
0x36: {  	v3 =	vor.u32 s26, v1  }
0x37: {  	v3 =	vand.u32 $0x3F, v3  }
0x38: {  	v3 =	vor.u32 v0, v3  }
0x39: {  	v3 =	vshll.u32 v3, $0x6  }
0x3a: {  	s25 =	sadd.s32 $0x10, s25;
	v2 =	vadd.s32 v3, v2  }
0x3b: {  	[tilespmem:s25+$0x0] =	vst v2  }
0x3c: {  	[tilespmem:s20], [sflag:$0x1] =	stream.indirect.gather [hbm4b:s6+s19], $0x1, s19, s19, $0xb8;
	[tilespmem:$0xA100] =	vst v63  }
0x3d: {  	_ =	swait.ge [sflag:s21], $0x1000  }
0x3e: {  	[sflag:s21] =	ssyncset.done $0x0  }
0x3f: {  	[sflag:s21] =	ssyncadd.s32 $0xFFFFF000  }
0x40: {  	[tilespmem:s22], [sflag:$0x1] =	stream.indirect.gather [hbm4b:s7+s19], $0x1, s19, s19, $0xb8;
	[tilespmem:$0xA100] =	vst v63  }
0x41: {  	_ =	swait.ge [sflag:s21], $0x1000  }
0x42: {  	[sflag:s21] =	ssyncset.done $0x0  }
0x43: {  	[sflag:s21] =	ssyncadd.s32 $0xFFFFF000  }
0x44: {  	v2 =	vld [tilespmem:$0x8000]  }
0x45: {  	v3 =	vld [tilespmem:$0x8010]  }
0x46: {  	v4 =	vld [tilespmem:$0x8020]  }
0x47: {  	v5 =	vld [tilespmem:$0x8030]  }
0x48: {  	v6 =	vld [tilespmem:$0x8040]  }
0x49: {  	v7 =	vld [tilespmem:$0x8050]  }
0x4a: {  	v8 =	vld [tilespmem:$0x8060]  }
0x4b: {  	v9 =	vld [tilespmem:$0x8070]  }
0x4c: {  	v10 =	vld [tilespmem:$0x8080]  }
0x4d: {  	v11 =	vld [tilespmem:$0x8090]  }
0x4e: {  	v12 =	vld [tilespmem:$0x80A0]  }
0x4f: {  	v13 =	vld [tilespmem:$0x80B0]  }
0x50: {  	v14 =	vld [tilespmem:$0x80C0]  }
0x51: {  	v15 =	vld [tilespmem:$0x80D0]  }
0x52: {  	v16 =	vld [tilespmem:$0x80E0]  }
0x53: {  	s25 =	simm.s32 $0x0;
	v17 =	vld [tilespmem:$0x80F0]  }
.LBB2_4:
0x54: {  	s26 =	sshll.u32 s25, $0x6  }
0x55: {  	v18 =	vmov s26;
	_ =	sdelay $0x2  }
0x56: {  	s26 =	simm.s32 $0x0  }
.LBB2_5:
0x57: {  	s28 =	sshll.u32 s26, $0x4  }
0x58: {  	v19 =	vld.idx.msk [tilespmem:v18+s28+$0x0 ss:$0x1], $0xffff;
	_ =	sdelay $0x4  }
0x59: {  	v19 =	vshll.u32 v19, $0x9  }
0x5a: {  	v21 =	vshra.s32 v19, $0x2  }
0x5b: {  	(v2sf) =	vpush v21, $0x0;
	_ =	sdelay $0xc  }
0x5c: {  	v20 =	vld.idx.msk [tilespmem:v18+s28+$0x6000 ss:$0x1], $0xffff  }
0x5d: {  	v19 =	vld.idx.msk [tilespmem:v18+s28+$0x7000 ss:$0x1], $0xffff;
	s28 =	sshll.u32 s26, $0xB  }
0x5e: {  	v23 =	vld [tilespmem:s28+$0x2000];
	s29 =	spop (v2sf)  }
0x5f: {  	v22 =	vld [tilespmem:s29+$0x4000];
	_ =	sdelay $0x2  }
0x60: {  	v20 =	vsub.f32 $0.0e+00, v20;
	_ =	sdelay $0x1  }
0x61: {  	v20 =	vmul.f32 v20, v19;
	v53 =	vbroadcast v19, $0x0;
	v22 =	vadd.f32 v23, v22;
	_ =	sdelay $0x1  }
0x62: {  	v24 =	vbroadcast v20, $0x0;
	v22 =	vmul.f32 v22, v53;
	_ =	sdelay $0x1  }
0x63: {  	v22 =	vadd.f32 v22, v24;
	_ =	sdelay $0x1  }
0x64: {  	v22 =	vmul.f32 v22, v2;
	_ =	sdelay $0x1  }
0x65: {  	v22 =	vadd.f32 v22, v10;
	_ =	sdelay $0x1  }
0x66: {  	v25 =	vld [tilespmem:s28+$0x2010];
	[tilespmem:s28+$0x8100] =	vst v22  }
0x67: {  	v22 =	vld [tilespmem:s29+$0x4010];
	_ =	sdelay $0x4  }
0x68: {  	v22 =	vadd.f32 v25, v22;
	_ =	sdelay $0x1  }
0x69: {  	v22 =	vmul.f32 v22, v53;
	_ =	sdelay $0x1  }
0x6a: {  	v22 =	vadd.f32 v22, v24;
	_ =	sdelay $0x1  }
0x6b: {  	v22 =	vmul.f32 v22, v3;
	_ =	sdelay $0x1  }
0x6c: {  	v22 =	vadd.f32 v22, v11;
	_ =	sdelay $0x1  }
0x6d: {  	v54 =	vld [tilespmem:s28+$0x2020];
	[tilespmem:s28+$0x8110] =	vst v22  }
0x6e: {  	v22 =	vld [tilespmem:s29+$0x4020];
	_ =	sdelay $0x4  }
0x6f: {  	v22 =	vadd.f32 v54, v22;
	_ =	sdelay $0x1  }
0x70: {  	v22 =	vmul.f32 v22, v53;
	_ =	sdelay $0x1  }
0x71: {  	v22 =	vadd.f32 v22, v24;
	_ =	sdelay $0x1  }
0x72: {  	v22 =	vmul.f32 v22, v4;
	_ =	sdelay $0x1  }
0x73: {  	v22 =	vadd.f32 v22, v12;
	_ =	sdelay $0x1  }
0x74: {  	v55 =	vld [tilespmem:s28+$0x2030];
	[tilespmem:s28+$0x8120] =	vst v22  }
0x75: {  	v22 =	vld [tilespmem:s29+$0x4030];
	_ =	sdelay $0x4  }
0x76: {  	v22 =	vadd.f32 v55, v22;
	_ =	sdelay $0x1  }
0x77: {  	v22 =	vmul.f32 v22, v53;
	_ =	sdelay $0x1  }
0x78: {  	v22 =	vadd.f32 v22, v24;
	_ =	sdelay $0x1  }
0x79: {  	v22 =	vmul.f32 v22, v5;
	_ =	sdelay $0x1  }
0x7a: {  	v22 =	vadd.f32 v22, v13;
	_ =	sdelay $0x1  }
0x7b: {  	v56 =	vld [tilespmem:s28+$0x2040];
	[tilespmem:s28+$0x8130] =	vst v22  }
0x7c: {  	v22 =	vld [tilespmem:s29+$0x4040];
	_ =	sdelay $0x4  }
0x7d: {  	v22 =	vadd.f32 v56, v22;
	_ =	sdelay $0x1  }
0x7e: {  	v22 =	vmul.f32 v22, v53;
	_ =	sdelay $0x1  }
0x7f: {  	v22 =	vadd.f32 v22, v24;
	_ =	sdelay $0x1  }
0x80: {  	v22 =	vmul.f32 v22, v6;
	_ =	sdelay $0x1  }
0x81: {  	v22 =	vadd.f32 v22, v14;
	_ =	sdelay $0x1  }
0x82: {  	v57 =	vld [tilespmem:s28+$0x2050];
	[tilespmem:s28+$0x8140] =	vst v22  }
0x83: {  	v22 =	vld [tilespmem:s29+$0x4050];
	_ =	sdelay $0x4  }
0x84: {  	v22 =	vadd.f32 v57, v22;
	_ =	sdelay $0x1  }
0x85: {  	v22 =	vmul.f32 v22, v53;
	_ =	sdelay $0x1  }
0x86: {  	v22 =	vadd.f32 v22, v24;
	_ =	sdelay $0x1  }
0x87: {  	v22 =	vmul.f32 v22, v7;
	_ =	sdelay $0x1  }
0x88: {  	v22 =	vadd.f32 v22, v15;
	_ =	sdelay $0x1  }
0x89: {  	v58 =	vld [tilespmem:s28+$0x2060];
	[tilespmem:s28+$0x8150] =	vst v22  }
0x8a: {  	v22 =	vld [tilespmem:s29+$0x4060];
	_ =	sdelay $0x4  }
0x8b: {  	v22 =	vadd.f32 v58, v22;
	_ =	sdelay $0x1  }
0x8c: {  	v22 =	vmul.f32 v22, v53;
	_ =	sdelay $0x1  }
0x8d: {  	v22 =	vadd.f32 v22, v24;
	_ =	sdelay $0x1  }
0x8e: {  	v22 =	vmul.f32 v22, v8;
	_ =	sdelay $0x1  }
0x8f: {  	v22 =	vadd.f32 v22, v16;
	_ =	sdelay $0x1  }
0x90: {  	v59 =	vld [tilespmem:s28+$0x2070];
	[tilespmem:s28+$0x8160] =	vst v22  }
0x91: {  	(v2sf) =	vpush v21, $0x1;
	v22 =	vld [tilespmem:s29+$0x4070];
	_ =	sdelay $0x4  }
0x92: {  	v22 =	vadd.f32 v59, v22;
	_ =	sdelay $0x1  }
0x93: {  	v22 =	vmul.f32 v22, v53;
	_ =	sdelay $0x1  }
0x94: {  	v22 =	vadd.f32 v22, v24;
	_ =	sdelay $0x1  }
0x95: {  	v22 =	vmul.f32 v22, v9;
	_ =	sdelay $0x1  }
0x96: {  	v22 =	vadd.f32 v22, v17;
	_ =	sdelay $0x1  }
0x97: {  	v60 =	vld [tilespmem:s28+$0x2080];
	s31 =	spop (v2sf);
	[tilespmem:s28+$0x8170] =	vst v22  }
0x98: {  	v22 =	vld [tilespmem:s31+$0x4000];
	_ =	sdelay $0x4  }
0x99: {  	v61 =	vbroadcast v19, $0x1;
	v22 =	vadd.f32 v60, v22;
	_ =	sdelay $0x1  }
0x9a: {  	v62 =	vbroadcast v20, $0x1;
	v22 =	vmul.f32 v22, v61;
	_ =	sdelay $0x1  }
0x9b: {  	v22 =	vadd.f32 v22, v62;
	_ =	sdelay $0x1  }
0x9c: {  	v22 =	vmul.f32 v22, v2;
	_ =	sdelay $0x1  }
0x9d: {  	v22 =	vadd.f32 v22, v10;
	_ =	sdelay $0x1  }
0x9e: {  	v63 =	vld [tilespmem:s28+$0x2090];
	[tilespmem:s28+$0x8180] =	vst v22  }
0x9f: {  	v22 =	vld [tilespmem:s31+$0x4010];
	_ =	sdelay $0x4  }
0xa0: {  	v22 =	vadd.f32 v63, v22;
	_ =	sdelay $0x1  }
0xa1: {  	v22 =	vmul.f32 v22, v61;
	_ =	sdelay $0x1  }
0xa2: {  	v22 =	vadd.f32 v22, v62;
	_ =	sdelay $0x1  }
0xa3: {  	v22 =	vmul.f32 v22, v3;
	_ =	sdelay $0x1  }
0xa4: {  	v22 =	vadd.f32 v22, v11;
	_ =	sdelay $0x1  }
0xa5: {  	v28 =	vld [tilespmem:s28+$0x20A0];
	[tilespmem:s28+$0x8190] =	vst v22  }
0xa6: {  	v22 =	vld [tilespmem:s31+$0x4020];
	_ =	sdelay $0x4  }
0xa7: {  	v22 =	vadd.f32 v28, v22;
	_ =	sdelay $0x1  }
0xa8: {  	v22 =	vmul.f32 v22, v61;
	_ =	sdelay $0x1  }
0xa9: {  	v22 =	vadd.f32 v22, v62;
	_ =	sdelay $0x1  }
0xaa: {  	v22 =	vmul.f32 v22, v4;
	_ =	sdelay $0x1  }
0xab: {  	v22 =	vadd.f32 v22, v12;
	_ =	sdelay $0x1  }
0xac: {  	v29 =	vld [tilespmem:s28+$0x20B0];
	[tilespmem:s28+$0x81A0] =	vst v22  }
0xad: {  	v22 =	vld [tilespmem:s31+$0x4030];
	_ =	sdelay $0x4  }
0xae: {  	v22 =	vadd.f32 v29, v22;
	_ =	sdelay $0x1  }
0xaf: {  	v22 =	vmul.f32 v22, v61;
	_ =	sdelay $0x1  }
0xb0: {  	v22 =	vadd.f32 v22, v62;
	_ =	sdelay $0x1  }
0xb1: {  	v22 =	vmul.f32 v22, v5;
	_ =	sdelay $0x1  }
0xb2: {  	v22 =	vadd.f32 v22, v13;
	_ =	sdelay $0x1  }
0xb3: {  	v30 =	vld [tilespmem:s28+$0x20C0];
	[tilespmem:s28+$0x81B0] =	vst v22  }
0xb4: {  	v22 =	vld [tilespmem:s31+$0x4040];
	_ =	sdelay $0x4  }
0xb5: {  	v22 =	vadd.f32 v30, v22;
	_ =	sdelay $0x1  }
0xb6: {  	v22 =	vmul.f32 v22, v61;
	_ =	sdelay $0x1  }
0xb7: {  	v22 =	vadd.f32 v22, v62;
	_ =	sdelay $0x1  }
0xb8: {  	v22 =	vmul.f32 v22, v6;
	_ =	sdelay $0x1  }
0xb9: {  	v22 =	vadd.f32 v22, v14;
	_ =	sdelay $0x1  }
0xba: {  	v31 =	vld [tilespmem:s28+$0x20D0];
	[tilespmem:s28+$0x81C0] =	vst v22  }
0xbb: {  	v22 =	vld [tilespmem:s31+$0x4050];
	_ =	sdelay $0x4  }
0xbc: {  	v22 =	vadd.f32 v31, v22;
	_ =	sdelay $0x1  }
0xbd: {  	v22 =	vmul.f32 v22, v61;
	_ =	sdelay $0x1  }
0xbe: {  	v22 =	vadd.f32 v22, v62;
	_ =	sdelay $0x1  }
0xbf: {  	v22 =	vmul.f32 v22, v7;
	_ =	sdelay $0x1  }
0xc0: {  	v22 =	vadd.f32 v22, v15;
	_ =	sdelay $0x1  }
0xc1: {  	v32 =	vld [tilespmem:s28+$0x20E0];
	[tilespmem:s28+$0x81D0] =	vst v22  }
0xc2: {  	v22 =	vld [tilespmem:s31+$0x4060];
	_ =	sdelay $0x4  }
0xc3: {  	v22 =	vadd.f32 v32, v22;
	_ =	sdelay $0x1  }
0xc4: {  	v22 =	vmul.f32 v22, v61;
	_ =	sdelay $0x1  }
0xc5: {  	v22 =	vadd.f32 v22, v62;
	_ =	sdelay $0x1  }
0xc6: {  	v22 =	vmul.f32 v22, v8;
	_ =	sdelay $0x1  }
0xc7: {  	v22 =	vadd.f32 v22, v16;
	_ =	sdelay $0x1  }
0xc8: {  	v33 =	vld [tilespmem:s28+$0x20F0];
	[tilespmem:s28+$0x81E0] =	vst v22  }
0xc9: {  	(v2sf) =	vpush v21, $0x2;
	v22 =	vld [tilespmem:s31+$0x4070];
	_ =	sdelay $0x4  }
0xca: {  	v22 =	vadd.f32 v33, v22;
	_ =	sdelay $0x1  }
0xcb: {  	v22 =	vmul.f32 v22, v61;
	_ =	sdelay $0x1  }
0xcc: {  	v22 =	vadd.f32 v22, v62;
	_ =	sdelay $0x1  }
0xcd: {  	v22 =	vmul.f32 v22, v9;
	_ =	sdelay $0x1  }
0xce: {  	v22 =	vadd.f32 v22, v17;
	_ =	sdelay $0x1  }
0xcf: {  	v34 =	vld [tilespmem:s28+$0x2100];
	s30 =	spop (v2sf);
	[tilespmem:s28+$0x81F0] =	vst v22  }
0xd0: {  	v22 =	vld [tilespmem:s30+$0x4000];
	_ =	sdelay $0x4  }
0xd1: {  	v35 =	vbroadcast v19, $0x2;
	v22 =	vadd.f32 v34, v22;
	_ =	sdelay $0x1  }
0xd2: {  	v36 =	vbroadcast v20, $0x2;
	v22 =	vmul.f32 v22, v35;
	_ =	sdelay $0x1  }
0xd3: {  	v22 =	vadd.f32 v22, v36;
	_ =	sdelay $0x1  }
0xd4: {  	v22 =	vmul.f32 v22, v2;
	_ =	sdelay $0x1  }
0xd5: {  	v22 =	vadd.f32 v22, v10;
	_ =	sdelay $0x1  }
0xd6: {  	v37 =	vld [tilespmem:s28+$0x2110];
	[tilespmem:s28+$0x8200] =	vst v22  }
0xd7: {  	v22 =	vld [tilespmem:s30+$0x4010];
	_ =	sdelay $0x4  }
0xd8: {  	v22 =	vadd.f32 v37, v22;
	_ =	sdelay $0x1  }
0xd9: {  	v22 =	vmul.f32 v22, v35;
	_ =	sdelay $0x1  }
0xda: {  	v22 =	vadd.f32 v22, v36;
	_ =	sdelay $0x1  }
0xdb: {  	v22 =	vmul.f32 v22, v3;
	_ =	sdelay $0x1  }
0xdc: {  	v22 =	vadd.f32 v22, v11;
	_ =	sdelay $0x1  }
0xdd: {  	v38 =	vld [tilespmem:s28+$0x2120];
	[tilespmem:s28+$0x8210] =	vst v22  }
0xde: {  	v22 =	vld [tilespmem:s30+$0x4020];
	_ =	sdelay $0x4  }
0xdf: {  	v22 =	vadd.f32 v38, v22;
	_ =	sdelay $0x1  }
0xe0: {  	v22 =	vmul.f32 v22, v35;
	_ =	sdelay $0x1  }
0xe1: {  	v22 =	vadd.f32 v22, v36;
	_ =	sdelay $0x1  }
0xe2: {  	v22 =	vmul.f32 v22, v4;
	_ =	sdelay $0x1  }
0xe3: {  	v22 =	vadd.f32 v22, v12;
	_ =	sdelay $0x1  }
0xe4: {  	v39 =	vld [tilespmem:s28+$0x2130];
	[tilespmem:s28+$0x8220] =	vst v22  }
0xe5: {  	v22 =	vld [tilespmem:s30+$0x4030];
	_ =	sdelay $0x4  }
0xe6: {  	v22 =	vadd.f32 v39, v22;
	_ =	sdelay $0x1  }
0xe7: {  	v22 =	vmul.f32 v22, v35;
	_ =	sdelay $0x1  }
0xe8: {  	v22 =	vadd.f32 v22, v36;
	_ =	sdelay $0x1  }
0xe9: {  	v22 =	vmul.f32 v22, v5;
	_ =	sdelay $0x1  }
0xea: {  	v22 =	vadd.f32 v22, v13;
	_ =	sdelay $0x1  }
0xeb: {  	v40 =	vld [tilespmem:s28+$0x2140];
	[tilespmem:s28+$0x8230] =	vst v22  }
0xec: {  	v22 =	vld [tilespmem:s30+$0x4040];
	_ =	sdelay $0x4  }
0xed: {  	v22 =	vadd.f32 v40, v22;
	_ =	sdelay $0x1  }
0xee: {  	v22 =	vmul.f32 v22, v35;
	_ =	sdelay $0x1  }
0xef: {  	v22 =	vadd.f32 v22, v36;
	_ =	sdelay $0x1  }
0xf0: {  	v22 =	vmul.f32 v22, v6;
	_ =	sdelay $0x1  }
0xf1: {  	v22 =	vadd.f32 v22, v14;
	_ =	sdelay $0x1  }
0xf2: {  	v41 =	vld [tilespmem:s28+$0x2150];
	[tilespmem:s28+$0x8240] =	vst v22  }
0xf3: {  	v22 =	vld [tilespmem:s30+$0x4050];
	_ =	sdelay $0x4  }
0xf4: {  	v22 =	vadd.f32 v41, v22;
	_ =	sdelay $0x1  }
0xf5: {  	v22 =	vmul.f32 v22, v35;
	_ =	sdelay $0x1  }
0xf6: {  	v22 =	vadd.f32 v22, v36;
	_ =	sdelay $0x1  }
0xf7: {  	v22 =	vmul.f32 v22, v7;
	_ =	sdelay $0x1  }
0xf8: {  	v22 =	vadd.f32 v22, v15;
	_ =	sdelay $0x1  }
0xf9: {  	v42 =	vld [tilespmem:s28+$0x2160];
	[tilespmem:s28+$0x8250] =	vst v22  }
0xfa: {  	v22 =	vld [tilespmem:s30+$0x4060];
	_ =	sdelay $0x4  }
0xfb: {  	v22 =	vadd.f32 v42, v22;
	_ =	sdelay $0x1  }
0xfc: {  	v22 =	vmul.f32 v22, v35;
	_ =	sdelay $0x1  }
0xfd: {  	v22 =	vadd.f32 v22, v36;
	_ =	sdelay $0x1  }
0xfe: {  	v22 =	vmul.f32 v22, v8;
	_ =	sdelay $0x1  }
0xff: {  	v22 =	vadd.f32 v22, v16;
	_ =	sdelay $0x1  }
0x100: {  	v43 =	vld [tilespmem:s28+$0x2170];
	[tilespmem:s28+$0x8260] =	vst v22  }
0x101: {  	(v2sf) =	vpush v21, $0x3;
	v22 =	vld [tilespmem:s30+$0x4070];
	_ =	sdelay $0x4  }
0x102: {  	v22 =	vadd.f32 v43, v22;
	_ =	sdelay $0x1  }
0x103: {  	v22 =	vmul.f32 v22, v35;
	_ =	sdelay $0x1  }
0x104: {  	v22 =	vadd.f32 v22, v36;
	_ =	sdelay $0x1  }
0x105: {  	v22 =	vmul.f32 v22, v9;
	_ =	sdelay $0x1  }
0x106: {  	v22 =	vadd.f32 v22, v17;
	_ =	sdelay $0x1  }
0x107: {  	v44 =	vld [tilespmem:s28+$0x2180];
	s31 =	spop (v2sf);
	[tilespmem:s28+$0x8270] =	vst v22  }
0x108: {  	v22 =	vld [tilespmem:s31+$0x4000];
	_ =	sdelay $0x4  }
0x109: {  	v45 =	vbroadcast v19, $0x3;
	v22 =	vadd.f32 v44, v22;
	_ =	sdelay $0x1  }
0x10a: {  	v46 =	vbroadcast v20, $0x3;
	v22 =	vmul.f32 v22, v45;
	_ =	sdelay $0x1  }
0x10b: {  	v22 =	vadd.f32 v22, v46;
	_ =	sdelay $0x1  }
0x10c: {  	v22 =	vmul.f32 v22, v2;
	_ =	sdelay $0x1  }
0x10d: {  	v22 =	vadd.f32 v22, v10;
	_ =	sdelay $0x1  }
0x10e: {  	v47 =	vld [tilespmem:s28+$0x2190];
	[tilespmem:s28+$0x8280] =	vst v22  }
0x10f: {  	v22 =	vld [tilespmem:s31+$0x4010];
	_ =	sdelay $0x4  }
0x110: {  	v22 =	vadd.f32 v47, v22;
	_ =	sdelay $0x1  }
0x111: {  	v22 =	vmul.f32 v22, v45;
	_ =	sdelay $0x1  }
0x112: {  	v22 =	vadd.f32 v22, v46;
	_ =	sdelay $0x1  }
0x113: {  	v22 =	vmul.f32 v22, v3;
	_ =	sdelay $0x1  }
0x114: {  	v22 =	vadd.f32 v22, v11;
	_ =	sdelay $0x1  }
0x115: {  	v48 =	vld [tilespmem:s28+$0x21A0];
	[tilespmem:s28+$0x8290] =	vst v22  }
0x116: {  	v22 =	vld [tilespmem:s31+$0x4020];
	_ =	sdelay $0x4  }
0x117: {  	v22 =	vadd.f32 v48, v22;
	_ =	sdelay $0x1  }
0x118: {  	v22 =	vmul.f32 v22, v45;
	_ =	sdelay $0x1  }
0x119: {  	v22 =	vadd.f32 v22, v46;
	_ =	sdelay $0x1  }
0x11a: {  	v22 =	vmul.f32 v22, v4;
	_ =	sdelay $0x1  }
0x11b: {  	v22 =	vadd.f32 v22, v12;
	_ =	sdelay $0x1  }
0x11c: {  	v49 =	vld [tilespmem:s28+$0x21B0];
	[tilespmem:s28+$0x82A0] =	vst v22  }
0x11d: {  	v22 =	vld [tilespmem:s31+$0x4030];
	_ =	sdelay $0x4  }
0x11e: {  	v22 =	vadd.f32 v49, v22;
	_ =	sdelay $0x1  }
0x11f: {  	v22 =	vmul.f32 v22, v45;
	_ =	sdelay $0x1  }
0x120: {  	v22 =	vadd.f32 v22, v46;
	_ =	sdelay $0x1  }
0x121: {  	v22 =	vmul.f32 v22, v5;
	_ =	sdelay $0x1  }
0x122: {  	v22 =	vadd.f32 v22, v13;
	_ =	sdelay $0x1  }
0x123: {  	v50 =	vld [tilespmem:s28+$0x21C0];
	[tilespmem:s28+$0x82B0] =	vst v22  }
0x124: {  	v22 =	vld [tilespmem:s31+$0x4040];
	_ =	sdelay $0x4  }
0x125: {  	v22 =	vadd.f32 v50, v22;
	_ =	sdelay $0x1  }
0x126: {  	v22 =	vmul.f32 v22, v45;
	_ =	sdelay $0x1  }
0x127: {  	v22 =	vadd.f32 v22, v46;
	_ =	sdelay $0x1  }
0x128: {  	v22 =	vmul.f32 v22, v6;
	_ =	sdelay $0x1  }
0x129: {  	v22 =	vadd.f32 v22, v14;
	_ =	sdelay $0x1  }
0x12a: {  	v51 =	vld [tilespmem:s28+$0x21D0];
	[tilespmem:s28+$0x82C0] =	vst v22  }
0x12b: {  	v22 =	vld [tilespmem:s31+$0x4050];
	_ =	sdelay $0x4  }
0x12c: {  	v22 =	vadd.f32 v51, v22;
	_ =	sdelay $0x1  }
0x12d: {  	v22 =	vmul.f32 v22, v45;
	_ =	sdelay $0x1  }
0x12e: {  	v22 =	vadd.f32 v22, v46;
	_ =	sdelay $0x1  }
0x12f: {  	v22 =	vmul.f32 v22, v7;
	_ =	sdelay $0x1  }
0x130: {  	v22 =	vadd.f32 v22, v15;
	_ =	sdelay $0x1  }
0x131: {  	v52 =	vld [tilespmem:s28+$0x21E0];
	[tilespmem:s28+$0x82D0] =	vst v22  }
0x132: {  	v22 =	vld [tilespmem:s31+$0x4060];
	_ =	sdelay $0x4  }
0x133: {  	v22 =	vadd.f32 v52, v22;
	_ =	sdelay $0x1  }
0x134: {  	v22 =	vmul.f32 v22, v45;
	_ =	sdelay $0x1  }
0x135: {  	v22 =	vadd.f32 v22, v46;
	_ =	sdelay $0x1  }
0x136: {  	v22 =	vmul.f32 v22, v8;
	_ =	sdelay $0x1  }
0x137: {  	v22 =	vadd.f32 v22, v16;
	_ =	sdelay $0x1  }
0x138: {  	v53 =	vld [tilespmem:s28+$0x21F0];
	[tilespmem:s28+$0x82E0] =	vst v22  }
0x139: {  	(v2sf) =	vpush v21, $0x4;
	v22 =	vld [tilespmem:s31+$0x4070];
	_ =	sdelay $0x4  }
0x13a: {  	v22 =	vadd.f32 v53, v22;
	_ =	sdelay $0x1  }
0x13b: {  	v22 =	vmul.f32 v22, v45;
	_ =	sdelay $0x1  }
0x13c: {  	v22 =	vadd.f32 v22, v46;
	_ =	sdelay $0x1  }
0x13d: {  	v22 =	vmul.f32 v22, v9;
	_ =	sdelay $0x1  }
0x13e: {  	v22 =	vadd.f32 v22, v17;
	_ =	sdelay $0x1  }
0x13f: {  	v54 =	vld [tilespmem:s28+$0x2200];
	s30 =	spop (v2sf);
	[tilespmem:s28+$0x82F0] =	vst v22  }
0x140: {  	v22 =	vld [tilespmem:s30+$0x4000];
	_ =	sdelay $0x4  }
0x141: {  	v55 =	vbroadcast v19, $0x4;
	v22 =	vadd.f32 v54, v22;
	_ =	sdelay $0x1  }
0x142: {  	v56 =	vbroadcast v20, $0x4;
	v22 =	vmul.f32 v22, v55;
	_ =	sdelay $0x1  }
0x143: {  	v22 =	vadd.f32 v22, v56;
	_ =	sdelay $0x1  }
0x144: {  	v22 =	vmul.f32 v22, v2;
	_ =	sdelay $0x1  }
0x145: {  	v22 =	vadd.f32 v22, v10;
	_ =	sdelay $0x1  }
0x146: {  	v57 =	vld [tilespmem:s28+$0x2210];
	[tilespmem:s28+$0x8300] =	vst v22  }
0x147: {  	v22 =	vld [tilespmem:s30+$0x4010];
	_ =	sdelay $0x4  }
0x148: {  	v22 =	vadd.f32 v57, v22;
	_ =	sdelay $0x1  }
0x149: {  	v22 =	vmul.f32 v22, v55;
	_ =	sdelay $0x1  }
0x14a: {  	v22 =	vadd.f32 v22, v56;
	_ =	sdelay $0x1  }
0x14b: {  	v22 =	vmul.f32 v22, v3;
	_ =	sdelay $0x1  }
0x14c: {  	v22 =	vadd.f32 v22, v11;
	_ =	sdelay $0x1  }
0x14d: {  	v58 =	vld [tilespmem:s28+$0x2220];
	[tilespmem:s28+$0x8310] =	vst v22  }
0x14e: {  	v22 =	vld [tilespmem:s30+$0x4020];
	_ =	sdelay $0x4  }
0x14f: {  	v22 =	vadd.f32 v58, v22;
	_ =	sdelay $0x1  }
0x150: {  	v22 =	vmul.f32 v22, v55;
	_ =	sdelay $0x1  }
0x151: {  	v22 =	vadd.f32 v22, v56;
	_ =	sdelay $0x1  }
0x152: {  	v22 =	vmul.f32 v22, v4;
	_ =	sdelay $0x1  }
0x153: {  	v22 =	vadd.f32 v22, v12;
	_ =	sdelay $0x1  }
0x154: {  	v59 =	vld [tilespmem:s28+$0x2230];
	[tilespmem:s28+$0x8320] =	vst v22  }
0x155: {  	v22 =	vld [tilespmem:s30+$0x4030];
	_ =	sdelay $0x4  }
0x156: {  	v22 =	vadd.f32 v59, v22;
	_ =	sdelay $0x1  }
0x157: {  	v22 =	vmul.f32 v22, v55;
	_ =	sdelay $0x1  }
0x158: {  	v22 =	vadd.f32 v22, v56;
	_ =	sdelay $0x1  }
0x159: {  	v22 =	vmul.f32 v22, v5;
	_ =	sdelay $0x1  }
0x15a: {  	v22 =	vadd.f32 v22, v13;
	_ =	sdelay $0x1  }
0x15b: {  	v60 =	vld [tilespmem:s28+$0x2240];
	[tilespmem:s28+$0x8330] =	vst v22  }
0x15c: {  	v22 =	vld [tilespmem:s30+$0x4040];
	_ =	sdelay $0x4  }
0x15d: {  	v22 =	vadd.f32 v60, v22;
	_ =	sdelay $0x1  }
0x15e: {  	v22 =	vmul.f32 v22, v55;
	_ =	sdelay $0x1  }
0x15f: {  	v22 =	vadd.f32 v22, v56;
	_ =	sdelay $0x1  }
0x160: {  	v22 =	vmul.f32 v22, v6;
	_ =	sdelay $0x1  }
0x161: {  	v22 =	vadd.f32 v22, v14;
	_ =	sdelay $0x1  }
0x162: {  	v61 =	vld [tilespmem:s28+$0x2250];
	[tilespmem:s28+$0x8340] =	vst v22  }
0x163: {  	v22 =	vld [tilespmem:s30+$0x4050];
	_ =	sdelay $0x4  }
0x164: {  	v22 =	vadd.f32 v61, v22;
	_ =	sdelay $0x1  }
0x165: {  	v22 =	vmul.f32 v22, v55;
	_ =	sdelay $0x1  }
0x166: {  	v22 =	vadd.f32 v22, v56;
	_ =	sdelay $0x1  }
0x167: {  	v22 =	vmul.f32 v22, v7;
	_ =	sdelay $0x1  }
0x168: {  	v22 =	vadd.f32 v22, v15;
	_ =	sdelay $0x1  }
0x169: {  	v62 =	vld [tilespmem:s28+$0x2260];
	[tilespmem:s28+$0x8350] =	vst v22  }
0x16a: {  	v22 =	vld [tilespmem:s30+$0x4060];
	_ =	sdelay $0x4  }
0x16b: {  	v22 =	vadd.f32 v62, v22;
	_ =	sdelay $0x1  }
0x16c: {  	v22 =	vmul.f32 v22, v55;
	_ =	sdelay $0x1  }
0x16d: {  	v22 =	vadd.f32 v22, v56;
	_ =	sdelay $0x1  }
0x16e: {  	v22 =	vmul.f32 v22, v8;
	_ =	sdelay $0x1  }
0x16f: {  	v22 =	vadd.f32 v22, v16;
	_ =	sdelay $0x1  }
0x170: {  	v63 =	vld [tilespmem:s28+$0x2270];
	[tilespmem:s28+$0x8360] =	vst v22  }
0x171: {  	(v2sf) =	vpush v21, $0x5;
	v22 =	vld [tilespmem:s30+$0x4070];
	_ =	sdelay $0x4  }
0x172: {  	v22 =	vadd.f32 v63, v22;
	_ =	sdelay $0x1  }
0x173: {  	v22 =	vmul.f32 v22, v55;
	_ =	sdelay $0x1  }
0x174: {  	v22 =	vadd.f32 v22, v56;
	_ =	sdelay $0x1  }
0x175: {  	v22 =	vmul.f32 v22, v9;
	_ =	sdelay $0x1  }
0x176: {  	v22 =	vadd.f32 v22, v17;
	_ =	sdelay $0x1  }
0x177: {  	v27 =	vld [tilespmem:s28+$0x2280];
	s31 =	spop (v2sf);
	[tilespmem:s28+$0x8370] =	vst v22  }
0x178: {  	v22 =	vld [tilespmem:s31+$0x4000];
	_ =	sdelay $0x4  }
0x179: {  	v28 =	vbroadcast v19, $0x5;
	v22 =	vadd.f32 v27, v22;
	_ =	sdelay $0x1  }
0x17a: {  	v29 =	vbroadcast v20, $0x5;
	v22 =	vmul.f32 v22, v28;
	_ =	sdelay $0x1  }
0x17b: {  	v22 =	vadd.f32 v22, v29;
	_ =	sdelay $0x1  }
0x17c: {  	v22 =	vmul.f32 v22, v2;
	_ =	sdelay $0x1  }
0x17d: {  	v22 =	vadd.f32 v22, v10;
	_ =	sdelay $0x1  }
0x17e: {  	v30 =	vld [tilespmem:s28+$0x2290];
	[tilespmem:s28+$0x8380] =	vst v22  }
0x17f: {  	v22 =	vld [tilespmem:s31+$0x4010];
	_ =	sdelay $0x4  }
0x180: {  	v22 =	vadd.f32 v30, v22;
	_ =	sdelay $0x1  }
0x181: {  	v22 =	vmul.f32 v22, v28;
	_ =	sdelay $0x1  }
0x182: {  	v22 =	vadd.f32 v22, v29;
	_ =	sdelay $0x1  }
0x183: {  	v22 =	vmul.f32 v22, v3;
	_ =	sdelay $0x1  }
0x184: {  	v22 =	vadd.f32 v22, v11;
	_ =	sdelay $0x1  }
0x185: {  	v31 =	vld [tilespmem:s28+$0x22A0];
	[tilespmem:s28+$0x8390] =	vst v22  }
0x186: {  	v22 =	vld [tilespmem:s31+$0x4020];
	_ =	sdelay $0x4  }
0x187: {  	v22 =	vadd.f32 v31, v22;
	_ =	sdelay $0x1  }
0x188: {  	v22 =	vmul.f32 v22, v28;
	_ =	sdelay $0x1  }
0x189: {  	v22 =	vadd.f32 v22, v29;
	_ =	sdelay $0x1  }
0x18a: {  	v22 =	vmul.f32 v22, v4;
	_ =	sdelay $0x1  }
0x18b: {  	v22 =	vadd.f32 v22, v12;
	_ =	sdelay $0x1  }
0x18c: {  	v32 =	vld [tilespmem:s28+$0x22B0];
	[tilespmem:s28+$0x83A0] =	vst v22  }
0x18d: {  	v22 =	vld [tilespmem:s31+$0x4030];
	_ =	sdelay $0x4  }
0x18e: {  	v22 =	vadd.f32 v32, v22;
	_ =	sdelay $0x1  }
0x18f: {  	v22 =	vmul.f32 v22, v28;
	_ =	sdelay $0x1  }
0x190: {  	v22 =	vadd.f32 v22, v29;
	_ =	sdelay $0x1  }
0x191: {  	v22 =	vmul.f32 v22, v5;
	_ =	sdelay $0x1  }
0x192: {  	v22 =	vadd.f32 v22, v13;
	_ =	sdelay $0x1  }
0x193: {  	v33 =	vld [tilespmem:s28+$0x22C0];
	[tilespmem:s28+$0x83B0] =	vst v22  }
0x194: {  	v22 =	vld [tilespmem:s31+$0x4040];
	_ =	sdelay $0x4  }
0x195: {  	v22 =	vadd.f32 v33, v22;
	_ =	sdelay $0x1  }
0x196: {  	v22 =	vmul.f32 v22, v28;
	_ =	sdelay $0x1  }
0x197: {  	v22 =	vadd.f32 v22, v29;
	_ =	sdelay $0x1  }
0x198: {  	v22 =	vmul.f32 v22, v6;
	_ =	sdelay $0x1  }
0x199: {  	v22 =	vadd.f32 v22, v14;
	_ =	sdelay $0x1  }
0x19a: {  	v34 =	vld [tilespmem:s28+$0x22D0];
	[tilespmem:s28+$0x83C0] =	vst v22  }
0x19b: {  	v22 =	vld [tilespmem:s31+$0x4050];
	_ =	sdelay $0x4  }
0x19c: {  	v22 =	vadd.f32 v34, v22;
	_ =	sdelay $0x1  }
0x19d: {  	v22 =	vmul.f32 v22, v28;
	_ =	sdelay $0x1  }
0x19e: {  	v22 =	vadd.f32 v22, v29;
	_ =	sdelay $0x1  }
0x19f: {  	v22 =	vmul.f32 v22, v7;
	_ =	sdelay $0x1  }
0x1a0: {  	v22 =	vadd.f32 v22, v15;
	_ =	sdelay $0x1  }
0x1a1: {  	v35 =	vld [tilespmem:s28+$0x22E0];
	[tilespmem:s28+$0x83D0] =	vst v22  }
0x1a2: {  	v22 =	vld [tilespmem:s31+$0x4060];
	_ =	sdelay $0x4  }
0x1a3: {  	v22 =	vadd.f32 v35, v22;
	_ =	sdelay $0x1  }
0x1a4: {  	v22 =	vmul.f32 v22, v28;
	_ =	sdelay $0x1  }
0x1a5: {  	v22 =	vadd.f32 v22, v29;
	_ =	sdelay $0x1  }
0x1a6: {  	v22 =	vmul.f32 v22, v8;
	_ =	sdelay $0x1  }
0x1a7: {  	v22 =	vadd.f32 v22, v16;
	_ =	sdelay $0x1  }
0x1a8: {  	v36 =	vld [tilespmem:s28+$0x22F0];
	[tilespmem:s28+$0x83E0] =	vst v22  }
0x1a9: {  	(v2sf) =	vpush v21, $0x6;
	v22 =	vld [tilespmem:s31+$0x4070];
	_ =	sdelay $0x4  }
0x1aa: {  	v22 =	vadd.f32 v36, v22;
	_ =	sdelay $0x1  }
0x1ab: {  	v22 =	vmul.f32 v22, v28;
	_ =	sdelay $0x1  }
0x1ac: {  	v22 =	vadd.f32 v22, v29;
	_ =	sdelay $0x1  }
0x1ad: {  	v22 =	vmul.f32 v22, v9;
	_ =	sdelay $0x1  }
0x1ae: {  	v22 =	vadd.f32 v22, v17;
	_ =	sdelay $0x1  }
0x1af: {  	v37 =	vld [tilespmem:s28+$0x2300];
	s30 =	spop (v2sf);
	[tilespmem:s28+$0x83F0] =	vst v22  }
0x1b0: {  	v22 =	vld [tilespmem:s30+$0x4000];
	_ =	sdelay $0x4  }
0x1b1: {  	v38 =	vbroadcast v19, $0x6;
	v22 =	vadd.f32 v37, v22;
	_ =	sdelay $0x1  }
0x1b2: {  	v39 =	vbroadcast v20, $0x6;
	v22 =	vmul.f32 v22, v38;
	_ =	sdelay $0x1  }
0x1b3: {  	v22 =	vadd.f32 v22, v39;
	_ =	sdelay $0x1  }
0x1b4: {  	v22 =	vmul.f32 v22, v2;
	_ =	sdelay $0x1  }
0x1b5: {  	v22 =	vadd.f32 v22, v10;
	_ =	sdelay $0x1  }
0x1b6: {  	v40 =	vld [tilespmem:s28+$0x2310];
	[tilespmem:s28+$0x8400] =	vst v22  }
0x1b7: {  	v22 =	vld [tilespmem:s30+$0x4010];
	_ =	sdelay $0x4  }
0x1b8: {  	v22 =	vadd.f32 v40, v22;
	_ =	sdelay $0x1  }
0x1b9: {  	v22 =	vmul.f32 v22, v38;
	_ =	sdelay $0x1  }
0x1ba: {  	v22 =	vadd.f32 v22, v39;
	_ =	sdelay $0x1  }
0x1bb: {  	v22 =	vmul.f32 v22, v3;
	_ =	sdelay $0x1  }
0x1bc: {  	v22 =	vadd.f32 v22, v11;
	_ =	sdelay $0x1  }
0x1bd: {  	v41 =	vld [tilespmem:s28+$0x2320];
	[tilespmem:s28+$0x8410] =	vst v22  }
0x1be: {  	v22 =	vld [tilespmem:s30+$0x4020];
	_ =	sdelay $0x4  }
0x1bf: {  	v22 =	vadd.f32 v41, v22;
	_ =	sdelay $0x1  }
0x1c0: {  	v22 =	vmul.f32 v22, v38;
	_ =	sdelay $0x1  }
0x1c1: {  	v22 =	vadd.f32 v22, v39;
	_ =	sdelay $0x1  }
0x1c2: {  	v22 =	vmul.f32 v22, v4;
	_ =	sdelay $0x1  }
0x1c3: {  	v22 =	vadd.f32 v22, v12;
	_ =	sdelay $0x1  }
0x1c4: {  	v42 =	vld [tilespmem:s28+$0x2330];
	[tilespmem:s28+$0x8420] =	vst v22  }
0x1c5: {  	v22 =	vld [tilespmem:s30+$0x4030];
	_ =	sdelay $0x4  }
0x1c6: {  	v22 =	vadd.f32 v42, v22;
	_ =	sdelay $0x1  }
0x1c7: {  	v22 =	vmul.f32 v22, v38;
	_ =	sdelay $0x1  }
0x1c8: {  	v22 =	vadd.f32 v22, v39;
	_ =	sdelay $0x1  }
0x1c9: {  	v22 =	vmul.f32 v22, v5;
	_ =	sdelay $0x1  }
0x1ca: {  	v22 =	vadd.f32 v22, v13;
	_ =	sdelay $0x1  }
0x1cb: {  	v43 =	vld [tilespmem:s28+$0x2340];
	[tilespmem:s28+$0x8430] =	vst v22  }
0x1cc: {  	v22 =	vld [tilespmem:s30+$0x4040];
	_ =	sdelay $0x4  }
0x1cd: {  	v22 =	vadd.f32 v43, v22;
	_ =	sdelay $0x1  }
0x1ce: {  	v22 =	vmul.f32 v22, v38;
	_ =	sdelay $0x1  }
0x1cf: {  	v22 =	vadd.f32 v22, v39;
	_ =	sdelay $0x1  }
0x1d0: {  	v22 =	vmul.f32 v22, v6;
	_ =	sdelay $0x1  }
0x1d1: {  	v22 =	vadd.f32 v22, v14;
	_ =	sdelay $0x1  }
0x1d2: {  	v44 =	vld [tilespmem:s28+$0x2350];
	[tilespmem:s28+$0x8440] =	vst v22  }
0x1d3: {  	v22 =	vld [tilespmem:s30+$0x4050];
	_ =	sdelay $0x4  }
0x1d4: {  	v22 =	vadd.f32 v44, v22;
	_ =	sdelay $0x1  }
0x1d5: {  	v22 =	vmul.f32 v22, v38;
	_ =	sdelay $0x1  }
0x1d6: {  	v22 =	vadd.f32 v22, v39;
	_ =	sdelay $0x1  }
0x1d7: {  	v22 =	vmul.f32 v22, v7;
	_ =	sdelay $0x1  }
0x1d8: {  	v22 =	vadd.f32 v22, v15;
	_ =	sdelay $0x1  }
0x1d9: {  	v45 =	vld [tilespmem:s28+$0x2360];
	[tilespmem:s28+$0x8450] =	vst v22  }
0x1da: {  	v22 =	vld [tilespmem:s30+$0x4060];
	_ =	sdelay $0x4  }
0x1db: {  	v22 =	vadd.f32 v45, v22;
	_ =	sdelay $0x1  }
0x1dc: {  	v22 =	vmul.f32 v22, v38;
	_ =	sdelay $0x1  }
0x1dd: {  	v22 =	vadd.f32 v22, v39;
	_ =	sdelay $0x1  }
0x1de: {  	v22 =	vmul.f32 v22, v8;
	_ =	sdelay $0x1  }
0x1df: {  	v22 =	vadd.f32 v22, v16;
	_ =	sdelay $0x1  }
0x1e0: {  	v46 =	vld [tilespmem:s28+$0x2370];
	[tilespmem:s28+$0x8460] =	vst v22  }
0x1e1: {  	(v2sf) =	vpush v21, $0x7;
	v22 =	vld [tilespmem:s30+$0x4070];
	_ =	sdelay $0x4  }
0x1e2: {  	v22 =	vadd.f32 v46, v22;
	_ =	sdelay $0x1  }
0x1e3: {  	v22 =	vmul.f32 v22, v38;
	_ =	sdelay $0x1  }
0x1e4: {  	v22 =	vadd.f32 v22, v39;
	_ =	sdelay $0x1  }
0x1e5: {  	v22 =	vmul.f32 v22, v9;
	_ =	sdelay $0x1  }
0x1e6: {  	v22 =	vadd.f32 v22, v17;
	_ =	sdelay $0x1  }
0x1e7: {  	v47 =	vld [tilespmem:s28+$0x2380];
	s31 =	spop (v2sf);
	[tilespmem:s28+$0x8470] =	vst v22  }
0x1e8: {  	v22 =	vld [tilespmem:s31+$0x4000];
	_ =	sdelay $0x4  }
0x1e9: {  	v48 =	vbroadcast v19, $0x7;
	v22 =	vadd.f32 v47, v22;
	_ =	sdelay $0x1  }
0x1ea: {  	v49 =	vbroadcast v20, $0x7;
	v22 =	vmul.f32 v22, v48;
	_ =	sdelay $0x1  }
0x1eb: {  	v22 =	vadd.f32 v22, v49;
	_ =	sdelay $0x1  }
0x1ec: {  	v22 =	vmul.f32 v22, v2;
	_ =	sdelay $0x1  }
0x1ed: {  	v22 =	vadd.f32 v22, v10;
	_ =	sdelay $0x1  }
0x1ee: {  	v50 =	vld [tilespmem:s28+$0x2390];
	[tilespmem:s28+$0x8480] =	vst v22  }
0x1ef: {  	v22 =	vld [tilespmem:s31+$0x4010];
	_ =	sdelay $0x4  }
0x1f0: {  	v22 =	vadd.f32 v50, v22;
	_ =	sdelay $0x1  }
0x1f1: {  	v22 =	vmul.f32 v22, v48;
	_ =	sdelay $0x1  }
0x1f2: {  	v22 =	vadd.f32 v22, v49;
	_ =	sdelay $0x1  }
0x1f3: {  	v22 =	vmul.f32 v22, v3;
	_ =	sdelay $0x1  }
0x1f4: {  	v22 =	vadd.f32 v22, v11;
	_ =	sdelay $0x1  }
0x1f5: {  	v51 =	vld [tilespmem:s28+$0x23A0];
	[tilespmem:s28+$0x8490] =	vst v22  }
0x1f6: {  	v22 =	vld [tilespmem:s31+$0x4020];
	_ =	sdelay $0x4  }
0x1f7: {  	v22 =	vadd.f32 v51, v22;
	_ =	sdelay $0x1  }
0x1f8: {  	v22 =	vmul.f32 v22, v48;
	_ =	sdelay $0x1  }
0x1f9: {  	v22 =	vadd.f32 v22, v49;
	_ =	sdelay $0x1  }
0x1fa: {  	v22 =	vmul.f32 v22, v4;
	_ =	sdelay $0x1  }
0x1fb: {  	v22 =	vadd.f32 v22, v12;
	_ =	sdelay $0x1  }
0x1fc: {  	v52 =	vld [tilespmem:s28+$0x23B0];
	[tilespmem:s28+$0x84A0] =	vst v22  }
0x1fd: {  	v22 =	vld [tilespmem:s31+$0x4030];
	_ =	sdelay $0x4  }
0x1fe: {  	v22 =	vadd.f32 v52, v22;
	_ =	sdelay $0x1  }
0x1ff: {  	v22 =	vmul.f32 v22, v48;
	_ =	sdelay $0x1  }
0x200: {  	v22 =	vadd.f32 v22, v49;
	_ =	sdelay $0x1  }
0x201: {  	v22 =	vmul.f32 v22, v5;
	_ =	sdelay $0x1  }
0x202: {  	v22 =	vadd.f32 v22, v13;
	_ =	sdelay $0x1  }
0x203: {  	v53 =	vld [tilespmem:s28+$0x23C0];
	[tilespmem:s28+$0x84B0] =	vst v22  }
0x204: {  	v22 =	vld [tilespmem:s31+$0x4040];
	_ =	sdelay $0x4  }
0x205: {  	v22 =	vadd.f32 v53, v22;
	_ =	sdelay $0x1  }
0x206: {  	v22 =	vmul.f32 v22, v48;
	_ =	sdelay $0x1  }
0x207: {  	v22 =	vadd.f32 v22, v49;
	_ =	sdelay $0x1  }
0x208: {  	v22 =	vmul.f32 v22, v6;
	_ =	sdelay $0x1  }
0x209: {  	v22 =	vadd.f32 v22, v14;
	_ =	sdelay $0x1  }
0x20a: {  	v54 =	vld [tilespmem:s28+$0x23D0];
	[tilespmem:s28+$0x84C0] =	vst v22  }
0x20b: {  	v22 =	vld [tilespmem:s31+$0x4050];
	_ =	sdelay $0x4  }
0x20c: {  	v22 =	vadd.f32 v54, v22;
	_ =	sdelay $0x1  }
0x20d: {  	v22 =	vmul.f32 v22, v48;
	_ =	sdelay $0x1  }
0x20e: {  	v22 =	vadd.f32 v22, v49;
	_ =	sdelay $0x1  }
0x20f: {  	v22 =	vmul.f32 v22, v7;
	_ =	sdelay $0x1  }
0x210: {  	v22 =	vadd.f32 v22, v15;
	_ =	sdelay $0x1  }
0x211: {  	v55 =	vld [tilespmem:s28+$0x23E0];
	[tilespmem:s28+$0x84D0] =	vst v22  }
0x212: {  	v22 =	vld [tilespmem:s31+$0x4060];
	_ =	sdelay $0x4  }
0x213: {  	v22 =	vadd.f32 v55, v22;
	_ =	sdelay $0x1  }
0x214: {  	v22 =	vmul.f32 v22, v48;
	_ =	sdelay $0x1  }
0x215: {  	v22 =	vadd.f32 v22, v49;
	_ =	sdelay $0x1  }
0x216: {  	v22 =	vmul.f32 v22, v8;
	_ =	sdelay $0x1  }
0x217: {  	v22 =	vadd.f32 v22, v16;
	_ =	sdelay $0x1  }
0x218: {  	v56 =	vld [tilespmem:s28+$0x23F0];
	[tilespmem:s28+$0x84E0] =	vst v22  }
0x219: {  	(v2sf) =	vpush v21, $0x8;
	v22 =	vld [tilespmem:s31+$0x4070];
	_ =	sdelay $0x4  }
0x21a: {  	v22 =	vadd.f32 v56, v22;
	_ =	sdelay $0x1  }
0x21b: {  	v22 =	vmul.f32 v22, v48;
	_ =	sdelay $0x1  }
0x21c: {  	v22 =	vadd.f32 v22, v49;
	_ =	sdelay $0x1  }
0x21d: {  	v22 =	vmul.f32 v22, v9;
	_ =	sdelay $0x1  }
0x21e: {  	v22 =	vadd.f32 v22, v17;
	_ =	sdelay $0x1  }
0x21f: {  	v57 =	vld [tilespmem:s28+$0x2400];
	s30 =	spop (v2sf);
	[tilespmem:s28+$0x84F0] =	vst v22  }
0x220: {  	v22 =	vld [tilespmem:s30+$0x4000];
	_ =	sdelay $0x4  }
0x221: {  	v58 =	vbroadcast v19, $0x8;
	v22 =	vadd.f32 v57, v22;
	_ =	sdelay $0x1  }
0x222: {  	v59 =	vbroadcast v20, $0x8;
	v22 =	vmul.f32 v22, v58;
	_ =	sdelay $0x1  }
0x223: {  	v22 =	vadd.f32 v22, v59;
	_ =	sdelay $0x1  }
0x224: {  	v22 =	vmul.f32 v22, v2;
	_ =	sdelay $0x1  }
0x225: {  	v22 =	vadd.f32 v22, v10;
	_ =	sdelay $0x1  }
0x226: {  	v60 =	vld [tilespmem:s28+$0x2410];
	[tilespmem:s28+$0x8500] =	vst v22  }
0x227: {  	v22 =	vld [tilespmem:s30+$0x4010];
	_ =	sdelay $0x4  }
0x228: {  	v22 =	vadd.f32 v60, v22;
	_ =	sdelay $0x1  }
0x229: {  	v22 =	vmul.f32 v22, v58;
	_ =	sdelay $0x1  }
0x22a: {  	v22 =	vadd.f32 v22, v59;
	_ =	sdelay $0x1  }
0x22b: {  	v22 =	vmul.f32 v22, v3;
	_ =	sdelay $0x1  }
0x22c: {  	v22 =	vadd.f32 v22, v11;
	_ =	sdelay $0x1  }
0x22d: {  	v61 =	vld [tilespmem:s28+$0x2420];
	[tilespmem:s28+$0x8510] =	vst v22  }
0x22e: {  	v22 =	vld [tilespmem:s30+$0x4020];
	_ =	sdelay $0x4  }
0x22f: {  	v22 =	vadd.f32 v61, v22;
	_ =	sdelay $0x1  }
0x230: {  	v22 =	vmul.f32 v22, v58;
	_ =	sdelay $0x1  }
0x231: {  	v22 =	vadd.f32 v22, v59;
	_ =	sdelay $0x1  }
0x232: {  	v22 =	vmul.f32 v22, v4;
	_ =	sdelay $0x1  }
0x233: {  	v22 =	vadd.f32 v22, v12;
	_ =	sdelay $0x1  }
0x234: {  	v62 =	vld [tilespmem:s28+$0x2430];
	[tilespmem:s28+$0x8520] =	vst v22  }
0x235: {  	v22 =	vld [tilespmem:s30+$0x4030];
	_ =	sdelay $0x4  }
0x236: {  	v22 =	vadd.f32 v62, v22;
	_ =	sdelay $0x1  }
0x237: {  	v22 =	vmul.f32 v22, v58;
	_ =	sdelay $0x1  }
0x238: {  	v22 =	vadd.f32 v22, v59;
	_ =	sdelay $0x1  }
0x239: {  	v22 =	vmul.f32 v22, v5;
	_ =	sdelay $0x1  }
0x23a: {  	v22 =	vadd.f32 v22, v13;
	_ =	sdelay $0x1  }
0x23b: {  	v63 =	vld [tilespmem:s28+$0x2440];
	[tilespmem:s28+$0x8530] =	vst v22  }
0x23c: {  	v22 =	vld [tilespmem:s30+$0x4040];
	_ =	sdelay $0x4  }
0x23d: {  	v22 =	vadd.f32 v63, v22;
	_ =	sdelay $0x1  }
0x23e: {  	v22 =	vmul.f32 v22, v58;
	_ =	sdelay $0x1  }
0x23f: {  	v22 =	vadd.f32 v22, v59;
	_ =	sdelay $0x1  }
0x240: {  	v22 =	vmul.f32 v22, v6;
	_ =	sdelay $0x1  }
0x241: {  	v22 =	vadd.f32 v22, v14;
	_ =	sdelay $0x1  }
0x242: {  	v28 =	vld [tilespmem:s28+$0x2450];
	[tilespmem:s28+$0x8540] =	vst v22  }
0x243: {  	v22 =	vld [tilespmem:s30+$0x4050];
	_ =	sdelay $0x4  }
0x244: {  	v22 =	vadd.f32 v28, v22;
	_ =	sdelay $0x1  }
0x245: {  	v22 =	vmul.f32 v22, v58;
	_ =	sdelay $0x1  }
0x246: {  	v22 =	vadd.f32 v22, v59;
	_ =	sdelay $0x1  }
0x247: {  	v22 =	vmul.f32 v22, v7;
	_ =	sdelay $0x1  }
0x248: {  	v22 =	vadd.f32 v22, v15;
	_ =	sdelay $0x1  }
0x249: {  	v29 =	vld [tilespmem:s28+$0x2460];
	[tilespmem:s28+$0x8550] =	vst v22  }
0x24a: {  	v22 =	vld [tilespmem:s30+$0x4060];
	_ =	sdelay $0x4  }
0x24b: {  	v22 =	vadd.f32 v29, v22;
	_ =	sdelay $0x1  }
0x24c: {  	v22 =	vmul.f32 v22, v58;
	_ =	sdelay $0x1  }
0x24d: {  	v22 =	vadd.f32 v22, v59;
	_ =	sdelay $0x1  }
0x24e: {  	v22 =	vmul.f32 v22, v8;
	_ =	sdelay $0x1  }
0x24f: {  	v22 =	vadd.f32 v22, v16;
	_ =	sdelay $0x1  }
0x250: {  	v30 =	vld [tilespmem:s28+$0x2470];
	[tilespmem:s28+$0x8560] =	vst v22  }
0x251: {  	(v2sf) =	vpush v21, $0x9;
	v22 =	vld [tilespmem:s30+$0x4070];
	_ =	sdelay $0x4  }
0x252: {  	v22 =	vadd.f32 v30, v22;
	_ =	sdelay $0x1  }
0x253: {  	v22 =	vmul.f32 v22, v58;
	_ =	sdelay $0x1  }
0x254: {  	v22 =	vadd.f32 v22, v59;
	_ =	sdelay $0x1  }
0x255: {  	v22 =	vmul.f32 v22, v9;
	_ =	sdelay $0x1  }
0x256: {  	v22 =	vadd.f32 v22, v17;
	_ =	sdelay $0x1  }
0x257: {  	v31 =	vld [tilespmem:s28+$0x2480];
	s31 =	spop (v2sf);
	[tilespmem:s28+$0x8570] =	vst v22  }
0x258: {  	v22 =	vld [tilespmem:s31+$0x4000];
	_ =	sdelay $0x4  }
0x259: {  	v32 =	vbroadcast v19, $0x9;
	v22 =	vadd.f32 v31, v22;
	_ =	sdelay $0x1  }
0x25a: {  	v33 =	vbroadcast v20, $0x9;
	v22 =	vmul.f32 v22, v32;
	_ =	sdelay $0x1  }
0x25b: {  	v22 =	vadd.f32 v22, v33;
	_ =	sdelay $0x1  }
0x25c: {  	v22 =	vmul.f32 v22, v2;
	_ =	sdelay $0x1  }
0x25d: {  	v22 =	vadd.f32 v22, v10;
	_ =	sdelay $0x1  }
0x25e: {  	v34 =	vld [tilespmem:s28+$0x2490];
	[tilespmem:s28+$0x8580] =	vst v22  }
0x25f: {  	v22 =	vld [tilespmem:s31+$0x4010];
	_ =	sdelay $0x4  }
0x260: {  	v22 =	vadd.f32 v34, v22;
	_ =	sdelay $0x1  }
0x261: {  	v22 =	vmul.f32 v22, v32;
	_ =	sdelay $0x1  }
0x262: {  	v22 =	vadd.f32 v22, v33;
	_ =	sdelay $0x1  }
0x263: {  	v22 =	vmul.f32 v22, v3;
	_ =	sdelay $0x1  }
0x264: {  	v22 =	vadd.f32 v22, v11;
	_ =	sdelay $0x1  }
0x265: {  	v35 =	vld [tilespmem:s28+$0x24A0];
	[tilespmem:s28+$0x8590] =	vst v22  }
0x266: {  	v22 =	vld [tilespmem:s31+$0x4020];
	_ =	sdelay $0x4  }
0x267: {  	v22 =	vadd.f32 v35, v22;
	_ =	sdelay $0x1  }
0x268: {  	v22 =	vmul.f32 v22, v32;
	_ =	sdelay $0x1  }
0x269: {  	v22 =	vadd.f32 v22, v33;
	_ =	sdelay $0x1  }
0x26a: {  	v22 =	vmul.f32 v22, v4;
	_ =	sdelay $0x1  }
0x26b: {  	v22 =	vadd.f32 v22, v12;
	_ =	sdelay $0x1  }
0x26c: {  	v36 =	vld [tilespmem:s28+$0x24B0];
	[tilespmem:s28+$0x85A0] =	vst v22  }
0x26d: {  	v22 =	vld [tilespmem:s31+$0x4030];
	_ =	sdelay $0x4  }
0x26e: {  	v22 =	vadd.f32 v36, v22;
	_ =	sdelay $0x1  }
0x26f: {  	v22 =	vmul.f32 v22, v32;
	_ =	sdelay $0x1  }
0x270: {  	v22 =	vadd.f32 v22, v33;
	_ =	sdelay $0x1  }
0x271: {  	v22 =	vmul.f32 v22, v5;
	_ =	sdelay $0x1  }
0x272: {  	v22 =	vadd.f32 v22, v13;
	_ =	sdelay $0x1  }
0x273: {  	v37 =	vld [tilespmem:s28+$0x24C0];
	[tilespmem:s28+$0x85B0] =	vst v22  }
0x274: {  	v22 =	vld [tilespmem:s31+$0x4040];
	_ =	sdelay $0x4  }
0x275: {  	v22 =	vadd.f32 v37, v22;
	_ =	sdelay $0x1  }
0x276: {  	v22 =	vmul.f32 v22, v32;
	_ =	sdelay $0x1  }
0x277: {  	v22 =	vadd.f32 v22, v33;
	_ =	sdelay $0x1  }
0x278: {  	v22 =	vmul.f32 v22, v6;
	_ =	sdelay $0x1  }
0x279: {  	v22 =	vadd.f32 v22, v14;
	_ =	sdelay $0x1  }
0x27a: {  	v38 =	vld [tilespmem:s28+$0x24D0];
	[tilespmem:s28+$0x85C0] =	vst v22  }
0x27b: {  	v22 =	vld [tilespmem:s31+$0x4050];
	_ =	sdelay $0x4  }
0x27c: {  	v22 =	vadd.f32 v38, v22;
	_ =	sdelay $0x1  }
0x27d: {  	v22 =	vmul.f32 v22, v32;
	_ =	sdelay $0x1  }
0x27e: {  	v22 =	vadd.f32 v22, v33;
	_ =	sdelay $0x1  }
0x27f: {  	v22 =	vmul.f32 v22, v7;
	_ =	sdelay $0x1  }
0x280: {  	v22 =	vadd.f32 v22, v15;
	_ =	sdelay $0x1  }
0x281: {  	v39 =	vld [tilespmem:s28+$0x24E0];
	[tilespmem:s28+$0x85D0] =	vst v22  }
0x282: {  	v22 =	vld [tilespmem:s31+$0x4060];
	_ =	sdelay $0x4  }
0x283: {  	v22 =	vadd.f32 v39, v22;
	_ =	sdelay $0x1  }
0x284: {  	v22 =	vmul.f32 v22, v32;
	_ =	sdelay $0x1  }
0x285: {  	v22 =	vadd.f32 v22, v33;
	_ =	sdelay $0x1  }
0x286: {  	v22 =	vmul.f32 v22, v8;
	_ =	sdelay $0x1  }
0x287: {  	v22 =	vadd.f32 v22, v16;
	_ =	sdelay $0x1  }
0x288: {  	v40 =	vld [tilespmem:s28+$0x24F0];
	[tilespmem:s28+$0x85E0] =	vst v22  }
0x289: {  	(v2sf) =	vpush v21, $0xA;
	v22 =	vld [tilespmem:s31+$0x4070];
	_ =	sdelay $0x4  }
0x28a: {  	v22 =	vadd.f32 v40, v22;
	_ =	sdelay $0x1  }
0x28b: {  	v22 =	vmul.f32 v22, v32;
	_ =	sdelay $0x1  }
0x28c: {  	v22 =	vadd.f32 v22, v33;
	_ =	sdelay $0x1  }
0x28d: {  	v22 =	vmul.f32 v22, v9;
	_ =	sdelay $0x1  }
0x28e: {  	v22 =	vadd.f32 v22, v17;
	_ =	sdelay $0x1  }
0x28f: {  	v41 =	vld [tilespmem:s28+$0x2500];
	s30 =	spop (v2sf);
	[tilespmem:s28+$0x85F0] =	vst v22  }
0x290: {  	v22 =	vld [tilespmem:s30+$0x4000];
	_ =	sdelay $0x4  }
0x291: {  	v42 =	vbroadcast v19, $0xA;
	v22 =	vadd.f32 v41, v22;
	_ =	sdelay $0x1  }
0x292: {  	v43 =	vbroadcast v20, $0xA;
	v22 =	vmul.f32 v22, v42;
	_ =	sdelay $0x1  }
0x293: {  	v22 =	vadd.f32 v22, v43;
	_ =	sdelay $0x1  }
0x294: {  	v22 =	vmul.f32 v22, v2;
	_ =	sdelay $0x1  }
0x295: {  	v22 =	vadd.f32 v22, v10;
	_ =	sdelay $0x1  }
0x296: {  	v44 =	vld [tilespmem:s28+$0x2510];
	[tilespmem:s28+$0x8600] =	vst v22  }
0x297: {  	v22 =	vld [tilespmem:s30+$0x4010];
	_ =	sdelay $0x4  }
0x298: {  	v22 =	vadd.f32 v44, v22;
	_ =	sdelay $0x1  }
0x299: {  	v22 =	vmul.f32 v22, v42;
	_ =	sdelay $0x1  }
0x29a: {  	v22 =	vadd.f32 v22, v43;
	_ =	sdelay $0x1  }
0x29b: {  	v22 =	vmul.f32 v22, v3;
	_ =	sdelay $0x1  }
0x29c: {  	v22 =	vadd.f32 v22, v11;
	_ =	sdelay $0x1  }
0x29d: {  	v45 =	vld [tilespmem:s28+$0x2520];
	[tilespmem:s28+$0x8610] =	vst v22  }
0x29e: {  	v22 =	vld [tilespmem:s30+$0x4020];
	_ =	sdelay $0x4  }
0x29f: {  	v22 =	vadd.f32 v45, v22;
	_ =	sdelay $0x1  }
0x2a0: {  	v22 =	vmul.f32 v22, v42;
	_ =	sdelay $0x1  }
0x2a1: {  	v22 =	vadd.f32 v22, v43;
	_ =	sdelay $0x1  }
0x2a2: {  	v22 =	vmul.f32 v22, v4;
	_ =	sdelay $0x1  }
0x2a3: {  	v22 =	vadd.f32 v22, v12;
	_ =	sdelay $0x1  }
0x2a4: {  	v46 =	vld [tilespmem:s28+$0x2530];
	[tilespmem:s28+$0x8620] =	vst v22  }
0x2a5: {  	v22 =	vld [tilespmem:s30+$0x4030];
	_ =	sdelay $0x4  }
0x2a6: {  	v22 =	vadd.f32 v46, v22;
	_ =	sdelay $0x1  }
0x2a7: {  	v22 =	vmul.f32 v22, v42;
	_ =	sdelay $0x1  }
0x2a8: {  	v22 =	vadd.f32 v22, v43;
	_ =	sdelay $0x1  }
0x2a9: {  	v22 =	vmul.f32 v22, v5;
	_ =	sdelay $0x1  }
0x2aa: {  	v22 =	vadd.f32 v22, v13;
	_ =	sdelay $0x1  }
0x2ab: {  	v47 =	vld [tilespmem:s28+$0x2540];
	[tilespmem:s28+$0x8630] =	vst v22  }
0x2ac: {  	v22 =	vld [tilespmem:s30+$0x4040];
	_ =	sdelay $0x4  }
0x2ad: {  	v22 =	vadd.f32 v47, v22;
	_ =	sdelay $0x1  }
0x2ae: {  	v22 =	vmul.f32 v22, v42;
	_ =	sdelay $0x1  }
0x2af: {  	v22 =	vadd.f32 v22, v43;
	_ =	sdelay $0x1  }
0x2b0: {  	v22 =	vmul.f32 v22, v6;
	_ =	sdelay $0x1  }
0x2b1: {  	v22 =	vadd.f32 v22, v14;
	_ =	sdelay $0x1  }
0x2b2: {  	v48 =	vld [tilespmem:s28+$0x2550];
	[tilespmem:s28+$0x8640] =	vst v22  }
0x2b3: {  	v22 =	vld [tilespmem:s30+$0x4050];
	_ =	sdelay $0x4  }
0x2b4: {  	v22 =	vadd.f32 v48, v22;
	_ =	sdelay $0x1  }
0x2b5: {  	v22 =	vmul.f32 v22, v42;
	_ =	sdelay $0x1  }
0x2b6: {  	v22 =	vadd.f32 v22, v43;
	_ =	sdelay $0x1  }
0x2b7: {  	v22 =	vmul.f32 v22, v7;
	_ =	sdelay $0x1  }
0x2b8: {  	v22 =	vadd.f32 v22, v15;
	_ =	sdelay $0x1  }
0x2b9: {  	v49 =	vld [tilespmem:s28+$0x2560];
	[tilespmem:s28+$0x8650] =	vst v22  }
0x2ba: {  	v22 =	vld [tilespmem:s30+$0x4060];
	_ =	sdelay $0x4  }
0x2bb: {  	v22 =	vadd.f32 v49, v22;
	_ =	sdelay $0x1  }
0x2bc: {  	v22 =	vmul.f32 v22, v42;
	_ =	sdelay $0x1  }
0x2bd: {  	v22 =	vadd.f32 v22, v43;
	_ =	sdelay $0x1  }
0x2be: {  	v22 =	vmul.f32 v22, v8;
	_ =	sdelay $0x1  }
0x2bf: {  	v22 =	vadd.f32 v22, v16;
	_ =	sdelay $0x1  }
0x2c0: {  	v50 =	vld [tilespmem:s28+$0x2570];
	[tilespmem:s28+$0x8660] =	vst v22  }
0x2c1: {  	(v2sf) =	vpush v21, $0xB;
	v22 =	vld [tilespmem:s30+$0x4070];
	_ =	sdelay $0x4  }
0x2c2: {  	v22 =	vadd.f32 v50, v22;
	_ =	sdelay $0x1  }
0x2c3: {  	v22 =	vmul.f32 v22, v42;
	_ =	sdelay $0x1  }
0x2c4: {  	v22 =	vadd.f32 v22, v43;
	_ =	sdelay $0x1  }
0x2c5: {  	v22 =	vmul.f32 v22, v9;
	_ =	sdelay $0x1  }
0x2c6: {  	v22 =	vadd.f32 v22, v17;
	_ =	sdelay $0x1  }
0x2c7: {  	v51 =	vld [tilespmem:s28+$0x2580];
	s31 =	spop (v2sf);
	[tilespmem:s28+$0x8670] =	vst v22  }
0x2c8: {  	v22 =	vld [tilespmem:s31+$0x4000];
	_ =	sdelay $0x4  }
0x2c9: {  	v52 =	vbroadcast v19, $0xB;
	v22 =	vadd.f32 v51, v22;
	_ =	sdelay $0x1  }
0x2ca: {  	v53 =	vbroadcast v20, $0xB;
	v22 =	vmul.f32 v22, v52;
	_ =	sdelay $0x1  }
0x2cb: {  	v22 =	vadd.f32 v22, v53;
	_ =	sdelay $0x1  }
0x2cc: {  	v22 =	vmul.f32 v22, v2;
	_ =	sdelay $0x1  }
0x2cd: {  	v22 =	vadd.f32 v22, v10;
	_ =	sdelay $0x1  }
0x2ce: {  	v54 =	vld [tilespmem:s28+$0x2590];
	[tilespmem:s28+$0x8680] =	vst v22  }
0x2cf: {  	v22 =	vld [tilespmem:s31+$0x4010];
	_ =	sdelay $0x4  }
0x2d0: {  	v22 =	vadd.f32 v54, v22;
	_ =	sdelay $0x1  }
0x2d1: {  	v22 =	vmul.f32 v22, v52;
	_ =	sdelay $0x1  }
0x2d2: {  	v22 =	vadd.f32 v22, v53;
	_ =	sdelay $0x1  }
0x2d3: {  	v22 =	vmul.f32 v22, v3;
	_ =	sdelay $0x1  }
0x2d4: {  	v22 =	vadd.f32 v22, v11;
	_ =	sdelay $0x1  }
0x2d5: {  	v55 =	vld [tilespmem:s28+$0x25A0];
	[tilespmem:s28+$0x8690] =	vst v22  }
0x2d6: {  	v22 =	vld [tilespmem:s31+$0x4020];
	_ =	sdelay $0x4  }
0x2d7: {  	v22 =	vadd.f32 v55, v22;
	_ =	sdelay $0x1  }
0x2d8: {  	v22 =	vmul.f32 v22, v52;
	_ =	sdelay $0x1  }
0x2d9: {  	v22 =	vadd.f32 v22, v53;
	_ =	sdelay $0x1  }
0x2da: {  	v22 =	vmul.f32 v22, v4;
	_ =	sdelay $0x1  }
0x2db: {  	v22 =	vadd.f32 v22, v12;
	_ =	sdelay $0x1  }
0x2dc: {  	v56 =	vld [tilespmem:s28+$0x25B0];
	[tilespmem:s28+$0x86A0] =	vst v22  }
0x2dd: {  	v22 =	vld [tilespmem:s31+$0x4030];
	_ =	sdelay $0x4  }
0x2de: {  	v22 =	vadd.f32 v56, v22;
	_ =	sdelay $0x1  }
0x2df: {  	v22 =	vmul.f32 v22, v52;
	_ =	sdelay $0x1  }
0x2e0: {  	v22 =	vadd.f32 v22, v53;
	_ =	sdelay $0x1  }
0x2e1: {  	v22 =	vmul.f32 v22, v5;
	_ =	sdelay $0x1  }
0x2e2: {  	v22 =	vadd.f32 v22, v13;
	_ =	sdelay $0x1  }
0x2e3: {  	v57 =	vld [tilespmem:s28+$0x25C0];
	[tilespmem:s28+$0x86B0] =	vst v22  }
0x2e4: {  	v22 =	vld [tilespmem:s31+$0x4040];
	_ =	sdelay $0x4  }
0x2e5: {  	v22 =	vadd.f32 v57, v22;
	_ =	sdelay $0x1  }
0x2e6: {  	v22 =	vmul.f32 v22, v52;
	_ =	sdelay $0x1  }
0x2e7: {  	v22 =	vadd.f32 v22, v53;
	_ =	sdelay $0x1  }
0x2e8: {  	v22 =	vmul.f32 v22, v6;
	_ =	sdelay $0x1  }
0x2e9: {  	v22 =	vadd.f32 v22, v14;
	_ =	sdelay $0x1  }
0x2ea: {  	v58 =	vld [tilespmem:s28+$0x25D0];
	[tilespmem:s28+$0x86C0] =	vst v22  }
0x2eb: {  	v22 =	vld [tilespmem:s31+$0x4050];
	_ =	sdelay $0x4  }
0x2ec: {  	v22 =	vadd.f32 v58, v22;
	_ =	sdelay $0x1  }
0x2ed: {  	v22 =	vmul.f32 v22, v52;
	_ =	sdelay $0x1  }
0x2ee: {  	v22 =	vadd.f32 v22, v53;
	_ =	sdelay $0x1  }
0x2ef: {  	v22 =	vmul.f32 v22, v7;
	_ =	sdelay $0x1  }
0x2f0: {  	v22 =	vadd.f32 v22, v15;
	_ =	sdelay $0x1  }
0x2f1: {  	v59 =	vld [tilespmem:s28+$0x25E0];
	[tilespmem:s28+$0x86D0] =	vst v22  }
0x2f2: {  	v22 =	vld [tilespmem:s31+$0x4060];
	_ =	sdelay $0x4  }
0x2f3: {  	v22 =	vadd.f32 v59, v22;
	_ =	sdelay $0x1  }
0x2f4: {  	v22 =	vmul.f32 v22, v52;
	_ =	sdelay $0x1  }
0x2f5: {  	v22 =	vadd.f32 v22, v53;
	_ =	sdelay $0x1  }
0x2f6: {  	v22 =	vmul.f32 v22, v8;
	_ =	sdelay $0x1  }
0x2f7: {  	v22 =	vadd.f32 v22, v16;
	_ =	sdelay $0x1  }
0x2f8: {  	v60 =	vld [tilespmem:s28+$0x25F0];
	[tilespmem:s28+$0x86E0] =	vst v22  }
0x2f9: {  	(v2sf) =	vpush v21, $0xC;
	v22 =	vld [tilespmem:s31+$0x4070];
	_ =	sdelay $0x4  }
0x2fa: {  	v22 =	vadd.f32 v60, v22;
	_ =	sdelay $0x1  }
0x2fb: {  	v22 =	vmul.f32 v22, v52;
	_ =	sdelay $0x1  }
0x2fc: {  	v22 =	vadd.f32 v22, v53;
	_ =	sdelay $0x1  }
0x2fd: {  	v22 =	vmul.f32 v22, v9;
	_ =	sdelay $0x1  }
0x2fe: {  	v22 =	vadd.f32 v22, v17;
	_ =	sdelay $0x1  }
0x2ff: {  	v61 =	vld [tilespmem:s28+$0x2600];
	s30 =	spop (v2sf);
	[tilespmem:s28+$0x86F0] =	vst v22  }
0x300: {  	v22 =	vld [tilespmem:s30+$0x4000];
	_ =	sdelay $0x4  }
0x301: {  	v62 =	vbroadcast v19, $0xC;
	v22 =	vadd.f32 v61, v22;
	_ =	sdelay $0x1  }
0x302: {  	v63 =	vbroadcast v20, $0xC;
	v22 =	vmul.f32 v22, v62;
	_ =	sdelay $0x1  }
0x303: {  	v22 =	vadd.f32 v22, v63;
	_ =	sdelay $0x1  }
0x304: {  	v22 =	vmul.f32 v22, v2;
	_ =	sdelay $0x1  }
0x305: {  	v22 =	vadd.f32 v22, v10;
	_ =	sdelay $0x1  }
0x306: {  	v28 =	vld [tilespmem:s28+$0x2610];
	[tilespmem:s28+$0x8700] =	vst v22  }
0x307: {  	v22 =	vld [tilespmem:s30+$0x4010];
	_ =	sdelay $0x4  }
0x308: {  	v22 =	vadd.f32 v28, v22;
	_ =	sdelay $0x1  }
0x309: {  	v22 =	vmul.f32 v22, v62;
	_ =	sdelay $0x1  }
0x30a: {  	v22 =	vadd.f32 v22, v63;
	_ =	sdelay $0x1  }
0x30b: {  	v22 =	vmul.f32 v22, v3;
	_ =	sdelay $0x1  }
0x30c: {  	v22 =	vadd.f32 v22, v11;
	_ =	sdelay $0x1  }
0x30d: {  	v29 =	vld [tilespmem:s28+$0x2620];
	[tilespmem:s28+$0x8710] =	vst v22  }
0x30e: {  	v22 =	vld [tilespmem:s30+$0x4020];
	_ =	sdelay $0x4  }
0x30f: {  	v22 =	vadd.f32 v29, v22;
	_ =	sdelay $0x1  }
0x310: {  	v22 =	vmul.f32 v22, v62;
	_ =	sdelay $0x1  }
0x311: {  	v22 =	vadd.f32 v22, v63;
	_ =	sdelay $0x1  }
0x312: {  	v22 =	vmul.f32 v22, v4;
	_ =	sdelay $0x1  }
0x313: {  	v22 =	vadd.f32 v22, v12;
	_ =	sdelay $0x1  }
0x314: {  	v30 =	vld [tilespmem:s28+$0x2630];
	[tilespmem:s28+$0x8720] =	vst v22  }
0x315: {  	v22 =	vld [tilespmem:s30+$0x4030];
	_ =	sdelay $0x4  }
0x316: {  	v22 =	vadd.f32 v30, v22;
	_ =	sdelay $0x1  }
0x317: {  	v22 =	vmul.f32 v22, v62;
	_ =	sdelay $0x1  }
0x318: {  	v22 =	vadd.f32 v22, v63;
	_ =	sdelay $0x1  }
0x319: {  	v22 =	vmul.f32 v22, v5;
	_ =	sdelay $0x1  }
0x31a: {  	v22 =	vadd.f32 v22, v13;
	_ =	sdelay $0x1  }
0x31b: {  	v31 =	vld [tilespmem:s28+$0x2640];
	[tilespmem:s28+$0x8730] =	vst v22  }
0x31c: {  	v22 =	vld [tilespmem:s30+$0x4040];
	_ =	sdelay $0x4  }
0x31d: {  	v22 =	vadd.f32 v31, v22;
	_ =	sdelay $0x1  }
0x31e: {  	v22 =	vmul.f32 v22, v62;
	_ =	sdelay $0x1  }
0x31f: {  	v22 =	vadd.f32 v22, v63;
	_ =	sdelay $0x1  }
0x320: {  	v22 =	vmul.f32 v22, v6;
	_ =	sdelay $0x1  }
0x321: {  	v22 =	vadd.f32 v22, v14;
	_ =	sdelay $0x1  }
0x322: {  	v32 =	vld [tilespmem:s28+$0x2650];
	[tilespmem:s28+$0x8740] =	vst v22  }
0x323: {  	v22 =	vld [tilespmem:s30+$0x4050];
	_ =	sdelay $0x4  }
0x324: {  	v22 =	vadd.f32 v32, v22;
	_ =	sdelay $0x1  }
0x325: {  	v22 =	vmul.f32 v22, v62;
	_ =	sdelay $0x1  }
0x326: {  	v22 =	vadd.f32 v22, v63;
	_ =	sdelay $0x1  }
0x327: {  	v22 =	vmul.f32 v22, v7;
	_ =	sdelay $0x1  }
0x328: {  	v22 =	vadd.f32 v22, v15;
	_ =	sdelay $0x1  }
0x329: {  	v33 =	vld [tilespmem:s28+$0x2660];
	[tilespmem:s28+$0x8750] =	vst v22  }
0x32a: {  	v22 =	vld [tilespmem:s30+$0x4060];
	_ =	sdelay $0x4  }
0x32b: {  	v22 =	vadd.f32 v33, v22;
	_ =	sdelay $0x1  }
0x32c: {  	v22 =	vmul.f32 v22, v62;
	_ =	sdelay $0x1  }
0x32d: {  	v22 =	vadd.f32 v22, v63;
	_ =	sdelay $0x1  }
0x32e: {  	v22 =	vmul.f32 v22, v8;
	_ =	sdelay $0x1  }
0x32f: {  	v22 =	vadd.f32 v22, v16;
	_ =	sdelay $0x1  }
0x330: {  	v34 =	vld [tilespmem:s28+$0x2670];
	[tilespmem:s28+$0x8760] =	vst v22  }
0x331: {  	(v2sf) =	vpush v21, $0xD;
	v22 =	vld [tilespmem:s30+$0x4070];
	_ =	sdelay $0x4  }
0x332: {  	v22 =	vadd.f32 v34, v22;
	_ =	sdelay $0x1  }
0x333: {  	v22 =	vmul.f32 v22, v62;
	_ =	sdelay $0x1  }
0x334: {  	v22 =	vadd.f32 v22, v63;
	_ =	sdelay $0x1  }
0x335: {  	v22 =	vmul.f32 v22, v9;
	_ =	sdelay $0x1  }
0x336: {  	v22 =	vadd.f32 v22, v17;
	_ =	sdelay $0x1  }
0x337: {  	v35 =	vld [tilespmem:s28+$0x2680];
	s31 =	spop (v2sf);
	[tilespmem:s28+$0x8770] =	vst v22  }
0x338: {  	v22 =	vld [tilespmem:s31+$0x4000];
	_ =	sdelay $0x4  }
0x339: {  	v36 =	vbroadcast v19, $0xD;
	v22 =	vadd.f32 v35, v22;
	_ =	sdelay $0x1  }
0x33a: {  	v37 =	vbroadcast v20, $0xD;
	v22 =	vmul.f32 v22, v36;
	_ =	sdelay $0x1  }
0x33b: {  	v22 =	vadd.f32 v22, v37;
	_ =	sdelay $0x1  }
0x33c: {  	v22 =	vmul.f32 v22, v2;
	_ =	sdelay $0x1  }
0x33d: {  	v22 =	vadd.f32 v22, v10;
	_ =	sdelay $0x1  }
0x33e: {  	v38 =	vld [tilespmem:s28+$0x2690];
	[tilespmem:s28+$0x8780] =	vst v22  }
0x33f: {  	v22 =	vld [tilespmem:s31+$0x4010];
	_ =	sdelay $0x4  }
0x340: {  	v22 =	vadd.f32 v38, v22;
	_ =	sdelay $0x1  }
0x341: {  	v22 =	vmul.f32 v22, v36;
	_ =	sdelay $0x1  }
0x342: {  	v22 =	vadd.f32 v22, v37;
	_ =	sdelay $0x1  }
0x343: {  	v22 =	vmul.f32 v22, v3;
	_ =	sdelay $0x1  }
0x344: {  	v22 =	vadd.f32 v22, v11;
	_ =	sdelay $0x1  }
0x345: {  	v39 =	vld [tilespmem:s28+$0x26A0];
	[tilespmem:s28+$0x8790] =	vst v22  }
0x346: {  	v22 =	vld [tilespmem:s31+$0x4020];
	_ =	sdelay $0x4  }
0x347: {  	v22 =	vadd.f32 v39, v22;
	_ =	sdelay $0x1  }
0x348: {  	v22 =	vmul.f32 v22, v36;
	_ =	sdelay $0x1  }
0x349: {  	v22 =	vadd.f32 v22, v37;
	_ =	sdelay $0x1  }
0x34a: {  	v22 =	vmul.f32 v22, v4;
	_ =	sdelay $0x1  }
0x34b: {  	v22 =	vadd.f32 v22, v12;
	_ =	sdelay $0x1  }
0x34c: {  	v40 =	vld [tilespmem:s28+$0x26B0];
	[tilespmem:s28+$0x87A0] =	vst v22  }
0x34d: {  	v22 =	vld [tilespmem:s31+$0x4030];
	_ =	sdelay $0x4  }
0x34e: {  	v22 =	vadd.f32 v40, v22;
	_ =	sdelay $0x1  }
0x34f: {  	v22 =	vmul.f32 v22, v36;
	_ =	sdelay $0x1  }
0x350: {  	v22 =	vadd.f32 v22, v37;
	_ =	sdelay $0x1  }
0x351: {  	v22 =	vmul.f32 v22, v5;
	_ =	sdelay $0x1  }
0x352: {  	v22 =	vadd.f32 v22, v13;
	_ =	sdelay $0x1  }
0x353: {  	v41 =	vld [tilespmem:s28+$0x26C0];
	[tilespmem:s28+$0x87B0] =	vst v22  }
0x354: {  	v22 =	vld [tilespmem:s31+$0x4040];
	_ =	sdelay $0x4  }
0x355: {  	v22 =	vadd.f32 v41, v22;
	_ =	sdelay $0x1  }
0x356: {  	v22 =	vmul.f32 v22, v36;
	_ =	sdelay $0x1  }
0x357: {  	v22 =	vadd.f32 v22, v37;
	_ =	sdelay $0x1  }
0x358: {  	v22 =	vmul.f32 v22, v6;
	_ =	sdelay $0x1  }
0x359: {  	v22 =	vadd.f32 v22, v14;
	_ =	sdelay $0x1  }
0x35a: {  	v42 =	vld [tilespmem:s28+$0x26D0];
	[tilespmem:s28+$0x87C0] =	vst v22  }
0x35b: {  	v22 =	vld [tilespmem:s31+$0x4050];
	_ =	sdelay $0x4  }
0x35c: {  	v22 =	vadd.f32 v42, v22;
	_ =	sdelay $0x1  }
0x35d: {  	v22 =	vmul.f32 v22, v36;
	_ =	sdelay $0x1  }
0x35e: {  	v22 =	vadd.f32 v22, v37;
	_ =	sdelay $0x1  }
0x35f: {  	v22 =	vmul.f32 v22, v7;
	_ =	sdelay $0x1  }
0x360: {  	v22 =	vadd.f32 v22, v15;
	_ =	sdelay $0x1  }
0x361: {  	v43 =	vld [tilespmem:s28+$0x26E0];
	[tilespmem:s28+$0x87D0] =	vst v22  }
0x362: {  	v22 =	vld [tilespmem:s31+$0x4060];
	_ =	sdelay $0x4  }
0x363: {  	v22 =	vadd.f32 v43, v22;
	_ =	sdelay $0x1  }
0x364: {  	v22 =	vmul.f32 v22, v36;
	_ =	sdelay $0x1  }
0x365: {  	v22 =	vadd.f32 v22, v37;
	_ =	sdelay $0x1  }
0x366: {  	v22 =	vmul.f32 v22, v8;
	_ =	sdelay $0x1  }
0x367: {  	v22 =	vadd.f32 v22, v16;
	_ =	sdelay $0x1  }
0x368: {  	v44 =	vld [tilespmem:s28+$0x26F0];
	[tilespmem:s28+$0x87E0] =	vst v22  }
0x369: {  	(v2sf) =	vpush v21, $0xE;
	v22 =	vld [tilespmem:s31+$0x4070];
	_ =	sdelay $0x4  }
0x36a: {  	v22 =	vadd.f32 v44, v22;
	_ =	sdelay $0x1  }
0x36b: {  	v22 =	vmul.f32 v22, v36;
	_ =	sdelay $0x1  }
0x36c: {  	v22 =	vadd.f32 v22, v37;
	_ =	sdelay $0x1  }
0x36d: {  	v22 =	vmul.f32 v22, v9;
	_ =	sdelay $0x1  }
0x36e: {  	v22 =	vadd.f32 v22, v17;
	_ =	sdelay $0x1  }
0x36f: {  	v45 =	vld [tilespmem:s28+$0x2700];
	s30 =	spop (v2sf);
	[tilespmem:s28+$0x87F0] =	vst v22  }
0x370: {  	v22 =	vld [tilespmem:s30+$0x4000];
	_ =	sdelay $0x4  }
0x371: {  	v46 =	vbroadcast v19, $0xE;
	v22 =	vadd.f32 v45, v22;
	_ =	sdelay $0x1  }
0x372: {  	v47 =	vbroadcast v20, $0xE;
	v22 =	vmul.f32 v22, v46;
	_ =	sdelay $0x1  }
0x373: {  	v22 =	vadd.f32 v22, v47;
	_ =	sdelay $0x1  }
0x374: {  	v22 =	vmul.f32 v22, v2;
	_ =	sdelay $0x1  }
0x375: {  	v22 =	vadd.f32 v22, v10;
	_ =	sdelay $0x1  }
0x376: {  	v48 =	vld [tilespmem:s28+$0x2710];
	[tilespmem:s28+$0x8800] =	vst v22  }
0x377: {  	v22 =	vld [tilespmem:s30+$0x4010];
	_ =	sdelay $0x4  }
0x378: {  	v22 =	vadd.f32 v48, v22;
	_ =	sdelay $0x1  }
0x379: {  	v22 =	vmul.f32 v22, v46;
	_ =	sdelay $0x1  }
0x37a: {  	v22 =	vadd.f32 v22, v47;
	_ =	sdelay $0x1  }
0x37b: {  	v22 =	vmul.f32 v22, v3;
	_ =	sdelay $0x1  }
0x37c: {  	v22 =	vadd.f32 v22, v11;
	_ =	sdelay $0x1  }
0x37d: {  	v49 =	vld [tilespmem:s28+$0x2720];
	[tilespmem:s28+$0x8810] =	vst v22  }
0x37e: {  	v22 =	vld [tilespmem:s30+$0x4020];
	_ =	sdelay $0x4  }
0x37f: {  	v22 =	vadd.f32 v49, v22;
	_ =	sdelay $0x1  }
0x380: {  	v22 =	vmul.f32 v22, v46;
	_ =	sdelay $0x1  }
0x381: {  	v22 =	vadd.f32 v22, v47;
	_ =	sdelay $0x1  }
0x382: {  	v22 =	vmul.f32 v22, v4;
	_ =	sdelay $0x1  }
0x383: {  	v22 =	vadd.f32 v22, v12;
	_ =	sdelay $0x1  }
0x384: {  	v50 =	vld [tilespmem:s28+$0x2730];
	[tilespmem:s28+$0x8820] =	vst v22  }
0x385: {  	v22 =	vld [tilespmem:s30+$0x4030];
	_ =	sdelay $0x4  }
0x386: {  	v22 =	vadd.f32 v50, v22;
	_ =	sdelay $0x1  }
0x387: {  	v22 =	vmul.f32 v22, v46;
	_ =	sdelay $0x1  }
0x388: {  	v22 =	vadd.f32 v22, v47;
	_ =	sdelay $0x1  }
0x389: {  	v22 =	vmul.f32 v22, v5;
	_ =	sdelay $0x1  }
0x38a: {  	v22 =	vadd.f32 v22, v13;
	_ =	sdelay $0x1  }
0x38b: {  	v51 =	vld [tilespmem:s28+$0x2740];
	[tilespmem:s28+$0x8830] =	vst v22  }
0x38c: {  	v22 =	vld [tilespmem:s30+$0x4040];
	_ =	sdelay $0x4  }
0x38d: {  	v22 =	vadd.f32 v51, v22;
	_ =	sdelay $0x1  }
0x38e: {  	v22 =	vmul.f32 v22, v46;
	_ =	sdelay $0x1  }
0x38f: {  	v22 =	vadd.f32 v22, v47;
	_ =	sdelay $0x1  }
0x390: {  	v22 =	vmul.f32 v22, v6;
	_ =	sdelay $0x1  }
0x391: {  	v22 =	vadd.f32 v22, v14;
	_ =	sdelay $0x1  }
0x392: {  	v52 =	vld [tilespmem:s28+$0x2750];
	[tilespmem:s28+$0x8840] =	vst v22  }
0x393: {  	v22 =	vld [tilespmem:s30+$0x4050];
	_ =	sdelay $0x4  }
0x394: {  	v22 =	vadd.f32 v52, v22;
	_ =	sdelay $0x1  }
0x395: {  	v22 =	vmul.f32 v22, v46;
	_ =	sdelay $0x1  }
0x396: {  	v22 =	vadd.f32 v22, v47;
	_ =	sdelay $0x1  }
0x397: {  	v22 =	vmul.f32 v22, v7;
	_ =	sdelay $0x1  }
0x398: {  	v22 =	vadd.f32 v22, v15;
	_ =	sdelay $0x1  }
0x399: {  	v53 =	vld [tilespmem:s28+$0x2760];
	[tilespmem:s28+$0x8850] =	vst v22  }
0x39a: {  	v22 =	vld [tilespmem:s30+$0x4060];
	_ =	sdelay $0x4  }
0x39b: {  	v22 =	vadd.f32 v53, v22;
	_ =	sdelay $0x1  }
0x39c: {  	v22 =	vmul.f32 v22, v46;
	_ =	sdelay $0x1  }
0x39d: {  	v22 =	vadd.f32 v22, v47;
	_ =	sdelay $0x1  }
0x39e: {  	v22 =	vmul.f32 v22, v8;
	_ =	sdelay $0x1  }
0x39f: {  	v22 =	vadd.f32 v22, v16;
	_ =	sdelay $0x1  }
0x3a0: {  	v54 =	vld [tilespmem:s28+$0x2770];
	[tilespmem:s28+$0x8860] =	vst v22  }
0x3a1: {  	(v2sf) =	vpush v21, $0xF;
	v22 =	vld [tilespmem:s30+$0x4070];
	_ =	sdelay $0x4  }
0x3a2: {  	v55 =	vadd.f32 v54, v22;
	_ =	sdelay $0x1  }
0x3a3: {  	v21 =	vmul.f32 v55, v46;
	_ =	sdelay $0x1  }
0x3a4: {  	v21 =	vadd.f32 v21, v47;
	_ =	sdelay $0x1  }
0x3a5: {  	v21 =	vmul.f32 v21, v9;
	_ =	sdelay $0x1  }
0x3a6: {  	v21 =	vadd.f32 v21, v17;
	_ =	sdelay $0x1  }
0x3a7: {  	v56 =	vld [tilespmem:s28+$0x2780];
	s31 =	spop (v2sf);
	[tilespmem:s28+$0x8870] =	vst v21  }
0x3a8: {  	v21 =	vld [tilespmem:s31+$0x4000];
	_ =	sdelay $0x4  }
0x3a9: {  	v19 =	vbroadcast v19, $0xF;
	v21 =	vadd.f32 v56, v21;
	_ =	sdelay $0x1  }
0x3aa: {  	v20 =	vbroadcast v20, $0xF;
	v21 =	vmul.f32 v21, v19;
	_ =	sdelay $0x1  }
0x3ab: {  	v21 =	vadd.f32 v21, v20;
	_ =	sdelay $0x1  }
0x3ac: {  	v21 =	vmul.f32 v21, v2;
	_ =	sdelay $0x1  }
0x3ad: {  	v21 =	vadd.f32 v21, v10;
	_ =	sdelay $0x1  }
0x3ae: {  	v57 =	vld [tilespmem:s28+$0x2790];
	[tilespmem:s28+$0x8880] =	vst v21  }
0x3af: {  	v21 =	vld [tilespmem:s31+$0x4010];
	_ =	sdelay $0x4  }
0x3b0: {  	v21 =	vadd.f32 v57, v21;
	_ =	sdelay $0x1  }
0x3b1: {  	v21 =	vmul.f32 v21, v19;
	_ =	sdelay $0x1  }
0x3b2: {  	v21 =	vadd.f32 v21, v20;
	_ =	sdelay $0x1  }
0x3b3: {  	v21 =	vmul.f32 v21, v3;
	_ =	sdelay $0x1  }
0x3b4: {  	v21 =	vadd.f32 v21, v11;
	_ =	sdelay $0x1  }
0x3b5: {  	v58 =	vld [tilespmem:s28+$0x27A0];
	[tilespmem:s28+$0x8890] =	vst v21  }
0x3b6: {  	v21 =	vld [tilespmem:s31+$0x4020];
	_ =	sdelay $0x4  }
0x3b7: {  	v21 =	vadd.f32 v58, v21;
	_ =	sdelay $0x1  }
0x3b8: {  	v21 =	vmul.f32 v21, v19;
	_ =	sdelay $0x1  }
0x3b9: {  	v21 =	vadd.f32 v21, v20;
	_ =	sdelay $0x1  }
0x3ba: {  	v21 =	vmul.f32 v21, v4;
	_ =	sdelay $0x1  }
0x3bb: {  	v21 =	vadd.f32 v21, v12;
	_ =	sdelay $0x1  }
0x3bc: {  	v59 =	vld [tilespmem:s28+$0x27B0];
	[tilespmem:s28+$0x88A0] =	vst v21  }
0x3bd: {  	v21 =	vld [tilespmem:s31+$0x4030];
	_ =	sdelay $0x4  }
0x3be: {  	v21 =	vadd.f32 v59, v21;
	_ =	sdelay $0x1  }
0x3bf: {  	v21 =	vmul.f32 v21, v19;
	_ =	sdelay $0x1  }
0x3c0: {  	v21 =	vadd.f32 v21, v20;
	_ =	sdelay $0x1  }
0x3c1: {  	v21 =	vmul.f32 v21, v5;
	_ =	sdelay $0x1  }
0x3c2: {  	v21 =	vadd.f32 v21, v13;
	_ =	sdelay $0x1  }
0x3c3: {  	v60 =	vld [tilespmem:s28+$0x27C0];
	[tilespmem:s28+$0x88B0] =	vst v21  }
0x3c4: {  	v21 =	vld [tilespmem:s31+$0x4040];
	_ =	sdelay $0x4  }
0x3c5: {  	v21 =	vadd.f32 v60, v21;
	_ =	sdelay $0x1  }
0x3c6: {  	v21 =	vmul.f32 v21, v19;
	_ =	sdelay $0x1  }
0x3c7: {  	v21 =	vadd.f32 v21, v20;
	_ =	sdelay $0x1  }
0x3c8: {  	v21 =	vmul.f32 v21, v6;
	_ =	sdelay $0x1  }
0x3c9: {  	v21 =	vadd.f32 v21, v14;
	_ =	sdelay $0x1  }
0x3ca: {  	v61 =	vld [tilespmem:s28+$0x27D0];
	[tilespmem:s28+$0x88C0] =	vst v21  }
0x3cb: {  	v21 =	vld [tilespmem:s31+$0x4050];
	_ =	sdelay $0x4  }
0x3cc: {  	v21 =	vadd.f32 v61, v21;
	_ =	sdelay $0x1  }
0x3cd: {  	v21 =	vmul.f32 v21, v19;
	_ =	sdelay $0x1  }
0x3ce: {  	v21 =	vadd.f32 v21, v20;
	_ =	sdelay $0x1  }
0x3cf: {  	v21 =	vmul.f32 v21, v7;
	_ =	sdelay $0x1  }
0x3d0: {  	v21 =	vadd.f32 v21, v15;
	_ =	sdelay $0x1  }
0x3d1: {  	v62 =	vld [tilespmem:s28+$0x27E0];
	[tilespmem:s28+$0x88D0] =	vst v21  }
0x3d2: {  	v21 =	vld [tilespmem:s31+$0x4060];
	_ =	sdelay $0x4  }
0x3d3: {  	v21 =	vadd.f32 v62, v21;
	_ =	sdelay $0x1  }
0x3d4: {  	v21 =	vmul.f32 v21, v19;
	_ =	sdelay $0x1  }
0x3d5: {  	v21 =	vadd.f32 v21, v20;
	_ =	sdelay $0x1  }
0x3d6: {  	v21 =	vmul.f32 v21, v8;
	_ =	sdelay $0x1  }
0x3d7: {  	v21 =	vadd.f32 v21, v16;
	_ =	sdelay $0x1  }
0x3d8: {  	v63 =	vld [tilespmem:s28+$0x27F0];
	[tilespmem:s28+$0x88E0] =	vst v21  }
0x3d9: {  	v21 =	vld [tilespmem:s31+$0x4070];
	_ =	sdelay $0x4  }
0x3da: {  	v21 =	vadd.f32 v63, v21;
	_ =	sdelay $0x1  }
0x3db: {  	v19 =	vmul.f32 v21, v19;
	_ =	sdelay $0x1  }
0x3dc: {  	v19 =	vadd.f32 v19, v20  }
0x3dd: {  	p0 =	sne.s32 s26, $0x3  }
.Ltmp1:
0x3de: {  	v19 =	vmul.f32 v19, v9;
	(pc) =	sbr.rel @p0 .LBB2_5-.Ltmp1, $3  }
0x3df: {  	_ = 	snop  }
0x3e0: {  	v19 =	vadd.f32 v19, v17;
	_ =	sdelay $0x1  }
0x3e1: {  	s26 =	sadd.s32 $0x1, s26;
	[tilespmem:s28+$0x88F0] =	vst v19  }
0x3e2: {  	s25 =	sadd.s32 $0x1, s25  }
0x3e3: {  	p0 =	sne.s32 s25, $0x40  }
.Ltmp2:
0x3e4: {  	_ = 	snop;
	(pc) =	sbr.rel @p0 .LBB2_4-.Ltmp2, $1  }
0x3e5: {  	_ =	sdelay $0x3  }
0x3e6: {  	s24 =	sadd.s32 $0x1, s24  }
0x3e7: {  	p0 =	sne.s32 s24, s11  }
.Ltmp3:
0x3e8: {  	_ = 	snop;
	(pc) =	sbr.rel @p0 .LBB2_1-.Ltmp3, $4  }
0x3e9: {  	[hbm4b:s10+s4] =	stream.linear.scatter [tilespmem:s23], [sflag:$0x2], $0x2000, $0x38;
	[tilespmem:$0xA100] =	vst v63  }
0x3ea: {  	_ =	swait.ge [sflag:s14], $0x2000  }
0x3eb: {  	[sflag:s14] =	ssyncset.done $0x0  }
0x3ec: {  	[sflag:s14] =	ssyncadd.s32 $0xFFFFE000  }
0x3ed: {  	_ =	sfence.sel $0x180000  }
0x3ee: {  	[bflag:$0x0] =	sbarrier.arrive $0xFFFF  }
0x3ef: {  	p0 =	sne.s32 s1, $0x0;
	_ =	strace $0x90000047  }
0x3f0: {  	s0 =	sadd.s32 @!p0 $0x100000, s0;
	[bflag:$0x2] =	sbarrier.arrive $0xFFFF  }
0x3f1: {  	[sflag:s0] =	ssyncadd.tile.s32 @!p0 $0x1;
	_ =	shalt  }
.Lfunc_end2:
_tile_overlayer_lowered:
.L_overlay_start_2:
0x3f2: {  	(tag) =	ssettag $0x2  }
0x3f3: {  	s0 =	rddreg [dreg:$0x0];
	s2 =	stileid.u32  }
0x3f4: {  	s1 =	rddreg [dreg:$0x1];
	p0 =	sne.s32 s2, $0x0  }
0x3f5: {  	s3 =	rddreg [dreg:$0x2];
	[bflag:$0x3] =	sbarrier.arrive $0xFFFF;
	s2 =	simm.s32 @!p0 $0x1C02  }
0x3f6: {  	[timem:s3], [sflag:s2] =	dma.local @!p0 [hbm:s0], s1  }
0x3f7: {  	s0 =	simm.s32 @!p0 $0x2  }
0x3f8: {  	_ =	swait.ge @!p0 [sflag:s0], s1  }
0x3f9: {  	s1 =	ssub.s32 @!p0 $0x0, s1;
	[sflag:s0] =	ssyncset.done @!p0 $0x0  }
0x3fa: {  	[sflag:s0] =	ssyncadd.s32 @!p0 s1  }
0x3fb: {  	[bflag:$0x3] =	sbarrier.arrive $0xFFFF  }
0x3fc: {  	_ =	shalt  }

</sc_bundles>
